<compile_context>
chip_gen: v7x
topology: tpu7x:2x2x1
jax: 0.10.2.dev20260603
libtpu: 0.0.44.dev20260713+nightly
codegen_flags: <defaults>
</compile_context>

<pallas_src>
import jax
import jax.numpy as jnp
from jax import lax
from jax.experimental import pallas as pl
from jax.experimental.pallas import tpu as pltpu
from jax.experimental.pallas import tpu_sc as plsc

N = 10000
E = 320000
IN_CH = 128
HID = 16
HEADS = 4
NEG = 0.2
F1 = HEADS * HID

NC, NS = 2, 16
NW = NC * NS
EW = E // NW
BLK = 80
NBLK = EW // BLK
NPAD = 10240
RPT = NPAD // NS
ROW1 = 80
ROW2 = 16
ATT = 16

_f32 = jnp.float32
_i32 = jnp.int32

_SC_PARAMS = pltpu.CompilerParams(needs_layout_passes=False,
                                  use_tc_tiling_on_sc=False)


def _lrelu(x):
    return jnp.where(x >= 0, x, NEG * x)


def _k1_body(x_ref, w1_ref, asm_ref, adm_ref, htab_ref, attab_ref):
    h = jnp.dot(x_ref[...], w1_ref[...], preferred_element_type=_f32)
    asrc = jnp.dot(h, asm_ref[...], preferred_element_type=_f32)
    adst = jnp.dot(h, adm_ref[...], preferred_element_type=_f32)
    htab_ref[:, 0:F1] = h
    htab_ref[:, F1:F1 + HEADS] = jnp.ones((N, HEADS), _f32)
    htab_ref[:, F1 + HEADS:ROW1] = jnp.zeros((N, ROW1 - F1 - HEADS), _f32)
    amax = jnp.max(asrc, axis=0)
    u = _lrelu(amax[None, :] + adst)
    attab_ref[:, 0:HEADS] = asrc
    attab_ref[:, HEADS:2 * HEADS] = adst
    attab_ref[:, 2 * HEADS:3 * HEADS] = u
    attab_ref[:, 3 * HEADS:ATT] = jnp.zeros((N, ATT - 3 * HEADS), _f32)


def _k1(x, W1, asm1, adm1):
    return pl.pallas_call(
        _k1_body,
        out_shape=[
            jax.ShapeDtypeStruct((N, ROW1), _f32),
            jax.ShapeDtypeStruct((N, ATT), _f32),
        ],
    )(x, W1, asm1, adm1)


def _s1_body(src_hbm, dst_hbm, attab_hbm, htab_hbm, zeros_hbm,
             acc_hbm, srcb, dstb, satt, datt, hbuf, acc_sh, gsem):
    cid = lax.axis_index("c")
    sid = lax.axis_index("s")
    wid = cid * NS + sid
    pltpu.sync_copy(zeros_hbm.at[pl.ds(sid * RPT, RPT)], acc_sh.at[pl.ds(sid * RPT, RPT)])
    plsc.subcore_barrier()

    iota16 = lax.iota(_i32, 16)

    def body(j, carry):
        start = wid * EW + j * BLK
        pltpu.sync_copy(src_hbm.at[pl.ds(start, BLK)], srcb)
        pltpu.sync_copy(dst_hbm.at[pl.ds(start, BLK)], dstb)
        pltpu.async_copy(attab_hbm.at[srcb], satt, gsem).wait()
        pltpu.async_copy(attab_hbm.at[dstb], datt, gsem).wait()
        pltpu.async_copy(htab_hbm.at[srcb], hbuf, gsem).wait()
        for k in range(BLK // 16):
            e16 = iota16 + (k * 16)
            for hh in range(HEADS):
                a_s = plsc.load_gather(satt, [e16, jnp.full((16,), hh, _i32)])
                a_d = plsc.load_gather(datt, [e16, jnp.full((16,), HEADS + hh, _i32)])
                u_d = plsc.load_gather(datt, [e16, jnp.full((16,), 2 * HEADS + hh, _i32)])
                w16 = jnp.exp(_lrelu(a_s + a_d) - u_d)
                for c in range(HID):
                    colw = jnp.full((16,), hh * HID + c, _i32)
                    v = plsc.load_gather(hbuf, [e16, colw])
                    plsc.store_scatter(hbuf, [e16, colw], v * w16)
                plsc.store_scatter(hbuf, [e16, jnp.full((16,), F1 + hh, _i32)], w16)
        pltpu.sync_copy(hbuf, acc_sh.at[dstb], add=True)
        return carry

    lax.fori_loop(0, NBLK, body, 0)
    plsc.subcore_barrier()
    pltpu.sync_copy(acc_sh.at[pl.ds(sid * RPT, RPT)],
                    acc_hbm.at[cid, pl.ds(sid * RPT, RPT)])


def _s1(src, dst, attab1, htab1, zeros1):
    mesh = plsc.VectorSubcoreMesh(core_axis_name="c", subcore_axis_name="s",
                                  num_cores=NC, num_subcores=NS)
    f = pl.kernel(
        _s1_body,
        out_type=jax.ShapeDtypeStruct((NC, NPAD, ROW1), _f32),
        mesh=mesh,
        compiler_params=_SC_PARAMS,
        scratch_types=[
            pltpu.VMEM((BLK,), _i32),
            pltpu.VMEM((BLK,), _i32),
            pltpu.VMEM((BLK, ATT), _f32),
            pltpu.VMEM((BLK, ATT), _f32),
            pltpu.VMEM((BLK, ROW1), _f32),
            pltpu.VMEM_SHARED((NPAD, ROW1), _f32),
            pltpu.SemaphoreType.DMA,
        ],
    )
    return f(src, dst, attab1, htab1, zeros1)


def _k2_body(htab_ref, attab_ref, acc_ref, bias1_ref,
             gamma_ref, beta_ref, w2_ref, asm2_ref, adm2_ref, expand_ref,
             htab2_ref, attab2_ref):
    h = htab_ref[:, 0:F1]
    asrc = attab_ref[:, 0:HEADS]
    adst = attab_ref[:, HEADS:2 * HEADS]
    u = attab_ref[:, 2 * HEADS:3 * HEADS]
    wself = jnp.exp(_lrelu(asrc + adst) - u)
    denom = wself + acc_ref[0:N, F1:F1 + HEADS] + acc_ref[NPAD:NPAD + N, F1:F1 + HEADS] + 1e-16
    esum = acc_ref[0:N, 0:F1] + acc_ref[NPAD:NPAD + N, 0:F1]
    wexp = jnp.dot(wself, expand_ref[...], preferred_element_type=_f32)
    dexp = jnp.dot(denom, expand_ref[...], preferred_element_type=_f32)
    out1 = (wexp * h + esum) / dexp + bias1_ref[...][None, :]
    mean = jnp.mean(out1, axis=0)
    xc = out1 - mean[None, :]
    var = jnp.mean(xc * xc, axis=0)
    hbn = xc / jnp.sqrt(var[None, :] + 1e-5) * gamma_ref[...][None, :] + beta_ref[...][None, :]
    h2in = _lrelu(hbn)
    h2 = jnp.dot(h2in, w2_ref[...], preferred_element_type=_f32)
    a2s = jnp.dot(h2, asm2_ref[...], preferred_element_type=_f32)
    a2d = jnp.dot(h2, adm2_ref[...], preferred_element_type=_f32)
    amax2 = jnp.max(a2s, axis=0)
    u2 = _lrelu(amax2[None, :] + a2d)
    htab2_ref[:, 0:2] = h2
    htab2_ref[:, 2:3] = jnp.ones((N, 1), _f32)
    htab2_ref[:, 3:ROW2] = jnp.zeros((N, ROW2 - 3), _f32)
    attab2_ref[:, 0:1] = a2s
    attab2_ref[:, 1:2] = a2d
    attab2_ref[:, 2:3] = u2
    attab2_ref[:, 3:ATT] = jnp.zeros((N, ATT - 3), _f32)


def _k2(htab1, attab1, acc1, bias1, gamma, beta, W2, asm2, adm2, expand):
    return pl.pallas_call(
        _k2_body,
        out_shape=[
            jax.ShapeDtypeStruct((N, ROW2), _f32),
            jax.ShapeDtypeStruct((N, ATT), _f32),
        ],
    )(htab1, attab1, acc1, bias1, gamma, beta, W2, asm2, adm2, expand)


def _s2_body(src_hbm, dst_hbm, attab_hbm, htab_hbm, zeros_hbm,
             acc_hbm, srcb, dstb, satt, datt, hbuf, acc_sh, gsem):
    cid = lax.axis_index("c")
    sid = lax.axis_index("s")
    wid = cid * NS + sid
    pltpu.sync_copy(zeros_hbm.at[pl.ds(sid * RPT, RPT)], acc_sh.at[pl.ds(sid * RPT, RPT)])
    plsc.subcore_barrier()

    iota16 = lax.iota(_i32, 16)

    def body(j, carry):
        start = wid * EW + j * BLK
        pltpu.sync_copy(src_hbm.at[pl.ds(start, BLK)], srcb)
        pltpu.sync_copy(dst_hbm.at[pl.ds(start, BLK)], dstb)
        pltpu.async_copy(attab_hbm.at[srcb], satt, gsem).wait()
        pltpu.async_copy(attab_hbm.at[dstb], datt, gsem).wait()
        pltpu.async_copy(htab_hbm.at[srcb], hbuf, gsem).wait()
        for k in range(BLK // 16):
            e16 = iota16 + (k * 16)
            a_s = plsc.load_gather(satt, [e16, jnp.full((16,), 0, _i32)])
            a_d = plsc.load_gather(datt, [e16, jnp.full((16,), 1, _i32)])
            u_d = plsc.load_gather(datt, [e16, jnp.full((16,), 2, _i32)])
            w16 = jnp.exp(_lrelu(a_s + a_d) - u_d)
            for c in range(2):
                colw = jnp.full((16,), c, _i32)
                v = plsc.load_gather(hbuf, [e16, colw])
                plsc.store_scatter(hbuf, [e16, colw], v * w16)
            plsc.store_scatter(hbuf, [e16, jnp.full((16,), 2, _i32)], w16)
        pltpu.sync_copy(hbuf, acc_sh.at[dstb], add=True)
        return carry

    lax.fori_loop(0, NBLK, body, 0)
    plsc.subcore_barrier()
    pltpu.sync_copy(acc_sh.at[pl.ds(sid * RPT, RPT)],
                    acc_hbm.at[cid, pl.ds(sid * RPT, RPT)])


def _s2(src, dst, attab2, htab2, zeros2):
    mesh = plsc.VectorSubcoreMesh(core_axis_name="c", subcore_axis_name="s",
                                  num_cores=NC, num_subcores=NS)
    f = pl.kernel(
        _s2_body,
        out_type=jax.ShapeDtypeStruct((NC, NPAD, ROW2), _f32),
        mesh=mesh,
        compiler_params=_SC_PARAMS,
        scratch_types=[
            pltpu.VMEM((BLK,), _i32),
            pltpu.VMEM((BLK,), _i32),
            pltpu.VMEM((BLK, ATT), _f32),
            pltpu.VMEM((BLK, ATT), _f32),
            pltpu.VMEM((BLK, ROW2), _f32),
            pltpu.VMEM_SHARED((NPAD, ROW2), _f32),
            pltpu.SemaphoreType.DMA,
        ],
    )
    return f(src, dst, attab2, htab2, zeros2)


def _k3_body(htab2_ref, attab2_ref, acc2_ref, bias2_ref, out_ref):
    h2 = htab2_ref[:, 0:2]
    a2s = attab2_ref[:, 0:1]
    a2d = attab2_ref[:, 1:2]
    u2 = attab2_ref[:, 2:3]
    wself = jnp.exp(_lrelu(a2s + a2d) - u2)
    denom = wself + acc2_ref[0:N, 2:3] + acc2_ref[NPAD:NPAD + N, 2:3] + 1e-16
    o = (wself * h2 + acc2_ref[0:N, 0:2] + acc2_ref[NPAD:NPAD + N, 0:2]) / denom
    o = o + bias2_ref[...][None, :]
    m = jnp.max(o, axis=1, keepdims=True)
    lse = m + jnp.log(jnp.sum(jnp.exp(o - m), axis=1, keepdims=True))
    out_ref[...] = o - lse


def _k3(htab2, attab2, acc2, bias2):
    return pl.pallas_call(
        _k3_body,
        out_shape=jax.ShapeDtypeStruct((N, 2), _f32),
    )(htab2, attab2, acc2, bias2)


def kernel(x, edge_index, W1, att_src1, att_dst1, bias1, gamma, beta, W2,
           att_src2, att_dst2, bias2):
    src = edge_index[0]
    dst = edge_index[1]

    heads_of = jnp.arange(F1) // HID
    hsel = (heads_of[:, None] == jnp.arange(HEADS)[None, :])
    asm1 = jnp.where(hsel, att_src1.reshape(-1)[:, None], 0.0).astype(_f32)
    adm1 = jnp.where(hsel, att_dst1.reshape(-1)[:, None], 0.0).astype(_f32)
    expand = hsel.T.astype(_f32)
    asm2 = att_src2.reshape(2, 1)
    adm2 = att_dst2.reshape(2, 1)

    htab1, attab1 = _k1(x, W1, asm1, adm1)
    zeros1 = jnp.zeros((NPAD, ROW1), _f32)
    acc1 = _s1(src, dst, attab1, htab1, zeros1)
    acc1 = acc1.reshape(NC * NPAD, ROW1)

    htab2, attab2 = _k2(htab1, attab1, acc1, bias1, gamma, beta, W2, asm2, adm2, expand)
    zeros2 = jnp.zeros((NPAD, ROW2), _f32)
    acc2 = _s2(src, dst, attab2, htab2, zeros2)
    acc2 = acc2.reshape(NC * NPAD, ROW2)

    return _k3(htab2, attab2, acc2, bias2)

# --- scband reference (transcript-rebuilt; emitter-appended) ---
"""Pipeline reference for scband-hotspot-gat-73899207295429 (READ-ONLY COPY).

The authoritative reference and input builder live on the scoring server;
editing this copy changes nothing except your own understanding.
"""

import jax, jax.numpy as jnp
import numpy as np

N = 10000
E = 320000
IN_CH = 128
HID = 16
HEADS = 4
NEG_SLOPE = 0.2


def _leaky_relu(x, slope):
    return jnp.where(x >= 0, x, slope * x)


def _gat_conv(x, edge_index, W, att_src, att_dst, bias, heads, out_ch, concat, neg_slope, n_nodes):
    # PyG GATConv with add_self_loops=True (default), attention dropout skipped (eval)
    loop = jnp.arange(n_nodes, dtype=edge_index.dtype)
    src = jnp.concatenate([edge_index[0], loop])
    dst = jnp.concatenate([edge_index[1], loop])
    h = (x @ W).reshape(n_nodes, heads, out_ch)
    a_src = jnp.sum(h * att_src, axis=-1)  # [N, H]
    a_dst = jnp.sum(h * att_dst, axis=-1)  # [N, H]
    e = a_src[src] + a_dst[dst]            # [E+N, H]
    e = _leaky_relu(e, neg_slope)
    e_max = jax.ops.segment_max(e, dst, num_segments=n_nodes)
    e_exp = jnp.exp(e - e_max[dst])
    denom = jax.ops.segment_sum(e_exp, dst, num_segments=n_nodes)
    alpha = e_exp / (denom[dst] + 1e-16)
    msg = h[src] * alpha[:, :, None]
    out = jax.ops.segment_sum(msg, dst, num_segments=n_nodes)  # [N, H, C]
    if concat:
        out = out.reshape(n_nodes, heads * out_ch)
    else:
        out = out.mean(axis=1)
    return out + bias


def setup_inputs(seed: int = 0):
    key = jax.random.key(seed)
    ks = jax.random.split(key, 12)
    x = jax.random.normal(ks[0], (N, IN_CH), dtype=jnp.float32)
    edge_index = jax.random.randint(ks[1], (2, E), 0, N, dtype=jnp.int32)
    W1 = jax.random.normal(ks[2], (IN_CH, HEADS * HID), dtype=jnp.float32) * (1.0 / np.sqrt(IN_CH))
    att_src1 = jax.random.normal(ks[3], (1, HEADS, HID), dtype=jnp.float32) * 0.1
    att_dst1 = jax.random.normal(ks[4], (1, HEADS, HID), dtype=jnp.float32) * 0.1
    bias1 = jnp.zeros((HEADS * HID,), dtype=jnp.float32)
    gamma = jnp.ones((HEADS * HID,), dtype=jnp.float32)
    beta = jnp.zeros((HEADS * HID,), dtype=jnp.float32)
    W2 = jax.random.normal(ks[5], (HEADS * HID, 2), dtype=jnp.float32) * (1.0 / np.sqrt(HEADS * HID))
    att_src2 = jax.random.normal(ks[6], (1, 1, 2), dtype=jnp.float32) * 0.1
    att_dst2 = jax.random.normal(ks[7], (1, 1, 2), dtype=jnp.float32) * 0.1
    bias2 = jnp.zeros((2,), dtype=jnp.float32)
    return dict(x=x, edge_index=edge_index, W1=W1, att_src1=att_src1, att_dst1=att_dst1,
                bias1=bias1, gamma=gamma, beta=beta, W2=W2, att_src2=att_src2,
                att_dst2=att_dst2, bias2=bias2)


def reference(x, edge_index, W1, att_src1, att_dst1, bias1, gamma, beta, W2, att_src2, att_dst2, bias2):
    h = _gat_conv(x, edge_index, W1, att_src1, att_dst1, bias1, HEADS, HID, True, NEG_SLOPE, N)
    # BatchNorm1d (training-mode batch stats, deterministic); dropout skipped (eval)
    mean = h.mean(axis=0)
    var = h.var(axis=0)
    h = (h - mean) / jnp.sqrt(var + 1e-5) * gamma + beta
    h = _leaky_relu(h, NEG_SLOPE)
    out = _gat_conv(h, edge_index, W2, att_src2, att_dst2, bias2, 1, 2, False, NEG_SLOPE, N)
    return out - jax.scipy.special.logsumexp(out, axis=1, keepdims=True)

if __name__ == "__main__":
    import jax
    _d = setup_inputs()
    print(jax.jit(kernel)(*tuple(_d.values())))

</pallas_src>

<mosaic_0001>
#map = affine_map<(d0, d1) -> (0)>
#map1 = affine_map<(d0, d1) -> (0, 0)>
#map2 = affine_map<(d0, d1) -> (0, 0, 0)>
module attributes {stable_mosaic.version = 14 : i64} {
  func.func @_s2_body(%arg0: i32, %arg1: i32, %arg2: memref<320000xi32, #tpu.memory_space<hbm>>, %arg3: memref<320000xi32, #tpu.memory_space<hbm>>, %arg4: memref<10000x16xf32, #tpu.memory_space<hbm>>, %arg5: memref<10000x16xf32, #tpu.memory_space<hbm>>, %arg6: memref<10240x16xf32, #tpu.memory_space<hbm>>, %arg7: memref<2x10240x16xf32, #tpu.memory_space<hbm>>, %arg8: memref<80xi32, #tpu.memory_space<vmem>>, %arg9: memref<80xi32, #tpu.memory_space<vmem>>, %arg10: memref<80x16xf32, #tpu.memory_space<vmem>>, %arg11: memref<80x16xf32, #tpu.memory_space<vmem>>, %arg12: memref<80x16xf32, #tpu.memory_space<vmem>>, %arg13: memref<10240x16xf32, #tpu.memory_space<vmem_shared>>, %arg14: memref<!tpu.dma_semaphore, #tpu.memory_space<semaphore_mem>>) attributes {dimension_semantics = [#tpu.dimension_semantics<core_parallel>, #tpu.dimension_semantics<subcore_parallel>], iteration_bounds = array<i64: 2, 16>, scalar_prefetch = 0 : i64, scratch_operands = 7 : i64, tpu.core_type = #tpu.core_type<sc_vector_subcore>, window_params = [{transform_indices = #map}, {transform_indices = #map}, {transform_indices = #map1}, {transform_indices = #map1}, {transform_indices = #map1}, {transform_indices = #map2}]} {
    %mul3A = arith.constant 16 : i32
    %mul3A_0 = arith.muli %arg0, %mul3A : i32
    %add3A = arith.addi %mul3A_0, %arg1 : i32
    %mul3A_1 = arith.constant 640 : i32
    %mul3A_2 = arith.muli %arg1, %mul3A_1 : i32
    %mul3A_3 = arith.constant 640 : i32
    %mul3A_4 = arith.muli %arg1, %mul3A_3 : i32
    "tpu.region"() ({
      %run_scoped3A = tpu.sem_alloc : memref<!tpu.dma_semaphore, #tpu.memory_space<semaphore_mem>>
      %dma_start3A = arith.constant 0 : i32
      %dma_start3A_15 = tpu.memref_slice %arg13[%mul3A_4, %dma_start3A] : memref<10240x16xf32, #tpu.memory_space<vmem_shared>> -> memref<640x16xf32, #tpu.memory_space<vmem_shared>>
      %dma_start3A_16 = arith.constant 0 : i32
      %dma_start3A_17 = tpu.memref_slice %arg6[%mul3A_2, %dma_start3A_16] : memref<10240x16xf32, #tpu.memory_space<hbm>> -> memref<640x16xf32, #tpu.memory_space<hbm>>
      tpu.enqueue_dma source(%dma_start3A_17 : memref<640x16xf32, #tpu.memory_space<hbm>>) target(%dma_start3A_15 : memref<640x16xf32, #tpu.memory_space<vmem_shared>>) target_semaphore(%run_scoped3A : memref<!tpu.dma_semaphore, #tpu.memory_space<semaphore_mem>>)
      %dma_wait3A = arith.constant 0 : i32
      %dma_wait3A_18 = tpu.memref_slice %arg13[%mul3A_4, %dma_wait3A] : memref<10240x16xf32, #tpu.memory_space<vmem_shared>> -> memref<640x16xf32, #tpu.memory_space<vmem_shared>>
      %dma_wait3A_19 = arith.constant 0 : i32
      %dma_wait3A_20 = tpu.memref_slice %arg6[%mul3A_2, %dma_wait3A_19] : memref<10240x16xf32, #tpu.memory_space<hbm>> -> memref<640x16xf32, #tpu.memory_space<hbm>>
      tpu.wait_dma2 semaphore(%run_scoped3A : memref<!tpu.dma_semaphore, #tpu.memory_space<semaphore_mem>>) src(%dma_wait3A_20 : memref<640x16xf32, #tpu.memory_space<hbm>>) dst(%dma_wait3A_18 : memref<640x16xf32, #tpu.memory_space<vmem_shared>>)
      tpu.yield
    }) : () -> ()
    %barrier3A = arith.constant 0 : index
    tpu.barrier barrier_id(%barrier3A)
    %iota3A = tpu.iota {dimensions = array<i32: 0>} : vector<16xi32>
    %scan3A = arith.constant 0 : i32
    %scan3A_5 = arith.constant 0 : i32
    %scan3A_6 = arith.constant 125 : i32
    %scan3A_7 = arith.addi %scan3A_5, %scan3A_6 : i32
    %scan3A_8 = arith.constant 1 : i32
    scf.for %scan3A_15 = %scan3A_5 to %scan3A_7 step %scan3A_8  : i32 {
      %mul3A_16 = arith.constant 10000 : i32
      %mul3A_17 = arith.muli %add3A, %mul3A_16 : i32
      %mul3A_18 = arith.constant 80 : i32
      %mul3A_19 = arith.muli %scan3A_15, %mul3A_18 : i32
      %add3A_20 = arith.addi %mul3A_17, %mul3A_19 : i32
      "tpu.region"() ({
        %run_scoped3A = tpu.sem_alloc : memref<!tpu.dma_semaphore, #tpu.memory_space<semaphore_mem>>
        %dma_start3A_191 = tpu.memref_slice %arg2[%add3A_20] : memref<320000xi32, #tpu.memory_space<hbm>> -> memref<80xi32, #tpu.memory_space<hbm>>
        %dma_start3A_192 = tpu.memref_slice %arg2[%add3A_20] : memref<320000xi32, #tpu.memory_space<hbm>> -> memref<80xi32, #tpu.memory_space<hbm>>
        tpu.enqueue_dma source(%dma_start3A_192 : memref<80xi32, #tpu.memory_space<hbm>>) target(%arg8 : memref<80xi32, #tpu.memory_space<vmem>>) target_semaphore(%run_scoped3A : memref<!tpu.dma_semaphore, #tpu.memory_space<semaphore_mem>>)
        %dma_wait3A_193 = tpu.memref_slice %arg2[%add3A_20] : memref<320000xi32, #tpu.memory_space<hbm>> -> memref<80xi32, #tpu.memory_space<hbm>>
        %dma_wait3A_194 = tpu.memref_slice %arg2[%add3A_20] : memref<320000xi32, #tpu.memory_space<hbm>> -> memref<80xi32, #tpu.memory_space<hbm>>
        tpu.wait_dma2 semaphore(%run_scoped3A : memref<!tpu.dma_semaphore, #tpu.memory_space<semaphore_mem>>) src(%dma_wait3A_194 : memref<80xi32, #tpu.memory_space<hbm>>) dst(%arg8 : memref<80xi32, #tpu.memory_space<vmem>>)
        tpu.yield
      }) : () -> ()
      "tpu.region"() ({
        %run_scoped3A = tpu.sem_alloc : memref<!tpu.dma_semaphore, #tpu.memory_space<semaphore_mem>>
        %dma_start3A_191 = tpu.memref_slice %arg3[%add3A_20] : memref<320000xi32, #tpu.memory_space<hbm>> -> memref<80xi32, #tpu.memory_space<hbm>>
        %dma_start3A_192 = tpu.memref_slice %arg3[%add3A_20] : memref<320000xi32, #tpu.memory_space<hbm>> -> memref<80xi32, #tpu.memory_space<hbm>>
        tpu.enqueue_dma source(%dma_start3A_192 : memref<80xi32, #tpu.memory_space<hbm>>) target(%arg9 : memref<80xi32, #tpu.memory_space<vmem>>) target_semaphore(%run_scoped3A : memref<!tpu.dma_semaphore, #tpu.memory_space<semaphore_mem>>)
        %dma_wait3A_193 = tpu.memref_slice %arg3[%add3A_20] : memref<320000xi32, #tpu.memory_space<hbm>> -> memref<80xi32, #tpu.memory_space<hbm>>
        %dma_wait3A_194 = tpu.memref_slice %arg3[%add3A_20] : memref<320000xi32, #tpu.memory_space<hbm>> -> memref<80xi32, #tpu.memory_space<hbm>>
        tpu.wait_dma2 semaphore(%run_scoped3A : memref<!tpu.dma_semaphore, #tpu.memory_space<semaphore_mem>>) src(%dma_wait3A_194 : memref<80xi32, #tpu.memory_space<hbm>>) dst(%arg9 : memref<80xi32, #tpu.memory_space<vmem>>)
        tpu.yield
      }) : () -> ()
      %dma_start3A = arith.constant 0 : i32
      %dma_start3A_21 = arith.constant 0 : i32
      %dma_start3A_22 = tpu.memref_slice %arg4[%dma_start3A, %dma_start3A_21] : memref<10000x16xf32, #tpu.memory_space<hbm>> -> memref<10000x16xf32, #tpu.memory_space<hbm>>
      tpu.enqueue_indirect_dma source(%dma_start3A_22 : memref<10000x16xf32, #tpu.memory_space<hbm>>) target(%arg10 : memref<80x16xf32, #tpu.memory_space<vmem>>) offsets(%arg8 : memref<80xi32, #tpu.memory_space<vmem>>) semaphore(%arg14 : memref<!tpu.dma_semaphore, #tpu.memory_space<semaphore_mem>>)
      %dma_wait3A = arith.constant 0 : i32
      %dma_wait3A_23 = arith.constant 0 : i32
      %dma_wait3A_24 = tpu.memref_slice %arg4[%dma_wait3A, %dma_wait3A_23] : memref<10000x16xf32, #tpu.memory_space<hbm>> -> memref<10000x16xf32, #tpu.memory_space<hbm>>
      tpu.wait_indirect_dma semaphore(%arg14 : memref<!tpu.dma_semaphore, #tpu.memory_space<semaphore_mem>>) src(%dma_wait3A_24 : memref<10000x16xf32, #tpu.memory_space<hbm>>) dst(%arg10 : memref<80x16xf32, #tpu.memory_space<vmem>>)
      %dma_start3A_25 = arith.constant 0 : i32
      %dma_start3A_26 = arith.constant 0 : i32
      %dma_start3A_27 = tpu.memref_slice %arg4[%dma_start3A_25, %dma_start3A_26] : memref<10000x16xf32, #tpu.memory_space<hbm>> -> memref<10000x16xf32, #tpu.memory_space<hbm>>
      tpu.enqueue_indirect_dma source(%dma_start3A_27 : memref<10000x16xf32, #tpu.memory_space<hbm>>) target(%arg11 : memref<80x16xf32, #tpu.memory_space<vmem>>) offsets(%arg9 : memref<80xi32, #tpu.memory_space<vmem>>) semaphore(%arg14 : memref<!tpu.dma_semaphore, #tpu.memory_space<semaphore_mem>>)
      %dma_wait3A_28 = arith.constant 0 : i32
      %dma_wait3A_29 = arith.constant 0 : i32
      %dma_wait3A_30 = tpu.memref_slice %arg4[%dma_wait3A_28, %dma_wait3A_29] : memref<10000x16xf32, #tpu.memory_space<hbm>> -> memref<10000x16xf32, #tpu.memory_space<hbm>>
      tpu.wait_indirect_dma semaphore(%arg14 : memref<!tpu.dma_semaphore, #tpu.memory_space<semaphore_mem>>) src(%dma_wait3A_30 : memref<10000x16xf32, #tpu.memory_space<hbm>>) dst(%arg11 : memref<80x16xf32, #tpu.memory_space<vmem>>)
      %dma_start3A_31 = arith.constant 0 : i32
      %dma_start3A_32 = arith.constant 0 : i32
      %dma_start3A_33 = tpu.memref_slice %arg5[%dma_start3A_31, %dma_start3A_32] : memref<10000x16xf32, #tpu.memory_space<hbm>> -> memref<10000x16xf32, #tpu.memory_space<hbm>>
      tpu.enqueue_indirect_dma source(%dma_start3A_33 : memref<10000x16xf32, #tpu.memory_space<hbm>>) target(%arg12 : memref<80x16xf32, #tpu.memory_space<vmem>>) offsets(%arg8 : memref<80xi32, #tpu.memory_space<vmem>>) semaphore(%arg14 : memref<!tpu.dma_semaphore, #tpu.memory_space<semaphore_mem>>)
      %dma_wait3A_34 = arith.constant 0 : i32
      %dma_wait3A_35 = arith.constant 0 : i32
      %dma_wait3A_36 = tpu.memref_slice %arg5[%dma_wait3A_34, %dma_wait3A_35] : memref<10000x16xf32, #tpu.memory_space<hbm>> -> memref<10000x16xf32, #tpu.memory_space<hbm>>
      tpu.wait_indirect_dma semaphore(%arg14 : memref<!tpu.dma_semaphore, #tpu.memory_space<semaphore_mem>>) src(%dma_wait3A_36 : memref<10000x16xf32, #tpu.memory_space<hbm>>) dst(%arg12 : memref<80x16xf32, #tpu.memory_space<vmem>>)
      %add3A_37 = arith.constant 0 : i32
      %add3A_38 = vector.broadcast %add3A_37 : i32 to vector<16xi32>
      %add3A_39 = arith.addi %iota3A, %add3A_38 : vector<16xi32>
      %broadcast_in_dim3A = arith.constant 0 : i32
      %broadcast_in_dim3A_40 = vector.broadcast %broadcast_in_dim3A : i32 to vector<16xi32>
      %gather3A = tpu.vector_load_idx %arg10[%add3A_39, %broadcast_in_dim3A_40] : memref<80x16xf32, #tpu.memory_space<vmem>>[vector<16xi32>, vector<16xi32>], vector<16xf32>,
      %broadcast_in_dim3A_41 = arith.constant 1 : i32
      %broadcast_in_dim3A_42 = vector.broadcast %broadcast_in_dim3A_41 : i32 to vector<16xi32>
      %gather3A_43 = tpu.vector_load_idx %arg11[%add3A_39, %broadcast_in_dim3A_42] : memref<80x16xf32, #tpu.memory_space<vmem>>[vector<16xi32>, vector<16xi32>], vector<16xf32>,
      %broadcast_in_dim3A_44 = arith.constant 2 : i32
      %broadcast_in_dim3A_45 = vector.broadcast %broadcast_in_dim3A_44 : i32 to vector<16xi32>
      %gather3A_46 = tpu.vector_load_idx %arg11[%add3A_39, %broadcast_in_dim3A_45] : memref<80x16xf32, #tpu.memory_space<vmem>>[vector<16xi32>, vector<16xi32>], vector<16xf32>,
      %add3A_47 = arith.addf %gather3A, %gather3A_43 : vector<16xf32>
      %ge3A = arith.constant 0.000000e+00 : f32
      %ge3A_48 = vector.broadcast %ge3A : f32 to vector<16xf32>
      %ge3A_49 = arith.cmpf oge, %add3A_47, %ge3A_48 : vector<16xf32>
      %mul3A_50 = arith.constant 2.000000e-01 : f32
      %mul3A_51 = vector.broadcast %mul3A_50 : f32 to vector<16xf32>
      %mul3A_52 = arith.mulf %mul3A_51, %add3A_47 : vector<16xf32>
      %select_n3A = arith.select %ge3A_49, %add3A_47, %mul3A_52 : vector<16xi1>, vector<16xf32>
      %sub3A = arith.subf %select_n3A, %gather3A_46 : vector<16xf32>
      %exp3A = math.exp %sub3A : vector<16xf32>
      %broadcast_in_dim3A_53 = arith.constant 0 : i32
      %broadcast_in_dim3A_54 = vector.broadcast %broadcast_in_dim3A_53 : i32 to vector<16xi32>
      %gather3A_55 = tpu.vector_load_idx %arg12[%add3A_39, %broadcast_in_dim3A_54] : memref<80x16xf32, #tpu.memory_space<vmem>>[vector<16xi32>, vector<16xi32>], vector<16xf32>,
      %mul3A_56 = arith.mulf %gather3A_55, %exp3A : vector<16xf32>
      tpu.vector_store_idx %arg12[%add3A_39, %broadcast_in_dim3A_54], %mul3A_56 : memref<80x16xf32, #tpu.memory_space<vmem>>[vector<16xi32>, vector<16xi32>], vector<16xf32>,
      %broadcast_in_dim3A_57 = arith.constant 1 : i32
      %broadcast_in_dim3A_58 = vector.broadcast %broadcast_in_dim3A_57 : i32 to vector<16xi32>
      %gather3A_59 = tpu.vector_load_idx %arg12[%add3A_39, %broadcast_in_dim3A_58] : memref<80x16xf32, #tpu.memory_space<vmem>>[vector<16xi32>, vector<16xi32>], vector<16xf32>,
      %mul3A_60 = arith.mulf %gather3A_59, %exp3A : vector<16xf32>
      tpu.vector_store_idx %arg12[%add3A_39, %broadcast_in_dim3A_58], %mul3A_60 : memref<80x16xf32, #tpu.memory_space<vmem>>[vector<16xi32>, vector<16xi32>], vector<16xf32>,
      %broadcast_in_dim3A_61 = arith.constant 2 : i32
      %broadcast_in_dim3A_62 = vector.broadcast %broadcast_in_dim3A_61 : i32 to vector<16xi32>
      tpu.vector_store_idx %arg12[%add3A_39, %broadcast_in_dim3A_62], %exp3A : memref<80x16xf32, #tpu.memory_space<vmem>>[vector<16xi32>, vector<16xi32>], vector<16xf32>,
      %add3A_63 = arith.constant 16 : i32
      %add3A_64 = vector.broadcast %add3A_63 : i32 to vector<16xi32>
      %add3A_65 = arith.addi %iota3A, %add3A_64 : vector<16xi32>
      %broadcast_in_dim3A_66 = arith.constant 0 : i32
      %broadcast_in_dim3A_67 = vector.broadcast %broadcast_in_dim3A_66 : i32 to vector<16xi32>
      %gather3A_68 = tpu.vector_load_idx %arg10[%add3A_65, %broadcast_in_dim3A_67] : memref<80x16xf32, #tpu.memory_space<vmem>>[vector<16xi32>, vector<16xi32>], vector<16xf32>,
      %broadcast_in_dim3A_69 = arith.constant 1 : i32
      %broadcast_in_dim3A_70 = vector.broadcast %broadcast_in_dim3A_69 : i32 to vector<16xi32>
      %gather3A_71 = tpu.vector_load_idx %arg11[%add3A_65, %broadcast_in_dim3A_70] : memref<80x16xf32, #tpu.memory_space<vmem>>[vector<16xi32>, vector<16xi32>], vector<16xf32>,
      %broadcast_in_dim3A_72 = arith.constant 2 : i32
      %broadcast_in_dim3A_73 = vector.broadcast %broadcast_in_dim3A_72 : i32 to vector<16xi32>
      %gather3A_74 = tpu.vector_load_idx %arg11[%add3A_65, %broadcast_in_dim3A_73] : memref<80x16xf32, #tpu.memory_space<vmem>>[vector<16xi32>, vector<16xi32>], vector<16xf32>,
      %add3A_75 = arith.addf %gather3A_68, %gather3A_71 : vector<16xf32>
      %ge3A_76 = arith.constant 0.000000e+00 : f32
      %ge3A_77 = vector.broadcast %ge3A_76 : f32 to vector<16xf32>
      %ge3A_78 = arith.cmpf oge, %add3A_75, %ge3A_77 : vector<16xf32>
      %mul3A_79 = arith.constant 2.000000e-01 : f32
      %mul3A_80 = vector.broadcast %mul3A_79 : f32 to vector<16xf32>
      %mul3A_81 = arith.mulf %mul3A_80, %add3A_75 : vector<16xf32>
      %select_n3A_82 = arith.select %ge3A_78, %add3A_75, %mul3A_81 : vector<16xi1>, vector<16xf32>
      %sub3A_83 = arith.subf %select_n3A_82, %gather3A_74 : vector<16xf32>
      %exp3A_84 = math.exp %sub3A_83 : vector<16xf32>
      %broadcast_in_dim3A_85 = arith.constant 0 : i32
      %broadcast_in_dim3A_86 = vector.broadcast %broadcast_in_dim3A_85 : i32 to vector<16xi32>
      %gather3A_87 = tpu.vector_load_idx %arg12[%add3A_65, %broadcast_in_dim3A_86] : memref<80x16xf32, #tpu.memory_space<vmem>>[vector<16xi32>, vector<16xi32>], vector<16xf32>,
      %mul3A_88 = arith.mulf %gather3A_87, %exp3A_84 : vector<16xf32>
      tpu.vector_store_idx %arg12[%add3A_65, %broadcast_in_dim3A_86], %mul3A_88 : memref<80x16xf32, #tpu.memory_space<vmem>>[vector<16xi32>, vector<16xi32>], vector<16xf32>,
      %broadcast_in_dim3A_89 = arith.constant 1 : i32
      %broadcast_in_dim3A_90 = vector.broadcast %broadcast_in_dim3A_89 : i32 to vector<16xi32>
      %gather3A_91 = tpu.vector_load_idx %arg12[%add3A_65, %broadcast_in_dim3A_90] : memref<80x16xf32, #tpu.memory_space<vmem>>[vector<16xi32>, vector<16xi32>], vector<16xf32>,
      %mul3A_92 = arith.mulf %gather3A_91, %exp3A_84 : vector<16xf32>
      tpu.vector_store_idx %arg12[%add3A_65, %broadcast_in_dim3A_90], %mul3A_92 : memref<80x16xf32, #tpu.memory_space<vmem>>[vector<16xi32>, vector<16xi32>], vector<16xf32>,
      %broadcast_in_dim3A_93 = arith.constant 2 : i32
      %broadcast_in_dim3A_94 = vector.broadcast %broadcast_in_dim3A_93 : i32 to vector<16xi32>
      tpu.vector_store_idx %arg12[%add3A_65, %broadcast_in_dim3A_94], %exp3A_84 : memref<80x16xf32, #tpu.memory_space<vmem>>[vector<16xi32>, vector<16xi32>], vector<16xf32>,
      %add3A_95 = arith.constant 32 : i32
      %add3A_96 = vector.broadcast %add3A_95 : i32 to vector<16xi32>
      %add3A_97 = arith.addi %iota3A, %add3A_96 : vector<16xi32>
      %broadcast_in_dim3A_98 = arith.constant 0 : i32
      %broadcast_in_dim3A_99 = vector.broadcast %broadcast_in_dim3A_98 : i32 to vector<16xi32>
      %gather3A_100 = tpu.vector_load_idx %arg10[%add3A_97, %broadcast_in_dim3A_99] : memref<80x16xf32, #tpu.memory_space<vmem>>[vector<16xi32>, vector<16xi32>], vector<16xf32>,
      %broadcast_in_dim3A_101 = arith.constant 1 : i32
      %broadcast_in_dim3A_102 = vector.broadcast %broadcast_in_dim3A_101 : i32 to vector<16xi32>
      %gather3A_103 = tpu.vector_load_idx %arg11[%add3A_97, %broadcast_in_dim3A_102] : memref<80x16xf32, #tpu.memory_space<vmem>>[vector<16xi32>, vector<16xi32>], vector<16xf32>,
      %broadcast_in_dim3A_104 = arith.constant 2 : i32
      %broadcast_in_dim3A_105 = vector.broadcast %broadcast_in_dim3A_104 : i32 to vector<16xi32>
      %gather3A_106 = tpu.vector_load_idx %arg11[%add3A_97, %broadcast_in_dim3A_105] : memref<80x16xf32, #tpu.memory_space<vmem>>[vector<16xi32>, vector<16xi32>], vector<16xf32>,
      %add3A_107 = arith.addf %gather3A_100, %gather3A_103 : vector<16xf32>
      %ge3A_108 = arith.constant 0.000000e+00 : f32
      %ge3A_109 = vector.broadcast %ge3A_108 : f32 to vector<16xf32>
      %ge3A_110 = arith.cmpf oge, %add3A_107, %ge3A_109 : vector<16xf32>
      %mul3A_111 = arith.constant 2.000000e-01 : f32
      %mul3A_112 = vector.broadcast %mul3A_111 : f32 to vector<16xf32>
      %mul3A_113 = arith.mulf %mul3A_112, %add3A_107 : vector<16xf32>
      %select_n3A_114 = arith.select %ge3A_110, %add3A_107, %mul3A_113 : vector<16xi1>, vector<16xf32>
      %sub3A_115 = arith.subf %select_n3A_114, %gather3A_106 : vector<16xf32>
      %exp3A_116 = math.exp %sub3A_115 : vector<16xf32>
      %broadcast_in_dim3A_117 = arith.constant 0 : i32
      %broadcast_in_dim3A_118 = vector.broadcast %broadcast_in_dim3A_117 : i32 to vector<16xi32>
      %gather3A_119 = tpu.vector_load_idx %arg12[%add3A_97, %broadcast_in_dim3A_118] : memref<80x16xf32, #tpu.memory_space<vmem>>[vector<16xi32>, vector<16xi32>], vector<16xf32>,
      %mul3A_120 = arith.mulf %gather3A_119, %exp3A_116 : vector<16xf32>
      tpu.vector_store_idx %arg12[%add3A_97, %broadcast_in_dim3A_118], %mul3A_120 : memref<80x16xf32, #tpu.memory_space<vmem>>[vector<16xi32>, vector<16xi32>], vector<16xf32>,
      %broadcast_in_dim3A_121 = arith.constant 1 : i32
      %broadcast_in_dim3A_122 = vector.broadcast %broadcast_in_dim3A_121 : i32 to vector<16xi32>
      %gather3A_123 = tpu.vector_load_idx %arg12[%add3A_97, %broadcast_in_dim3A_122] : memref<80x16xf32, #tpu.memory_space<vmem>>[vector<16xi32>, vector<16xi32>], vector<16xf32>,
      %mul3A_124 = arith.mulf %gather3A_123, %exp3A_116 : vector<16xf32>
      tpu.vector_store_idx %arg12[%add3A_97, %broadcast_in_dim3A_122], %mul3A_124 : memref<80x16xf32, #tpu.memory_space<vmem>>[vector<16xi32>, vector<16xi32>], vector<16xf32>,
      %broadcast_in_dim3A_125 = arith.constant 2 : i32
      %broadcast_in_dim3A_126 = vector.broadcast %broadcast_in_dim3A_125 : i32 to vector<16xi32>
      tpu.vector_store_idx %arg12[%add3A_97, %broadcast_in_dim3A_126], %exp3A_116 : memref<80x16xf32, #tpu.memory_space<vmem>>[vector<16xi32>, vector<16xi32>], vector<16xf32>,
      %add3A_127 = arith.constant 48 : i32
      %add3A_128 = vector.broadcast %add3A_127 : i32 to vector<16xi32>
      %add3A_129 = arith.addi %iota3A, %add3A_128 : vector<16xi32>
      %broadcast_in_dim3A_130 = arith.constant 0 : i32
      %broadcast_in_dim3A_131 = vector.broadcast %broadcast_in_dim3A_130 : i32 to vector<16xi32>
      %gather3A_132 = tpu.vector_load_idx %arg10[%add3A_129, %broadcast_in_dim3A_131] : memref<80x16xf32, #tpu.memory_space<vmem>>[vector<16xi32>, vector<16xi32>], vector<16xf32>,
      %broadcast_in_dim3A_133 = arith.constant 1 : i32
      %broadcast_in_dim3A_134 = vector.broadcast %broadcast_in_dim3A_133 : i32 to vector<16xi32>
      %gather3A_135 = tpu.vector_load_idx %arg11[%add3A_129, %broadcast_in_dim3A_134] : memref<80x16xf32, #tpu.memory_space<vmem>>[vector<16xi32>, vector<16xi32>], vector<16xf32>,
      %broadcast_in_dim3A_136 = arith.constant 2 : i32
      %broadcast_in_dim3A_137 = vector.broadcast %broadcast_in_dim3A_136 : i32 to vector<16xi32>
      %gather3A_138 = tpu.vector_load_idx %arg11[%add3A_129, %broadcast_in_dim3A_137] : memref<80x16xf32, #tpu.memory_space<vmem>>[vector<16xi32>, vector<16xi32>], vector<16xf32>,
      %add3A_139 = arith.addf %gather3A_132, %gather3A_135 : vector<16xf32>
      %ge3A_140 = arith.constant 0.000000e+00 : f32
      %ge3A_141 = vector.broadcast %ge3A_140 : f32 to vector<16xf32>
      %ge3A_142 = arith.cmpf oge, %add3A_139, %ge3A_141 : vector<16xf32>
      %mul3A_143 = arith.constant 2.000000e-01 : f32
      %mul3A_144 = vector.broadcast %mul3A_143 : f32 to vector<16xf32>
      %mul3A_145 = arith.mulf %mul3A_144, %add3A_139 : vector<16xf32>
      %select_n3A_146 = arith.select %ge3A_142, %add3A_139, %mul3A_145 : vector<16xi1>, vector<16xf32>
      %sub3A_147 = arith.subf %select_n3A_146, %gather3A_138 : vector<16xf32>
      %exp3A_148 = math.exp %sub3A_147 : vector<16xf32>
      %broadcast_in_dim3A_149 = arith.constant 0 : i32
      %broadcast_in_dim3A_150 = vector.broadcast %broadcast_in_dim3A_149 : i32 to vector<16xi32>
      %gather3A_151 = tpu.vector_load_idx %arg12[%add3A_129, %broadcast_in_dim3A_150] : memref<80x16xf32, #tpu.memory_space<vmem>>[vector<16xi32>, vector<16xi32>], vector<16xf32>,
      %mul3A_152 = arith.mulf %gather3A_151, %exp3A_148 : vector<16xf32>
      tpu.vector_store_idx %arg12[%add3A_129, %broadcast_in_dim3A_150], %mul3A_152 : memref<80x16xf32, #tpu.memory_space<vmem>>[vector<16xi32>, vector<16xi32>], vector<16xf32>,
      %broadcast_in_dim3A_153 = arith.constant 1 : i32
      %broadcast_in_dim3A_154 = vector.broadcast %broadcast_in_dim3A_153 : i32 to vector<16xi32>
      %gather3A_155 = tpu.vector_load_idx %arg12[%add3A_129, %broadcast_in_dim3A_154] : memref<80x16xf32, #tpu.memory_space<vmem>>[vector<16xi32>, vector<16xi32>], vector<16xf32>,
      %mul3A_156 = arith.mulf %gather3A_155, %exp3A_148 : vector<16xf32>
      tpu.vector_store_idx %arg12[%add3A_129, %broadcast_in_dim3A_154], %mul3A_156 : memref<80x16xf32, #tpu.memory_space<vmem>>[vector<16xi32>, vector<16xi32>], vector<16xf32>,
      %broadcast_in_dim3A_157 = arith.constant 2 : i32
      %broadcast_in_dim3A_158 = vector.broadcast %broadcast_in_dim3A_157 : i32 to vector<16xi32>
      tpu.vector_store_idx %arg12[%add3A_129, %broadcast_in_dim3A_158], %exp3A_148 : memref<80x16xf32, #tpu.memory_space<vmem>>[vector<16xi32>, vector<16xi32>], vector<16xf32>,
      %add3A_159 = arith.constant 64 : i32
      %add3A_160 = vector.broadcast %add3A_159 : i32 to vector<16xi32>
      %add3A_161 = arith.addi %iota3A, %add3A_160 : vector<16xi32>
      %broadcast_in_dim3A_162 = arith.constant 0 : i32
      %broadcast_in_dim3A_163 = vector.broadcast %broadcast_in_dim3A_162 : i32 to vector<16xi32>
      %gather3A_164 = tpu.vector_load_idx %arg10[%add3A_161, %broadcast_in_dim3A_163] : memref<80x16xf32, #tpu.memory_space<vmem>>[vector<16xi32>, vector<16xi32>], vector<16xf32>,
      %broadcast_in_dim3A_165 = arith.constant 1 : i32
      %broadcast_in_dim3A_166 = vector.broadcast %broadcast_in_dim3A_165 : i32 to vector<16xi32>
      %gather3A_167 = tpu.vector_load_idx %arg11[%add3A_161, %broadcast_in_dim3A_166] : memref<80x16xf32, #tpu.memory_space<vmem>>[vector<16xi32>, vector<16xi32>], vector<16xf32>,
      %broadcast_in_dim3A_168 = arith.constant 2 : i32
      %broadcast_in_dim3A_169 = vector.broadcast %broadcast_in_dim3A_168 : i32 to vector<16xi32>
      %gather3A_170 = tpu.vector_load_idx %arg11[%add3A_161, %broadcast_in_dim3A_169] : memref<80x16xf32, #tpu.memory_space<vmem>>[vector<16xi32>, vector<16xi32>], vector<16xf32>,
      %add3A_171 = arith.addf %gather3A_164, %gather3A_167 : vector<16xf32>
      %ge3A_172 = arith.constant 0.000000e+00 : f32
      %ge3A_173 = vector.broadcast %ge3A_172 : f32 to vector<16xf32>
      %ge3A_174 = arith.cmpf oge, %add3A_171, %ge3A_173 : vector<16xf32>
      %mul3A_175 = arith.constant 2.000000e-01 : f32
      %mul3A_176 = vector.broadcast %mul3A_175 : f32 to vector<16xf32>
      %mul3A_177 = arith.mulf %mul3A_176, %add3A_171 : vector<16xf32>
      %select_n3A_178 = arith.select %ge3A_174, %add3A_171, %mul3A_177 : vector<16xi1>, vector<16xf32>
      %sub3A_179 = arith.subf %select_n3A_178, %gather3A_170 : vector<16xf32>
      %exp3A_180 = math.exp %sub3A_179 : vector<16xf32>
      %broadcast_in_dim3A_181 = arith.constant 0 : i32
      %broadcast_in_dim3A_182 = vector.broadcast %broadcast_in_dim3A_181 : i32 to vector<16xi32>
      %gather3A_183 = tpu.vector_load_idx %arg12[%add3A_161, %broadcast_in_dim3A_182] : memref<80x16xf32, #tpu.memory_space<vmem>>[vector<16xi32>, vector<16xi32>], vector<16xf32>,
      %mul3A_184 = arith.mulf %gather3A_183, %exp3A_180 : vector<16xf32>
      tpu.vector_store_idx %arg12[%add3A_161, %broadcast_in_dim3A_182], %mul3A_184 : memref<80x16xf32, #tpu.memory_space<vmem>>[vector<16xi32>, vector<16xi32>], vector<16xf32>,
      %broadcast_in_dim3A_185 = arith.constant 1 : i32
      %broadcast_in_dim3A_186 = vector.broadcast %broadcast_in_dim3A_185 : i32 to vector<16xi32>
      %gather3A_187 = tpu.vector_load_idx %arg12[%add3A_161, %broadcast_in_dim3A_186] : memref<80x16xf32, #tpu.memory_space<vmem>>[vector<16xi32>, vector<16xi32>], vector<16xf32>,
      %mul3A_188 = arith.mulf %gather3A_187, %exp3A_180 : vector<16xf32>
      tpu.vector_store_idx %arg12[%add3A_161, %broadcast_in_dim3A_186], %mul3A_188 : memref<80x16xf32, #tpu.memory_space<vmem>>[vector<16xi32>, vector<16xi32>], vector<16xf32>,
      %broadcast_in_dim3A_189 = arith.constant 2 : i32
      %broadcast_in_dim3A_190 = vector.broadcast %broadcast_in_dim3A_189 : i32 to vector<16xi32>
      tpu.vector_store_idx %arg12[%add3A_161, %broadcast_in_dim3A_190], %exp3A_180 : memref<80x16xf32, #tpu.memory_space<vmem>>[vector<16xi32>, vector<16xi32>], vector<16xf32>,
      "tpu.region"() ({
        %run_scoped3A = tpu.sem_alloc : memref<!tpu.dma_semaphore, #tpu.memory_space<semaphore_mem>>
        %dma_start3A_191 = arith.constant 0 : i32
        %dma_start3A_192 = arith.constant 0 : i32
        %dma_start3A_193 = tpu.memref_slice %arg13[%dma_start3A_191, %dma_start3A_192] : memref<10240x16xf32, #tpu.memory_space<vmem_shared>> -> memref<10240x16xf32, #tpu.memory_space<vmem_shared>>
        tpu.enqueue_indirect_dma source(%arg12 : memref<80x16xf32, #tpu.memory_space<vmem>>) target(%dma_start3A_193 : memref<10240x16xf32, #tpu.memory_space<vmem_shared>>) offsets(%arg9 : memref<80xi32, #tpu.memory_space<vmem>>) semaphore(%run_scoped3A : memref<!tpu.dma_semaphore, #tpu.memory_space<semaphore_mem>>) {add = true}
        %dma_wait3A_194 = arith.constant 0 : i32
        %dma_wait3A_195 = arith.constant 0 : i32
        %dma_wait3A_196 = tpu.memref_slice %arg13[%dma_wait3A_194, %dma_wait3A_195] : memref<10240x16xf32, #tpu.memory_space<vmem_shared>> -> memref<10240x16xf32, #tpu.memory_space<vmem_shared>>
        tpu.wait_indirect_dma semaphore(%run_scoped3A : memref<!tpu.dma_semaphore, #tpu.memory_space<semaphore_mem>>) src(%arg12 : memref<80x16xf32, #tpu.memory_space<vmem>>) dst(%dma_wait3A_196 : memref<10240x16xf32, #tpu.memory_space<vmem_shared>>)
        tpu.yield
      }) : () -> ()
    }
    %scan3A_9 = arith.constant 125 : i32
    %barrier3A_10 = arith.constant 0 : index
    tpu.barrier barrier_id(%barrier3A_10)
    %mul3A_11 = arith.constant 640 : i32
    %mul3A_12 = arith.muli %arg1, %mul3A_11 : i32
    %mul3A_13 = arith.constant 640 : i32
    %mul3A_14 = arith.muli %arg1, %mul3A_13 : i32
    "tpu.region"() ({
      %run_scoped3A = tpu.sem_alloc : memref<!tpu.dma_semaphore, #tpu.memory_space<semaphore_mem>>
      %dma_start3A = arith.constant 0 : i32
      %dma_start3A_15 = tpu.memref_slice %arg7[%arg0, %mul3A_14, %dma_start3A] : memref<2x10240x16xf32, #tpu.memory_space<hbm>> -> memref<1x640x16xf32, #tpu.memory_space<hbm>>
      %dma_start3A_16 = tpu.memref_squeeze %dma_start3A_15 : memref<1x640x16xf32, #tpu.memory_space<hbm>> -> memref<640x16xf32, #tpu.memory_space<hbm>>
      %dma_start3A_17 = arith.constant 0 : i32
      %dma_start3A_18 = tpu.memref_slice %arg13[%mul3A_12, %dma_start3A_17] : memref<10240x16xf32, #tpu.memory_space<vmem_shared>> -> memref<640x16xf32, #tpu.memory_space<vmem_shared>>
      tpu.enqueue_dma source(%dma_start3A_18 : memref<640x16xf32, #tpu.memory_space<vmem_shared>>) target(%dma_start3A_16 : memref<640x16xf32, #tpu.memory_space<hbm>>) target_semaphore(%run_scoped3A : memref<!tpu.dma_semaphore, #tpu.memory_space<semaphore_mem>>)
      %dma_wait3A = arith.constant 0 : i32
      %dma_wait3A_19 = tpu.memref_slice %arg7[%arg0, %mul3A_14, %dma_wait3A] : memref<2x10240x16xf32, #tpu.memory_space<hbm>> -> memref<1x640x16xf32, #tpu.memory_space<hbm>>
      %dma_wait3A_20 = tpu.memref_squeeze %dma_wait3A_19 : memref<1x640x16xf32, #tpu.memory_space<hbm>> -> memref<640x16xf32, #tpu.memory_space<hbm>>
      %dma_wait3A_21 = arith.constant 0 : i32
      %dma_wait3A_22 = tpu.memref_slice %arg13[%mul3A_12, %dma_wait3A_21] : memref<10240x16xf32, #tpu.memory_space<vmem_shared>> -> memref<640x16xf32, #tpu.memory_space<vmem_shared>>
      tpu.wait_dma2 semaphore(%run_scoped3A : memref<!tpu.dma_semaphore, #tpu.memory_space<semaphore_mem>>) src(%dma_wait3A_22 : memref<640x16xf32, #tpu.memory_space<vmem_shared>>) dst(%dma_wait3A_20 : memref<640x16xf32, #tpu.memory_space<hbm>>)
      tpu.yield
    }) : () -> ()
    return
  }
}

#map = affine_map<(d0, d1) -> (0)>
#map1 = affine_map<(d0, d1) -> (0, 0)>
#map2 = affine_map<(d0, d1) -> (0, 0, 0)>
module attributes {stable_mosaic.version = 14 : i64} {
  func.func @_s1_body(%arg0: i32, %arg1: i32, %arg2: memref<320000xi32, #tpu.memory_space<hbm>>, %arg3: memref<320000xi32, #tpu.memory_space<hbm>>, %arg4: memref<10000x16xf32, #tpu.memory_space<hbm>>, %arg5: memref<10000x80xf32, #tpu.memory_space<hbm>>, %arg6: memref<10240x80xf32, #tpu.memory_space<hbm>>, %arg7: memref<2x10240x80xf32, #tpu.memory_space<hbm>>, %arg8: memref<80xi32, #tpu.memory_space<vmem>>, %arg9: memref<80xi32, #tpu.memory_space<vmem>>, %arg10: memref<80x16xf32, #tpu.memory_space<vmem>>, %arg11: memref<80x16xf32, #tpu.memory_space<vmem>>, %arg12: memref<80x80xf32, #tpu.memory_space<vmem>>, %arg13: memref<10240x80xf32, #tpu.memory_space<vmem_shared>>, %arg14: memref<!tpu.dma_semaphore, #tpu.memory_space<semaphore_mem>>) attributes {dimension_semantics = [#tpu.dimension_semantics<core_parallel>, #tpu.dimension_semantics<subcore_parallel>], iteration_bounds = array<i64: 2, 16>, scalar_prefetch = 0 : i64, scratch_operands = 7 : i64, tpu.core_type = #tpu.core_type<sc_vector_subcore>, window_params = [{transform_indices = #map}, {transform_indices = #map}, {transform_indices = #map1}, {transform_indices = #map1}, {transform_indices = #map1}, {transform_indices = #map2}]} {
    %mul3A = arith.constant 16 : i32
    %mul3A_0 = arith.muli %arg0, %mul3A : i32
    %add3A = arith.addi %mul3A_0, %arg1 : i32
    %mul3A_1 = arith.constant 640 : i32
    %mul3A_2 = arith.muli %arg1, %mul3A_1 : i32
    %mul3A_3 = arith.constant 640 : i32
    %mul3A_4 = arith.muli %arg1, %mul3A_3 : i32
    "tpu.region"() ({
      %run_scoped3A = tpu.sem_alloc : memref<!tpu.dma_semaphore, #tpu.memory_space<semaphore_mem>>
      %dma_start3A = arith.constant 0 : i32
      %dma_start3A_15 = tpu.memref_slice %arg13[%mul3A_4, %dma_start3A] : memref<10240x80xf32, #tpu.memory_space<vmem_shared>> -> memref<640x80xf32, #tpu.memory_space<vmem_shared>>
      %dma_start3A_16 = arith.constant 0 : i32
      %dma_start3A_17 = tpu.memref_slice %arg6[%mul3A_2, %dma_start3A_16] : memref<10240x80xf32, #tpu.memory_space<hbm>> -> memref<640x80xf32, #tpu.memory_space<hbm>>
      tpu.enqueue_dma source(%dma_start3A_17 : memref<640x80xf32, #tpu.memory_space<hbm>>) target(%dma_start3A_15 : memref<640x80xf32, #tpu.memory_space<vmem_shared>>) target_semaphore(%run_scoped3A : memref<!tpu.dma_semaphore, #tpu.memory_space<semaphore_mem>>)
      %dma_wait3A = arith.constant 0 : i32
      %dma_wait3A_18 = tpu.memref_slice %arg13[%mul3A_4, %dma_wait3A] : memref<10240x80xf32, #tpu.memory_space<vmem_shared>> -> memref<640x80xf32, #tpu.memory_space<vmem_shared>>
      %dma_wait3A_19 = arith.constant 0 : i32
      %dma_wait3A_20 = tpu.memref_slice %arg6[%mul3A_2, %dma_wait3A_19] : memref<10240x80xf32, #tpu.memory_space<hbm>> -> memref<640x80xf32, #tpu.memory_space<hbm>>
      tpu.wait_dma2 semaphore(%run_scoped3A : memref<!tpu.dma_semaphore, #tpu.memory_space<semaphore_mem>>) src(%dma_wait3A_20 : memref<640x80xf32, #tpu.memory_space<hbm>>) dst(%dma_wait3A_18 : memref<640x80xf32, #tpu.memory_space<vmem_shared>>)
      tpu.yield
    }) : () -> ()
    %barrier3A = arith.constant 0 : index
    tpu.barrier barrier_id(%barrier3A)
    %iota3A = tpu.iota {dimensions = array<i32: 0>} : vector<16xi32>
    %scan3A = arith.constant 0 : i32
    %scan3A_5 = arith.constant 0 : i32
    %scan3A_6 = arith.constant 125 : i32
    %scan3A_7 = arith.addi %scan3A_5, %scan3A_6 : i32
    %scan3A_8 = arith.constant 1 : i32
    scf.for %scan3A_15 = %scan3A_5 to %scan3A_7 step %scan3A_8  : i32 {
      %mul3A_16 = arith.constant 10000 : i32
      %mul3A_17 = arith.muli %add3A, %mul3A_16 : i32
      %mul3A_18 = arith.constant 80 : i32
      %mul3A_19 = arith.muli %scan3A_15, %mul3A_18 : i32
      %add3A_20 = arith.addi %mul3A_17, %mul3A_19 : i32
      "tpu.region"() ({
        %run_scoped3A = tpu.sem_alloc : memref<!tpu.dma_semaphore, #tpu.memory_space<semaphore_mem>>
        %dma_start3A_1746 = tpu.memref_slice %arg2[%add3A_20] : memref<320000xi32, #tpu.memory_space<hbm>> -> memref<80xi32, #tpu.memory_space<hbm>>
        %dma_start3A_1747 = tpu.memref_slice %arg2[%add3A_20] : memref<320000xi32, #tpu.memory_space<hbm>> -> memref<80xi32, #tpu.memory_space<hbm>>
        tpu.enqueue_dma source(%dma_start3A_1747 : memref<80xi32, #tpu.memory_space<hbm>>) target(%arg8 : memref<80xi32, #tpu.memory_space<vmem>>) target_semaphore(%run_scoped3A : memref<!tpu.dma_semaphore, #tpu.memory_space<semaphore_mem>>)
        %dma_wait3A_1748 = tpu.memref_slice %arg2[%add3A_20] : memref<320000xi32, #tpu.memory_space<hbm>> -> memref<80xi32, #tpu.memory_space<hbm>>
        %dma_wait3A_1749 = tpu.memref_slice %arg2[%add3A_20] : memref<320000xi32, #tpu.memory_space<hbm>> -> memref<80xi32, #tpu.memory_space<hbm>>
        tpu.wait_dma2 semaphore(%run_scoped3A : memref<!tpu.dma_semaphore, #tpu.memory_space<semaphore_mem>>) src(%dma_wait3A_1749 : memref<80xi32, #tpu.memory_space<hbm>>) dst(%arg8 : memref<80xi32, #tpu.memory_space<vmem>>)
        tpu.yield
      }) : () -> ()
      "tpu.region"() ({
        %run_scoped3A = tpu.sem_alloc : memref<!tpu.dma_semaphore, #tpu.memory_space<semaphore_mem>>
        %dma_start3A_1746 = tpu.memref_slice %arg3[%add3A_20] : memref<320000xi32, #tpu.memory_space<hbm>> -> memref<80xi32, #tpu.memory_space<hbm>>
        %dma_start3A_1747 = tpu.memref_slice %arg3[%add3A_20] : memref<320000xi32, #tpu.memory_space<hbm>> -> memref<80xi32, #tpu.memory_space<hbm>>
        tpu.enqueue_dma source(%dma_start3A_1747 : memref<80xi32, #tpu.memory_space<hbm>>) target(%arg9 : memref<80xi32, #tpu.memory_space<vmem>>) target_semaphore(%run_scoped3A : memref<!tpu.dma_semaphore, #tpu.memory_space<semaphore_mem>>)
        %dma_wait3A_1748 = tpu.memref_slice %arg3[%add3A_20] : memref<320000xi32, #tpu.memory_space<hbm>> -> memref<80xi32, #tpu.memory_space<hbm>>
        %dma_wait3A_1749 = tpu.memref_slice %arg3[%add3A_20] : memref<320000xi32, #tpu.memory_space<hbm>> -> memref<80xi32, #tpu.memory_space<hbm>>
        tpu.wait_dma2 semaphore(%run_scoped3A : memref<!tpu.dma_semaphore, #tpu.memory_space<semaphore_mem>>) src(%dma_wait3A_1749 : memref<80xi32, #tpu.memory_space<hbm>>) dst(%arg9 : memref<80xi32, #tpu.memory_space<vmem>>)
        tpu.yield
      }) : () -> ()
      %dma_start3A = arith.constant 0 : i32
      %dma_start3A_21 = arith.constant 0 : i32
      %dma_start3A_22 = tpu.memref_slice %arg4[%dma_start3A, %dma_start3A_21] : memref<10000x16xf32, #tpu.memory_space<hbm>> -> memref<10000x16xf32, #tpu.memory_space<hbm>>
      tpu.enqueue_indirect_dma source(%dma_start3A_22 : memref<10000x16xf32, #tpu.memory_space<hbm>>) target(%arg10 : memref<80x16xf32, #tpu.memory_space<vmem>>) offsets(%arg8 : memref<80xi32, #tpu.memory_space<vmem>>) semaphore(%arg14 : memref<!tpu.dma_semaphore, #tpu.memory_space<semaphore_mem>>)
      %dma_wait3A = arith.constant 0 : i32
      %dma_wait3A_23 = arith.constant 0 : i32
      %dma_wait3A_24 = tpu.memref_slice %arg4[%dma_wait3A, %dma_wait3A_23] : memref<10000x16xf32, #tpu.memory_space<hbm>> -> memref<10000x16xf32, #tpu.memory_space<hbm>>
      tpu.wait_indirect_dma semaphore(%arg14 : memref<!tpu.dma_semaphore, #tpu.memory_space<semaphore_mem>>) src(%dma_wait3A_24 : memref<10000x16xf32, #tpu.memory_space<hbm>>) dst(%arg10 : memref<80x16xf32, #tpu.memory_space<vmem>>)
      %dma_start3A_25 = arith.constant 0 : i32
      %dma_start3A_26 = arith.constant 0 : i32
      %dma_start3A_27 = tpu.memref_slice %arg4[%dma_start3A_25, %dma_start3A_26] : memref<10000x16xf32, #tpu.memory_space<hbm>> -> memref<10000x16xf32, #tpu.memory_space<hbm>>
      tpu.enqueue_indirect_dma source(%dma_start3A_27 : memref<10000x16xf32, #tpu.memory_space<hbm>>) target(%arg11 : memref<80x16xf32, #tpu.memory_space<vmem>>) offsets(%arg9 : memref<80xi32, #tpu.memory_space<vmem>>) semaphore(%arg14 : memref<!tpu.dma_semaphore, #tpu.memory_space<semaphore_mem>>)
      %dma_wait3A_28 = arith.constant 0 : i32
      %dma_wait3A_29 = arith.constant 0 : i32
      %dma_wait3A_30 = tpu.memref_slice %arg4[%dma_wait3A_28, %dma_wait3A_29] : memref<10000x16xf32, #tpu.memory_space<hbm>> -> memref<10000x16xf32, #tpu.memory_space<hbm>>
      tpu.wait_indirect_dma semaphore(%arg14 : memref<!tpu.dma_semaphore, #tpu.memory_space<semaphore_mem>>) src(%dma_wait3A_30 : memref<10000x16xf32, #tpu.memory_space<hbm>>) dst(%arg11 : memref<80x16xf32, #tpu.memory_space<vmem>>)
      %dma_start3A_31 = arith.constant 0 : i32
      %dma_start3A_32 = arith.constant 0 : i32
      %dma_start3A_33 = tpu.memref_slice %arg5[%dma_start3A_31, %dma_start3A_32] : memref<10000x80xf32, #tpu.memory_space<hbm>> -> memref<10000x80xf32, #tpu.memory_space<hbm>>
      tpu.enqueue_indirect_dma source(%dma_start3A_33 : memref<10000x80xf32, #tpu.memory_space<hbm>>) target(%arg12 : memref<80x80xf32, #tpu.memory_space<vmem>>) offsets(%arg8 : memref<80xi32, #tpu.memory_space<vmem>>) semaphore(%arg14 : memref<!tpu.dma_semaphore, #tpu.memory_space<semaphore_mem>>)
      %dma_wait3A_34 = arith.constant 0 : i32
      %dma_wait3A_35 = arith.constant 0 : i32
      %dma_wait3A_36 = tpu.memref_slice %arg5[%dma_wait3A_34, %dma_wait3A_35] : memref<10000x80xf32, #tpu.memory_space<hbm>> -> memref<10000x80xf32, #tpu.memory_space<hbm>>
      tpu.wait_indirect_dma semaphore(%arg14 : memref<!tpu.dma_semaphore, #tpu.memory_space<semaphore_mem>>) src(%dma_wait3A_36 : memref<10000x80xf32, #tpu.memory_space<hbm>>) dst(%arg12 : memref<80x80xf32, #tpu.memory_space<vmem>>)
      %add3A_37 = arith.constant 0 : i32
      %add3A_38 = vector.broadcast %add3A_37 : i32 to vector<16xi32>
      %add3A_39 = arith.addi %iota3A, %add3A_38 : vector<16xi32>
      %broadcast_in_dim3A = arith.constant 0 : i32
      %broadcast_in_dim3A_40 = vector.broadcast %broadcast_in_dim3A : i32 to vector<16xi32>
      %gather3A = tpu.vector_load_idx %arg10[%add3A_39, %broadcast_in_dim3A_40] : memref<80x16xf32, #tpu.memory_space<vmem>>[vector<16xi32>, vector<16xi32>], vector<16xf32>,
      %broadcast_in_dim3A_41 = arith.constant 4 : i32
      %broadcast_in_dim3A_42 = vector.broadcast %broadcast_in_dim3A_41 : i32 to vector<16xi32>
      %gather3A_43 = tpu.vector_load_idx %arg11[%add3A_39, %broadcast_in_dim3A_42] : memref<80x16xf32, #tpu.memory_space<vmem>>[vector<16xi32>, vector<16xi32>], vector<16xf32>,
      %broadcast_in_dim3A_44 = arith.constant 8 : i32
      %broadcast_in_dim3A_45 = vector.broadcast %broadcast_in_dim3A_44 : i32 to vector<16xi32>
      %gather3A_46 = tpu.vector_load_idx %arg11[%add3A_39, %broadcast_in_dim3A_45] : memref<80x16xf32, #tpu.memory_space<vmem>>[vector<16xi32>, vector<16xi32>], vector<16xf32>,
      %add3A_47 = arith.addf %gather3A, %gather3A_43 : vector<16xf32>
      %ge3A = arith.constant 0.000000e+00 : f32
      %ge3A_48 = vector.broadcast %ge3A : f32 to vector<16xf32>
      %ge3A_49 = arith.cmpf oge, %add3A_47, %ge3A_48 : vector<16xf32>
      %mul3A_50 = arith.constant 2.000000e-01 : f32
      %mul3A_51 = vector.broadcast %mul3A_50 : f32 to vector<16xf32>
      %mul3A_52 = arith.mulf %mul3A_51, %add3A_47 : vector<16xf32>
      %select_n3A = arith.select %ge3A_49, %add3A_47, %mul3A_52 : vector<16xi1>, vector<16xf32>
      %sub3A = arith.subf %select_n3A, %gather3A_46 : vector<16xf32>
      %exp3A = math.exp %sub3A : vector<16xf32>
      %broadcast_in_dim3A_53 = arith.constant 0 : i32
      %broadcast_in_dim3A_54 = vector.broadcast %broadcast_in_dim3A_53 : i32 to vector<16xi32>
      %gather3A_55 = tpu.vector_load_idx %arg12[%add3A_39, %broadcast_in_dim3A_54] : memref<80x80xf32, #tpu.memory_space<vmem>>[vector<16xi32>, vector<16xi32>], vector<16xf32>,
      %mul3A_56 = arith.mulf %gather3A_55, %exp3A : vector<16xf32>
      tpu.vector_store_idx %arg12[%add3A_39, %broadcast_in_dim3A_54], %mul3A_56 : memref<80x80xf32, #tpu.memory_space<vmem>>[vector<16xi32>, vector<16xi32>], vector<16xf32>,
      %broadcast_in_dim3A_57 = arith.constant 1 : i32
      %broadcast_in_dim3A_58 = vector.broadcast %broadcast_in_dim3A_57 : i32 to vector<16xi32>
      %gather3A_59 = tpu.vector_load_idx %arg12[%add3A_39, %broadcast_in_dim3A_58] : memref<80x80xf32, #tpu.memory_space<vmem>>[vector<16xi32>, vector<16xi32>], vector<16xf32>,
      %mul3A_60 = arith.mulf %gather3A_59, %exp3A : vector<16xf32>
      tpu.vector_store_idx %arg12[%add3A_39, %broadcast_in_dim3A_58], %mul3A_60 : memref<80x80xf32, #tpu.memory_space<vmem>>[vector<16xi32>, vector<16xi32>], vector<16xf32>,
      %broadcast_in_dim3A_61 = arith.constant 2 : i32
      %broadcast_in_dim3A_62 = vector.broadcast %broadcast_in_dim3A_61 : i32 to vector<16xi32>
      %gather3A_63 = tpu.vector_load_idx %arg12[%add3A_39, %broadcast_in_dim3A_62] : memref<80x80xf32, #tpu.memory_space<vmem>>[vector<16xi32>, vector<16xi32>], vector<16xf32>,
      %mul3A_64 = arith.mulf %gather3A_63, %exp3A : vector<16xf32>
      tpu.vector_store_idx %arg12[%add3A_39, %broadcast_in_dim3A_62], %mul3A_64 : memref<80x80xf32, #tpu.memory_space<vmem>>[vector<16xi32>, vector<16xi32>], vector<16xf32>,
      %broadcast_in_dim3A_65 = arith.constant 3 : i32
      %broadcast_in_dim3A_66 = vector.broadcast %broadcast_in_dim3A_65 : i32 to vector<16xi32>
      %gather3A_67 = tpu.vector_load_idx %arg12[%add3A_39, %broadcast_in_dim3A_66] : memref<80x80xf32, #tpu.memory_space<vmem>>[vector<16xi32>, vector<16xi32>], vector<16xf32>,
      %mul3A_68 = arith.mulf %gather3A_67, %exp3A : vector<16xf32>
      tpu.vector_store_idx %arg12[%add3A_39, %broadcast_in_dim3A_66], %mul3A_68 : memref<80x80xf32, #tpu.memory_space<vmem>>[vector<16xi32>, vector<16xi32>], vector<16xf32>,
      %broadcast_in_dim3A_69 = arith.constant 4 : i32
      %broadcast_in_dim3A_70 = vector.broadcast %broadcast_in_dim3A_69 : i32 to vector<16xi32>
      %gather3A_71 = tpu.vector_load_idx %arg12[%add3A_39, %broadcast_in_dim3A_70] : memref<80x80xf32, #tpu.memory_space<vmem>>[vector<16xi32>, vector<16xi32>], vector<16xf32>,
      %mul3A_72 = arith.mulf %gather3A_71, %exp3A : vector<16xf32>
      tpu.vector_store_idx %arg12[%add3A_39, %broadcast_in_dim3A_70], %mul3A_72 : memref<80x80xf32, #tpu.memory_space<vmem>>[vector<16xi32>, vector<16xi32>], vector<16xf32>,
      %broadcast_in_dim3A_73 = arith.constant 5 : i32
      %broadcast_in_dim3A_74 = vector.broadcast %broadcast_in_dim3A_73 : i32 to vector<16xi32>
      %gather3A_75 = tpu.vector_load_idx %arg12[%add3A_39, %broadcast_in_dim3A_74] : memref<80x80xf32, #tpu.memory_space<vmem>>[vector<16xi32>, vector<16xi32>], vector<16xf32>,
      %mul3A_76 = arith.mulf %gather3A_75, %exp3A : vector<16xf32>
      tpu.vector_store_idx %arg12[%add3A_39, %broadcast_in_dim3A_74], %mul3A_76 : memref<80x80xf32, #tpu.memory_space<vmem>>[vector<16xi32>, vector<16xi32>], vector<16xf32>,
      %broadcast_in_dim3A_77 = arith.constant 6 : i32
      %broadcast_in_dim3A_78 = vector.broadcast %broadcast_in_dim3A_77 : i32 to vector<16xi32>
      %gather3A_79 = tpu.vector_load_idx %arg12[%add3A_39, %broadcast_in_dim3A_78] : memref<80x80xf32, #tpu.memory_space<vmem>>[vector<16xi32>, vector<16xi32>], vector<16xf32>,
      %mul3A_80 = arith.mulf %gather3A_79, %exp3A : vector<16xf32>
      tpu.vector_store_idx %arg12[%add3A_39, %broadcast_in_dim3A_78], %mul3A_80 : memref<80x80xf32, #tpu.memory_space<vmem>>[vector<16xi32>, vector<16xi32>], vector<16xf32>,
      %broadcast_in_dim3A_81 = arith.constant 7 : i32
      %broadcast_in_dim3A_82 = vector.broadcast %broadcast_in_dim3A_81 : i32 to vector<16xi32>
      %gather3A_83 = tpu.vector_load_idx %arg12[%add3A_39, %broadcast_in_dim3A_82] : memref<80x80xf32, #tpu.memory_space<vmem>>[vector<16xi32>, vector<16xi32>], vector<16xf32>,
      %mul3A_84 = arith.mulf %gather3A_83, %exp3A : vector<16xf32>
      tpu.vector_store_idx %arg12[%add3A_39, %broadcast_in_dim3A_82], %mul3A_84 : memref<80x80xf32, #tpu.memory_space<vmem>>[vector<16xi32>, vector<16xi32>], vector<16xf32>,
      %broadcast_in_dim3A_85 = arith.constant 8 : i32
      %broadcast_in_dim3A_86 = vector.broadcast %broadcast_in_dim3A_85 : i32 to vector<16xi32>
      %gather3A_87 = tpu.vector_load_idx %arg12[%add3A_39, %broadcast_in_dim3A_86] : memref<80x80xf32, #tpu.memory_space<vmem>>[vector<16xi32>, vector<16xi32>], vector<16xf32>,
      %mul3A_88 = arith.mulf %gather3A_87, %exp3A : vector<16xf32>
      tpu.vector_store_idx %arg12[%add3A_39, %broadcast_in_dim3A_86], %mul3A_88 : memref<80x80xf32, #tpu.memory_space<vmem>>[vector<16xi32>, vector<16xi32>], vector<16xf32>,
      %broadcast_in_dim3A_89 = arith.constant 9 : i32
      %broadcast_in_dim3A_90 = vector.broadcast %broadcast_in_dim3A_89 : i32 to vector<16xi32>
      %gather3A_91 = tpu.vector_load_idx %arg12[%add3A_39, %broadcast_in_dim3A_90] : memref<80x80xf32, #tpu.memory_space<vmem>>[vector<16xi32>, vector<16xi32>], vector<16xf32>,
      %mul3A_92 = arith.mulf %gather3A_91, %exp3A : vector<16xf32>
      tpu.vector_store_idx %arg12[%add3A_39, %broadcast_in_dim3A_90], %mul3A_92 : memref<80x80xf32, #tpu.memory_space<vmem>>[vector<16xi32>, vector<16xi32>], vector<16xf32>,
      %broadcast_in_dim3A_93 = arith.constant 10 : i32
      %broadcast_in_dim3A_94 = vector.broadcast %broadcast_in_dim3A_93 : i32 to vector<16xi32>
      %gather3A_95 = tpu.vector_load_idx %arg12[%add3A_39, %broadcast_in_dim3A_94] : memref<80x80xf32, #tpu.memory_space<vmem>>[vector<16xi32>, vector<16xi32>], vector<16xf32>,
      %mul3A_96 = arith.mulf %gather3A_95, %exp3A : vector<16xf32>
      tpu.vector_store_idx %arg12[%add3A_39, %broadcast_in_dim3A_94], %mul3A_96 : memref<80x80xf32, #tpu.memory_space<vmem>>[vector<16xi32>, vector<16xi32>], vector<16xf32>,
      %broadcast_in_dim3A_97 = arith.constant 11 : i32
      %broadcast_in_dim3A_98 = vector.broadcast %broadcast_in_dim3A_97 : i32 to vector<16xi32>
      %gather3A_99 = tpu.vector_load_idx %arg12[%add3A_39, %broadcast_in_dim3A_98] : memref<80x80xf32, #tpu.memory_space<vmem>>[vector<16xi32>, vector<16xi32>], vector<16xf32>,
      %mul3A_100 = arith.mulf %gather3A_99, %exp3A : vector<16xf32>
      tpu.vector_store_idx %arg12[%add3A_39, %broadcast_in_dim3A_98], %mul3A_100 : memref<80x80xf32, #tpu.memory_space<vmem>>[vector<16xi32>, vector<16xi32>], vector<16xf32>,
      %broadcast_in_dim3A_101 = arith.constant 12 : i32
      %broadcast_in_dim3A_102 = vector.broadcast %broadcast_in_dim3A_101 : i32 to vector<16xi32>
      %gather3A_103 = tpu.vector_load_idx %arg12[%add3A_39, %broadcast_in_dim3A_102] : memref<80x80xf32, #tpu.memory_space<vmem>>[vector<16xi32>, vector<16xi32>], vector<16xf32>,
      %mul3A_104 = arith.mulf %gather3A_103, %exp3A : vector<16xf32>
      tpu.vector_store_idx %arg12[%add3A_39, %broadcast_in_dim3A_102], %mul3A_104 : memref<80x80xf32, #tpu.memory_space<vmem>>[vector<16xi32>, vector<16xi32>], vector<16xf32>,
      %broadcast_in_dim3A_105 = arith.constant 13 : i32
      %broadcast_in_dim3A_106 = vector.broadcast %broadcast_in_dim3A_105 : i32 to vector<16xi32>
      %gather3A_107 = tpu.vector_load_idx %arg12[%add3A_39, %broadcast_in_dim3A_106] : memref<80x80xf32, #tpu.memory_space<vmem>>[vector<16xi32>, vector<16xi32>], vector<16xf32>,
      %mul3A_108 = arith.mulf %gather3A_107, %exp3A : vector<16xf32>
      tpu.vector_store_idx %arg12[%add3A_39, %broadcast_in_dim3A_106], %mul3A_108 : memref<80x80xf32, #tpu.memory_space<vmem>>[vector<16xi32>, vector<16xi32>], vector<16xf32>,
      %broadcast_in_dim3A_109 = arith.constant 14 : i32
      %broadcast_in_dim3A_110 = vector.broadcast %broadcast_in_dim3A_109 : i32 to vector<16xi32>
      %gather3A_111 = tpu.vector_load_idx %arg12[%add3A_39, %broadcast_in_dim3A_110] : memref<80x80xf32, #tpu.memory_space<vmem>>[vector<16xi32>, vector<16xi32>], vector<16xf32>,
      %mul3A_112 = arith.mulf %gather3A_111, %exp3A : vector<16xf32>
      tpu.vector_store_idx %arg12[%add3A_39, %broadcast_in_dim3A_110], %mul3A_112 : memref<80x80xf32, #tpu.memory_space<vmem>>[vector<16xi32>, vector<16xi32>], vector<16xf32>,
      %broadcast_in_dim3A_113 = arith.constant 15 : i32
      %broadcast_in_dim3A_114 = vector.broadcast %broadcast_in_dim3A_113 : i32 to vector<16xi32>
      %gather3A_115 = tpu.vector_load_idx %arg12[%add3A_39, %broadcast_in_dim3A_114] : memref<80x80xf32, #tpu.memory_space<vmem>>[vector<16xi32>, vector<16xi32>], vector<16xf32>,
      %mul3A_116 = arith.mulf %gather3A_115, %exp3A : vector<16xf32>
      tpu.vector_store_idx %arg12[%add3A_39, %broadcast_in_dim3A_114], %mul3A_116 : memref<80x80xf32, #tpu.memory_space<vmem>>[vector<16xi32>, vector<16xi32>], vector<16xf32>,
      %broadcast_in_dim3A_117 = arith.constant 64 : i32
      %broadcast_in_dim3A_118 = vector.broadcast %broadcast_in_dim3A_117 : i32 to vector<16xi32>
      tpu.vector_store_idx %arg12[%add3A_39, %broadcast_in_dim3A_118], %exp3A : memref<80x80xf32, #tpu.memory_space<vmem>>[vector<16xi32>, vector<16xi32>], vector<16xf32>,
      %broadcast_in_dim3A_119 = arith.constant 1 : i32
      %broadcast_in_dim3A_120 = vector.broadcast %broadcast_in_dim3A_119 : i32 to vector<16xi32>
      %gather3A_121 = tpu.vector_load_idx %arg10[%add3A_39, %broadcast_in_dim3A_120] : memref<80x16xf32, #tpu.memory_space<vmem>>[vector<16xi32>, vector<16xi32>], vector<16xf32>,
      %broadcast_in_dim3A_122 = arith.constant 5 : i32
      %broadcast_in_dim3A_123 = vector.broadcast %broadcast_in_dim3A_122 : i32 to vector<16xi32>
      %gather3A_124 = tpu.vector_load_idx %arg11[%add3A_39, %broadcast_in_dim3A_123] : memref<80x16xf32, #tpu.memory_space<vmem>>[vector<16xi32>, vector<16xi32>], vector<16xf32>,
      %broadcast_in_dim3A_125 = arith.constant 9 : i32
      %broadcast_in_dim3A_126 = vector.broadcast %broadcast_in_dim3A_125 : i32 to vector<16xi32>
      %gather3A_127 = tpu.vector_load_idx %arg11[%add3A_39, %broadcast_in_dim3A_126] : memref<80x16xf32, #tpu.memory_space<vmem>>[vector<16xi32>, vector<16xi32>], vector<16xf32>,
      %add3A_128 = arith.addf %gather3A_121, %gather3A_124 : vector<16xf32>
      %ge3A_129 = arith.constant 0.000000e+00 : f32
      %ge3A_130 = vector.broadcast %ge3A_129 : f32 to vector<16xf32>
      %ge3A_131 = arith.cmpf oge, %add3A_128, %ge3A_130 : vector<16xf32>
      %mul3A_132 = arith.constant 2.000000e-01 : f32
      %mul3A_133 = vector.broadcast %mul3A_132 : f32 to vector<16xf32>
      %mul3A_134 = arith.mulf %mul3A_133, %add3A_128 : vector<16xf32>
      %select_n3A_135 = arith.select %ge3A_131, %add3A_128, %mul3A_134 : vector<16xi1>, vector<16xf32>
      %sub3A_136 = arith.subf %select_n3A_135, %gather3A_127 : vector<16xf32>
      %exp3A_137 = math.exp %sub3A_136 : vector<16xf32>
      %broadcast_in_dim3A_138 = arith.constant 16 : i32
      %broadcast_in_dim3A_139 = vector.broadcast %broadcast_in_dim3A_138 : i32 to vector<16xi32>
      %gather3A_140 = tpu.vector_load_idx %arg12[%add3A_39, %broadcast_in_dim3A_139] : memref<80x80xf32, #tpu.memory_space<vmem>>[vector<16xi32>, vector<16xi32>], vector<16xf32>,
      %mul3A_141 = arith.mulf %gather3A_140, %exp3A_137 : vector<16xf32>
      tpu.vector_store_idx %arg12[%add3A_39, %broadcast_in_dim3A_139], %mul3A_141 : memref<80x80xf32, #tpu.memory_space<vmem>>[vector<16xi32>, vector<16xi32>], vector<16xf32>,
      %broadcast_in_dim3A_142 = arith.constant 17 : i32
      %broadcast_in_dim3A_143 = vector.broadcast %broadcast_in_dim3A_142 : i32 to vector<16xi32>
      %gather3A_144 = tpu.vector_load_idx %arg12[%add3A_39, %broadcast_in_dim3A_143] : memref<80x80xf32, #tpu.memory_space<vmem>>[vector<16xi32>, vector<16xi32>], vector<16xf32>,
      %mul3A_145 = arith.mulf %gather3A_144, %exp3A_137 : vector<16xf32>
      tpu.vector_store_idx %arg12[%add3A_39, %broadcast_in_dim3A_143], %mul3A_145 : memref<80x80xf32, #tpu.memory_space<vmem>>[vector<16xi32>, vector<16xi32>], vector<16xf32>,
      %broadcast_in_dim3A_146 = arith.constant 18 : i32
      %broadcast_in_dim3A_147 = vector.broadcast %broadcast_in_dim3A_146 : i32 to vector<16xi32>
      %gather3A_148 = tpu.vector_load_idx %arg12[%add3A_39, %broadcast_in_dim3A_147] : memref<80x80xf32, #tpu.memory_space<vmem>>[vector<16xi32>, vector<16xi32>], vector<16xf32>,
      %mul3A_149 = arith.mulf %gather3A_148, %exp3A_137 : vector<16xf32>
      tpu.vector_store_idx %arg12[%add3A_39, %broadcast_in_dim3A_147], %mul3A_149 : memref<80x80xf32, #tpu.memory_space<vmem>>[vector<16xi32>, vector<16xi32>], vector<16xf32>,
      %broadcast_in_dim3A_150 = arith.constant 19 : i32
      %broadcast_in_dim3A_151 = vector.broadcast %broadcast_in_dim3A_150 : i32 to vector<16xi32>
      %gather3A_152 = tpu.vector_load_idx %arg12[%add3A_39, %broadcast_in_dim3A_151] : memref<80x80xf32, #tpu.memory_space<vmem>>[vector<16xi32>, vector<16xi32>], vector<16xf32>,
      %mul3A_153 = arith.mulf %gather3A_152, %exp3A_137 : vector<16xf32>
      tpu.vector_store_idx %arg12[%add3A_39, %broadcast_in_dim3A_151], %mul3A_153 : memref<80x80xf32, #tpu.memory_space<vmem>>[vector<16xi32>, vector<16xi32>], vector<16xf32>,
      %broadcast_in_dim3A_154 = arith.constant 20 : i32
      %broadcast_in_dim3A_155 = vector.broadcast %broadcast_in_dim3A_154 : i32 to vector<16xi32>
      %gather3A_156 = tpu.vector_load_idx %arg12[%add3A_39, %broadcast_in_dim3A_155] : memref<80x80xf32, #tpu.memory_space<vmem>>[vector<16xi32>, vector<16xi32>], vector<16xf32>,
      %mul3A_157 = arith.mulf %gather3A_156, %exp3A_137 : vector<16xf32>
      tpu.vector_store_idx %arg12[%add3A_39, %broadcast_in_dim3A_155], %mul3A_157 : memref<80x80xf32, #tpu.memory_space<vmem>>[vector<16xi32>, vector<16xi32>], vector<16xf32>,
      %broadcast_in_dim3A_158 = arith.constant 21 : i32
      %broadcast_in_dim3A_159 = vector.broadcast %broadcast_in_dim3A_158 : i32 to vector<16xi32>
      %gather3A_160 = tpu.vector_load_idx %arg12[%add3A_39, %broadcast_in_dim3A_159] : memref<80x80xf32, #tpu.memory_space<vmem>>[vector<16xi32>, vector<16xi32>], vector<16xf32>,
      %mul3A_161 = arith.mulf %gather3A_160, %exp3A_137 : vector<16xf32>
      tpu.vector_store_idx %arg12[%add3A_39, %broadcast_in_dim3A_159], %mul3A_161 : memref<80x80xf32, #tpu.memory_space<vmem>>[vector<16xi32>, vector<16xi32>], vector<16xf32>,
      %broadcast_in_dim3A_162 = arith.constant 22 : i32
      %broadcast_in_dim3A_163 = vector.broadcast %broadcast_in_dim3A_162 : i32 to vector<16xi32>
      %gather3A_164 = tpu.vector_load_idx %arg12[%add3A_39, %broadcast_in_dim3A_163] : memref<80x80xf32, #tpu.memory_space<vmem>>[vector<16xi32>, vector<16xi32>], vector<16xf32>,
      %mul3A_165 = arith.mulf %gather3A_164, %exp3A_137 : vector<16xf32>
      tpu.vector_store_idx %arg12[%add3A_39, %broadcast_in_dim3A_163], %mul3A_165 : memref<80x80xf32, #tpu.memory_space<vmem>>[vector<16xi32>, vector<16xi32>], vector<16xf32>,
      %broadcast_in_dim3A_166 = arith.constant 23 : i32
      %broadcast_in_dim3A_167 = vector.broadcast %broadcast_in_dim3A_166 : i32 to vector<16xi32>
      %gather3A_168 = tpu.vector_load_idx %arg12[%add3A_39, %broadcast_in_dim3A_167] : memref<80x80xf32, #tpu.memory_space<vmem>>[vector<16xi32>, vector<16xi32>], vector<16xf32>,
      %mul3A_169 = arith.mulf %gather3A_168, %exp3A_137 : vector<16xf32>
      tpu.vector_store_idx %arg12[%add3A_39, %broadcast_in_dim3A_167], %mul3A_169 : memref<80x80xf32, #tpu.memory_space<vmem>>[vector<16xi32>, vector<16xi32>], vector<16xf32>,
      %broadcast_in_dim3A_170 = arith.constant 24 : i32
      %broadcast_in_dim3A_171 = vector.broadcast %broadcast_in_dim3A_170 : i32 to vector<16xi32>
      %gather3A_172 = tpu.vector_load_idx %arg12[%add3A_39, %broadcast_in_dim3A_171] : memref<80x80xf32, #tpu.memory_space<vmem>>[vector<16xi32>, vector<16xi32>], vector<16xf32>,
      %mul3A_173 = arith.mulf %gather3A_172, %exp3A_137 : vector<16xf32>
      tpu.vector_store_idx %arg12[%add3A_39, %broadcast_in_dim3A_171], %mul3A_173 : memref<80x80xf32, #tpu.memory_space<vmem>>[vector<16xi32>, vector<16xi32>], vector<16xf32>,
      %broadcast_in_dim3A_174 = arith.constant 25 : i32
      %broadcast_in_dim3A_175 = vector.broadcast %broadcast_in_dim3A_174 : i32 to vector<16xi32>
      %gather3A_176 = tpu.vector_load_idx %arg12[%add3A_39, %broadcast_in_dim3A_175] : memref<80x80xf32, #tpu.memory_space<vmem>>[vector<16xi32>, vector<16xi32>], vector<16xf32>,
      %mul3A_177 = arith.mulf %gather3A_176, %exp3A_137 : vector<16xf32>
      tpu.vector_store_idx %arg12[%add3A_39, %broadcast_in_dim3A_175], %mul3A_177 : memref<80x80xf32, #tpu.memory_space<vmem>>[vector<16xi32>, vector<16xi32>], vector<16xf32>,
      %broadcast_in_dim3A_178 = arith.constant 26 : i32
      %broadcast_in_dim3A_179 = vector.broadcast %broadcast_in_dim3A_178 : i32 to vector<16xi32>
      %gather3A_180 = tpu.vector_load_idx %arg12[%add3A_39, %broadcast_in_dim3A_179] : memref<80x80xf32, #tpu.memory_space<vmem>>[vector<16xi32>, vector<16xi32>], vector<16xf32>,
      %mul3A_181 = arith.mulf %gather3A_180, %exp3A_137 : vector<16xf32>
      tpu.vector_store_idx %arg12[%add3A_39, %broadcast_in_dim3A_179], %mul3A_181 : memref<80x80xf32, #tpu.memory_space<vmem>>[vector<16xi32>, vector<16xi32>], vector<16xf32>,
      %broadcast_in_dim3A_182 = arith.constant 27 : i32
      %broadcast_in_dim3A_183 = vector.broadcast %broadcast_in_dim3A_182 : i32 to vector<16xi32>
      %gather3A_184 = tpu.vector_load_idx %arg12[%add3A_39, %broadcast_in_dim3A_183] : memref<80x80xf32, #tpu.memory_space<vmem>>[vector<16xi32>, vector<16xi32>], vector<16xf32>,
      %mul3A_185 = arith.mulf %gather3A_184, %exp3A_137 : vector<16xf32>
      tpu.vector_store_idx %arg12[%add3A_39, %broadcast_in_dim3A_183], %mul3A_185 : memref<80x80xf32, #tpu.memory_space<vmem>>[vector<16xi32>, vector<16xi32>], vector<16xf32>,
      %broadcast_in_dim3A_186 = arith.constant 28 : i32
      %broadcast_in_dim3A_187 = vector.broadcast %broadcast_in_dim3A_186 : i32 to vector<16xi32>
      %gather3A_188 = tpu.vector_load_idx %arg12[%add3A_39, %broadcast_in_dim3A_187] : memref<80x80xf32, #tpu.memory_space<vmem>>[vector<16xi32>, vector<16xi32>], vector<16xf32>,
      %mul3A_189 = arith.mulf %gather3A_188, %exp3A_137 : vector<16xf32>
      tpu.vector_store_idx %arg12[%add3A_39, %broadcast_in_dim3A_187], %mul3A_189 : memref<80x80xf32, #tpu.memory_space<vmem>>[vector<16xi32>, vector<16xi32>], vector<16xf32>,
      %broadcast_in_dim3A_190 = arith.constant 29 : i32
      %broadcast_in_dim3A_191 = vector.broadcast %broadcast_in_dim3A_190 : i32 to vector<16xi32>
      %gather3A_192 = tpu.vector_load_idx %arg12[%add3A_39, %broadcast_in_dim3A_191] : memref<80x80xf32, #tpu.memory_space<vmem>>[vector<16xi32>, vector<16xi32>], vector<16xf32>,
      %mul3A_193 = arith.mulf %gather3A_192, %exp3A_137 : vector<16xf32>
      tpu.vector_store_idx %arg12[%add3A_39, %broadcast_in_dim3A_191], %mul3A_193 : memref<80x80xf32, #tpu.memory_space<vmem>>[vector<16xi32>, vector<16xi32>], vector<16xf32>,
      %broadcast_in_dim3A_194 = arith.constant 30 : i32
      %broadcast_in_dim3A_195 = vector.broadcast %broadcast_in_dim3A_194 : i32 to vector<16xi32>
      %gather3A_196 = tpu.vector_load_idx %arg12[%add3A_39, %broadcast_in_dim3A_195] : memref<80x80xf32, #tpu.memory_space<vmem>>[vector<16xi32>, vector<16xi32>], vector<16xf32>,
      %mul3A_197 = arith.mulf %gather3A_196, %exp3A_137 : vector<16xf32>
      tpu.vector_store_idx %arg12[%add3A_39, %broadcast_in_dim3A_195], %mul3A_197 : memref<80x80xf32, #tpu.memory_space<vmem>>[vector<16xi32>, vector<16xi32>], vector<16xf32>,
      %broadcast_in_dim3A_198 = arith.constant 31 : i32
      %broadcast_in_dim3A_199 = vector.broadcast %broadcast_in_dim3A_198 : i32 to vector<16xi32>
      %gather3A_200 = tpu.vector_load_idx %arg12[%add3A_39, %broadcast_in_dim3A_199] : memref<80x80xf32, #tpu.memory_space<vmem>>[vector<16xi32>, vector<16xi32>], vector<16xf32>,
      %mul3A_201 = arith.mulf %gather3A_200, %exp3A_137 : vector<16xf32>
      tpu.vector_store_idx %arg12[%add3A_39, %broadcast_in_dim3A_199], %mul3A_201 : memref<80x80xf32, #tpu.memory_space<vmem>>[vector<16xi32>, vector<16xi32>], vector<16xf32>,
      %broadcast_in_dim3A_202 = arith.constant 65 : i32
      %broadcast_in_dim3A_203 = vector.broadcast %broadcast_in_dim3A_202 : i32 to vector<16xi32>
      tpu.vector_store_idx %arg12[%add3A_39, %broadcast_in_dim3A_203], %exp3A_137 : memref<80x80xf32, #tpu.memory_space<vmem>>[vector<16xi32>, vector<16xi32>], vector<16xf32>,
      %broadcast_in_dim3A_204 = arith.constant 2 : i32
      %broadcast_in_dim3A_205 = vector.broadcast %broadcast_in_dim3A_204 : i32 to vector<16xi32>
      %gather3A_206 = tpu.vector_load_idx %arg10[%add3A_39, %broadcast_in_dim3A_205] : memref<80x16xf32, #tpu.memory_space<vmem>>[vector<16xi32>, vector<16xi32>], vector<16xf32>,
      %broadcast_in_dim3A_207 = arith.constant 6 : i32
      %broadcast_in_dim3A_208 = vector.broadcast %broadcast_in_dim3A_207 : i32 to vector<16xi32>
      %gather3A_209 = tpu.vector_load_idx %arg11[%add3A_39, %broadcast_in_dim3A_208] : memref<80x16xf32, #tpu.memory_space<vmem>>[vector<16xi32>, vector<16xi32>], vector<16xf32>,
      %broadcast_in_dim3A_210 = arith.constant 10 : i32
      %broadcast_in_dim3A_211 = vector.broadcast %broadcast_in_dim3A_210 : i32 to vector<16xi32>
      %gather3A_212 = tpu.vector_load_idx %arg11[%add3A_39, %broadcast_in_dim3A_211] : memref<80x16xf32, #tpu.memory_space<vmem>>[vector<16xi32>, vector<16xi32>], vector<16xf32>,
      %add3A_213 = arith.addf %gather3A_206, %gather3A_209 : vector<16xf32>
      %ge3A_214 = arith.constant 0.000000e+00 : f32
      %ge3A_215 = vector.broadcast %ge3A_214 : f32 to vector<16xf32>
      %ge3A_216 = arith.cmpf oge, %add3A_213, %ge3A_215 : vector<16xf32>
      %mul3A_217 = arith.constant 2.000000e-01 : f32
      %mul3A_218 = vector.broadcast %mul3A_217 : f32 to vector<16xf32>
      %mul3A_219 = arith.mulf %mul3A_218, %add3A_213 : vector<16xf32>
      %select_n3A_220 = arith.select %ge3A_216, %add3A_213, %mul3A_219 : vector<16xi1>, vector<16xf32>
      %sub3A_221 = arith.subf %select_n3A_220, %gather3A_212 : vector<16xf32>
      %exp3A_222 = math.exp %sub3A_221 : vector<16xf32>
      %broadcast_in_dim3A_223 = arith.constant 32 : i32
      %broadcast_in_dim3A_224 = vector.broadcast %broadcast_in_dim3A_223 : i32 to vector<16xi32>
      %gather3A_225 = tpu.vector_load_idx %arg12[%add3A_39, %broadcast_in_dim3A_224] : memref<80x80xf32, #tpu.memory_space<vmem>>[vector<16xi32>, vector<16xi32>], vector<16xf32>,
      %mul3A_226 = arith.mulf %gather3A_225, %exp3A_222 : vector<16xf32>
      tpu.vector_store_idx %arg12[%add3A_39, %broadcast_in_dim3A_224], %mul3A_226 : memref<80x80xf32, #tpu.memory_space<vmem>>[vector<16xi32>, vector<16xi32>], vector<16xf32>,
      %broadcast_in_dim3A_227 = arith.constant 33 : i32
      %broadcast_in_dim3A_228 = vector.broadcast %broadcast_in_dim3A_227 : i32 to vector<16xi32>
      %gather3A_229 = tpu.vector_load_idx %arg12[%add3A_39, %broadcast_in_dim3A_228] : memref<80x80xf32, #tpu.memory_space<vmem>>[vector<16xi32>, vector<16xi32>], vector<16xf32>,
      %mul3A_230 = arith.mulf %gather3A_229, %exp3A_222 : vector<16xf32>
      tpu.vector_store_idx %arg12[%add3A_39, %broadcast_in_dim3A_228], %mul3A_230 : memref<80x80xf32, #tpu.memory_space<vmem>>[vector<16xi32>, vector<16xi32>], vector<16xf32>,
      %broadcast_in_dim3A_231 = arith.constant 34 : i32
      %broadcast_in_dim3A_232 = vector.broadcast %broadcast_in_dim3A_231 : i32 to vector<16xi32>
      %gather3A_233 = tpu.vector_load_idx %arg12[%add3A_39, %broadcast_in_dim3A_232] : memref<80x80xf32, #tpu.memory_space<vmem>>[vector<16xi32>, vector<16xi32>], vector<16xf32>,
      %mul3A_234 = arith.mulf %gather3A_233, %exp3A_222 : vector<16xf32>
      tpu.vector_store_idx %arg12[%add3A_39, %broadcast_in_dim3A_232], %mul3A_234 : memref<80x80xf32, #tpu.memory_space<vmem>>[vector<16xi32>, vector<16xi32>], vector<16xf32>,
      %broadcast_in_dim3A_235 = arith.constant 35 : i32
      %broadcast_in_dim3A_236 = vector.broadcast %broadcast_in_dim3A_235 : i32 to vector<16xi32>
      %gather3A_237 = tpu.vector_load_idx %arg12[%add3A_39, %broadcast_in_dim3A_236] : memref<80x80xf32, #tpu.memory_space<vmem>>[vector<16xi32>, vector<16xi32>], vector<16xf32>,
      %mul3A_238 = arith.mulf %gather3A_237, %exp3A_222 : vector<16xf32>
      tpu.vector_store_idx %arg12[%add3A_39, %broadcast_in_dim3A_236], %mul3A_238 : memref<80x80xf32, #tpu.memory_space<vmem>>[vector<16xi32>, vector<16xi32>], vector<16xf32>,
      %broadcast_in_dim3A_239 = arith.constant 36 : i32
      %broadcast_in_dim3A_240 = vector.broadcast %broadcast_in_dim3A_239 : i32 to vector<16xi32>
      %gather3A_241 = tpu.vector_load_idx %arg12[%add3A_39, %broadcast_in_dim3A_240] : memref<80x80xf32, #tpu.memory_space<vmem>>[vector<16xi32>, vector<16xi32>], vector<16xf32>,
      %mul3A_242 = arith.mulf %gather3A_241, %exp3A_222 : vector<16xf32>
      tpu.vector_store_idx %arg12[%add3A_39, %broadcast_in_dim3A_240], %mul3A_242 : memref<80x80xf32, #tpu.memory_space<vmem>>[vector<16xi32>, vector<16xi32>], vector<16xf32>,
      %broadcast_in_dim3A_243 = arith.constant 37 : i32
      %broadcast_in_dim3A_244 = vector.broadcast %broadcast_in_dim3A_243 : i32 to vector<16xi32>
      %gather3A_245 = tpu.vector_load_idx %arg12[%add3A_39, %broadcast_in_dim3A_244] : memref<80x80xf32, #tpu.memory_space<vmem>>[vector<16xi32>, vector<16xi32>], vector<16xf32>,
      %mul3A_246 = arith.mulf %gather3A_245, %exp3A_222 : vector<16xf32>
      tpu.vector_store_idx %arg12[%add3A_39, %broadcast_in_dim3A_244], %mul3A_246 : memref<80x80xf32, #tpu.memory_space<vmem>>[vector<16xi32>, vector<16xi32>], vector<16xf32>,
      %broadcast_in_dim3A_247 = arith.constant 38 : i32
      %broadcast_in_dim3A_248 = vector.broadcast %broadcast_in_dim3A_247 : i32 to vector<16xi32>
      %gather3A_249 = tpu.vector_load_idx %arg12[%add3A_39, %broadcast_in_dim3A_248] : memref<80x80xf32, #tpu.memory_space<vmem>>[vector<16xi32>, vector<16xi32>], vector<16xf32>,
      %mul3A_250 = arith.mulf %gather3A_249, %exp3A_222 : vector<16xf32>
      tpu.vector_store_idx %arg12[%add3A_39, %broadcast_in_dim3A_248], %mul3A_250 : memref<80x80xf32, #tpu.memory_space<vmem>>[vector<16xi32>, vector<16xi32>], vector<16xf32>,
      %broadcast_in_dim3A_251 = arith.constant 39 : i32
      %broadcast_in_dim3A_252 = vector.broadcast %broadcast_in_dim3A_251 : i32 to vector<16xi32>
      %gather3A_253 = tpu.vector_load_idx %arg12[%add3A_39, %broadcast_in_dim3A_252] : memref<80x80xf32, #tpu.memory_space<vmem>>[vector<16xi32>, vector<16xi32>], vector<16xf32>,
      %mul3A_254 = arith.mulf %gather3A_253, %exp3A_222 : vector<16xf32>
      tpu.vector_store_idx %arg12[%add3A_39, %broadcast_in_dim3A_252], %mul3A_254 : memref<80x80xf32, #tpu.memory_space<vmem>>[vector<16xi32>, vector<16xi32>], vector<16xf32>,
      %broadcast_in_dim3A_255 = arith.constant 40 : i32
      %broadcast_in_dim3A_256 = vector.broadcast %broadcast_in_dim3A_255 : i32 to vector<16xi32>
      %gather3A_257 = tpu.vector_load_idx %arg12[%add3A_39, %broadcast_in_dim3A_256] : memref<80x80xf32, #tpu.memory_space<vmem>>[vector<16xi32>, vector<16xi32>], vector<16xf32>,
      %mul3A_258 = arith.mulf %gather3A_257, %exp3A_222 : vector<16xf32>
      tpu.vector_store_idx %arg12[%add3A_39, %broadcast_in_dim3A_256], %mul3A_258 : memref<80x80xf32, #tpu.memory_space<vmem>>[vector<16xi32>, vector<16xi32>], vector<16xf32>,
      %broadcast_in_dim3A_259 = arith.constant 41 : i32
      %broadcast_in_dim3A_260 = vector.broadcast %broadcast_in_dim3A_259 : i32 to vector<16xi32>
      %gather3A_261 = tpu.vector_load_idx %arg12[%add3A_39, %broadcast_in_dim3A_260] : memref<80x80xf32, #tpu.memory_space<vmem>>[vector<16xi32>, vector<16xi32>], vector<16xf32>,
      %mul3A_262 = arith.mulf %gather3A_261, %exp3A_222 : vector<16xf32>
      tpu.vector_store_idx %arg12[%add3A_39, %broadcast_in_dim3A_260], %mul3A_262 : memref<80x80xf32, #tpu.memory_space<vmem>>[vector<16xi32>, vector<16xi32>], vector<16xf32>,
      %broadcast_in_dim3A_263 = arith.constant 42 : i32
      %broadcast_in_dim3A_264 = vector.broadcast %broadcast_in_dim3A_263 : i32 to vector<16xi32>
      %gather3A_265 = tpu.vector_load_idx %arg12[%add3A_39, %broadcast_in_dim3A_264] : memref<80x80xf32, #tpu.memory_space<vmem>>[vector<16xi32>, vector<16xi32>], vector<16xf32>,
      %mul3A_266 = arith.mulf %gather3A_265, %exp3A_222 : vector<16xf32>
      tpu.vector_store_idx %arg12[%add3A_39, %broadcast_in_dim3A_264], %mul3A_266 : memref<80x80xf32, #tpu.memory_space<vmem>>[vector<16xi32>, vector<16xi32>], vector<16xf32>,
      %broadcast_in_dim3A_267 = arith.constant 43 : i32
      %broadcast_in_dim3A_268 = vector.broadcast %broadcast_in_dim3A_267 : i32 to vector<16xi32>
      %gather3A_269 = tpu.vector_load_idx %arg12[%add3A_39, %broadcast_in_dim3A_268] : memref<80x80xf32, #tpu.memory_space<vmem>>[vector<16xi32>, vector<16xi32>], vector<16xf32>,
      %mul3A_270 = arith.mulf %gather3A_269, %exp3A_222 : vector<16xf32>
      tpu.vector_store_idx %arg12[%add3A_39, %broadcast_in_dim3A_268], %mul3A_270 : memref<80x80xf32, #tpu.memory_space<vmem>>[vector<16xi32>, vector<16xi32>], vector<16xf32>,
      %broadcast_in_dim3A_271 = arith.constant 44 : i32
      %broadcast_in_dim3A_272 = vector.broadcast %broadcast_in_dim3A_271 : i32 to vector<16xi32>
      %gather3A_273 = tpu.vector_load_idx %arg12[%add3A_39, %broadcast_in_dim3A_272] : memref<80x80xf32, #tpu.memory_space<vmem>>[vector<16xi32>, vector<16xi32>], vector<16xf32>,
      %mul3A_274 = arith.mulf %gather3A_273, %exp3A_222 : vector<16xf32>
      tpu.vector_store_idx %arg12[%add3A_39, %broadcast_in_dim3A_272], %mul3A_274 : memref<80x80xf32, #tpu.memory_space<vmem>>[vector<16xi32>, vector<16xi32>], vector<16xf32>,
      %broadcast_in_dim3A_275 = arith.constant 45 : i32
      %broadcast_in_dim3A_276 = vector.broadcast %broadcast_in_dim3A_275 : i32 to vector<16xi32>
      %gather3A_277 = tpu.vector_load_idx %arg12[%add3A_39, %broadcast_in_dim3A_276] : memref<80x80xf32, #tpu.memory_space<vmem>>[vector<16xi32>, vector<16xi32>], vector<16xf32>,
      %mul3A_278 = arith.mulf %gather3A_277, %exp3A_222 : vector<16xf32>
      tpu.vector_store_idx %arg12[%add3A_39, %broadcast_in_dim3A_276], %mul3A_278 : memref<80x80xf32, #tpu.memory_space<vmem>>[vector<16xi32>, vector<16xi32>], vector<16xf32>,
      %broadcast_in_dim3A_279 = arith.constant 46 : i32
      %broadcast_in_dim3A_280 = vector.broadcast %broadcast_in_dim3A_279 : i32 to vector<16xi32>
      %gather3A_281 = tpu.vector_load_idx %arg12[%add3A_39, %broadcast_in_dim3A_280] : memref<80x80xf32, #tpu.memory_space<vmem>>[vector<16xi32>, vector<16xi32>], vector<16xf32>,
      %mul3A_282 = arith.mulf %gather3A_281, %exp3A_222 : vector<16xf32>
      tpu.vector_store_idx %arg12[%add3A_39, %broadcast_in_dim3A_280], %mul3A_282 : memref<80x80xf32, #tpu.memory_space<vmem>>[vector<16xi32>, vector<16xi32>], vector<16xf32>,
      %broadcast_in_dim3A_283 = arith.constant 47 : i32
      %broadcast_in_dim3A_284 = vector.broadcast %broadcast_in_dim3A_283 : i32 to vector<16xi32>
      %gather3A_285 = tpu.vector_load_idx %arg12[%add3A_39, %broadcast_in_dim3A_284] : memref<80x80xf32, #tpu.memory_space<vmem>>[vector<16xi32>, vector<16xi32>], vector<16xf32>,
      %mul3A_286 = arith.mulf %gather3A_285, %exp3A_222 : vector<16xf32>
      tpu.vector_store_idx %arg12[%add3A_39, %broadcast_in_dim3A_284], %mul3A_286 : memref<80x80xf32, #tpu.memory_space<vmem>>[vector<16xi32>, vector<16xi32>], vector<16xf32>,
      %broadcast_in_dim3A_287 = arith.constant 66 : i32
      %broadcast_in_dim3A_288 = vector.broadcast %broadcast_in_dim3A_287 : i32 to vector<16xi32>
      tpu.vector_store_idx %arg12[%add3A_39, %broadcast_in_dim3A_288], %exp3A_222 : memref<80x80xf32, #tpu.memory_space<vmem>>[vector<16xi32>, vector<16xi32>], vector<16xf32>,
      %broadcast_in_dim3A_289 = arith.constant 3 : i32
      %broadcast_in_dim3A_290 = vector.broadcast %broadcast_in_dim3A_289 : i32 to vector<16xi32>
      %gather3A_291 = tpu.vector_load_idx %arg10[%add3A_39, %broadcast_in_dim3A_290] : memref<80x16xf32, #tpu.memory_space<vmem>>[vector<16xi32>, vector<16xi32>], vector<16xf32>,
      %broadcast_in_dim3A_292 = arith.constant 7 : i32
      %broadcast_in_dim3A_293 = vector.broadcast %broadcast_in_dim3A_292 : i32 to vector<16xi32>
      %gather3A_294 = tpu.vector_load_idx %arg11[%add3A_39, %broadcast_in_dim3A_293] : memref<80x16xf32, #tpu.memory_space<vmem>>[vector<16xi32>, vector<16xi32>], vector<16xf32>,
      %broadcast_in_dim3A_295 = arith.constant 11 : i32
      %broadcast_in_dim3A_296 = vector.broadcast %broadcast_in_dim3A_295 : i32 to vector<16xi32>
      %gather3A_297 = tpu.vector_load_idx %arg11[%add3A_39, %broadcast_in_dim3A_296] : memref<80x16xf32, #tpu.memory_space<vmem>>[vector<16xi32>, vector<16xi32>], vector<16xf32>,
      %add3A_298 = arith.addf %gather3A_291, %gather3A_294 : vector<16xf32>
      %ge3A_299 = arith.constant 0.000000e+00 : f32
      %ge3A_300 = vector.broadcast %ge3A_299 : f32 to vector<16xf32>
      %ge3A_301 = arith.cmpf oge, %add3A_298, %ge3A_300 : vector<16xf32>
      %mul3A_302 = arith.constant 2.000000e-01 : f32
      %mul3A_303 = vector.broadcast %mul3A_302 : f32 to vector<16xf32>
      %mul3A_304 = arith.mulf %mul3A_303, %add3A_298 : vector<16xf32>
      %select_n3A_305 = arith.select %ge3A_301, %add3A_298, %mul3A_304 : vector<16xi1>, vector<16xf32>
      %sub3A_306 = arith.subf %select_n3A_305, %gather3A_297 : vector<16xf32>
      %exp3A_307 = math.exp %sub3A_306 : vector<16xf32>
      %broadcast_in_dim3A_308 = arith.constant 48 : i32
      %broadcast_in_dim3A_309 = vector.broadcast %broadcast_in_dim3A_308 : i32 to vector<16xi32>
      %gather3A_310 = tpu.vector_load_idx %arg12[%add3A_39, %broadcast_in_dim3A_309] : memref<80x80xf32, #tpu.memory_space<vmem>>[vector<16xi32>, vector<16xi32>], vector<16xf32>,
      %mul3A_311 = arith.mulf %gather3A_310, %exp3A_307 : vector<16xf32>
      tpu.vector_store_idx %arg12[%add3A_39, %broadcast_in_dim3A_309], %mul3A_311 : memref<80x80xf32, #tpu.memory_space<vmem>>[vector<16xi32>, vector<16xi32>], vector<16xf32>,
      %broadcast_in_dim3A_312 = arith.constant 49 : i32
      %broadcast_in_dim3A_313 = vector.broadcast %broadcast_in_dim3A_312 : i32 to vector<16xi32>
      %gather3A_314 = tpu.vector_load_idx %arg12[%add3A_39, %broadcast_in_dim3A_313] : memref<80x80xf32, #tpu.memory_space<vmem>>[vector<16xi32>, vector<16xi32>], vector<16xf32>,
      %mul3A_315 = arith.mulf %gather3A_314, %exp3A_307 : vector<16xf32>
      tpu.vector_store_idx %arg12[%add3A_39, %broadcast_in_dim3A_313], %mul3A_315 : memref<80x80xf32, #tpu.memory_space<vmem>>[vector<16xi32>, vector<16xi32>], vector<16xf32>,
      %broadcast_in_dim3A_316 = arith.constant 50 : i32
      %broadcast_in_dim3A_317 = vector.broadcast %broadcast_in_dim3A_316 : i32 to vector<16xi32>
      %gather3A_318 = tpu.vector_load_idx %arg12[%add3A_39, %broadcast_in_dim3A_317] : memref<80x80xf32, #tpu.memory_space<vmem>>[vector<16xi32>, vector<16xi32>], vector<16xf32>,
      %mul3A_319 = arith.mulf %gather3A_318, %exp3A_307 : vector<16xf32>
      tpu.vector_store_idx %arg12[%add3A_39, %broadcast_in_dim3A_317], %mul3A_319 : memref<80x80xf32, #tpu.memory_space<vmem>>[vector<16xi32>, vector<16xi32>], vector<16xf32>,
      %broadcast_in_dim3A_320 = arith.constant 51 : i32
      %broadcast_in_dim3A_321 = vector.broadcast %broadcast_in_dim3A_320 : i32 to vector<16xi32>
      %gather3A_322 = tpu.vector_load_idx %arg12[%add3A_39, %broadcast_in_dim3A_321] : memref<80x80xf32, #tpu.memory_space<vmem>>[vector<16xi32>, vector<16xi32>], vector<16xf32>,
      %mul3A_323 = arith.mulf %gather3A_322, %exp3A_307 : vector<16xf32>
      tpu.vector_store_idx %arg12[%add3A_39, %broadcast_in_dim3A_321], %mul3A_323 : memref<80x80xf32, #tpu.memory_space<vmem>>[vector<16xi32>, vector<16xi32>], vector<16xf32>,
      %broadcast_in_dim3A_324 = arith.constant 52 : i32
      %broadcast_in_dim3A_325 = vector.broadcast %broadcast_in_dim3A_324 : i32 to vector<16xi32>
      %gather3A_326 = tpu.vector_load_idx %arg12[%add3A_39, %broadcast_in_dim3A_325] : memref<80x80xf32, #tpu.memory_space<vmem>>[vector<16xi32>, vector<16xi32>], vector<16xf32>,
      %mul3A_327 = arith.mulf %gather3A_326, %exp3A_307 : vector<16xf32>
      tpu.vector_store_idx %arg12[%add3A_39, %broadcast_in_dim3A_325], %mul3A_327 : memref<80x80xf32, #tpu.memory_space<vmem>>[vector<16xi32>, vector<16xi32>], vector<16xf32>,
      %broadcast_in_dim3A_328 = arith.constant 53 : i32
      %broadcast_in_dim3A_329 = vector.broadcast %broadcast_in_dim3A_328 : i32 to vector<16xi32>
      %gather3A_330 = tpu.vector_load_idx %arg12[%add3A_39, %broadcast_in_dim3A_329] : memref<80x80xf32, #tpu.memory_space<vmem>>[vector<16xi32>, vector<16xi32>], vector<16xf32>,
      %mul3A_331 = arith.mulf %gather3A_330, %exp3A_307 : vector<16xf32>
      tpu.vector_store_idx %arg12[%add3A_39, %broadcast_in_dim3A_329], %mul3A_331 : memref<80x80xf32, #tpu.memory_space<vmem>>[vector<16xi32>, vector<16xi32>], vector<16xf32>,
      %broadcast_in_dim3A_332 = arith.constant 54 : i32
      %broadcast_in_dim3A_333 = vector.broadcast %broadcast_in_dim3A_332 : i32 to vector<16xi32>
      %gather3A_334 = tpu.vector_load_idx %arg12[%add3A_39, %broadcast_in_dim3A_333] : memref<80x80xf32, #tpu.memory_space<vmem>>[vector<16xi32>, vector<16xi32>], vector<16xf32>,
      %mul3A_335 = arith.mulf %gather3A_334, %exp3A_307 : vector<16xf32>
      tpu.vector_store_idx %arg12[%add3A_39, %broadcast_in_dim3A_333], %mul3A_335 : memref<80x80xf32, #tpu.memory_space<vmem>>[vector<16xi32>, vector<16xi32>], vector<16xf32>,
      %broadcast_in_dim3A_336 = arith.constant 55 : i32
      %broadcast_in_dim3A_337 = vector.broadcast %broadcast_in_dim3A_336 : i32 to vector<16xi32>
      %gather3A_338 = tpu.vector_load_idx %arg12[%add3A_39, %broadcast_in_dim3A_337] : memref<80x80xf32, #tpu.memory_space<vmem>>[vector<16xi32>, vector<16xi32>], vector<16xf32>,
      %mul3A_339 = arith.mulf %gather3A_338, %exp3A_307 : vector<16xf32>
      tpu.vector_store_idx %arg12[%add3A_39, %broadcast_in_dim3A_337], %mul3A_339 : memref<80x80xf32, #tpu.memory_space<vmem>>[vector<16xi32>, vector<16xi32>], vector<16xf32>,
      %broadcast_in_dim3A_340 = arith.constant 56 : i32
      %broadcast_in_dim3A_341 = vector.broadcast %broadcast_in_dim3A_340 : i32 to vector<16xi32>
      %gather3A_342 = tpu.vector_load_idx %arg12[%add3A_39, %broadcast_in_dim3A_341] : memref<80x80xf32, #tpu.memory_space<vmem>>[vector<16xi32>, vector<16xi32>], vector<16xf32>,
      %mul3A_343 = arith.mulf %gather3A_342, %exp3A_307 : vector<16xf32>
      tpu.vector_store_idx %arg12[%add3A_39, %broadcast_in_dim3A_341], %mul3A_343 : memref<80x80xf32, #tpu.memory_space<vmem>>[vector<16xi32>, vector<16xi32>], vector<16xf32>,
      %broadcast_in_dim3A_344 = arith.constant 57 : i32
      %broadcast_in_dim3A_345 = vector.broadcast %broadcast_in_dim3A_344 : i32 to vector<16xi32>
      %gather3A_346 = tpu.vector_load_idx %arg12[%add3A_39, %broadcast_in_dim3A_345] : memref<80x80xf32, #tpu.memory_space<vmem>>[vector<16xi32>, vector<16xi32>], vector<16xf32>,
      %mul3A_347 = arith.mulf %gather3A_346, %exp3A_307 : vector<16xf32>
      tpu.vector_store_idx %arg12[%add3A_39, %broadcast_in_dim3A_345], %mul3A_347 : memref<80x80xf32, #tpu.memory_space<vmem>>[vector<16xi32>, vector<16xi32>], vector<16xf32>,
      %broadcast_in_dim3A_348 = arith.constant 58 : i32
      %broadcast_in_dim3A_349 = vector.broadcast %broadcast_in_dim3A_348 : i32 to vector<16xi32>
      %gather3A_350 = tpu.vector_load_idx %arg12[%add3A_39, %broadcast_in_dim3A_349] : memref<80x80xf32, #tpu.memory_space<vmem>>[vector<16xi32>, vector<16xi32>], vector<16xf32>,
      %mul3A_351 = arith.mulf %gather3A_350, %exp3A_307 : vector<16xf32>
      tpu.vector_store_idx %arg12[%add3A_39, %broadcast_in_dim3A_349], %mul3A_351 : memref<80x80xf32, #tpu.memory_space<vmem>>[vector<16xi32>, vector<16xi32>], vector<16xf32>,
      %broadcast_in_dim3A_352 = arith.constant 59 : i32
      %broadcast_in_dim3A_353 = vector.broadcast %broadcast_in_dim3A_352 : i32 to vector<16xi32>
      %gather3A_354 = tpu.vector_load_idx %arg12[%add3A_39, %broadcast_in_dim3A_353] : memref<80x80xf32, #tpu.memory_space<vmem>>[vector<16xi32>, vector<16xi32>], vector<16xf32>,
      %mul3A_355 = arith.mulf %gather3A_354, %exp3A_307 : vector<16xf32>
      tpu.vector_store_idx %arg12[%add3A_39, %broadcast_in_dim3A_353], %mul3A_355 : memref<80x80xf32, #tpu.memory_space<vmem>>[vector<16xi32>, vector<16xi32>], vector<16xf32>,
      %broadcast_in_dim3A_356 = arith.constant 60 : i32
      %broadcast_in_dim3A_357 = vector.broadcast %broadcast_in_dim3A_356 : i32 to vector<16xi32>
      %gather3A_358 = tpu.vector_load_idx %arg12[%add3A_39, %broadcast_in_dim3A_357] : memref<80x80xf32, #tpu.memory_space<vmem>>[vector<16xi32>, vector<16xi32>], vector<16xf32>,
      %mul3A_359 = arith.mulf %gather3A_358, %exp3A_307 : vector<16xf32>
      tpu.vector_store_idx %arg12[%add3A_39, %broadcast_in_dim3A_357], %mul3A_359 : memref<80x80xf32, #tpu.memory_space<vmem>>[vector<16xi32>, vector<16xi32>], vector<16xf32>,
      %broadcast_in_dim3A_360 = arith.constant 61 : i32
      %broadcast_in_dim3A_361 = vector.broadcast %broadcast_in_dim3A_360 : i32 to vector<16xi32>
      %gather3A_362 = tpu.vector_load_idx %arg12[%add3A_39, %broadcast_in_dim3A_361] : memref<80x80xf32, #tpu.memory_space<vmem>>[vector<16xi32>, vector<16xi32>], vector<16xf32>,
      %mul3A_363 = arith.mulf %gather3A_362, %exp3A_307 : vector<16xf32>
      tpu.vector_store_idx %arg12[%add3A_39, %broadcast_in_dim3A_361], %mul3A_363 : memref<80x80xf32, #tpu.memory_space<vmem>>[vector<16xi32>, vector<16xi32>], vector<16xf32>,
      %broadcast_in_dim3A_364 = arith.constant 62 : i32
      %broadcast_in_dim3A_365 = vector.broadcast %broadcast_in_dim3A_364 : i32 to vector<16xi32>
      %gather3A_366 = tpu.vector_load_idx %arg12[%add3A_39, %broadcast_in_dim3A_365] : memref<80x80xf32, #tpu.memory_space<vmem>>[vector<16xi32>, vector<16xi32>], vector<16xf32>,
      %mul3A_367 = arith.mulf %gather3A_366, %exp3A_307 : vector<16xf32>
      tpu.vector_store_idx %arg12[%add3A_39, %broadcast_in_dim3A_365], %mul3A_367 : memref<80x80xf32, #tpu.memory_space<vmem>>[vector<16xi32>, vector<16xi32>], vector<16xf32>,
      %broadcast_in_dim3A_368 = arith.constant 63 : i32
      %broadcast_in_dim3A_369 = vector.broadcast %broadcast_in_dim3A_368 : i32 to vector<16xi32>
      %gather3A_370 = tpu.vector_load_idx %arg12[%add3A_39, %broadcast_in_dim3A_369] : memref<80x80xf32, #tpu.memory_space<vmem>>[vector<16xi32>, vector<16xi32>], vector<16xf32>,
      %mul3A_371 = arith.mulf %gather3A_370, %exp3A_307 : vector<16xf32>
      tpu.vector_store_idx %arg12[%add3A_39, %broadcast_in_dim3A_369], %mul3A_371 : memref<80x80xf32, #tpu.memory_space<vmem>>[vector<16xi32>, vector<16xi32>], vector<16xf32>,
      %broadcast_in_dim3A_372 = arith.constant 67 : i32
      %broadcast_in_dim3A_373 = vector.broadcast %broadcast_in_dim3A_372 : i32 to vector<16xi32>
      tpu.vector_store_idx %arg12[%add3A_39, %broadcast_in_dim3A_373], %exp3A_307 : memref<80x80xf32, #tpu.memory_space<vmem>>[vector<16xi32>, vector<16xi32>], vector<16xf32>,
      %add3A_374 = arith.constant 16 : i32
      %add3A_375 = vector.broadcast %add3A_374 : i32 to vector<16xi32>
      %add3A_376 = arith.addi %iota3A, %add3A_375 : vector<16xi32>
      %broadcast_in_dim3A_377 = arith.constant 0 : i32
      %broadcast_in_dim3A_378 = vector.broadcast %broadcast_in_dim3A_377 : i32 to vector<16xi32>
      %gather3A_379 = tpu.vector_load_idx %arg10[%add3A_376, %broadcast_in_dim3A_378] : memref<80x16xf32, #tpu.memory_space<vmem>>[vector<16xi32>, vector<16xi32>], vector<16xf32>,
      %broadcast_in_dim3A_380 = arith.constant 4 : i32
      %broadcast_in_dim3A_381 = vector.broadcast %broadcast_in_dim3A_380 : i32 to vector<16xi32>
      %gather3A_382 = tpu.vector_load_idx %arg11[%add3A_376, %broadcast_in_dim3A_381] : memref<80x16xf32, #tpu.memory_space<vmem>>[vector<16xi32>, vector<16xi32>], vector<16xf32>,
      %broadcast_in_dim3A_383 = arith.constant 8 : i32
      %broadcast_in_dim3A_384 = vector.broadcast %broadcast_in_dim3A_383 : i32 to vector<16xi32>
      %gather3A_385 = tpu.vector_load_idx %arg11[%add3A_376, %broadcast_in_dim3A_384] : memref<80x16xf32, #tpu.memory_space<vmem>>[vector<16xi32>, vector<16xi32>], vector<16xf32>,
      %add3A_386 = arith.addf %gather3A_379, %gather3A_382 : vector<16xf32>
      %ge3A_387 = arith.constant 0.000000e+00 : f32
      %ge3A_388 = vector.broadcast %ge3A_387 : f32 to vector<16xf32>
      %ge3A_389 = arith.cmpf oge, %add3A_386, %ge3A_388 : vector<16xf32>
      %mul3A_390 = arith.constant 2.000000e-01 : f32
      %mul3A_391 = vector.broadcast %mul3A_390 : f32 to vector<16xf32>
      %mul3A_392 = arith.mulf %mul3A_391, %add3A_386 : vector<16xf32>
      %select_n3A_393 = arith.select %ge3A_389, %add3A_386, %mul3A_392 : vector<16xi1>, vector<16xf32>
      %sub3A_394 = arith.subf %select_n3A_393, %gather3A_385 : vector<16xf32>
      %exp3A_395 = math.exp %sub3A_394 : vector<16xf32>
      %broadcast_in_dim3A_396 = arith.constant 0 : i32
      %broadcast_in_dim3A_397 = vector.broadcast %broadcast_in_dim3A_396 : i32 to vector<16xi32>
      %gather3A_398 = tpu.vector_load_idx %arg12[%add3A_376, %broadcast_in_dim3A_397] : memref<80x80xf32, #tpu.memory_space<vmem>>[vector<16xi32>, vector<16xi32>], vector<16xf32>,
      %mul3A_399 = arith.mulf %gather3A_398, %exp3A_395 : vector<16xf32>
      tpu.vector_store_idx %arg12[%add3A_376, %broadcast_in_dim3A_397], %mul3A_399 : memref<80x80xf32, #tpu.memory_space<vmem>>[vector<16xi32>, vector<16xi32>], vector<16xf32>,
      %broadcast_in_dim3A_400 = arith.constant 1 : i32
      %broadcast_in_dim3A_401 = vector.broadcast %broadcast_in_dim3A_400 : i32 to vector<16xi32>
      %gather3A_402 = tpu.vector_load_idx %arg12[%add3A_376, %broadcast_in_dim3A_401] : memref<80x80xf32, #tpu.memory_space<vmem>>[vector<16xi32>, vector<16xi32>], vector<16xf32>,
      %mul3A_403 = arith.mulf %gather3A_402, %exp3A_395 : vector<16xf32>
      tpu.vector_store_idx %arg12[%add3A_376, %broadcast_in_dim3A_401], %mul3A_403 : memref<80x80xf32, #tpu.memory_space<vmem>>[vector<16xi32>, vector<16xi32>], vector<16xf32>,
      %broadcast_in_dim3A_404 = arith.constant 2 : i32
      %broadcast_in_dim3A_405 = vector.broadcast %broadcast_in_dim3A_404 : i32 to vector<16xi32>
      %gather3A_406 = tpu.vector_load_idx %arg12[%add3A_376, %broadcast_in_dim3A_405] : memref<80x80xf32, #tpu.memory_space<vmem>>[vector<16xi32>, vector<16xi32>], vector<16xf32>,
      %mul3A_407 = arith.mulf %gather3A_406, %exp3A_395 : vector<16xf32>
      tpu.vector_store_idx %arg12[%add3A_376, %broadcast_in_dim3A_405], %mul3A_407 : memref<80x80xf32, #tpu.memory_space<vmem>>[vector<16xi32>, vector<16xi32>], vector<16xf32>,
      %broadcast_in_dim3A_408 = arith.constant 3 : i32
      %broadcast_in_dim3A_409 = vector.broadcast %broadcast_in_dim3A_408 : i32 to vector<16xi32>
      %gather3A_410 = tpu.vector_load_idx %arg12[%add3A_376, %broadcast_in_dim3A_409] : memref<80x80xf32, #tpu.memory_space<vmem>>[vector<16xi32>, vector<16xi32>], vector<16xf32>,
      %mul3A_411 = arith.mulf %gather3A_410, %exp3A_395 : vector<16xf32>
      tpu.vector_store_idx %arg12[%add3A_376, %broadcast_in_dim3A_409], %mul3A_411 : memref<80x80xf32, #tpu.memory_space<vmem>>[vector<16xi32>, vector<16xi32>], vector<16xf32>,
      %broadcast_in_dim3A_412 = arith.constant 4 : i32
      %broadcast_in_dim3A_413 = vector.broadcast %broadcast_in_dim3A_412 : i32 to vector<16xi32>
      %gather3A_414 = tpu.vector_load_idx %arg12[%add3A_376, %broadcast_in_dim3A_413] : memref<80x80xf32, #tpu.memory_space<vmem>>[vector<16xi32>, vector<16xi32>], vector<16xf32>,
      %mul3A_415 = arith.mulf %gather3A_414, %exp3A_395 : vector<16xf32>
      tpu.vector_store_idx %arg12[%add3A_376, %broadcast_in_dim3A_413], %mul3A_415 : memref<80x80xf32, #tpu.memory_space<vmem>>[vector<16xi32>, vector<16xi32>], vector<16xf32>,
      %broadcast_in_dim3A_416 = arith.constant 5 : i32
      %broadcast_in_dim3A_417 = vector.broadcast %broadcast_in_dim3A_416 : i32 to vector<16xi32>
      %gather3A_418 = tpu.vector_load_idx %arg12[%add3A_376, %broadcast_in_dim3A_417] : memref<80x80xf32, #tpu.memory_space<vmem>>[vector<16xi32>, vector<16xi32>], vector<16xf32>,
      %mul3A_419 = arith.mulf %gather3A_418, %exp3A_395 : vector<16xf32>
      tpu.vector_store_idx %arg12[%add3A_376, %broadcast_in_dim3A_417], %mul3A_419 : memref<80x80xf32, #tpu.memory_space<vmem>>[vector<16xi32>, vector<16xi32>], vector<16xf32>,
      %broadcast_in_dim3A_420 = arith.constant 6 : i32
      %broadcast_in_dim3A_421 = vector.broadcast %broadcast_in_dim3A_420 : i32 to vector<16xi32>
      %gather3A_422 = tpu.vector_load_idx %arg12[%add3A_376, %broadcast_in_dim3A_421] : memref<80x80xf32, #tpu.memory_space<vmem>>[vector<16xi32>, vector<16xi32>], vector<16xf32>,
      %mul3A_423 = arith.mulf %gather3A_422, %exp3A_395 : vector<16xf32>
      tpu.vector_store_idx %arg12[%add3A_376, %broadcast_in_dim3A_421], %mul3A_423 : memref<80x80xf32, #tpu.memory_space<vmem>>[vector<16xi32>, vector<16xi32>], vector<16xf32>,
      %broadcast_in_dim3A_424 = arith.constant 7 : i32
      %broadcast_in_dim3A_425 = vector.broadcast %broadcast_in_dim3A_424 : i32 to vector<16xi32>
      %gather3A_426 = tpu.vector_load_idx %arg12[%add3A_376, %broadcast_in_dim3A_425] : memref<80x80xf32, #tpu.memory_space<vmem>>[vector<16xi32>, vector<16xi32>], vector<16xf32>,
      %mul3A_427 = arith.mulf %gather3A_426, %exp3A_395 : vector<16xf32>
      tpu.vector_store_idx %arg12[%add3A_376, %broadcast_in_dim3A_425], %mul3A_427 : memref<80x80xf32, #tpu.memory_space<vmem>>[vector<16xi32>, vector<16xi32>], vector<16xf32>,
      %broadcast_in_dim3A_428 = arith.constant 8 : i32
      %broadcast_in_dim3A_429 = vector.broadcast %broadcast_in_dim3A_428 : i32 to vector<16xi32>
      %gather3A_430 = tpu.vector_load_idx %arg12[%add3A_376, %broadcast_in_dim3A_429] : memref<80x80xf32, #tpu.memory_space<vmem>>[vector<16xi32>, vector<16xi32>], vector<16xf32>,
      %mul3A_431 = arith.mulf %gather3A_430, %exp3A_395 : vector<16xf32>
      tpu.vector_store_idx %arg12[%add3A_376, %broadcast_in_dim3A_429], %mul3A_431 : memref<80x80xf32, #tpu.memory_space<vmem>>[vector<16xi32>, vector<16xi32>], vector<16xf32>,
      %broadcast_in_dim3A_432 = arith.constant 9 : i32
      %broadcast_in_dim3A_433 = vector.broadcast %broadcast_in_dim3A_432 : i32 to vector<16xi32>
      %gather3A_434 = tpu.vector_load_idx %arg12[%add3A_376, %broadcast_in_dim3A_433] : memref<80x80xf32, #tpu.memory_space<vmem>>[vector<16xi32>, vector<16xi32>], vector<16xf32>,
      %mul3A_435 = arith.mulf %gather3A_434, %exp3A_395 : vector<16xf32>
      tpu.vector_store_idx %arg12[%add3A_376, %broadcast_in_dim3A_433], %mul3A_435 : memref<80x80xf32, #tpu.memory_space<vmem>>[vector<16xi32>, vector<16xi32>], vector<16xf32>,
      %broadcast_in_dim3A_436 = arith.constant 10 : i32
      %broadcast_in_dim3A_437 = vector.broadcast %broadcast_in_dim3A_436 : i32 to vector<16xi32>
      %gather3A_438 = tpu.vector_load_idx %arg12[%add3A_376, %broadcast_in_dim3A_437] : memref<80x80xf32, #tpu.memory_space<vmem>>[vector<16xi32>, vector<16xi32>], vector<16xf32>,
      %mul3A_439 = arith.mulf %gather3A_438, %exp3A_395 : vector<16xf32>
      tpu.vector_store_idx %arg12[%add3A_376, %broadcast_in_dim3A_437], %mul3A_439 : memref<80x80xf32, #tpu.memory_space<vmem>>[vector<16xi32>, vector<16xi32>], vector<16xf32>,
      %broadcast_in_dim3A_440 = arith.constant 11 : i32
      %broadcast_in_dim3A_441 = vector.broadcast %broadcast_in_dim3A_440 : i32 to vector<16xi32>
      %gather3A_442 = tpu.vector_load_idx %arg12[%add3A_376, %broadcast_in_dim3A_441] : memref<80x80xf32, #tpu.memory_space<vmem>>[vector<16xi32>, vector<16xi32>], vector<16xf32>,
      %mul3A_443 = arith.mulf %gather3A_442, %exp3A_395 : vector<16xf32>
      tpu.vector_store_idx %arg12[%add3A_376, %broadcast_in_dim3A_441], %mul3A_443 : memref<80x80xf32, #tpu.memory_space<vmem>>[vector<16xi32>, vector<16xi32>], vector<16xf32>,
      %broadcast_in_dim3A_444 = arith.constant 12 : i32
      %broadcast_in_dim3A_445 = vector.broadcast %broadcast_in_dim3A_444 : i32 to vector<16xi32>
      %gather3A_446 = tpu.vector_load_idx %arg12[%add3A_376, %broadcast_in_dim3A_445] : memref<80x80xf32, #tpu.memory_space<vmem>>[vector<16xi32>, vector<16xi32>], vector<16xf32>,
      %mul3A_447 = arith.mulf %gather3A_446, %exp3A_395 : vector<16xf32>
      tpu.vector_store_idx %arg12[%add3A_376, %broadcast_in_dim3A_445], %mul3A_447 : memref<80x80xf32, #tpu.memory_space<vmem>>[vector<16xi32>, vector<16xi32>], vector<16xf32>,
      %broadcast_in_dim3A_448 = arith.constant 13 : i32
      %broadcast_in_dim3A_449 = vector.broadcast %broadcast_in_dim3A_448 : i32 to vector<16xi32>
      %gather3A_450 = tpu.vector_load_idx %arg12[%add3A_376, %broadcast_in_dim3A_449] : memref<80x80xf32, #tpu.memory_space<vmem>>[vector<16xi32>, vector<16xi32>], vector<16xf32>,
      %mul3A_451 = arith.mulf %gather3A_450, %exp3A_395 : vector<16xf32>
      tpu.vector_store_idx %arg12[%add3A_376, %broadcast_in_dim3A_449], %mul3A_451 : memref<80x80xf32, #tpu.memory_space<vmem>>[vector<16xi32>, vector<16xi32>], vector<16xf32>,
      %broadcast_in_dim3A_452 = arith.constant 14 : i32
      %broadcast_in_dim3A_453 = vector.broadcast %broadcast_in_dim3A_452 : i32 to vector<16xi32>
      %gather3A_454 = tpu.vector_load_idx %arg12[%add3A_376, %broadcast_in_dim3A_453] : memref<80x80xf32, #tpu.memory_space<vmem>>[vector<16xi32>, vector<16xi32>], vector<16xf32>,
      %mul3A_455 = arith.mulf %gather3A_454, %exp3A_395 : vector<16xf32>
      tpu.vector_store_idx %arg12[%add3A_376, %broadcast_in_dim3A_453], %mul3A_455 : memref<80x80xf32, #tpu.memory_space<vmem>>[vector<16xi32>, vector<16xi32>], vector<16xf32>,
      %broadcast_in_dim3A_456 = arith.constant 15 : i32
      %broadcast_in_dim3A_457 = vector.broadcast %broadcast_in_dim3A_456 : i32 to vector<16xi32>
      %gather3A_458 = tpu.vector_load_idx %arg12[%add3A_376, %broadcast_in_dim3A_457] : memref<80x80xf32, #tpu.memory_space<vmem>>[vector<16xi32>, vector<16xi32>], vector<16xf32>,
      %mul3A_459 = arith.mulf %gather3A_458, %exp3A_395 : vector<16xf32>
      tpu.vector_store_idx %arg12[%add3A_376, %broadcast_in_dim3A_457], %mul3A_459 : memref<80x80xf32, #tpu.memory_space<vmem>>[vector<16xi32>, vector<16xi32>], vector<16xf32>,
      %broadcast_in_dim3A_460 = arith.constant 64 : i32
      %broadcast_in_dim3A_461 = vector.broadcast %broadcast_in_dim3A_460 : i32 to vector<16xi32>
      tpu.vector_store_idx %arg12[%add3A_376, %broadcast_in_dim3A_461], %exp3A_395 : memref<80x80xf32, #tpu.memory_space<vmem>>[vector<16xi32>, vector<16xi32>], vector<16xf32>,
      %broadcast_in_dim3A_462 = arith.constant 1 : i32
      %broadcast_in_dim3A_463 = vector.broadcast %broadcast_in_dim3A_462 : i32 to vector<16xi32>
      %gather3A_464 = tpu.vector_load_idx %arg10[%add3A_376, %broadcast_in_dim3A_463] : memref<80x16xf32, #tpu.memory_space<vmem>>[vector<16xi32>, vector<16xi32>], vector<16xf32>,
      %broadcast_in_dim3A_465 = arith.constant 5 : i32
      %broadcast_in_dim3A_466 = vector.broadcast %broadcast_in_dim3A_465 : i32 to vector<16xi32>
      %gather3A_467 = tpu.vector_load_idx %arg11[%add3A_376, %broadcast_in_dim3A_466] : memref<80x16xf32, #tpu.memory_space<vmem>>[vector<16xi32>, vector<16xi32>], vector<16xf32>,
      %broadcast_in_dim3A_468 = arith.constant 9 : i32
      %broadcast_in_dim3A_469 = vector.broadcast %broadcast_in_dim3A_468 : i32 to vector<16xi32>
      %gather3A_470 = tpu.vector_load_idx %arg11[%add3A_376, %broadcast_in_dim3A_469] : memref<80x16xf32, #tpu.memory_space<vmem>>[vector<16xi32>, vector<16xi32>], vector<16xf32>,
      %add3A_471 = arith.addf %gather3A_464, %gather3A_467 : vector<16xf32>
      %ge3A_472 = arith.constant 0.000000e+00 : f32
      %ge3A_473 = vector.broadcast %ge3A_472 : f32 to vector<16xf32>
      %ge3A_474 = arith.cmpf oge, %add3A_471, %ge3A_473 : vector<16xf32>
      %mul3A_475 = arith.constant 2.000000e-01 : f32
      %mul3A_476 = vector.broadcast %mul3A_475 : f32 to vector<16xf32>
      %mul3A_477 = arith.mulf %mul3A_476, %add3A_471 : vector<16xf32>
      %select_n3A_478 = arith.select %ge3A_474, %add3A_471, %mul3A_477 : vector<16xi1>, vector<16xf32>
      %sub3A_479 = arith.subf %select_n3A_478, %gather3A_470 : vector<16xf32>
      %exp3A_480 = math.exp %sub3A_479 : vector<16xf32>
      %broadcast_in_dim3A_481 = arith.constant 16 : i32
      %broadcast_in_dim3A_482 = vector.broadcast %broadcast_in_dim3A_481 : i32 to vector<16xi32>
      %gather3A_483 = tpu.vector_load_idx %arg12[%add3A_376, %broadcast_in_dim3A_482] : memref<80x80xf32, #tpu.memory_space<vmem>>[vector<16xi32>, vector<16xi32>], vector<16xf32>,
      %mul3A_484 = arith.mulf %gather3A_483, %exp3A_480 : vector<16xf32>
      tpu.vector_store_idx %arg12[%add3A_376, %broadcast_in_dim3A_482], %mul3A_484 : memref<80x80xf32, #tpu.memory_space<vmem>>[vector<16xi32>, vector<16xi32>], vector<16xf32>,
      %broadcast_in_dim3A_485 = arith.constant 17 : i32
      %broadcast_in_dim3A_486 = vector.broadcast %broadcast_in_dim3A_485 : i32 to vector<16xi32>
      %gather3A_487 = tpu.vector_load_idx %arg12[%add3A_376, %broadcast_in_dim3A_486] : memref<80x80xf32, #tpu.memory_space<vmem>>[vector<16xi32>, vector<16xi32>], vector<16xf32>,
      %mul3A_488 = arith.mulf %gather3A_487, %exp3A_480 : vector<16xf32>
      tpu.vector_store_idx %arg12[%add3A_376, %broadcast_in_dim3A_486], %mul3A_488 : memref<80x80xf32, #tpu.memory_space<vmem>>[vector<16xi32>, vector<16xi32>], vector<16xf32>,
      %broadcast_in_dim3A_489 = arith.constant 18 : i32
      %broadcast_in_dim3A_490 = vector.broadcast %broadcast_in_dim3A_489 : i32 to vector<16xi32>
      %gather3A_491 = tpu.vector_load_idx %arg12[%add3A_376, %broadcast_in_dim3A_490] : memref<80x80xf32, #tpu.memory_space<vmem>>[vector<16xi32>, vector<16xi32>], vector<16xf32>,
      %mul3A_492 = arith.mulf %gather3A_491, %exp3A_480 : vector<16xf32>
      tpu.vector_store_idx %arg12[%add3A_376, %broadcast_in_dim3A_490], %mul3A_492 : memref<80x80xf32, #tpu.memory_space<vmem>>[vector<16xi32>, vector<16xi32>], vector<16xf32>,
      %broadcast_in_dim3A_493 = arith.constant 19 : i32
      %broadcast_in_dim3A_494 = vector.broadcast %broadcast_in_dim3A_493 : i32 to vector<16xi32>
      %gather3A_495 = tpu.vector_load_idx %arg12[%add3A_376, %broadcast_in_dim3A_494] : memref<80x80xf32, #tpu.memory_space<vmem>>[vector<16xi32>, vector<16xi32>], vector<16xf32>,
      %mul3A_496 = arith.mulf %gather3A_495, %exp3A_480 : vector<16xf32>
      tpu.vector_store_idx %arg12[%add3A_376, %broadcast_in_dim3A_494], %mul3A_496 : memref<80x80xf32, #tpu.memory_space<vmem>>[vector<16xi32>, vector<16xi32>], vector<16xf32>,
      %broadcast_in_dim3A_497 = arith.constant 20 : i32
      %broadcast_in_dim3A_498 = vector.broadcast %broadcast_in_dim3A_497 : i32 to vector<16xi32>
      %gather3A_499 = tpu.vector_load_idx %arg12[%add3A_376, %broadcast_in_dim3A_498] : memref<80x80xf32, #tpu.memory_space<vmem>>[vector<16xi32>, vector<16xi32>], vector<16xf32>,
      %mul3A_500 = arith.mulf %gather3A_499, %exp3A_480 : vector<16xf32>
      tpu.vector_store_idx %arg12[%add3A_376, %broadcast_in_dim3A_498], %mul3A_500 : memref<80x80xf32, #tpu.memory_space<vmem>>[vector<16xi32>, vector<16xi32>], vector<16xf32>,
      %broadcast_in_dim3A_501 = arith.constant 21 : i32
      %broadcast_in_dim3A_502 = vector.broadcast %broadcast_in_dim3A_501 : i32 to vector<16xi32>
      %gather3A_503 = tpu.vector_load_idx %arg12[%add3A_376, %broadcast_in_dim3A_502] : memref<80x80xf32, #tpu.memory_space<vmem>>[vector<16xi32>, vector<16xi32>], vector<16xf32>,
      %mul3A_504 = arith.mulf %gather3A_503, %exp3A_480 : vector<16xf32>
      tpu.vector_store_idx %arg12[%add3A_376, %broadcast_in_dim3A_502], %mul3A_504 : memref<80x80xf32, #tpu.memory_space<vmem>>[vector<16xi32>, vector<16xi32>], vector<16xf32>,
      %broadcast_in_dim3A_505 = arith.constant 22 : i32
      %broadcast_in_dim3A_506 = vector.broadcast %broadcast_in_dim3A_505 : i32 to vector<16xi32>
      %gather3A_507 = tpu.vector_load_idx %arg12[%add3A_376, %broadcast_in_dim3A_506] : memref<80x80xf32, #tpu.memory_space<vmem>>[vector<16xi32>, vector<16xi32>], vector<16xf32>,
      %mul3A_508 = arith.mulf %gather3A_507, %exp3A_480 : vector<16xf32>
      tpu.vector_store_idx %arg12[%add3A_376, %broadcast_in_dim3A_506], %mul3A_508 : memref<80x80xf32, #tpu.memory_space<vmem>>[vector<16xi32>, vector<16xi32>], vector<16xf32>,
      %broadcast_in_dim3A_509 = arith.constant 23 : i32
      %broadcast_in_dim3A_510 = vector.broadcast %broadcast_in_dim3A_509 : i32 to vector<16xi32>
      %gather3A_511 = tpu.vector_load_idx %arg12[%add3A_376, %broadcast_in_dim3A_510] : memref<80x80xf32, #tpu.memory_space<vmem>>[vector<16xi32>, vector<16xi32>], vector<16xf32>,
      %mul3A_512 = arith.mulf %gather3A_511, %exp3A_480 : vector<16xf32>
      tpu.vector_store_idx %arg12[%add3A_376, %broadcast_in_dim3A_510], %mul3A_512 : memref<80x80xf32, #tpu.memory_space<vmem>>[vector<16xi32>, vector<16xi32>], vector<16xf32>,
      %broadcast_in_dim3A_513 = arith.constant 24 : i32
      %broadcast_in_dim3A_514 = vector.broadcast %broadcast_in_dim3A_513 : i32 to vector<16xi32>
      %gather3A_515 = tpu.vector_load_idx %arg12[%add3A_376, %broadcast_in_dim3A_514] : memref<80x80xf32, #tpu.memory_space<vmem>>[vector<16xi32>, vector<16xi32>], vector<16xf32>,
      %mul3A_516 = arith.mulf %gather3A_515, %exp3A_480 : vector<16xf32>
      tpu.vector_store_idx %arg12[%add3A_376, %broadcast_in_dim3A_514], %mul3A_516 : memref<80x80xf32, #tpu.memory_space<vmem>>[vector<16xi32>, vector<16xi32>], vector<16xf32>,
      %broadcast_in_dim3A_517 = arith.constant 25 : i32
      %broadcast_in_dim3A_518 = vector.broadcast %broadcast_in_dim3A_517 : i32 to vector<16xi32>
      %gather3A_519 = tpu.vector_load_idx %arg12[%add3A_376, %broadcast_in_dim3A_518] : memref<80x80xf32, #tpu.memory_space<vmem>>[vector<16xi32>, vector<16xi32>], vector<16xf32>,
      %mul3A_520 = arith.mulf %gather3A_519, %exp3A_480 : vector<16xf32>
      tpu.vector_store_idx %arg12[%add3A_376, %broadcast_in_dim3A_518], %mul3A_520 : memref<80x80xf32, #tpu.memory_space<vmem>>[vector<16xi32>, vector<16xi32>], vector<16xf32>,
      %broadcast_in_dim3A_521 = arith.constant 26 : i32
      %broadcast_in_dim3A_522 = vector.broadcast %broadcast_in_dim3A_521 : i32 to vector<16xi32>
      %gather3A_523 = tpu.vector_load_idx %arg12[%add3A_376, %broadcast_in_dim3A_522] : memref<80x80xf32, #tpu.memory_space<vmem>>[vector<16xi32>, vector<16xi32>], vector<16xf32>,
      %mul3A_524 = arith.mulf %gather3A_523, %exp3A_480 : vector<16xf32>
      tpu.vector_store_idx %arg12[%add3A_376, %broadcast_in_dim3A_522], %mul3A_524 : memref<80x80xf32, #tpu.memory_space<vmem>>[vector<16xi32>, vector<16xi32>], vector<16xf32>,
      %broadcast_in_dim3A_525 = arith.constant 27 : i32
      %broadcast_in_dim3A_526 = vector.broadcast %broadcast_in_dim3A_525 : i32 to vector<16xi32>
      %gather3A_527 = tpu.vector_load_idx %arg12[%add3A_376, %broadcast_in_dim3A_526] : memref<80x80xf32, #tpu.memory_space<vmem>>[vector<16xi32>, vector<16xi32>], vector<16xf32>,
      %mul3A_528 = arith.mulf %gather3A_527, %exp3A_480 : vector<16xf32>
      tpu.vector_store_idx %arg12[%add3A_376, %broadcast_in_dim3A_526], %mul3A_528 : memref<80x80xf32, #tpu.memory_space<vmem>>[vector<16xi32>, vector<16xi32>], vector<16xf32>,
      %broadcast_in_dim3A_529 = arith.constant 28 : i32
      %broadcast_in_dim3A_530 = vector.broadcast %broadcast_in_dim3A_529 : i32 to vector<16xi32>
      %gather3A_531 = tpu.vector_load_idx %arg12[%add3A_376, %broadcast_in_dim3A_530] : memref<80x80xf32, #tpu.memory_space<vmem>>[vector<16xi32>, vector<16xi32>], vector<16xf32>,
      %mul3A_532 = arith.mulf %gather3A_531, %exp3A_480 : vector<16xf32>
      tpu.vector_store_idx %arg12[%add3A_376, %broadcast_in_dim3A_530], %mul3A_532 : memref<80x80xf32, #tpu.memory_space<vmem>>[vector<16xi32>, vector<16xi32>], vector<16xf32>,
      %broadcast_in_dim3A_533 = arith.constant 29 : i32
      %broadcast_in_dim3A_534 = vector.broadcast %broadcast_in_dim3A_533 : i32 to vector<16xi32>
      %gather3A_535 = tpu.vector_load_idx %arg12[%add3A_376, %broadcast_in_dim3A_534] : memref<80x80xf32, #tpu.memory_space<vmem>>[vector<16xi32>, vector<16xi32>], vector<16xf32>,
      %mul3A_536 = arith.mulf %gather3A_535, %exp3A_480 : vector<16xf32>
      tpu.vector_store_idx %arg12[%add3A_376, %broadcast_in_dim3A_534], %mul3A_536 : memref<80x80xf32, #tpu.memory_space<vmem>>[vector<16xi32>, vector<16xi32>], vector<16xf32>,
      %broadcast_in_dim3A_537 = arith.constant 30 : i32
      %broadcast_in_dim3A_538 = vector.broadcast %broadcast_in_dim3A_537 : i32 to vector<16xi32>
      %gather3A_539 = tpu.vector_load_idx %arg12[%add3A_376, %broadcast_in_dim3A_538] : memref<80x80xf32, #tpu.memory_space<vmem>>[vector<16xi32>, vector<16xi32>], vector<16xf32>,
      %mul3A_540 = arith.mulf %gather3A_539, %exp3A_480 : vector<16xf32>
      tpu.vector_store_idx %arg12[%add3A_376, %broadcast_in_dim3A_538], %mul3A_540 : memref<80x80xf32, #tpu.memory_space<vmem>>[vector<16xi32>, vector<16xi32>], vector<16xf32>,
      %broadcast_in_dim3A_541 = arith.constant 31 : i32
      %broadcast_in_dim3A_542 = vector.broadcast %broadcast_in_dim3A_541 : i32 to vector<16xi32>
      %gather3A_543 = tpu.vector_load_idx %arg12[%add3A_376, %broadcast_in_dim3A_542] : memref<80x80xf32, #tpu.memory_space<vmem>>[vector<16xi32>, vector<16xi32>], vector<16xf32>,
      %mul3A_544 = arith.mulf %gather3A_543, %exp3A_480 : vector<16xf32>
      tpu.vector_store_idx %arg12[%add3A_376, %broadcast_in_dim3A_542], %mul3A_544 : memref<80x80xf32, #tpu.memory_space<vmem>>[vector<16xi32>, vector<16xi32>], vector<16xf32>,
      %broadcast_in_dim3A_545 = arith.constant 65 : i32
      %broadcast_in_dim3A_546 = vector.broadcast %broadcast_in_dim3A_545 : i32 to vector<16xi32>
      tpu.vector_store_idx %arg12[%add3A_376, %broadcast_in_dim3A_546], %exp3A_480 : memref<80x80xf32, #tpu.memory_space<vmem>>[vector<16xi32>, vector<16xi32>], vector<16xf32>,
      %broadcast_in_dim3A_547 = arith.constant 2 : i32
      %broadcast_in_dim3A_548 = vector.broadcast %broadcast_in_dim3A_547 : i32 to vector<16xi32>
      %gather3A_549 = tpu.vector_load_idx %arg10[%add3A_376, %broadcast_in_dim3A_548] : memref<80x16xf32, #tpu.memory_space<vmem>>[vector<16xi32>, vector<16xi32>], vector<16xf32>,
      %broadcast_in_dim3A_550 = arith.constant 6 : i32
      %broadcast_in_dim3A_551 = vector.broadcast %broadcast_in_dim3A_550 : i32 to vector<16xi32>
      %gather3A_552 = tpu.vector_load_idx %arg11[%add3A_376, %broadcast_in_dim3A_551] : memref<80x16xf32, #tpu.memory_space<vmem>>[vector<16xi32>, vector<16xi32>], vector<16xf32>,
      %broadcast_in_dim3A_553 = arith.constant 10 : i32
      %broadcast_in_dim3A_554 = vector.broadcast %broadcast_in_dim3A_553 : i32 to vector<16xi32>
      %gather3A_555 = tpu.vector_load_idx %arg11[%add3A_376, %broadcast_in_dim3A_554] : memref<80x16xf32, #tpu.memory_space<vmem>>[vector<16xi32>, vector<16xi32>], vector<16xf32>,
      %add3A_556 = arith.addf %gather3A_549, %gather3A_552 : vector<16xf32>
      %ge3A_557 = arith.constant 0.000000e+00 : f32
      %ge3A_558 = vector.broadcast %ge3A_557 : f32 to vector<16xf32>
      %ge3A_559 = arith.cmpf oge, %add3A_556, %ge3A_558 : vector<16xf32>
      %mul3A_560 = arith.constant 2.000000e-01 : f32
      %mul3A_561 = vector.broadcast %mul3A_560 : f32 to vector<16xf32>
      %mul3A_562 = arith.mulf %mul3A_561, %add3A_556 : vector<16xf32>
      %select_n3A_563 = arith.select %ge3A_559, %add3A_556, %mul3A_562 : vector<16xi1>, vector<16xf32>
      %sub3A_564 = arith.subf %select_n3A_563, %gather3A_555 : vector<16xf32>
      %exp3A_565 = math.exp %sub3A_564 : vector<16xf32>
      %broadcast_in_dim3A_566 = arith.constant 32 : i32
      %broadcast_in_dim3A_567 = vector.broadcast %broadcast_in_dim3A_566 : i32 to vector<16xi32>
      %gather3A_568 = tpu.vector_load_idx %arg12[%add3A_376, %broadcast_in_dim3A_567] : memref<80x80xf32, #tpu.memory_space<vmem>>[vector<16xi32>, vector<16xi32>], vector<16xf32>,
      %mul3A_569 = arith.mulf %gather3A_568, %exp3A_565 : vector<16xf32>
      tpu.vector_store_idx %arg12[%add3A_376, %broadcast_in_dim3A_567], %mul3A_569 : memref<80x80xf32, #tpu.memory_space<vmem>>[vector<16xi32>, vector<16xi32>], vector<16xf32>,
      %broadcast_in_dim3A_570 = arith.constant 33 : i32
      %broadcast_in_dim3A_571 = vector.broadcast %broadcast_in_dim3A_570 : i32 to vector<16xi32>
      %gather3A_572 = tpu.vector_load_idx %arg12[%add3A_376, %broadcast_in_dim3A_571] : memref<80x80xf32, #tpu.memory_space<vmem>>[vector<16xi32>, vector<16xi32>], vector<16xf32>,
      %mul3A_573 = arith.mulf %gather3A_572, %exp3A_565 : vector<16xf32>
      tpu.vector_store_idx %arg12[%add3A_376, %broadcast_in_dim3A_571], %mul3A_573 : memref<80x80xf32, #tpu.memory_space<vmem>>[vector<16xi32>, vector<16xi32>], vector<16xf32>,
      %broadcast_in_dim3A_574 = arith.constant 34 : i32
      %broadcast_in_dim3A_575 = vector.broadcast %broadcast_in_dim3A_574 : i32 to vector<16xi32>
      %gather3A_576 = tpu.vector_load_idx %arg12[%add3A_376, %broadcast_in_dim3A_575] : memref<80x80xf32, #tpu.memory_space<vmem>>[vector<16xi32>, vector<16xi32>], vector<16xf32>,
      %mul3A_577 = arith.mulf %gather3A_576, %exp3A_565 : vector<16xf32>
      tpu.vector_store_idx %arg12[%add3A_376, %broadcast_in_dim3A_575], %mul3A_577 : memref<80x80xf32, #tpu.memory_space<vmem>>[vector<16xi32>, vector<16xi32>], vector<16xf32>,
      %broadcast_in_dim3A_578 = arith.constant 35 : i32
      %broadcast_in_dim3A_579 = vector.broadcast %broadcast_in_dim3A_578 : i32 to vector<16xi32>
      %gather3A_580 = tpu.vector_load_idx %arg12[%add3A_376, %broadcast_in_dim3A_579] : memref<80x80xf32, #tpu.memory_space<vmem>>[vector<16xi32>, vector<16xi32>], vector<16xf32>,
      %mul3A_581 = arith.mulf %gather3A_580, %exp3A_565 : vector<16xf32>
      tpu.vector_store_idx %arg12[%add3A_376, %broadcast_in_dim3A_579], %mul3A_581 : memref<80x80xf32, #tpu.memory_space<vmem>>[vector<16xi32>, vector<16xi32>], vector<16xf32>,
      %broadcast_in_dim3A_582 = arith.constant 36 : i32
      %broadcast_in_dim3A_583 = vector.broadcast %broadcast_in_dim3A_582 : i32 to vector<16xi32>
      %gather3A_584 = tpu.vector_load_idx %arg12[%add3A_376, %broadcast_in_dim3A_583] : memref<80x80xf32, #tpu.memory_space<vmem>>[vector<16xi32>, vector<16xi32>], vector<16xf32>,
      %mul3A_585 = arith.mulf %gather3A_584, %exp3A_565 : vector<16xf32>
      tpu.vector_store_idx %arg12[%add3A_376, %broadcast_in_dim3A_583], %mul3A_585 : memref<80x80xf32, #tpu.memory_space<vmem>>[vector<16xi32>, vector<16xi32>], vector<16xf32>,
      %broadcast_in_dim3A_586 = arith.constant 37 : i32
      %broadcast_in_dim3A_587 = vector.broadcast %broadcast_in_dim3A_586 : i32 to vector<16xi32>
      %gather3A_588 = tpu.vector_load_idx %arg12[%add3A_376, %broadcast_in_dim3A_587] : memref<80x80xf32, #tpu.memory_space<vmem>>[vector<16xi32>, vector<16xi32>], vector<16xf32>,
      %mul3A_589 = arith.mulf %gather3A_588, %exp3A_565 : vector<16xf32>
      tpu.vector_store_idx %arg12[%add3A_376, %broadcast_in_dim3A_587], %mul3A_589 : memref<80x80xf32, #tpu.memory_space<vmem>>[vector<16xi32>, vector<16xi32>], vector<16xf32>,
      %broadcast_in_dim3A_590 = arith.constant 38 : i32
      %broadcast_in_dim3A_591 = vector.broadcast %broadcast_in_dim3A_590 : i32 to vector<16xi32>
      %gather3A_592 = tpu.vector_load_idx %arg12[%add3A_376, %broadcast_in_dim3A_591] : memref<80x80xf32, #tpu.memory_space<vmem>>[vector<16xi32>, vector<16xi32>], vector<16xf32>,
      %mul3A_593 = arith.mulf %gather3A_592, %exp3A_565 : vector<16xf32>
      tpu.vector_store_idx %arg12[%add3A_376, %broadcast_in_dim3A_591], %mul3A_593 : memref<80x80xf32, #tpu.memory_space<vmem>>[vector<16xi32>, vector<16xi32>], vector<16xf32>,
      %broadcast_in_dim3A_594 = arith.constant 39 : i32
      %broadcast_in_dim3A_595 = vector.broadcast %broadcast_in_dim3A_594 : i32 to vector<16xi32>
      %gather3A_596 = tpu.vector_load_idx %arg12[%add3A_376, %broadcast_in_dim3A_595] : memref<80x80xf32, #tpu.memory_space<vmem>>[vector<16xi32>, vector<16xi32>], vector<16xf32>,
      %mul3A_597 = arith.mulf %gather3A_596, %exp3A_565 : vector<16xf32>
      tpu.vector_store_idx %arg12[%add3A_376, %broadcast_in_dim3A_595], %mul3A_597 : memref<80x80xf32, #tpu.memory_space<vmem>>[vector<16xi32>, vector<16xi32>], vector<16xf32>,
      %broadcast_in_dim3A_598 = arith.constant 40 : i32
      %broadcast_in_dim3A_599 = vector.broadcast %broadcast_in_dim3A_598 : i32 to vector<16xi32>
      %gather3A_600 = tpu.vector_load_idx %arg12[%add3A_376, %broadcast_in_dim3A_599] : memref<80x80xf32, #tpu.memory_space<vmem>>[vector<16xi32>, vector<16xi32>], vector<16xf32>,
      %mul3A_601 = arith.mulf %gather3A_600, %exp3A_565 : vector<16xf32>
      tpu.vector_store_idx %arg12[%add3A_376, %broadcast_in_dim3A_599], %mul3A_601 : memref<80x80xf32, #tpu.memory_space<vmem>>[vector<16xi32>, vector<16xi32>], vector<16xf32>,
      %broadcast_in_dim3A_602 = arith.constant 41 : i32
      %broadcast_in_dim3A_603 = vector.broadcast %broadcast_in_dim3A_602 : i32 to vector<16xi32>
      %gather3A_604 = tpu.vector_load_idx %arg12[%add3A_376, %broadcast_in_dim3A_603] : memref<80x80xf32, #tpu.memory_space<vmem>>[vector<16xi32>, vector<16xi32>], vector<16xf32>,
      %mul3A_605 = arith.mulf %gather3A_604, %exp3A_565 : vector<16xf32>
      tpu.vector_store_idx %arg12[%add3A_376, %broadcast_in_dim3A_603], %mul3A_605 : memref<80x80xf32, #tpu.memory_space<vmem>>[vector<16xi32>, vector<16xi32>], vector<16xf32>,
      %broadcast_in_dim3A_606 = arith.constant 42 : i32
      %broadcast_in_dim3A_607 = vector.broadcast %broadcast_in_dim3A_606 : i32 to vector<16xi32>
      %gather3A_608 = tpu.vector_load_idx %arg12[%add3A_376, %broadcast_in_dim3A_607] : memref<80x80xf32, #tpu.memory_space<vmem>>[vector<16xi32>, vector<16xi32>], vector<16xf32>,
      %mul3A_609 = arith.mulf %gather3A_608, %exp3A_565 : vector<16xf32>
      tpu.vector_store_idx %arg12[%add3A_376, %broadcast_in_dim3A_607], %mul3A_609 : memref<80x80xf32, #tpu.memory_space<vmem>>[vector<16xi32>, vector<16xi32>], vector<16xf32>,
      %broadcast_in_dim3A_610 = arith.constant 43 : i32
      %broadcast_in_dim3A_611 = vector.broadcast %broadcast_in_dim3A_610 : i32 to vector<16xi32>
      %gather3A_612 = tpu.vector_load_idx %arg12[%add3A_376, %broadcast_in_dim3A_611] : memref<80x80xf32, #tpu.memory_space<vmem>>[vector<16xi32>, vector<16xi32>], vector<16xf32>,
      %mul3A_613 = arith.mulf %gather3A_612, %exp3A_565 : vector<16xf32>
      tpu.vector_store_idx %arg12[%add3A_376, %broadcast_in_dim3A_611], %mul3A_613 : memref<80x80xf32, #tpu.memory_space<vmem>>[vector<16xi32>, vector<16xi32>], vector<16xf32>,
      %broadcast_in_dim3A_614 = arith.constant 44 : i32
      %broadcast_in_dim3A_615 = vector.broadcast %broadcast_in_dim3A_614 : i32 to vector<16xi32>
      %gather3A_616 = tpu.vector_load_idx %arg12[%add3A_376, %broadcast_in_dim3A_615] : memref<80x80xf32, #tpu.memory_space<vmem>>[vector<16xi32>, vector<16xi32>], vector<16xf32>,
      %mul3A_617 = arith.mulf %gather3A_616, %exp3A_565 : vector<16xf32>
      tpu.vector_store_idx %arg12[%add3A_376, %broadcast_in_dim3A_615], %mul3A_617 : memref<80x80xf32, #tpu.memory_space<vmem>>[vector<16xi32>, vector<16xi32>], vector<16xf32>,
      %broadcast_in_dim3A_618 = arith.constant 45 : i32
      %broadcast_in_dim3A_619 = vector.broadcast %broadcast_in_dim3A_618 : i32 to vector<16xi32>
      %gather3A_620 = tpu.vector_load_idx %arg12[%add3A_376, %broadcast_in_dim3A_619] : memref<80x80xf32, #tpu.memory_space<vmem>>[vector<16xi32>, vector<16xi32>], vector<16xf32>,
      %mul3A_621 = arith.mulf %gather3A_620, %exp3A_565 : vector<16xf32>
      tpu.vector_store_idx %arg12[%add3A_376, %broadcast_in_dim3A_619], %mul3A_621 : memref<80x80xf32, #tpu.memory_space<vmem>>[vector<16xi32>, vector<16xi32>], vector<16xf32>,
      %broadcast_in_dim3A_622 = arith.constant 46 : i32
      %broadcast_in_dim3A_623 = vector.broadcast %broadcast_in_dim3A_622 : i32 to vector<16xi32>
      %gather3A_624 = tpu.vector_load_idx %arg12[%add3A_376, %broadcast_in_dim3A_623] : memref<80x80xf32, #tpu.memory_space<vmem>>[vector<16xi32>, vector<16xi32>], vector<16xf32>,
      %mul3A_625 = arith.mulf %gather3A_624, %exp3A_565 : vector<16xf32>
      tpu.vector_store_idx %arg12[%add3A_376, %broadcast_in_dim3A_623], %mul3A_625 : memref<80x80xf32, #tpu.memory_space<vmem>>[vector<16xi32>, vector<16xi32>], vector<16xf32>,
      %broadcast_in_dim3A_626 = arith.constant 47 : i32
      %broadcast_in_dim3A_627 = vector.broadcast %broadcast_in_dim3A_626 : i32 to vector<16xi32>
      %gather3A_628 = tpu.vector_load_idx %arg12[%add3A_376, %broadcast_in_dim3A_627] : memref<80x80xf32, #tpu.memory_space<vmem>>[vector<16xi32>, vector<16xi32>], vector<16xf32>,
      %mul3A_629 = arith.mulf %gather3A_628, %exp3A_565 : vector<16xf32>
      tpu.vector_store_idx %arg12[%add3A_376, %broadcast_in_dim3A_627], %mul3A_629 : memref<80x80xf32, #tpu.memory_space<vmem>>[vector<16xi32>, vector<16xi32>], vector<16xf32>,
      %broadcast_in_dim3A_630 = arith.constant 66 : i32
      %broadcast_in_dim3A_631 = vector.broadcast %broadcast_in_dim3A_630 : i32 to vector<16xi32>
      tpu.vector_store_idx %arg12[%add3A_376, %broadcast_in_dim3A_631], %exp3A_565 : memref<80x80xf32, #tpu.memory_space<vmem>>[vector<16xi32>, vector<16xi32>], vector<16xf32>,
      %broadcast_in_dim3A_632 = arith.constant 3 : i32
      %broadcast_in_dim3A_633 = vector.broadcast %broadcast_in_dim3A_632 : i32 to vector<16xi32>
      %gather3A_634 = tpu.vector_load_idx %arg10[%add3A_376, %broadcast_in_dim3A_633] : memref<80x16xf32, #tpu.memory_space<vmem>>[vector<16xi32>, vector<16xi32>], vector<16xf32>,
      %broadcast_in_dim3A_635 = arith.constant 7 : i32
      %broadcast_in_dim3A_636 = vector.broadcast %broadcast_in_dim3A_635 : i32 to vector<16xi32>
      %gather3A_637 = tpu.vector_load_idx %arg11[%add3A_376, %broadcast_in_dim3A_636] : memref<80x16xf32, #tpu.memory_space<vmem>>[vector<16xi32>, vector<16xi32>], vector<16xf32>,
      %broadcast_in_dim3A_638 = arith.constant 11 : i32
      %broadcast_in_dim3A_639 = vector.broadcast %broadcast_in_dim3A_638 : i32 to vector<16xi32>
      %gather3A_640 = tpu.vector_load_idx %arg11[%add3A_376, %broadcast_in_dim3A_639] : memref<80x16xf32, #tpu.memory_space<vmem>>[vector<16xi32>, vector<16xi32>], vector<16xf32>,
      %add3A_641 = arith.addf %gather3A_634, %gather3A_637 : vector<16xf32>
      %ge3A_642 = arith.constant 0.000000e+00 : f32
      %ge3A_643 = vector.broadcast %ge3A_642 : f32 to vector<16xf32>
      %ge3A_644 = arith.cmpf oge, %add3A_641, %ge3A_643 : vector<16xf32>
      %mul3A_645 = arith.constant 2.000000e-01 : f32
      %mul3A_646 = vector.broadcast %mul3A_645 : f32 to vector<16xf32>
      %mul3A_647 = arith.mulf %mul3A_646, %add3A_641 : vector<16xf32>
      %select_n3A_648 = arith.select %ge3A_644, %add3A_641, %mul3A_647 : vector<16xi1>, vector<16xf32>
      %sub3A_649 = arith.subf %select_n3A_648, %gather3A_640 : vector<16xf32>
      %exp3A_650 = math.exp %sub3A_649 : vector<16xf32>
      %broadcast_in_dim3A_651 = arith.constant 48 : i32
      %broadcast_in_dim3A_652 = vector.broadcast %broadcast_in_dim3A_651 : i32 to vector<16xi32>
      %gather3A_653 = tpu.vector_load_idx %arg12[%add3A_376, %broadcast_in_dim3A_652] : memref<80x80xf32, #tpu.memory_space<vmem>>[vector<16xi32>, vector<16xi32>], vector<16xf32>,
      %mul3A_654 = arith.mulf %gather3A_653, %exp3A_650 : vector<16xf32>
      tpu.vector_store_idx %arg12[%add3A_376, %broadcast_in_dim3A_652], %mul3A_654 : memref<80x80xf32, #tpu.memory_space<vmem>>[vector<16xi32>, vector<16xi32>], vector<16xf32>,
      %broadcast_in_dim3A_655 = arith.constant 49 : i32
      %broadcast_in_dim3A_656 = vector.broadcast %broadcast_in_dim3A_655 : i32 to vector<16xi32>
      %gather3A_657 = tpu.vector_load_idx %arg12[%add3A_376, %broadcast_in_dim3A_656] : memref<80x80xf32, #tpu.memory_space<vmem>>[vector<16xi32>, vector<16xi32>], vector<16xf32>,
      %mul3A_658 = arith.mulf %gather3A_657, %exp3A_650 : vector<16xf32>
      tpu.vector_store_idx %arg12[%add3A_376, %broadcast_in_dim3A_656], %mul3A_658 : memref<80x80xf32, #tpu.memory_space<vmem>>[vector<16xi32>, vector<16xi32>], vector<16xf32>,
      %broadcast_in_dim3A_659 = arith.constant 50 : i32
      %broadcast_in_dim3A_660 = vector.broadcast %broadcast_in_dim3A_659 : i32 to vector<16xi32>
      %gather3A_661 = tpu.vector_load_idx %arg12[%add3A_376, %broadcast_in_dim3A_660] : memref<80x80xf32, #tpu.memory_space<vmem>>[vector<16xi32>, vector<16xi32>], vector<16xf32>,
      %mul3A_662 = arith.mulf %gather3A_661, %exp3A_650 : vector<16xf32>
      tpu.vector_store_idx %arg12[%add3A_376, %broadcast_in_dim3A_660], %mul3A_662 : memref<80x80xf32, #tpu.memory_space<vmem>>[vector<16xi32>, vector<16xi32>], vector<16xf32>,
      %broadcast_in_dim3A_663 = arith.constant 51 : i32
      %broadcast_in_dim3A_664 = vector.broadcast %broadcast_in_dim3A_663 : i32 to vector<16xi32>
      %gather3A_665 = tpu.vector_load_idx %arg12[%add3A_376, %broadcast_in_dim3A_664] : memref<80x80xf32, #tpu.memory_space<vmem>>[vector<16xi32>, vector<16xi32>], vector<16xf32>,
      %mul3A_666 = arith.mulf %gather3A_665, %exp3A_650 : vector<16xf32>
      tpu.vector_store_idx %arg12[%add3A_376, %broadcast_in_dim3A_664], %mul3A_666 : memref<80x80xf32, #tpu.memory_space<vmem>>[vector<16xi32>, vector<16xi32>], vector<16xf32>,
      %broadcast_in_dim3A_667 = arith.constant 52 : i32
      %broadcast_in_dim3A_668 = vector.broadcast %broadcast_in_dim3A_667 : i32 to vector<16xi32>
      %gather3A_669 = tpu.vector_load_idx %arg12[%add3A_376, %broadcast_in_dim3A_668] : memref<80x80xf32, #tpu.memory_space<vmem>>[vector<16xi32>, vector<16xi32>], vector<16xf32>,
      %mul3A_670 = arith.mulf %gather3A_669, %exp3A_650 : vector<16xf32>
      tpu.vector_store_idx %arg12[%add3A_376, %broadcast_in_dim3A_668], %mul3A_670 : memref<80x80xf32, #tpu.memory_space<vmem>>[vector<16xi32>, vector<16xi32>], vector<16xf32>,
      %broadcast_in_dim3A_671 = arith.constant 53 : i32
      %broadcast_in_dim3A_672 = vector.broadcast %broadcast_in_dim3A_671 : i32 to vector<16xi32>
      %gather3A_673 = tpu.vector_load_idx %arg12[%add3A_376, %broadcast_in_dim3A_672] : memref<80x80xf32, #tpu.memory_space<vmem>>[vector<16xi32>, vector<16xi32>], vector<16xf32>,
      %mul3A_674 = arith.mulf %gather3A_673, %exp3A_650 : vector<16xf32>
      tpu.vector_store_idx %arg12[%add3A_376, %broadcast_in_dim3A_672], %mul3A_674 : memref<80x80xf32, #tpu.memory_space<vmem>>[vector<16xi32>, vector<16xi32>], vector<16xf32>,
      %broadcast_in_dim3A_675 = arith.constant 54 : i32
      %broadcast_in_dim3A_676 = vector.broadcast %broadcast_in_dim3A_675 : i32 to vector<16xi32>
      %gather3A_677 = tpu.vector_load_idx %arg12[%add3A_376, %broadcast_in_dim3A_676] : memref<80x80xf32, #tpu.memory_space<vmem>>[vector<16xi32>, vector<16xi32>], vector<16xf32>,
      %mul3A_678 = arith.mulf %gather3A_677, %exp3A_650 : vector<16xf32>
      tpu.vector_store_idx %arg12[%add3A_376, %broadcast_in_dim3A_676], %mul3A_678 : memref<80x80xf32, #tpu.memory_space<vmem>>[vector<16xi32>, vector<16xi32>], vector<16xf32>,
      %broadcast_in_dim3A_679 = arith.constant 55 : i32
      %broadcast_in_dim3A_680 = vector.broadcast %broadcast_in_dim3A_679 : i32 to vector<16xi32>
      %gather3A_681 = tpu.vector_load_idx %arg12[%add3A_376, %broadcast_in_dim3A_680] : memref<80x80xf32, #tpu.memory_space<vmem>>[vector<16xi32>, vector<16xi32>], vector<16xf32>,
      %mul3A_682 = arith.mulf %gather3A_681, %exp3A_650 : vector<16xf32>
      tpu.vector_store_idx %arg12[%add3A_376, %broadcast_in_dim3A_680], %mul3A_682 : memref<80x80xf32, #tpu.memory_space<vmem>>[vector<16xi32>, vector<16xi32>], vector<16xf32>,
      %broadcast_in_dim3A_683 = arith.constant 56 : i32
      %broadcast_in_dim3A_684 = vector.broadcast %broadcast_in_dim3A_683 : i32 to vector<16xi32>
      %gather3A_685 = tpu.vector_load_idx %arg12[%add3A_376, %broadcast_in_dim3A_684] : memref<80x80xf32, #tpu.memory_space<vmem>>[vector<16xi32>, vector<16xi32>], vector<16xf32>,
      %mul3A_686 = arith.mulf %gather3A_685, %exp3A_650 : vector<16xf32>
      tpu.vector_store_idx %arg12[%add3A_376, %broadcast_in_dim3A_684], %mul3A_686 : memref<80x80xf32, #tpu.memory_space<vmem>>[vector<16xi32>, vector<16xi32>], vector<16xf32>,
      %broadcast_in_dim3A_687 = arith.constant 57 : i32
      %broadcast_in_dim3A_688 = vector.broadcast %broadcast_in_dim3A_687 : i32 to vector<16xi32>
      %gather3A_689 = tpu.vector_load_idx %arg12[%add3A_376, %broadcast_in_dim3A_688] : memref<80x80xf32, #tpu.memory_space<vmem>>[vector<16xi32>, vector<16xi32>], vector<16xf32>,
      %mul3A_690 = arith.mulf %gather3A_689, %exp3A_650 : vector<16xf32>
      tpu.vector_store_idx %arg12[%add3A_376, %broadcast_in_dim3A_688], %mul3A_690 : memref<80x80xf32, #tpu.memory_space<vmem>>[vector<16xi32>, vector<16xi32>], vector<16xf32>,
      %broadcast_in_dim3A_691 = arith.constant 58 : i32
      %broadcast_in_dim3A_692 = vector.broadcast %broadcast_in_dim3A_691 : i32 to vector<16xi32>
      %gather3A_693 = tpu.vector_load_idx %arg12[%add3A_376, %broadcast_in_dim3A_692] : memref<80x80xf32, #tpu.memory_space<vmem>>[vector<16xi32>, vector<16xi32>], vector<16xf32>,
      %mul3A_694 = arith.mulf %gather3A_693, %exp3A_650 : vector<16xf32>
      tpu.vector_store_idx %arg12[%add3A_376, %broadcast_in_dim3A_692], %mul3A_694 : memref<80x80xf32, #tpu.memory_space<vmem>>[vector<16xi32>, vector<16xi32>], vector<16xf32>,
      %broadcast_in_dim3A_695 = arith.constant 59 : i32
      %broadcast_in_dim3A_696 = vector.broadcast %broadcast_in_dim3A_695 : i32 to vector<16xi32>
      %gather3A_697 = tpu.vector_load_idx %arg12[%add3A_376, %broadcast_in_dim3A_696] : memref<80x80xf32, #tpu.memory_space<vmem>>[vector<16xi32>, vector<16xi32>], vector<16xf32>,
      %mul3A_698 = arith.mulf %gather3A_697, %exp3A_650 : vector<16xf32>
      tpu.vector_store_idx %arg12[%add3A_376, %broadcast_in_dim3A_696], %mul3A_698 : memref<80x80xf32, #tpu.memory_space<vmem>>[vector<16xi32>, vector<16xi32>], vector<16xf32>,
      %broadcast_in_dim3A_699 = arith.constant 60 : i32
      %broadcast_in_dim3A_700 = vector.broadcast %broadcast_in_dim3A_699 : i32 to vector<16xi32>
      %gather3A_701 = tpu.vector_load_idx %arg12[%add3A_376, %broadcast_in_dim3A_700] : memref<80x80xf32, #tpu.memory_space<vmem>>[vector<16xi32>, vector<16xi32>], vector<16xf32>,
      %mul3A_702 = arith.mulf %gather3A_701, %exp3A_650 : vector<16xf32>
      tpu.vector_store_idx %arg12[%add3A_376, %broadcast_in_dim3A_700], %mul3A_702 : memref<80x80xf32, #tpu.memory_space<vmem>>[vector<16xi32>, vector<16xi32>], vector<16xf32>,
      %broadcast_in_dim3A_703 = arith.constant 61 : i32
      %broadcast_in_dim3A_704 = vector.broadcast %broadcast_in_dim3A_703 : i32 to vector<16xi32>
      %gather3A_705 = tpu.vector_load_idx %arg12[%add3A_376, %broadcast_in_dim3A_704] : memref<80x80xf32, #tpu.memory_space<vmem>>[vector<16xi32>, vector<16xi32>], vector<16xf32>,
      %mul3A_706 = arith.mulf %gather3A_705, %exp3A_650 : vector<16xf32>
      tpu.vector_store_idx %arg12[%add3A_376, %broadcast_in_dim3A_704], %mul3A_706 : memref<80x80xf32, #tpu.memory_space<vmem>>[vector<16xi32>, vector<16xi32>], vector<16xf32>,
      %broadcast_in_dim3A_707 = arith.constant 62 : i32
      %broadcast_in_dim3A_708 = vector.broadcast %broadcast_in_dim3A_707 : i32 to vector<16xi32>
      %gather3A_709 = tpu.vector_load_idx %arg12[%add3A_376, %broadcast_in_dim3A_708] : memref<80x80xf32, #tpu.memory_space<vmem>>[vector<16xi32>, vector<16xi32>], vector<16xf32>,
      %mul3A_710 = arith.mulf %gather3A_709, %exp3A_650 : vector<16xf32>
      tpu.vector_store_idx %arg12[%add3A_376, %broadcast_in_dim3A_708], %mul3A_710 : memref<80x80xf32, #tpu.memory_space<vmem>>[vector<16xi32>, vector<16xi32>], vector<16xf32>,
      %broadcast_in_dim3A_711 = arith.constant 63 : i32
      %broadcast_in_dim3A_712 = vector.broadcast %broadcast_in_dim3A_711 : i32 to vector<16xi32>
      %gather3A_713 = tpu.vector_load_idx %arg12[%add3A_376, %broadcast_in_dim3A_712] : memref<80x80xf32, #tpu.memory_space<vmem>>[vector<16xi32>, vector<16xi32>], vector<16xf32>,
      %mul3A_714 = arith.mulf %gather3A_713, %exp3A_650 : vector<16xf32>
      tpu.vector_store_idx %arg12[%add3A_376, %broadcast_in_dim3A_712], %mul3A_714 : memref<80x80xf32, #tpu.memory_space<vmem>>[vector<16xi32>, vector<16xi32>], vector<16xf32>,
      %broadcast_in_dim3A_715 = arith.constant 67 : i32
      %broadcast_in_dim3A_716 = vector.broadcast %broadcast_in_dim3A_715 : i32 to vector<16xi32>
      tpu.vector_store_idx %arg12[%add3A_376, %broadcast_in_dim3A_716], %exp3A_650 : memref<80x80xf32, #tpu.memory_space<vmem>>[vector<16xi32>, vector<16xi32>], vector<16xf32>,
      %add3A_717 = arith.constant 32 : i32
      %add3A_718 = vector.broadcast %add3A_717 : i32 to vector<16xi32>
      %add3A_719 = arith.addi %iota3A, %add3A_718 : vector<16xi32>
      %broadcast_in_dim3A_720 = arith.constant 0 : i32
      %broadcast_in_dim3A_721 = vector.broadcast %broadcast_in_dim3A_720 : i32 to vector<16xi32>
      %gather3A_722 = tpu.vector_load_idx %arg10[%add3A_719, %broadcast_in_dim3A_721] : memref<80x16xf32, #tpu.memory_space<vmem>>[vector<16xi32>, vector<16xi32>], vector<16xf32>,
      %broadcast_in_dim3A_723 = arith.constant 4 : i32
      %broadcast_in_dim3A_724 = vector.broadcast %broadcast_in_dim3A_723 : i32 to vector<16xi32>
      %gather3A_725 = tpu.vector_load_idx %arg11[%add3A_719, %broadcast_in_dim3A_724] : memref<80x16xf32, #tpu.memory_space<vmem>>[vector<16xi32>, vector<16xi32>], vector<16xf32>,
      %broadcast_in_dim3A_726 = arith.constant 8 : i32
      %broadcast_in_dim3A_727 = vector.broadcast %broadcast_in_dim3A_726 : i32 to vector<16xi32>
      %gather3A_728 = tpu.vector_load_idx %arg11[%add3A_719, %broadcast_in_dim3A_727] : memref<80x16xf32, #tpu.memory_space<vmem>>[vector<16xi32>, vector<16xi32>], vector<16xf32>,
      %add3A_729 = arith.addf %gather3A_722, %gather3A_725 : vector<16xf32>
      %ge3A_730 = arith.constant 0.000000e+00 : f32
      %ge3A_731 = vector.broadcast %ge3A_730 : f32 to vector<16xf32>
      %ge3A_732 = arith.cmpf oge, %add3A_729, %ge3A_731 : vector<16xf32>
      %mul3A_733 = arith.constant 2.000000e-01 : f32
      %mul3A_734 = vector.broadcast %mul3A_733 : f32 to vector<16xf32>
      %mul3A_735 = arith.mulf %mul3A_734, %add3A_729 : vector<16xf32>
      %select_n3A_736 = arith.select %ge3A_732, %add3A_729, %mul3A_735 : vector<16xi1>, vector<16xf32>
      %sub3A_737 = arith.subf %select_n3A_736, %gather3A_728 : vector<16xf32>
      %exp3A_738 = math.exp %sub3A_737 : vector<16xf32>
      %broadcast_in_dim3A_739 = arith.constant 0 : i32
      %broadcast_in_dim3A_740 = vector.broadcast %broadcast_in_dim3A_739 : i32 to vector<16xi32>
      %gather3A_741 = tpu.vector_load_idx %arg12[%add3A_719, %broadcast_in_dim3A_740] : memref<80x80xf32, #tpu.memory_space<vmem>>[vector<16xi32>, vector<16xi32>], vector<16xf32>,
      %mul3A_742 = arith.mulf %gather3A_741, %exp3A_738 : vector<16xf32>
      tpu.vector_store_idx %arg12[%add3A_719, %broadcast_in_dim3A_740], %mul3A_742 : memref<80x80xf32, #tpu.memory_space<vmem>>[vector<16xi32>, vector<16xi32>], vector<16xf32>,
      %broadcast_in_dim3A_743 = arith.constant 1 : i32
      %broadcast_in_dim3A_744 = vector.broadcast %broadcast_in_dim3A_743 : i32 to vector<16xi32>
      %gather3A_745 = tpu.vector_load_idx %arg12[%add3A_719, %broadcast_in_dim3A_744] : memref<80x80xf32, #tpu.memory_space<vmem>>[vector<16xi32>, vector<16xi32>], vector<16xf32>,
      %mul3A_746 = arith.mulf %gather3A_745, %exp3A_738 : vector<16xf32>
      tpu.vector_store_idx %arg12[%add3A_719, %broadcast_in_dim3A_744], %mul3A_746 : memref<80x80xf32, #tpu.memory_space<vmem>>[vector<16xi32>, vector<16xi32>], vector<16xf32>,
      %broadcast_in_dim3A_747 = arith.constant 2 : i32
      %broadcast_in_dim3A_748 = vector.broadcast %broadcast_in_dim3A_747 : i32 to vector<16xi32>
      %gather3A_749 = tpu.vector_load_idx %arg12[%add3A_719, %broadcast_in_dim3A_748] : memref<80x80xf32, #tpu.memory_space<vmem>>[vector<16xi32>, vector<16xi32>], vector<16xf32>,
      %mul3A_750 = arith.mulf %gather3A_749, %exp3A_738 : vector<16xf32>
      tpu.vector_store_idx %arg12[%add3A_719, %broadcast_in_dim3A_748], %mul3A_750 : memref<80x80xf32, #tpu.memory_space<vmem>>[vector<16xi32>, vector<16xi32>], vector<16xf32>,
      %broadcast_in_dim3A_751 = arith.constant 3 : i32
      %broadcast_in_dim3A_752 = vector.broadcast %broadcast_in_dim3A_751 : i32 to vector<16xi32>
      %gather3A_753 = tpu.vector_load_idx %arg12[%add3A_719, %broadcast_in_dim3A_752] : memref<80x80xf32, #tpu.memory_space<vmem>>[vector<16xi32>, vector<16xi32>], vector<16xf32>,
      %mul3A_754 = arith.mulf %gather3A_753, %exp3A_738 : vector<16xf32>
      tpu.vector_store_idx %arg12[%add3A_719, %broadcast_in_dim3A_752], %mul3A_754 : memref<80x80xf32, #tpu.memory_space<vmem>>[vector<16xi32>, vector<16xi32>], vector<16xf32>,
      %broadcast_in_dim3A_755 = arith.constant 4 : i32
      %broadcast_in_dim3A_756 = vector.broadcast %broadcast_in_dim3A_755 : i32 to vector<16xi32>
      %gather3A_757 = tpu.vector_load_idx %arg12[%add3A_719, %broadcast_in_dim3A_756] : memref<80x80xf32, #tpu.memory_space<vmem>>[vector<16xi32>, vector<16xi32>], vector<16xf32>,
      %mul3A_758 = arith.mulf %gather3A_757, %exp3A_738 : vector<16xf32>
      tpu.vector_store_idx %arg12[%add3A_719, %broadcast_in_dim3A_756], %mul3A_758 : memref<80x80xf32, #tpu.memory_space<vmem>>[vector<16xi32>, vector<16xi32>], vector<16xf32>,
      %broadcast_in_dim3A_759 = arith.constant 5 : i32
      %broadcast_in_dim3A_760 = vector.broadcast %broadcast_in_dim3A_759 : i32 to vector<16xi32>
      %gather3A_761 = tpu.vector_load_idx %arg12[%add3A_719, %broadcast_in_dim3A_760] : memref<80x80xf32, #tpu.memory_space<vmem>>[vector<16xi32>, vector<16xi32>], vector<16xf32>,
      %mul3A_762 = arith.mulf %gather3A_761, %exp3A_738 : vector<16xf32>
      tpu.vector_store_idx %arg12[%add3A_719, %broadcast_in_dim3A_760], %mul3A_762 : memref<80x80xf32, #tpu.memory_space<vmem>>[vector<16xi32>, vector<16xi32>], vector<16xf32>,
      %broadcast_in_dim3A_763 = arith.constant 6 : i32
      %broadcast_in_dim3A_764 = vector.broadcast %broadcast_in_dim3A_763 : i32 to vector<16xi32>
      %gather3A_765 = tpu.vector_load_idx %arg12[%add3A_719, %broadcast_in_dim3A_764] : memref<80x80xf32, #tpu.memory_space<vmem>>[vector<16xi32>, vector<16xi32>], vector<16xf32>,
      %mul3A_766 = arith.mulf %gather3A_765, %exp3A_738 : vector<16xf32>
      tpu.vector_store_idx %arg12[%add3A_719, %broadcast_in_dim3A_764], %mul3A_766 : memref<80x80xf32, #tpu.memory_space<vmem>>[vector<16xi32>, vector<16xi32>], vector<16xf32>,
      %broadcast_in_dim3A_767 = arith.constant 7 : i32
      %broadcast_in_dim3A_768 = vector.broadcast %broadcast_in_dim3A_767 : i32 to vector<16xi32>
      %gather3A_769 = tpu.vector_load_idx %arg12[%add3A_719, %broadcast_in_dim3A_768] : memref<80x80xf32, #tpu.memory_space<vmem>>[vector<16xi32>, vector<16xi32>], vector<16xf32>,
      %mul3A_770 = arith.mulf %gather3A_769, %exp3A_738 : vector<16xf32>
      tpu.vector_store_idx %arg12[%add3A_719, %broadcast_in_dim3A_768], %mul3A_770 : memref<80x80xf32, #tpu.memory_space<vmem>>[vector<16xi32>, vector<16xi32>], vector<16xf32>,
      %broadcast_in_dim3A_771 = arith.constant 8 : i32
      %broadcast_in_dim3A_772 = vector.broadcast %broadcast_in_dim3A_771 : i32 to vector<16xi32>
      %gather3A_773 = tpu.vector_load_idx %arg12[%add3A_719, %broadcast_in_dim3A_772] : memref<80x80xf32, #tpu.memory_space<vmem>>[vector<16xi32>, vector<16xi32>], vector<16xf32>,
      %mul3A_774 = arith.mulf %gather3A_773, %exp3A_738 : vector<16xf32>
      tpu.vector_store_idx %arg12[%add3A_719, %broadcast_in_dim3A_772], %mul3A_774 : memref<80x80xf32, #tpu.memory_space<vmem>>[vector<16xi32>, vector<16xi32>], vector<16xf32>,
      %broadcast_in_dim3A_775 = arith.constant 9 : i32
      %broadcast_in_dim3A_776 = vector.broadcast %broadcast_in_dim3A_775 : i32 to vector<16xi32>
      %gather3A_777 = tpu.vector_load_idx %arg12[%add3A_719, %broadcast_in_dim3A_776] : memref<80x80xf32, #tpu.memory_space<vmem>>[vector<16xi32>, vector<16xi32>], vector<16xf32>,
      %mul3A_778 = arith.mulf %gather3A_777, %exp3A_738 : vector<16xf32>
      tpu.vector_store_idx %arg12[%add3A_719, %broadcast_in_dim3A_776], %mul3A_778 : memref<80x80xf32, #tpu.memory_space<vmem>>[vector<16xi32>, vector<16xi32>], vector<16xf32>,
      %broadcast_in_dim3A_779 = arith.constant 10 : i32
      %broadcast_in_dim3A_780 = vector.broadcast %broadcast_in_dim3A_779 : i32 to vector<16xi32>
      %gather3A_781 = tpu.vector_load_idx %arg12[%add3A_719, %broadcast_in_dim3A_780] : memref<80x80xf32, #tpu.memory_space<vmem>>[vector<16xi32>, vector<16xi32>], vector<16xf32>,
      %mul3A_782 = arith.mulf %gather3A_781, %exp3A_738 : vector<16xf32>
      tpu.vector_store_idx %arg12[%add3A_719, %broadcast_in_dim3A_780], %mul3A_782 : memref<80x80xf32, #tpu.memory_space<vmem>>[vector<16xi32>, vector<16xi32>], vector<16xf32>,
      %broadcast_in_dim3A_783 = arith.constant 11 : i32
      %broadcast_in_dim3A_784 = vector.broadcast %broadcast_in_dim3A_783 : i32 to vector<16xi32>
      %gather3A_785 = tpu.vector_load_idx %arg12[%add3A_719, %broadcast_in_dim3A_784] : memref<80x80xf32, #tpu.memory_space<vmem>>[vector<16xi32>, vector<16xi32>], vector<16xf32>,
      %mul3A_786 = arith.mulf %gather3A_785, %exp3A_738 : vector<16xf32>
      tpu.vector_store_idx %arg12[%add3A_719, %broadcast_in_dim3A_784], %mul3A_786 : memref<80x80xf32, #tpu.memory_space<vmem>>[vector<16xi32>, vector<16xi32>], vector<16xf32>,
      %broadcast_in_dim3A_787 = arith.constant 12 : i32
      %broadcast_in_dim3A_788 = vector.broadcast %broadcast_in_dim3A_787 : i32 to vector<16xi32>
      %gather3A_789 = tpu.vector_load_idx %arg12[%add3A_719, %broadcast_in_dim3A_788] : memref<80x80xf32, #tpu.memory_space<vmem>>[vector<16xi32>, vector<16xi32>], vector<16xf32>,
      %mul3A_790 = arith.mulf %gather3A_789, %exp3A_738 : vector<16xf32>
      tpu.vector_store_idx %arg12[%add3A_719, %broadcast_in_dim3A_788], %mul3A_790 : memref<80x80xf32, #tpu.memory_space<vmem>>[vector<16xi32>, vector<16xi32>], vector<16xf32>,
      %broadcast_in_dim3A_791 = arith.constant 13 : i32
      %broadcast_in_dim3A_792 = vector.broadcast %broadcast_in_dim3A_791 : i32 to vector<16xi32>
      %gather3A_793 = tpu.vector_load_idx %arg12[%add3A_719, %broadcast_in_dim3A_792] : memref<80x80xf32, #tpu.memory_space<vmem>>[vector<16xi32>, vector<16xi32>], vector<16xf32>,
      %mul3A_794 = arith.mulf %gather3A_793, %exp3A_738 : vector<16xf32>
      tpu.vector_store_idx %arg12[%add3A_719, %broadcast_in_dim3A_792], %mul3A_794 : memref<80x80xf32, #tpu.memory_space<vmem>>[vector<16xi32>, vector<16xi32>], vector<16xf32>,
      %broadcast_in_dim3A_795 = arith.constant 14 : i32
      %broadcast_in_dim3A_796 = vector.broadcast %broadcast_in_dim3A_795 : i32 to vector<16xi32>
      %gather3A_797 = tpu.vector_load_idx %arg12[%add3A_719, %broadcast_in_dim3A_796] : memref<80x80xf32, #tpu.memory_space<vmem>>[vector<16xi32>, vector<16xi32>], vector<16xf32>,
      %mul3A_798 = arith.mulf %gather3A_797, %exp3A_738 : vector<16xf32>
      tpu.vector_store_idx %arg12[%add3A_719, %broadcast_in_dim3A_796], %mul3A_798 : memref<80x80xf32, #tpu.memory_space<vmem>>[vector<16xi32>, vector<16xi32>], vector<16xf32>,
      %broadcast_in_dim3A_799 = arith.constant 15 : i32
      %broadcast_in_dim3A_800 = vector.broadcast %broadcast_in_dim3A_799 : i32 to vector<16xi32>
      %gather3A_801 = tpu.vector_load_idx %arg12[%add3A_719, %broadcast_in_dim3A_800] : memref<80x80xf32, #tpu.memory_space<vmem>>[vector<16xi32>, vector<16xi32>], vector<16xf32>,
      %mul3A_802 = arith.mulf %gather3A_801, %exp3A_738 : vector<16xf32>
      tpu.vector_store_idx %arg12[%add3A_719, %broadcast_in_dim3A_800], %mul3A_802 : memref<80x80xf32, #tpu.memory_space<vmem>>[vector<16xi32>, vector<16xi32>], vector<16xf32>,
      %broadcast_in_dim3A_803 = arith.constant 64 : i32
      %broadcast_in_dim3A_804 = vector.broadcast %broadcast_in_dim3A_803 : i32 to vector<16xi32>
      tpu.vector_store_idx %arg12[%add3A_719, %broadcast_in_dim3A_804], %exp3A_738 : memref<80x80xf32, #tpu.memory_space<vmem>>[vector<16xi32>, vector<16xi32>], vector<16xf32>,
      %broadcast_in_dim3A_805 = arith.constant 1 : i32
      %broadcast_in_dim3A_806 = vector.broadcast %broadcast_in_dim3A_805 : i32 to vector<16xi32>
      %gather3A_807 = tpu.vector_load_idx %arg10[%add3A_719, %broadcast_in_dim3A_806] : memref<80x16xf32, #tpu.memory_space<vmem>>[vector<16xi32>, vector<16xi32>], vector<16xf32>,
      %broadcast_in_dim3A_808 = arith.constant 5 : i32
      %broadcast_in_dim3A_809 = vector.broadcast %broadcast_in_dim3A_808 : i32 to vector<16xi32>
      %gather3A_810 = tpu.vector_load_idx %arg11[%add3A_719, %broadcast_in_dim3A_809] : memref<80x16xf32, #tpu.memory_space<vmem>>[vector<16xi32>, vector<16xi32>], vector<16xf32>,
      %broadcast_in_dim3A_811 = arith.constant 9 : i32
      %broadcast_in_dim3A_812 = vector.broadcast %broadcast_in_dim3A_811 : i32 to vector<16xi32>
      %gather3A_813 = tpu.vector_load_idx %arg11[%add3A_719, %broadcast_in_dim3A_812] : memref<80x16xf32, #tpu.memory_space<vmem>>[vector<16xi32>, vector<16xi32>], vector<16xf32>,
      %add3A_814 = arith.addf %gather3A_807, %gather3A_810 : vector<16xf32>
      %ge3A_815 = arith.constant 0.000000e+00 : f32
      %ge3A_816 = vector.broadcast %ge3A_815 : f32 to vector<16xf32>
      %ge3A_817 = arith.cmpf oge, %add3A_814, %ge3A_816 : vector<16xf32>
      %mul3A_818 = arith.constant 2.000000e-01 : f32
      %mul3A_819 = vector.broadcast %mul3A_818 : f32 to vector<16xf32>
      %mul3A_820 = arith.mulf %mul3A_819, %add3A_814 : vector<16xf32>
      %select_n3A_821 = arith.select %ge3A_817, %add3A_814, %mul3A_820 : vector<16xi1>, vector<16xf32>
      %sub3A_822 = arith.subf %select_n3A_821, %gather3A_813 : vector<16xf32>
      %exp3A_823 = math.exp %sub3A_822 : vector<16xf32>
      %broadcast_in_dim3A_824 = arith.constant 16 : i32
      %broadcast_in_dim3A_825 = vector.broadcast %broadcast_in_dim3A_824 : i32 to vector<16xi32>
      %gather3A_826 = tpu.vector_load_idx %arg12[%add3A_719, %broadcast_in_dim3A_825] : memref<80x80xf32, #tpu.memory_space<vmem>>[vector<16xi32>, vector<16xi32>], vector<16xf32>,
      %mul3A_827 = arith.mulf %gather3A_826, %exp3A_823 : vector<16xf32>
      tpu.vector_store_idx %arg12[%add3A_719, %broadcast_in_dim3A_825], %mul3A_827 : memref<80x80xf32, #tpu.memory_space<vmem>>[vector<16xi32>, vector<16xi32>], vector<16xf32>,
      %broadcast_in_dim3A_828 = arith.constant 17 : i32
      %broadcast_in_dim3A_829 = vector.broadcast %broadcast_in_dim3A_828 : i32 to vector<16xi32>
      %gather3A_830 = tpu.vector_load_idx %arg12[%add3A_719, %broadcast_in_dim3A_829] : memref<80x80xf32, #tpu.memory_space<vmem>>[vector<16xi32>, vector<16xi32>], vector<16xf32>,
      %mul3A_831 = arith.mulf %gather3A_830, %exp3A_823 : vector<16xf32>
      tpu.vector_store_idx %arg12[%add3A_719, %broadcast_in_dim3A_829], %mul3A_831 : memref<80x80xf32, #tpu.memory_space<vmem>>[vector<16xi32>, vector<16xi32>], vector<16xf32>,
      %broadcast_in_dim3A_832 = arith.constant 18 : i32
      %broadcast_in_dim3A_833 = vector.broadcast %broadcast_in_dim3A_832 : i32 to vector<16xi32>
      %gather3A_834 = tpu.vector_load_idx %arg12[%add3A_719, %broadcast_in_dim3A_833] : memref<80x80xf32, #tpu.memory_space<vmem>>[vector<16xi32>, vector<16xi32>], vector<16xf32>,
      %mul3A_835 = arith.mulf %gather3A_834, %exp3A_823 : vector<16xf32>
      tpu.vector_store_idx %arg12[%add3A_719, %broadcast_in_dim3A_833], %mul3A_835 : memref<80x80xf32, #tpu.memory_space<vmem>>[vector<16xi32>, vector<16xi32>], vector<16xf32>,
      %broadcast_in_dim3A_836 = arith.constant 19 : i32
      %broadcast_in_dim3A_837 = vector.broadcast %broadcast_in_dim3A_836 : i32 to vector<16xi32>
      %gather3A_838 = tpu.vector_load_idx %arg12[%add3A_719, %broadcast_in_dim3A_837] : memref<80x80xf32, #tpu.memory_space<vmem>>[vector<16xi32>, vector<16xi32>], vector<16xf32>,
      %mul3A_839 = arith.mulf %gather3A_838, %exp3A_823 : vector<16xf32>
      tpu.vector_store_idx %arg12[%add3A_719, %broadcast_in_dim3A_837], %mul3A_839 : memref<80x80xf32, #tpu.memory_space<vmem>>[vector<16xi32>, vector<16xi32>], vector<16xf32>,
      %broadcast_in_dim3A_840 = arith.constant 20 : i32
      %broadcast_in_dim3A_841 = vector.broadcast %broadcast_in_dim3A_840 : i32 to vector<16xi32>
      %gather3A_842 = tpu.vector_load_idx %arg12[%add3A_719, %broadcast_in_dim3A_841] : memref<80x80xf32, #tpu.memory_space<vmem>>[vector<16xi32>, vector<16xi32>], vector<16xf32>,
      %mul3A_843 = arith.mulf %gather3A_842, %exp3A_823 : vector<16xf32>
      tpu.vector_store_idx %arg12[%add3A_719, %broadcast_in_dim3A_841], %mul3A_843 : memref<80x80xf32, #tpu.memory_space<vmem>>[vector<16xi32>, vector<16xi32>], vector<16xf32>,
      %broadcast_in_dim3A_844 = arith.constant 21 : i32
      %broadcast_in_dim3A_845 = vector.broadcast %broadcast_in_dim3A_844 : i32 to vector<16xi32>
      %gather3A_846 = tpu.vector_load_idx %arg12[%add3A_719, %broadcast_in_dim3A_845] : memref<80x80xf32, #tpu.memory_space<vmem>>[vector<16xi32>, vector<16xi32>], vector<16xf32>,
      %mul3A_847 = arith.mulf %gather3A_846, %exp3A_823 : vector<16xf32>
      tpu.vector_store_idx %arg12[%add3A_719, %broadcast_in_dim3A_845], %mul3A_847 : memref<80x80xf32, #tpu.memory_space<vmem>>[vector<16xi32>, vector<16xi32>], vector<16xf32>,
      %broadcast_in_dim3A_848 = arith.constant 22 : i32
      %broadcast_in_dim3A_849 = vector.broadcast %broadcast_in_dim3A_848 : i32 to vector<16xi32>
      %gather3A_850 = tpu.vector_load_idx %arg12[%add3A_719, %broadcast_in_dim3A_849] : memref<80x80xf32, #tpu.memory_space<vmem>>[vector<16xi32>, vector<16xi32>], vector<16xf32>,
      %mul3A_851 = arith.mulf %gather3A_850, %exp3A_823 : vector<16xf32>
      tpu.vector_store_idx %arg12[%add3A_719, %broadcast_in_dim3A_849], %mul3A_851 : memref<80x80xf32, #tpu.memory_space<vmem>>[vector<16xi32>, vector<16xi32>], vector<16xf32>,
      %broadcast_in_dim3A_852 = arith.constant 23 : i32
      %broadcast_in_dim3A_853 = vector.broadcast %broadcast_in_dim3A_852 : i32 to vector<16xi32>
      %gather3A_854 = tpu.vector_load_idx %arg12[%add3A_719, %broadcast_in_dim3A_853] : memref<80x80xf32, #tpu.memory_space<vmem>>[vector<16xi32>, vector<16xi32>], vector<16xf32>,
      %mul3A_855 = arith.mulf %gather3A_854, %exp3A_823 : vector<16xf32>
      tpu.vector_store_idx %arg12[%add3A_719, %broadcast_in_dim3A_853], %mul3A_855 : memref<80x80xf32, #tpu.memory_space<vmem>>[vector<16xi32>, vector<16xi32>], vector<16xf32>,
      %broadcast_in_dim3A_856 = arith.constant 24 : i32
      %broadcast_in_dim3A_857 = vector.broadcast %broadcast_in_dim3A_856 : i32 to vector<16xi32>
      %gather3A_858 = tpu.vector_load_idx %arg12[%add3A_719, %broadcast_in_dim3A_857] : memref<80x80xf32, #tpu.memory_space<vmem>>[vector<16xi32>, vector<16xi32>], vector<16xf32>,
      %mul3A_859 = arith.mulf %gather3A_858, %exp3A_823 : vector<16xf32>
      tpu.vector_store_idx %arg12[%add3A_719, %broadcast_in_dim3A_857], %mul3A_859 : memref<80x80xf32, #tpu.memory_space<vmem>>[vector<16xi32>, vector<16xi32>], vector<16xf32>,
      %broadcast_in_dim3A_860 = arith.constant 25 : i32
      %broadcast_in_dim3A_861 = vector.broadcast %broadcast_in_dim3A_860 : i32 to vector<16xi32>
      %gather3A_862 = tpu.vector_load_idx %arg12[%add3A_719, %broadcast_in_dim3A_861] : memref<80x80xf32, #tpu.memory_space<vmem>>[vector<16xi32>, vector<16xi32>], vector<16xf32>,
      %mul3A_863 = arith.mulf %gather3A_862, %exp3A_823 : vector<16xf32>
      tpu.vector_store_idx %arg12[%add3A_719, %broadcast_in_dim3A_861], %mul3A_863 : memref<80x80xf32, #tpu.memory_space<vmem>>[vector<16xi32>, vector<16xi32>], vector<16xf32>,
      %broadcast_in_dim3A_864 = arith.constant 26 : i32
      %broadcast_in_dim3A_865 = vector.broadcast %broadcast_in_dim3A_864 : i32 to vector<16xi32>
      %gather3A_866 = tpu.vector_load_idx %arg12[%add3A_719, %broadcast_in_dim3A_865] : memref<80x80xf32, #tpu.memory_space<vmem>>[vector<16xi32>, vector<16xi32>], vector<16xf32>,
      %mul3A_867 = arith.mulf %gather3A_866, %exp3A_823 : vector<16xf32>
      tpu.vector_store_idx %arg12[%add3A_719, %broadcast_in_dim3A_865], %mul3A_867 : memref<80x80xf32, #tpu.memory_space<vmem>>[vector<16xi32>, vector<16xi32>], vector<16xf32>,
      %broadcast_in_dim3A_868 = arith.constant 27 : i32
      %broadcast_in_dim3A_869 = vector.broadcast %broadcast_in_dim3A_868 : i32 to vector<16xi32>
      %gather3A_870 = tpu.vector_load_idx %arg12[%add3A_719, %broadcast_in_dim3A_869] : memref<80x80xf32, #tpu.memory_space<vmem>>[vector<16xi32>, vector<16xi32>], vector<16xf32>,
      %mul3A_871 = arith.mulf %gather3A_870, %exp3A_823 : vector<16xf32>
      tpu.vector_store_idx %arg12[%add3A_719, %broadcast_in_dim3A_869], %mul3A_871 : memref<80x80xf32, #tpu.memory_space<vmem>>[vector<16xi32>, vector<16xi32>], vector<16xf32>,
      %broadcast_in_dim3A_872 = arith.constant 28 : i32
      %broadcast_in_dim3A_873 = vector.broadcast %broadcast_in_dim3A_872 : i32 to vector<16xi32>
      %gather3A_874 = tpu.vector_load_idx %arg12[%add3A_719, %broadcast_in_dim3A_873] : memref<80x80xf32, #tpu.memory_space<vmem>>[vector<16xi32>, vector<16xi32>], vector<16xf32>,
      %mul3A_875 = arith.mulf %gather3A_874, %exp3A_823 : vector<16xf32>
      tpu.vector_store_idx %arg12[%add3A_719, %broadcast_in_dim3A_873], %mul3A_875 : memref<80x80xf32, #tpu.memory_space<vmem>>[vector<16xi32>, vector<16xi32>], vector<16xf32>,
      %broadcast_in_dim3A_876 = arith.constant 29 : i32
      %broadcast_in_dim3A_877 = vector.broadcast %broadcast_in_dim3A_876 : i32 to vector<16xi32>
      %gather3A_878 = tpu.vector_load_idx %arg12[%add3A_719, %broadcast_in_dim3A_877] : memref<80x80xf32, #tpu.memory_space<vmem>>[vector<16xi32>, vector<16xi32>], vector<16xf32>,
      %mul3A_879 = arith.mulf %gather3A_878, %exp3A_823 : vector<16xf32>
      tpu.vector_store_idx %arg12[%add3A_719, %broadcast_in_dim3A_877], %mul3A_879 : memref<80x80xf32, #tpu.memory_space<vmem>>[vector<16xi32>, vector<16xi32>], vector<16xf32>,
      %broadcast_in_dim3A_880 = arith.constant 30 : i32
      %broadcast_in_dim3A_881 = vector.broadcast %broadcast_in_dim3A_880 : i32 to vector<16xi32>
      %gather3A_882 = tpu.vector_load_idx %arg12[%add3A_719, %broadcast_in_dim3A_881] : memref<80x80xf32, #tpu.memory_space<vmem>>[vector<16xi32>, vector<16xi32>], vector<16xf32>,
      %mul3A_883 = arith.mulf %gather3A_882, %exp3A_823 : vector<16xf32>
      tpu.vector_store_idx %arg12[%add3A_719, %broadcast_in_dim3A_881], %mul3A_883 : memref<80x80xf32, #tpu.memory_space<vmem>>[vector<16xi32>, vector<16xi32>], vector<16xf32>,
      %broadcast_in_dim3A_884 = arith.constant 31 : i32
      %broadcast_in_dim3A_885 = vector.broadcast %broadcast_in_dim3A_884 : i32 to vector<16xi32>
      %gather3A_886 = tpu.vector_load_idx %arg12[%add3A_719, %broadcast_in_dim3A_885] : memref<80x80xf32, #tpu.memory_space<vmem>>[vector<16xi32>, vector<16xi32>], vector<16xf32>,
      %mul3A_887 = arith.mulf %gather3A_886, %exp3A_823 : vector<16xf32>
      tpu.vector_store_idx %arg12[%add3A_719, %broadcast_in_dim3A_885], %mul3A_887 : memref<80x80xf32, #tpu.memory_space<vmem>>[vector<16xi32>, vector<16xi32>], vector<16xf32>,
      %broadcast_in_dim3A_888 = arith.constant 65 : i32
      %broadcast_in_dim3A_889 = vector.broadcast %broadcast_in_dim3A_888 : i32 to vector<16xi32>
      tpu.vector_store_idx %arg12[%add3A_719, %broadcast_in_dim3A_889], %exp3A_823 : memref<80x80xf32, #tpu.memory_space<vmem>>[vector<16xi32>, vector<16xi32>], vector<16xf32>,
      %broadcast_in_dim3A_890 = arith.constant 2 : i32
      %broadcast_in_dim3A_891 = vector.broadcast %broadcast_in_dim3A_890 : i32 to vector<16xi32>
      %gather3A_892 = tpu.vector_load_idx %arg10[%add3A_719, %broadcast_in_dim3A_891] : memref<80x16xf32, #tpu.memory_space<vmem>>[vector<16xi32>, vector<16xi32>], vector<16xf32>,
      %broadcast_in_dim3A_893 = arith.constant 6 : i32
      %broadcast_in_dim3A_894 = vector.broadcast %broadcast_in_dim3A_893 : i32 to vector<16xi32>
      %gather3A_895 = tpu.vector_load_idx %arg11[%add3A_719, %broadcast_in_dim3A_894] : memref<80x16xf32, #tpu.memory_space<vmem>>[vector<16xi32>, vector<16xi32>], vector<16xf32>,
      %broadcast_in_dim3A_896 = arith.constant 10 : i32
      %broadcast_in_dim3A_897 = vector.broadcast %broadcast_in_dim3A_896 : i32 to vector<16xi32>
      %gather3A_898 = tpu.vector_load_idx %arg11[%add3A_719, %broadcast_in_dim3A_897] : memref<80x16xf32, #tpu.memory_space<vmem>>[vector<16xi32>, vector<16xi32>], vector<16xf32>,
      %add3A_899 = arith.addf %gather3A_892, %gather3A_895 : vector<16xf32>
      %ge3A_900 = arith.constant 0.000000e+00 : f32
      %ge3A_901 = vector.broadcast %ge3A_900 : f32 to vector<16xf32>
      %ge3A_902 = arith.cmpf oge, %add3A_899, %ge3A_901 : vector<16xf32>
      %mul3A_903 = arith.constant 2.000000e-01 : f32
      %mul3A_904 = vector.broadcast %mul3A_903 : f32 to vector<16xf32>
      %mul3A_905 = arith.mulf %mul3A_904, %add3A_899 : vector<16xf32>
      %select_n3A_906 = arith.select %ge3A_902, %add3A_899, %mul3A_905 : vector<16xi1>, vector<16xf32>
      %sub3A_907 = arith.subf %select_n3A_906, %gather3A_898 : vector<16xf32>
      %exp3A_908 = math.exp %sub3A_907 : vector<16xf32>
      %broadcast_in_dim3A_909 = arith.constant 32 : i32
      %broadcast_in_dim3A_910 = vector.broadcast %broadcast_in_dim3A_909 : i32 to vector<16xi32>
      %gather3A_911 = tpu.vector_load_idx %arg12[%add3A_719, %broadcast_in_dim3A_910] : memref<80x80xf32, #tpu.memory_space<vmem>>[vector<16xi32>, vector<16xi32>], vector<16xf32>,
      %mul3A_912 = arith.mulf %gather3A_911, %exp3A_908 : vector<16xf32>
      tpu.vector_store_idx %arg12[%add3A_719, %broadcast_in_dim3A_910], %mul3A_912 : memref<80x80xf32, #tpu.memory_space<vmem>>[vector<16xi32>, vector<16xi32>], vector<16xf32>,
      %broadcast_in_dim3A_913 = arith.constant 33 : i32
      %broadcast_in_dim3A_914 = vector.broadcast %broadcast_in_dim3A_913 : i32 to vector<16xi32>
      %gather3A_915 = tpu.vector_load_idx %arg12[%add3A_719, %broadcast_in_dim3A_914] : memref<80x80xf32, #tpu.memory_space<vmem>>[vector<16xi32>, vector<16xi32>], vector<16xf32>,
      %mul3A_916 = arith.mulf %gather3A_915, %exp3A_908 : vector<16xf32>
      tpu.vector_store_idx %arg12[%add3A_719, %broadcast_in_dim3A_914], %mul3A_916 : memref<80x80xf32, #tpu.memory_space<vmem>>[vector<16xi32>, vector<16xi32>], vector<16xf32>,
      %broadcast_in_dim3A_917 = arith.constant 34 : i32
      %broadcast_in_dim3A_918 = vector.broadcast %broadcast_in_dim3A_917 : i32 to vector<16xi32>
      %gather3A_919 = tpu.vector_load_idx %arg12[%add3A_719, %broadcast_in_dim3A_918] : memref<80x80xf32, #tpu.memory_space<vmem>>[vector<16xi32>, vector<16xi32>], vector<16xf32>,
      %mul3A_920 = arith.mulf %gather3A_919, %exp3A_908 : vector<16xf32>
      tpu.vector_store_idx %arg12[%add3A_719, %broadcast_in_dim3A_918], %mul3A_920 : memref<80x80xf32, #tpu.memory_space<vmem>>[vector<16xi32>, vector<16xi32>], vector<16xf32>,
      %broadcast_in_dim3A_921 = arith.constant 35 : i32
      %broadcast_in_dim3A_922 = vector.broadcast %broadcast_in_dim3A_921 : i32 to vector<16xi32>
      %gather3A_923 = tpu.vector_load_idx %arg12[%add3A_719, %broadcast_in_dim3A_922] : memref<80x80xf32, #tpu.memory_space<vmem>>[vector<16xi32>, vector<16xi32>], vector<16xf32>,
      %mul3A_924 = arith.mulf %gather3A_923, %exp3A_908 : vector<16xf32>
      tpu.vector_store_idx %arg12[%add3A_719, %broadcast_in_dim3A_922], %mul3A_924 : memref<80x80xf32, #tpu.memory_space<vmem>>[vector<16xi32>, vector<16xi32>], vector<16xf32>,
      %broadcast_in_dim3A_925 = arith.constant 36 : i32
      %broadcast_in_dim3A_926 = vector.broadcast %broadcast_in_dim3A_925 : i32 to vector<16xi32>
      %gather3A_927 = tpu.vector_load_idx %arg12[%add3A_719, %broadcast_in_dim3A_926] : memref<80x80xf32, #tpu.memory_space<vmem>>[vector<16xi32>, vector<16xi32>], vector<16xf32>,
      %mul3A_928 = arith.mulf %gather3A_927, %exp3A_908 : vector<16xf32>
      tpu.vector_store_idx %arg12[%add3A_719, %broadcast_in_dim3A_926], %mul3A_928 : memref<80x80xf32, #tpu.memory_space<vmem>>[vector<16xi32>, vector<16xi32>], vector<16xf32>,
      %broadcast_in_dim3A_929 = arith.constant 37 : i32
      %broadcast_in_dim3A_930 = vector.broadcast %broadcast_in_dim3A_929 : i32 to vector<16xi32>
      %gather3A_931 = tpu.vector_load_idx %arg12[%add3A_719, %broadcast_in_dim3A_930] : memref<80x80xf32, #tpu.memory_space<vmem>>[vector<16xi32>, vector<16xi32>], vector<16xf32>,
      %mul3A_932 = arith.mulf %gather3A_931, %exp3A_908 : vector<16xf32>
      tpu.vector_store_idx %arg12[%add3A_719, %broadcast_in_dim3A_930], %mul3A_932 : memref<80x80xf32, #tpu.memory_space<vmem>>[vector<16xi32>, vector<16xi32>], vector<16xf32>,
      %broadcast_in_dim3A_933 = arith.constant 38 : i32
      %broadcast_in_dim3A_934 = vector.broadcast %broadcast_in_dim3A_933 : i32 to vector<16xi32>
      %gather3A_935 = tpu.vector_load_idx %arg12[%add3A_719, %broadcast_in_dim3A_934] : memref<80x80xf32, #tpu.memory_space<vmem>>[vector<16xi32>, vector<16xi32>], vector<16xf32>,
      %mul3A_936 = arith.mulf %gather3A_935, %exp3A_908 : vector<16xf32>
      tpu.vector_store_idx %arg12[%add3A_719, %broadcast_in_dim3A_934], %mul3A_936 : memref<80x80xf32, #tpu.memory_space<vmem>>[vector<16xi32>, vector<16xi32>], vector<16xf32>,
      %broadcast_in_dim3A_937 = arith.constant 39 : i32
      %broadcast_in_dim3A_938 = vector.broadcast %broadcast_in_dim3A_937 : i32 to vector<16xi32>
      %gather3A_939 = tpu.vector_load_idx %arg12[%add3A_719, %broadcast_in_dim3A_938] : memref<80x80xf32, #tpu.memory_space<vmem>>[vector<16xi32>, vector<16xi32>], vector<16xf32>,
      %mul3A_940 = arith.mulf %gather3A_939, %exp3A_908 : vector<16xf32>
      tpu.vector_store_idx %arg12[%add3A_719, %broadcast_in_dim3A_938], %mul3A_940 : memref<80x80xf32, #tpu.memory_space<vmem>>[vector<16xi32>, vector<16xi32>], vector<16xf32>,
      %broadcast_in_dim3A_941 = arith.constant 40 : i32
      %broadcast_in_dim3A_942 = vector.broadcast %broadcast_in_dim3A_941 : i32 to vector<16xi32>
      %gather3A_943 = tpu.vector_load_idx %arg12[%add3A_719, %broadcast_in_dim3A_942] : memref<80x80xf32, #tpu.memory_space<vmem>>[vector<16xi32>, vector<16xi32>], vector<16xf32>,
      %mul3A_944 = arith.mulf %gather3A_943, %exp3A_908 : vector<16xf32>
      tpu.vector_store_idx %arg12[%add3A_719, %broadcast_in_dim3A_942], %mul3A_944 : memref<80x80xf32, #tpu.memory_space<vmem>>[vector<16xi32>, vector<16xi32>], vector<16xf32>,
      %broadcast_in_dim3A_945 = arith.constant 41 : i32
      %broadcast_in_dim3A_946 = vector.broadcast %broadcast_in_dim3A_945 : i32 to vector<16xi32>
      %gather3A_947 = tpu.vector_load_idx %arg12[%add3A_719, %broadcast_in_dim3A_946] : memref<80x80xf32, #tpu.memory_space<vmem>>[vector<16xi32>, vector<16xi32>], vector<16xf32>,
      %mul3A_948 = arith.mulf %gather3A_947, %exp3A_908 : vector<16xf32>
      tpu.vector_store_idx %arg12[%add3A_719, %broadcast_in_dim3A_946], %mul3A_948 : memref<80x80xf32, #tpu.memory_space<vmem>>[vector<16xi32>, vector<16xi32>], vector<16xf32>,
      %broadcast_in_dim3A_949 = arith.constant 42 : i32
      %broadcast_in_dim3A_950 = vector.broadcast %broadcast_in_dim3A_949 : i32 to vector<16xi32>
      %gather3A_951 = tpu.vector_load_idx %arg12[%add3A_719, %broadcast_in_dim3A_950] : memref<80x80xf32, #tpu.memory_space<vmem>>[vector<16xi32>, vector<16xi32>], vector<16xf32>,
      %mul3A_952 = arith.mulf %gather3A_951, %exp3A_908 : vector<16xf32>
      tpu.vector_store_idx %arg12[%add3A_719, %broadcast_in_dim3A_950], %mul3A_952 : memref<80x80xf32, #tpu.memory_space<vmem>>[vector<16xi32>, vector<16xi32>], vector<16xf32>,
      %broadcast_in_dim3A_953 = arith.constant 43 : i32
      %broadcast_in_dim3A_954 = vector.broadcast %broadcast_in_dim3A_953 : i32 to vector<16xi32>
      %gather3A_955 = tpu.vector_load_idx %arg12[%add3A_719, %broadcast_in_dim3A_954] : memref<80x80xf32, #tpu.memory_space<vmem>>[vector<16xi32>, vector<16xi32>], vector<16xf32>,
      %mul3A_956 = arith.mulf %gather3A_955, %exp3A_908 : vector<16xf32>
      tpu.vector_store_idx %arg12[%add3A_719, %broadcast_in_dim3A_954], %mul3A_956 : memref<80x80xf32, #tpu.memory_space<vmem>>[vector<16xi32>, vector<16xi32>], vector<16xf32>,
      %broadcast_in_dim3A_957 = arith.constant 44 : i32
      %broadcast_in_dim3A_958 = vector.broadcast %broadcast_in_dim3A_957 : i32 to vector<16xi32>
      %gather3A_959 = tpu.vector_load_idx %arg12[%add3A_719, %broadcast_in_dim3A_958] : memref<80x80xf32, #tpu.memory_space<vmem>>[vector<16xi32>, vector<16xi32>], vector<16xf32>,
      %mul3A_960 = arith.mulf %gather3A_959, %exp3A_908 : vector<16xf32>
      tpu.vector_store_idx %arg12[%add3A_719, %broadcast_in_dim3A_958], %mul3A_960 : memref<80x80xf32, #tpu.memory_space<vmem>>[vector<16xi32>, vector<16xi32>], vector<16xf32>,
      %broadcast_in_dim3A_961 = arith.constant 45 : i32
      %broadcast_in_dim3A_962 = vector.broadcast %broadcast_in_dim3A_961 : i32 to vector<16xi32>
      %gather3A_963 = tpu.vector_load_idx %arg12[%add3A_719, %broadcast_in_dim3A_962] : memref<80x80xf32, #tpu.memory_space<vmem>>[vector<16xi32>, vector<16xi32>], vector<16xf32>,
      %mul3A_964 = arith.mulf %gather3A_963, %exp3A_908 : vector<16xf32>
      tpu.vector_store_idx %arg12[%add3A_719, %broadcast_in_dim3A_962], %mul3A_964 : memref<80x80xf32, #tpu.memory_space<vmem>>[vector<16xi32>, vector<16xi32>], vector<16xf32>,
      %broadcast_in_dim3A_965 = arith.constant 46 : i32
      %broadcast_in_dim3A_966 = vector.broadcast %broadcast_in_dim3A_965 : i32 to vector<16xi32>
      %gather3A_967 = tpu.vector_load_idx %arg12[%add3A_719, %broadcast_in_dim3A_966] : memref<80x80xf32, #tpu.memory_space<vmem>>[vector<16xi32>, vector<16xi32>], vector<16xf32>,
      %mul3A_968 = arith.mulf %gather3A_967, %exp3A_908 : vector<16xf32>
      tpu.vector_store_idx %arg12[%add3A_719, %broadcast_in_dim3A_966], %mul3A_968 : memref<80x80xf32, #tpu.memory_space<vmem>>[vector<16xi32>, vector<16xi32>], vector<16xf32>,
      %broadcast_in_dim3A_969 = arith.constant 47 : i32
      %broadcast_in_dim3A_970 = vector.broadcast %broadcast_in_dim3A_969 : i32 to vector<16xi32>
      %gather3A_971 = tpu.vector_load_idx %arg12[%add3A_719, %broadcast_in_dim3A_970] : memref<80x80xf32, #tpu.memory_space<vmem>>[vector<16xi32>, vector<16xi32>], vector<16xf32>,
      %mul3A_972 = arith.mulf %gather3A_971, %exp3A_908 : vector<16xf32>
      tpu.vector_store_idx %arg12[%add3A_719, %broadcast_in_dim3A_970], %mul3A_972 : memref<80x80xf32, #tpu.memory_space<vmem>>[vector<16xi32>, vector<16xi32>], vector<16xf32>,
      %broadcast_in_dim3A_973 = arith.constant 66 : i32
      %broadcast_in_dim3A_974 = vector.broadcast %broadcast_in_dim3A_973 : i32 to vector<16xi32>
      tpu.vector_store_idx %arg12[%add3A_719, %broadcast_in_dim3A_974], %exp3A_908 : memref<80x80xf32, #tpu.memory_space<vmem>>[vector<16xi32>, vector<16xi32>], vector<16xf32>,
      %broadcast_in_dim3A_975 = arith.constant 3 : i32
      %broadcast_in_dim3A_976 = vector.broadcast %broadcast_in_dim3A_975 : i32 to vector<16xi32>
      %gather3A_977 = tpu.vector_load_idx %arg10[%add3A_719, %broadcast_in_dim3A_976] : memref<80x16xf32, #tpu.memory_space<vmem>>[vector<16xi32>, vector<16xi32>], vector<16xf32>,
      %broadcast_in_dim3A_978 = arith.constant 7 : i32
      %broadcast_in_dim3A_979 = vector.broadcast %broadcast_in_dim3A_978 : i32 to vector<16xi32>
      %gather3A_980 = tpu.vector_load_idx %arg11[%add3A_719, %broadcast_in_dim3A_979] : memref<80x16xf32, #tpu.memory_space<vmem>>[vector<16xi32>, vector<16xi32>], vector<16xf32>,
      %broadcast_in_dim3A_981 = arith.constant 11 : i32
      %broadcast_in_dim3A_982 = vector.broadcast %broadcast_in_dim3A_981 : i32 to vector<16xi32>
      %gather3A_983 = tpu.vector_load_idx %arg11[%add3A_719, %broadcast_in_dim3A_982] : memref<80x16xf32, #tpu.memory_space<vmem>>[vector<16xi32>, vector<16xi32>], vector<16xf32>,
      %add3A_984 = arith.addf %gather3A_977, %gather3A_980 : vector<16xf32>
      %ge3A_985 = arith.constant 0.000000e+00 : f32
      %ge3A_986 = vector.broadcast %ge3A_985 : f32 to vector<16xf32>
      %ge3A_987 = arith.cmpf oge, %add3A_984, %ge3A_986 : vector<16xf32>
      %mul3A_988 = arith.constant 2.000000e-01 : f32
      %mul3A_989 = vector.broadcast %mul3A_988 : f32 to vector<16xf32>
      %mul3A_990 = arith.mulf %mul3A_989, %add3A_984 : vector<16xf32>
      %select_n3A_991 = arith.select %ge3A_987, %add3A_984, %mul3A_990 : vector<16xi1>, vector<16xf32>
      %sub3A_992 = arith.subf %select_n3A_991, %gather3A_983 : vector<16xf32>
      %exp3A_993 = math.exp %sub3A_992 : vector<16xf32>
      %broadcast_in_dim3A_994 = arith.constant 48 : i32
      %broadcast_in_dim3A_995 = vector.broadcast %broadcast_in_dim3A_994 : i32 to vector<16xi32>
      %gather3A_996 = tpu.vector_load_idx %arg12[%add3A_719, %broadcast_in_dim3A_995] : memref<80x80xf32, #tpu.memory_space<vmem>>[vector<16xi32>, vector<16xi32>], vector<16xf32>,
      %mul3A_997 = arith.mulf %gather3A_996, %exp3A_993 : vector<16xf32>
      tpu.vector_store_idx %arg12[%add3A_719, %broadcast_in_dim3A_995], %mul3A_997 : memref<80x80xf32, #tpu.memory_space<vmem>>[vector<16xi32>, vector<16xi32>], vector<16xf32>,
      %broadcast_in_dim3A_998 = arith.constant 49 : i32
      %broadcast_in_dim3A_999 = vector.broadcast %broadcast_in_dim3A_998 : i32 to vector<16xi32>
      %gather3A_1000 = tpu.vector_load_idx %arg12[%add3A_719, %broadcast_in_dim3A_999] : memref<80x80xf32, #tpu.memory_space<vmem>>[vector<16xi32>, vector<16xi32>], vector<16xf32>,
      %mul3A_1001 = arith.mulf %gather3A_1000, %exp3A_993 : vector<16xf32>
      tpu.vector_store_idx %arg12[%add3A_719, %broadcast_in_dim3A_999], %mul3A_1001 : memref<80x80xf32, #tpu.memory_space<vmem>>[vector<16xi32>, vector<16xi32>], vector<16xf32>,
      %broadcast_in_dim3A_1002 = arith.constant 50 : i32
      %broadcast_in_dim3A_1003 = vector.broadcast %broadcast_in_dim3A_1002 : i32 to vector<16xi32>
      %gather3A_1004 = tpu.vector_load_idx %arg12[%add3A_719, %broadcast_in_dim3A_1003] : memref<80x80xf32, #tpu.memory_space<vmem>>[vector<16xi32>, vector<16xi32>], vector<16xf32>,
      %mul3A_1005 = arith.mulf %gather3A_1004, %exp3A_993 : vector<16xf32>
      tpu.vector_store_idx %arg12[%add3A_719, %broadcast_in_dim3A_1003], %mul3A_1005 : memref<80x80xf32, #tpu.memory_space<vmem>>[vector<16xi32>, vector<16xi32>], vector<16xf32>,
      %broadcast_in_dim3A_1006 = arith.constant 51 : i32
      %broadcast_in_dim3A_1007 = vector.broadcast %broadcast_in_dim3A_1006 : i32 to vector<16xi32>
      %gather3A_1008 = tpu.vector_load_idx %arg12[%add3A_719, %broadcast_in_dim3A_1007] : memref<80x80xf32, #tpu.memory_space<vmem>>[vector<16xi32>, vector<16xi32>], vector<16xf32>,
      %mul3A_1009 = arith.mulf %gather3A_1008, %exp3A_993 : vector<16xf32>
      tpu.vector_store_idx %arg12[%add3A_719, %broadcast_in_dim3A_1007], %mul3A_1009 : memref<80x80xf32, #tpu.memory_space<vmem>>[vector<16xi32>, vector<16xi32>], vector<16xf32>,
      %broadcast_in_dim3A_1010 = arith.constant 52 : i32
      %broadcast_in_dim3A_1011 = vector.broadcast %broadcast_in_dim3A_1010 : i32 to vector<16xi32>
      %gather3A_1012 = tpu.vector_load_idx %arg12[%add3A_719, %broadcast_in_dim3A_1011] : memref<80x80xf32, #tpu.memory_space<vmem>>[vector<16xi32>, vector<16xi32>], vector<16xf32>,
      %mul3A_1013 = arith.mulf %gather3A_1012, %exp3A_993 : vector<16xf32>
      tpu.vector_store_idx %arg12[%add3A_719, %broadcast_in_dim3A_1011], %mul3A_1013 : memref<80x80xf32, #tpu.memory_space<vmem>>[vector<16xi32>, vector<16xi32>], vector<16xf32>,
      %broadcast_in_dim3A_1014 = arith.constant 53 : i32
      %broadcast_in_dim3A_1015 = vector.broadcast %broadcast_in_dim3A_1014 : i32 to vector<16xi32>
      %gather3A_1016 = tpu.vector_load_idx %arg12[%add3A_719, %broadcast_in_dim3A_1015] : memref<80x80xf32, #tpu.memory_space<vmem>>[vector<16xi32>, vector<16xi32>], vector<16xf32>,
      %mul3A_1017 = arith.mulf %gather3A_1016, %exp3A_993 : vector<16xf32>
      tpu.vector_store_idx %arg12[%add3A_719, %broadcast_in_dim3A_1015], %mul3A_1017 : memref<80x80xf32, #tpu.memory_space<vmem>>[vector<16xi32>, vector<16xi32>], vector<16xf32>,
      %broadcast_in_dim3A_1018 = arith.constant 54 : i32
      %broadcast_in_dim3A_1019 = vector.broadcast %broadcast_in_dim3A_1018 : i32 to vector<16xi32>
      %gather3A_1020 = tpu.vector_load_idx %arg12[%add3A_719, %broadcast_in_dim3A_1019] : memref<80x80xf32, #tpu.memory_space<vmem>>[vector<16xi32>, vector<16xi32>], vector<16xf32>,
      %mul3A_1021 = arith.mulf %gather3A_1020, %exp3A_993 : vector<16xf32>
      tpu.vector_store_idx %arg12[%add3A_719, %broadcast_in_dim3A_1019], %mul3A_1021 : memref<80x80xf32, #tpu.memory_space<vmem>>[vector<16xi32>, vector<16xi32>], vector<16xf32>,
      %broadcast_in_dim3A_1022 = arith.constant 55 : i32
      %broadcast_in_dim3A_1023 = vector.broadcast %broadcast_in_dim3A_1022 : i32 to vector<16xi32>
      %gather3A_1024 = tpu.vector_load_idx %arg12[%add3A_719, %broadcast_in_dim3A_1023] : memref<80x80xf32, #tpu.memory_space<vmem>>[vector<16xi32>, vector<16xi32>], vector<16xf32>,
      %mul3A_1025 = arith.mulf %gather3A_1024, %exp3A_993 : vector<16xf32>
      tpu.vector_store_idx %arg12[%add3A_719, %broadcast_in_dim3A_1023], %mul3A_1025 : memref<80x80xf32, #tpu.memory_space<vmem>>[vector<16xi32>, vector<16xi32>], vector<16xf32>,
      %broadcast_in_dim3A_1026 = arith.constant 56 : i32
      %broadcast_in_dim3A_1027 = vector.broadcast %broadcast_in_dim3A_1026 : i32 to vector<16xi32>
      %gather3A_1028 = tpu.vector_load_idx %arg12[%add3A_719, %broadcast_in_dim3A_1027] : memref<80x80xf32, #tpu.memory_space<vmem>>[vector<16xi32>, vector<16xi32>], vector<16xf32>,
      %mul3A_1029 = arith.mulf %gather3A_1028, %exp3A_993 : vector<16xf32>
      tpu.vector_store_idx %arg12[%add3A_719, %broadcast_in_dim3A_1027], %mul3A_1029 : memref<80x80xf32, #tpu.memory_space<vmem>>[vector<16xi32>, vector<16xi32>], vector<16xf32>,
      %broadcast_in_dim3A_1030 = arith.constant 57 : i32
      %broadcast_in_dim3A_1031 = vector.broadcast %broadcast_in_dim3A_1030 : i32 to vector<16xi32>
      %gather3A_1032 = tpu.vector_load_idx %arg12[%add3A_719, %broadcast_in_dim3A_1031] : memref<80x80xf32, #tpu.memory_space<vmem>>[vector<16xi32>, vector<16xi32>], vector<16xf32>,
      %mul3A_1033 = arith.mulf %gather3A_1032, %exp3A_993 : vector<16xf32>
      tpu.vector_store_idx %arg12[%add3A_719, %broadcast_in_dim3A_1031], %mul3A_1033 : memref<80x80xf32, #tpu.memory_space<vmem>>[vector<16xi32>, vector<16xi32>], vector<16xf32>,
      %broadcast_in_dim3A_1034 = arith.constant 58 : i32
      %broadcast_in_dim3A_1035 = vector.broadcast %broadcast_in_dim3A_1034 : i32 to vector<16xi32>
      %gather3A_1036 = tpu.vector_load_idx %arg12[%add3A_719, %broadcast_in_dim3A_1035] : memref<80x80xf32, #tpu.memory_space<vmem>>[vector<16xi32>, vector<16xi32>], vector<16xf32>,
      %mul3A_1037 = arith.mulf %gather3A_1036, %exp3A_993 : vector<16xf32>
      tpu.vector_store_idx %arg12[%add3A_719, %broadcast_in_dim3A_1035], %mul3A_1037 : memref<80x80xf32, #tpu.memory_space<vmem>>[vector<16xi32>, vector<16xi32>], vector<16xf32>,
      %broadcast_in_dim3A_1038 = arith.constant 59 : i32
      %broadcast_in_dim3A_1039 = vector.broadcast %broadcast_in_dim3A_1038 : i32 to vector<16xi32>
      %gather3A_1040 = tpu.vector_load_idx %arg12[%add3A_719, %broadcast_in_dim3A_1039] : memref<80x80xf32, #tpu.memory_space<vmem>>[vector<16xi32>, vector<16xi32>], vector<16xf32>,
      %mul3A_1041 = arith.mulf %gather3A_1040, %exp3A_993 : vector<16xf32>
      tpu.vector_store_idx %arg12[%add3A_719, %broadcast_in_dim3A_1039], %mul3A_1041 : memref<80x80xf32, #tpu.memory_space<vmem>>[vector<16xi32>, vector<16xi32>], vector<16xf32>,
      %broadcast_in_dim3A_1042 = arith.constant 60 : i32
      %broadcast_in_dim3A_1043 = vector.broadcast %broadcast_in_dim3A_1042 : i32 to vector<16xi32>
      %gather3A_1044 = tpu.vector_load_idx %arg12[%add3A_719, %broadcast_in_dim3A_1043] : memref<80x80xf32, #tpu.memory_space<vmem>>[vector<16xi32>, vector<16xi32>], vector<16xf32>,
      %mul3A_1045 = arith.mulf %gather3A_1044, %exp3A_993 : vector<16xf32>
      tpu.vector_store_idx %arg12[%add3A_719, %broadcast_in_dim3A_1043], %mul3A_1045 : memref<80x80xf32, #tpu.memory_space<vmem>>[vector<16xi32>, vector<16xi32>], vector<16xf32>,
      %broadcast_in_dim3A_1046 = arith.constant 61 : i32
      %broadcast_in_dim3A_1047 = vector.broadcast %broadcast_in_dim3A_1046 : i32 to vector<16xi32>
      %gather3A_1048 = tpu.vector_load_idx %arg12[%add3A_719, %broadcast_in_dim3A_1047] : memref<80x80xf32, #tpu.memory_space<vmem>>[vector<16xi32>, vector<16xi32>], vector<16xf32>,
      %mul3A_1049 = arith.mulf %gather3A_1048, %exp3A_993 : vector<16xf32>
      tpu.vector_store_idx %arg12[%add3A_719, %broadcast_in_dim3A_1047], %mul3A_1049 : memref<80x80xf32, #tpu.memory_space<vmem>>[vector<16xi32>, vector<16xi32>], vector<16xf32>,
      %broadcast_in_dim3A_1050 = arith.constant 62 : i32
      %broadcast_in_dim3A_1051 = vector.broadcast %broadcast_in_dim3A_1050 : i32 to vector<16xi32>
      %gather3A_1052 = tpu.vector_load_idx %arg12[%add3A_719, %broadcast_in_dim3A_1051] : memref<80x80xf32, #tpu.memory_space<vmem>>[vector<16xi32>, vector<16xi32>], vector<16xf32>,
      %mul3A_1053 = arith.mulf %gather3A_1052, %exp3A_993 : vector<16xf32>
      tpu.vector_store_idx %arg12[%add3A_719, %broadcast_in_dim3A_1051], %mul3A_1053 : memref<80x80xf32, #tpu.memory_space<vmem>>[vector<16xi32>, vector<16xi32>], vector<16xf32>,
      %broadcast_in_dim3A_1054 = arith.constant 63 : i32
      %broadcast_in_dim3A_1055 = vector.broadcast %broadcast_in_dim3A_1054 : i32 to vector<16xi32>
      %gather3A_1056 = tpu.vector_load_idx %arg12[%add3A_719, %broadcast_in_dim3A_1055] : memref<80x80xf32, #tpu.memory_space<vmem>>[vector<16xi32>, vector<16xi32>], vector<16xf32>,
      %mul3A_1057 = arith.mulf %gather3A_1056, %exp3A_993 : vector<16xf32>
      tpu.vector_store_idx %arg12[%add3A_719, %broadcast_in_dim3A_1055], %mul3A_1057 : memref<80x80xf32, #tpu.memory_space<vmem>>[vector<16xi32>, vector<16xi32>], vector<16xf32>,
      %broadcast_in_dim3A_1058 = arith.constant 67 : i32
      %broadcast_in_dim3A_1059 = vector.broadcast %broadcast_in_dim3A_1058 : i32 to vector<16xi32>
      tpu.vector_store_idx %arg12[%add3A_719, %broadcast_in_dim3A_1059], %exp3A_993 : memref<80x80xf32, #tpu.memory_space<vmem>>[vector<16xi32>, vector<16xi32>], vector<16xf32>,
      %add3A_1060 = arith.constant 48 : i32
      %add3A_1061 = vector.broadcast %add3A_1060 : i32 to vector<16xi32>
      %add3A_1062 = arith.addi %iota3A, %add3A_1061 : vector<16xi32>
      %broadcast_in_dim3A_1063 = arith.constant 0 : i32
      %broadcast_in_dim3A_1064 = vector.broadcast %broadcast_in_dim3A_1063 : i32 to vector<16xi32>
      %gather3A_1065 = tpu.vector_load_idx %arg10[%add3A_1062, %broadcast_in_dim3A_1064] : memref<80x16xf32, #tpu.memory_space<vmem>>[vector<16xi32>, vector<16xi32>], vector<16xf32>,
      %broadcast_in_dim3A_1066 = arith.constant 4 : i32
      %broadcast_in_dim3A_1067 = vector.broadcast %broadcast_in_dim3A_1066 : i32 to vector<16xi32>
      %gather3A_1068 = tpu.vector_load_idx %arg11[%add3A_1062, %broadcast_in_dim3A_1067] : memref<80x16xf32, #tpu.memory_space<vmem>>[vector<16xi32>, vector<16xi32>], vector<16xf32>,
      %broadcast_in_dim3A_1069 = arith.constant 8 : i32
      %broadcast_in_dim3A_1070 = vector.broadcast %broadcast_in_dim3A_1069 : i32 to vector<16xi32>
      %gather3A_1071 = tpu.vector_load_idx %arg11[%add3A_1062, %broadcast_in_dim3A_1070] : memref<80x16xf32, #tpu.memory_space<vmem>>[vector<16xi32>, vector<16xi32>], vector<16xf32>,
      %add3A_1072 = arith.addf %gather3A_1065, %gather3A_1068 : vector<16xf32>
      %ge3A_1073 = arith.constant 0.000000e+00 : f32
      %ge3A_1074 = vector.broadcast %ge3A_1073 : f32 to vector<16xf32>
      %ge3A_1075 = arith.cmpf oge, %add3A_1072, %ge3A_1074 : vector<16xf32>
      %mul3A_1076 = arith.constant 2.000000e-01 : f32
      %mul3A_1077 = vector.broadcast %mul3A_1076 : f32 to vector<16xf32>
      %mul3A_1078 = arith.mulf %mul3A_1077, %add3A_1072 : vector<16xf32>
      %select_n3A_1079 = arith.select %ge3A_1075, %add3A_1072, %mul3A_1078 : vector<16xi1>, vector<16xf32>
      %sub3A_1080 = arith.subf %select_n3A_1079, %gather3A_1071 : vector<16xf32>
      %exp3A_1081 = math.exp %sub3A_1080 : vector<16xf32>
      %broadcast_in_dim3A_1082 = arith.constant 0 : i32
      %broadcast_in_dim3A_1083 = vector.broadcast %broadcast_in_dim3A_1082 : i32 to vector<16xi32>
      %gather3A_1084 = tpu.vector_load_idx %arg12[%add3A_1062, %broadcast_in_dim3A_1083] : memref<80x80xf32, #tpu.memory_space<vmem>>[vector<16xi32>, vector<16xi32>], vector<16xf32>,
      %mul3A_1085 = arith.mulf %gather3A_1084, %exp3A_1081 : vector<16xf32>
      tpu.vector_store_idx %arg12[%add3A_1062, %broadcast_in_dim3A_1083], %mul3A_1085 : memref<80x80xf32, #tpu.memory_space<vmem>>[vector<16xi32>, vector<16xi32>], vector<16xf32>,
      %broadcast_in_dim3A_1086 = arith.constant 1 : i32
      %broadcast_in_dim3A_1087 = vector.broadcast %broadcast_in_dim3A_1086 : i32 to vector<16xi32>
      %gather3A_1088 = tpu.vector_load_idx %arg12[%add3A_1062, %broadcast_in_dim3A_1087] : memref<80x80xf32, #tpu.memory_space<vmem>>[vector<16xi32>, vector<16xi32>], vector<16xf32>,
      %mul3A_1089 = arith.mulf %gather3A_1088, %exp3A_1081 : vector<16xf32>
      tpu.vector_store_idx %arg12[%add3A_1062, %broadcast_in_dim3A_1087], %mul3A_1089 : memref<80x80xf32, #tpu.memory_space<vmem>>[vector<16xi32>, vector<16xi32>], vector<16xf32>,
      %broadcast_in_dim3A_1090 = arith.constant 2 : i32
      %broadcast_in_dim3A_1091 = vector.broadcast %broadcast_in_dim3A_1090 : i32 to vector<16xi32>
      %gather3A_1092 = tpu.vector_load_idx %arg12[%add3A_1062, %broadcast_in_dim3A_1091] : memref<80x80xf32, #tpu.memory_space<vmem>>[vector<16xi32>, vector<16xi32>], vector<16xf32>,
      %mul3A_1093 = arith.mulf %gather3A_1092, %exp3A_1081 : vector<16xf32>
      tpu.vector_store_idx %arg12[%add3A_1062, %broadcast_in_dim3A_1091], %mul3A_1093 : memref<80x80xf32, #tpu.memory_space<vmem>>[vector<16xi32>, vector<16xi32>], vector<16xf32>,
      %broadcast_in_dim3A_1094 = arith.constant 3 : i32
      %broadcast_in_dim3A_1095 = vector.broadcast %broadcast_in_dim3A_1094 : i32 to vector<16xi32>
      %gather3A_1096 = tpu.vector_load_idx %arg12[%add3A_1062, %broadcast_in_dim3A_1095] : memref<80x80xf32, #tpu.memory_space<vmem>>[vector<16xi32>, vector<16xi32>], vector<16xf32>,
      %mul3A_1097 = arith.mulf %gather3A_1096, %exp3A_1081 : vector<16xf32>
      tpu.vector_store_idx %arg12[%add3A_1062, %broadcast_in_dim3A_1095], %mul3A_1097 : memref<80x80xf32, #tpu.memory_space<vmem>>[vector<16xi32>, vector<16xi32>], vector<16xf32>,
      %broadcast_in_dim3A_1098 = arith.constant 4 : i32
      %broadcast_in_dim3A_1099 = vector.broadcast %broadcast_in_dim3A_1098 : i32 to vector<16xi32>
      %gather3A_1100 = tpu.vector_load_idx %arg12[%add3A_1062, %broadcast_in_dim3A_1099] : memref<80x80xf32, #tpu.memory_space<vmem>>[vector<16xi32>, vector<16xi32>], vector<16xf32>,
      %mul3A_1101 = arith.mulf %gather3A_1100, %exp3A_1081 : vector<16xf32>
      tpu.vector_store_idx %arg12[%add3A_1062, %broadcast_in_dim3A_1099], %mul3A_1101 : memref<80x80xf32, #tpu.memory_space<vmem>>[vector<16xi32>, vector<16xi32>], vector<16xf32>,
      %broadcast_in_dim3A_1102 = arith.constant 5 : i32
      %broadcast_in_dim3A_1103 = vector.broadcast %broadcast_in_dim3A_1102 : i32 to vector<16xi32>
      %gather3A_1104 = tpu.vector_load_idx %arg12[%add3A_1062, %broadcast_in_dim3A_1103] : memref<80x80xf32, #tpu.memory_space<vmem>>[vector<16xi32>, vector<16xi32>], vector<16xf32>,
      %mul3A_1105 = arith.mulf %gather3A_1104, %exp3A_1081 : vector<16xf32>
      tpu.vector_store_idx %arg12[%add3A_1062, %broadcast_in_dim3A_1103], %mul3A_1105 : memref<80x80xf32, #tpu.memory_space<vmem>>[vector<16xi32>, vector<16xi32>], vector<16xf32>,
      %broadcast_in_dim3A_1106 = arith.constant 6 : i32
      %broadcast_in_dim3A_1107 = vector.broadcast %broadcast_in_dim3A_1106 : i32 to vector<16xi32>
      %gather3A_1108 = tpu.vector_load_idx %arg12[%add3A_1062, %broadcast_in_dim3A_1107] : memref<80x80xf32, #tpu.memory_space<vmem>>[vector<16xi32>, vector<16xi32>], vector<16xf32>,
      %mul3A_1109 = arith.mulf %gather3A_1108, %exp3A_1081 : vector<16xf32>
      tpu.vector_store_idx %arg12[%add3A_1062, %broadcast_in_dim3A_1107], %mul3A_1109 : memref<80x80xf32, #tpu.memory_space<vmem>>[vector<16xi32>, vector<16xi32>], vector<16xf32>,
      %broadcast_in_dim3A_1110 = arith.constant 7 : i32
      %broadcast_in_dim3A_1111 = vector.broadcast %broadcast_in_dim3A_1110 : i32 to vector<16xi32>
      %gather3A_1112 = tpu.vector_load_idx %arg12[%add3A_1062, %broadcast_in_dim3A_1111] : memref<80x80xf32, #tpu.memory_space<vmem>>[vector<16xi32>, vector<16xi32>], vector<16xf32>,
      %mul3A_1113 = arith.mulf %gather3A_1112, %exp3A_1081 : vector<16xf32>
      tpu.vector_store_idx %arg12[%add3A_1062, %broadcast_in_dim3A_1111], %mul3A_1113 : memref<80x80xf32, #tpu.memory_space<vmem>>[vector<16xi32>, vector<16xi32>], vector<16xf32>,
      %broadcast_in_dim3A_1114 = arith.constant 8 : i32
      %broadcast_in_dim3A_1115 = vector.broadcast %broadcast_in_dim3A_1114 : i32 to vector<16xi32>
      %gather3A_1116 = tpu.vector_load_idx %arg12[%add3A_1062, %broadcast_in_dim3A_1115] : memref<80x80xf32, #tpu.memory_space<vmem>>[vector<16xi32>, vector<16xi32>], vector<16xf32>,
      %mul3A_1117 = arith.mulf %gather3A_1116, %exp3A_1081 : vector<16xf32>
      tpu.vector_store_idx %arg12[%add3A_1062, %broadcast_in_dim3A_1115], %mul3A_1117 : memref<80x80xf32, #tpu.memory_space<vmem>>[vector<16xi32>, vector<16xi32>], vector<16xf32>,
      %broadcast_in_dim3A_1118 = arith.constant 9 : i32
      %broadcast_in_dim3A_1119 = vector.broadcast %broadcast_in_dim3A_1118 : i32 to vector<16xi32>
      %gather3A_1120 = tpu.vector_load_idx %arg12[%add3A_1062, %broadcast_in_dim3A_1119] : memref<80x80xf32, #tpu.memory_space<vmem>>[vector<16xi32>, vector<16xi32>], vector<16xf32>,
      %mul3A_1121 = arith.mulf %gather3A_1120, %exp3A_1081 : vector<16xf32>
      tpu.vector_store_idx %arg12[%add3A_1062, %broadcast_in_dim3A_1119], %mul3A_1121 : memref<80x80xf32, #tpu.memory_space<vmem>>[vector<16xi32>, vector<16xi32>], vector<16xf32>,
      %broadcast_in_dim3A_1122 = arith.constant 10 : i32
      %broadcast_in_dim3A_1123 = vector.broadcast %broadcast_in_dim3A_1122 : i32 to vector<16xi32>
      %gather3A_1124 = tpu.vector_load_idx %arg12[%add3A_1062, %broadcast_in_dim3A_1123] : memref<80x80xf32, #tpu.memory_space<vmem>>[vector<16xi32>, vector<16xi32>], vector<16xf32>,
      %mul3A_1125 = arith.mulf %gather3A_1124, %exp3A_1081 : vector<16xf32>
      tpu.vector_store_idx %arg12[%add3A_1062, %broadcast_in_dim3A_1123], %mul3A_1125 : memref<80x80xf32, #tpu.memory_space<vmem>>[vector<16xi32>, vector<16xi32>], vector<16xf32>,
      %broadcast_in_dim3A_1126 = arith.constant 11 : i32
      %broadcast_in_dim3A_1127 = vector.broadcast %broadcast_in_dim3A_1126 : i32 to vector<16xi32>
      %gather3A_1128 = tpu.vector_load_idx %arg12[%add3A_1062, %broadcast_in_dim3A_1127] : memref<80x80xf32, #tpu.memory_space<vmem>>[vector<16xi32>, vector<16xi32>], vector<16xf32>,
      %mul3A_1129 = arith.mulf %gather3A_1128, %exp3A_1081 : vector<16xf32>
      tpu.vector_store_idx %arg12[%add3A_1062, %broadcast_in_dim3A_1127], %mul3A_1129 : memref<80x80xf32, #tpu.memory_space<vmem>>[vector<16xi32>, vector<16xi32>], vector<16xf32>,
      %broadcast_in_dim3A_1130 = arith.constant 12 : i32
      %broadcast_in_dim3A_1131 = vector.broadcast %broadcast_in_dim3A_1130 : i32 to vector<16xi32>
      %gather3A_1132 = tpu.vector_load_idx %arg12[%add3A_1062, %broadcast_in_dim3A_1131] : memref<80x80xf32, #tpu.memory_space<vmem>>[vector<16xi32>, vector<16xi32>], vector<16xf32>,
      %mul3A_1133 = arith.mulf %gather3A_1132, %exp3A_1081 : vector<16xf32>
      tpu.vector_store_idx %arg12[%add3A_1062, %broadcast_in_dim3A_1131], %mul3A_1133 : memref<80x80xf32, #tpu.memory_space<vmem>>[vector<16xi32>, vector<16xi32>], vector<16xf32>,
      %broadcast_in_dim3A_1134 = arith.constant 13 : i32
      %broadcast_in_dim3A_1135 = vector.broadcast %broadcast_in_dim3A_1134 : i32 to vector<16xi32>
      %gather3A_1136 = tpu.vector_load_idx %arg12[%add3A_1062, %broadcast_in_dim3A_1135] : memref<80x80xf32, #tpu.memory_space<vmem>>[vector<16xi32>, vector<16xi32>], vector<16xf32>,
      %mul3A_1137 = arith.mulf %gather3A_1136, %exp3A_1081 : vector<16xf32>
      tpu.vector_store_idx %arg12[%add3A_1062, %broadcast_in_dim3A_1135], %mul3A_1137 : memref<80x80xf32, #tpu.memory_space<vmem>>[vector<16xi32>, vector<16xi32>], vector<16xf32>,
      %broadcast_in_dim3A_1138 = arith.constant 14 : i32
      %broadcast_in_dim3A_1139 = vector.broadcast %broadcast_in_dim3A_1138 : i32 to vector<16xi32>
      %gather3A_1140 = tpu.vector_load_idx %arg12[%add3A_1062, %broadcast_in_dim3A_1139] : memref<80x80xf32, #tpu.memory_space<vmem>>[vector<16xi32>, vector<16xi32>], vector<16xf32>,
      %mul3A_1141 = arith.mulf %gather3A_1140, %exp3A_1081 : vector<16xf32>
      tpu.vector_store_idx %arg12[%add3A_1062, %broadcast_in_dim3A_1139], %mul3A_1141 : memref<80x80xf32, #tpu.memory_space<vmem>>[vector<16xi32>, vector<16xi32>], vector<16xf32>,
      %broadcast_in_dim3A_1142 = arith.constant 15 : i32
      %broadcast_in_dim3A_1143 = vector.broadcast %broadcast_in_dim3A_1142 : i32 to vector<16xi32>
      %gather3A_1144 = tpu.vector_load_idx %arg12[%add3A_1062, %broadcast_in_dim3A_1143] : memref<80x80xf32, #tpu.memory_space<vmem>>[vector<16xi32>, vector<16xi32>], vector<16xf32>,
      %mul3A_1145 = arith.mulf %gather3A_1144, %exp3A_1081 : vector<16xf32>
      tpu.vector_store_idx %arg12[%add3A_1062, %broadcast_in_dim3A_1143], %mul3A_1145 : memref<80x80xf32, #tpu.memory_space<vmem>>[vector<16xi32>, vector<16xi32>], vector<16xf32>,
      %broadcast_in_dim3A_1146 = arith.constant 64 : i32
      %broadcast_in_dim3A_1147 = vector.broadcast %broadcast_in_dim3A_1146 : i32 to vector<16xi32>
      tpu.vector_store_idx %arg12[%add3A_1062, %broadcast_in_dim3A_1147], %exp3A_1081 : memref<80x80xf32, #tpu.memory_space<vmem>>[vector<16xi32>, vector<16xi32>], vector<16xf32>,
      %broadcast_in_dim3A_1148 = arith.constant 1 : i32
      %broadcast_in_dim3A_1149 = vector.broadcast %broadcast_in_dim3A_1148 : i32 to vector<16xi32>
      %gather3A_1150 = tpu.vector_load_idx %arg10[%add3A_1062, %broadcast_in_dim3A_1149] : memref<80x16xf32, #tpu.memory_space<vmem>>[vector<16xi32>, vector<16xi32>], vector<16xf32>,
      %broadcast_in_dim3A_1151 = arith.constant 5 : i32
      %broadcast_in_dim3A_1152 = vector.broadcast %broadcast_in_dim3A_1151 : i32 to vector<16xi32>
      %gather3A_1153 = tpu.vector_load_idx %arg11[%add3A_1062, %broadcast_in_dim3A_1152] : memref<80x16xf32, #tpu.memory_space<vmem>>[vector<16xi32>, vector<16xi32>], vector<16xf32>,
      %broadcast_in_dim3A_1154 = arith.constant 9 : i32
      %broadcast_in_dim3A_1155 = vector.broadcast %broadcast_in_dim3A_1154 : i32 to vector<16xi32>
      %gather3A_1156 = tpu.vector_load_idx %arg11[%add3A_1062, %broadcast_in_dim3A_1155] : memref<80x16xf32, #tpu.memory_space<vmem>>[vector<16xi32>, vector<16xi32>], vector<16xf32>,
      %add3A_1157 = arith.addf %gather3A_1150, %gather3A_1153 : vector<16xf32>
      %ge3A_1158 = arith.constant 0.000000e+00 : f32
      %ge3A_1159 = vector.broadcast %ge3A_1158 : f32 to vector<16xf32>
      %ge3A_1160 = arith.cmpf oge, %add3A_1157, %ge3A_1159 : vector<16xf32>
      %mul3A_1161 = arith.constant 2.000000e-01 : f32
      %mul3A_1162 = vector.broadcast %mul3A_1161 : f32 to vector<16xf32>
      %mul3A_1163 = arith.mulf %mul3A_1162, %add3A_1157 : vector<16xf32>
      %select_n3A_1164 = arith.select %ge3A_1160, %add3A_1157, %mul3A_1163 : vector<16xi1>, vector<16xf32>
      %sub3A_1165 = arith.subf %select_n3A_1164, %gather3A_1156 : vector<16xf32>
      %exp3A_1166 = math.exp %sub3A_1165 : vector<16xf32>
      %broadcast_in_dim3A_1167 = arith.constant 16 : i32
      %broadcast_in_dim3A_1168 = vector.broadcast %broadcast_in_dim3A_1167 : i32 to vector<16xi32>
      %gather3A_1169 = tpu.vector_load_idx %arg12[%add3A_1062, %broadcast_in_dim3A_1168] : memref<80x80xf32, #tpu.memory_space<vmem>>[vector<16xi32>, vector<16xi32>], vector<16xf32>,
      %mul3A_1170 = arith.mulf %gather3A_1169, %exp3A_1166 : vector<16xf32>
      tpu.vector_store_idx %arg12[%add3A_1062, %broadcast_in_dim3A_1168], %mul3A_1170 : memref<80x80xf32, #tpu.memory_space<vmem>>[vector<16xi32>, vector<16xi32>], vector<16xf32>,
      %broadcast_in_dim3A_1171 = arith.constant 17 : i32
      %broadcast_in_dim3A_1172 = vector.broadcast %broadcast_in_dim3A_1171 : i32 to vector<16xi32>
      %gather3A_1173 = tpu.vector_load_idx %arg12[%add3A_1062, %broadcast_in_dim3A_1172] : memref<80x80xf32, #tpu.memory_space<vmem>>[vector<16xi32>, vector<16xi32>], vector<16xf32>,
      %mul3A_1174 = arith.mulf %gather3A_1173, %exp3A_1166 : vector<16xf32>
      tpu.vector_store_idx %arg12[%add3A_1062, %broadcast_in_dim3A_1172], %mul3A_1174 : memref<80x80xf32, #tpu.memory_space<vmem>>[vector<16xi32>, vector<16xi32>], vector<16xf32>,
      %broadcast_in_dim3A_1175 = arith.constant 18 : i32
      %broadcast_in_dim3A_1176 = vector.broadcast %broadcast_in_dim3A_1175 : i32 to vector<16xi32>
      %gather3A_1177 = tpu.vector_load_idx %arg12[%add3A_1062, %broadcast_in_dim3A_1176] : memref<80x80xf32, #tpu.memory_space<vmem>>[vector<16xi32>, vector<16xi32>], vector<16xf32>,
      %mul3A_1178 = arith.mulf %gather3A_1177, %exp3A_1166 : vector<16xf32>
      tpu.vector_store_idx %arg12[%add3A_1062, %broadcast_in_dim3A_1176], %mul3A_1178 : memref<80x80xf32, #tpu.memory_space<vmem>>[vector<16xi32>, vector<16xi32>], vector<16xf32>,
      %broadcast_in_dim3A_1179 = arith.constant 19 : i32
      %broadcast_in_dim3A_1180 = vector.broadcast %broadcast_in_dim3A_1179 : i32 to vector<16xi32>
      %gather3A_1181 = tpu.vector_load_idx %arg12[%add3A_1062, %broadcast_in_dim3A_1180] : memref<80x80xf32, #tpu.memory_space<vmem>>[vector<16xi32>, vector<16xi32>], vector<16xf32>,
      %mul3A_1182 = arith.mulf %gather3A_1181, %exp3A_1166 : vector<16xf32>
      tpu.vector_store_idx %arg12[%add3A_1062, %broadcast_in_dim3A_1180], %mul3A_1182 : memref<80x80xf32, #tpu.memory_space<vmem>>[vector<16xi32>, vector<16xi32>], vector<16xf32>,
      %broadcast_in_dim3A_1183 = arith.constant 20 : i32
      %broadcast_in_dim3A_1184 = vector.broadcast %broadcast_in_dim3A_1183 : i32 to vector<16xi32>
      %gather3A_1185 = tpu.vector_load_idx %arg12[%add3A_1062, %broadcast_in_dim3A_1184] : memref<80x80xf32, #tpu.memory_space<vmem>>[vector<16xi32>, vector<16xi32>], vector<16xf32>,
      %mul3A_1186 = arith.mulf %gather3A_1185, %exp3A_1166 : vector<16xf32>
      tpu.vector_store_idx %arg12[%add3A_1062, %broadcast_in_dim3A_1184], %mul3A_1186 : memref<80x80xf32, #tpu.memory_space<vmem>>[vector<16xi32>, vector<16xi32>], vector<16xf32>,
      %broadcast_in_dim3A_1187 = arith.constant 21 : i32
      %broadcast_in_dim3A_1188 = vector.broadcast %broadcast_in_dim3A_1187 : i32 to vector<16xi32>
      %gather3A_1189 = tpu.vector_load_idx %arg12[%add3A_1062, %broadcast_in_dim3A_1188] : memref<80x80xf32, #tpu.memory_space<vmem>>[vector<16xi32>, vector<16xi32>], vector<16xf32>,
      %mul3A_1190 = arith.mulf %gather3A_1189, %exp3A_1166 : vector<16xf32>
      tpu.vector_store_idx %arg12[%add3A_1062, %broadcast_in_dim3A_1188], %mul3A_1190 : memref<80x80xf32, #tpu.memory_space<vmem>>[vector<16xi32>, vector<16xi32>], vector<16xf32>,
      %broadcast_in_dim3A_1191 = arith.constant 22 : i32
      %broadcast_in_dim3A_1192 = vector.broadcast %broadcast_in_dim3A_1191 : i32 to vector<16xi32>
      %gather3A_1193 = tpu.vector_load_idx %arg12[%add3A_1062, %broadcast_in_dim3A_1192] : memref<80x80xf32, #tpu.memory_space<vmem>>[vector<16xi32>, vector<16xi32>], vector<16xf32>,
      %mul3A_1194 = arith.mulf %gather3A_1193, %exp3A_1166 : vector<16xf32>
      tpu.vector_store_idx %arg12[%add3A_1062, %broadcast_in_dim3A_1192], %mul3A_1194 : memref<80x80xf32, #tpu.memory_space<vmem>>[vector<16xi32>, vector<16xi32>], vector<16xf32>,
      %broadcast_in_dim3A_1195 = arith.constant 23 : i32
      %broadcast_in_dim3A_1196 = vector.broadcast %broadcast_in_dim3A_1195 : i32 to vector<16xi32>
      %gather3A_1197 = tpu.vector_load_idx %arg12[%add3A_1062, %broadcast_in_dim3A_1196] : memref<80x80xf32, #tpu.memory_space<vmem>>[vector<16xi32>, vector<16xi32>], vector<16xf32>,
      %mul3A_1198 = arith.mulf %gather3A_1197, %exp3A_1166 : vector<16xf32>
      tpu.vector_store_idx %arg12[%add3A_1062, %broadcast_in_dim3A_1196], %mul3A_1198 : memref<80x80xf32, #tpu.memory_space<vmem>>[vector<16xi32>, vector<16xi32>], vector<16xf32>,
      %broadcast_in_dim3A_1199 = arith.constant 24 : i32
      %broadcast_in_dim3A_1200 = vector.broadcast %broadcast_in_dim3A_1199 : i32 to vector<16xi32>
      %gather3A_1201 = tpu.vector_load_idx %arg12[%add3A_1062, %broadcast_in_dim3A_1200] : memref<80x80xf32, #tpu.memory_space<vmem>>[vector<16xi32>, vector<16xi32>], vector<16xf32>,
      %mul3A_1202 = arith.mulf %gather3A_1201, %exp3A_1166 : vector<16xf32>
      tpu.vector_store_idx %arg12[%add3A_1062, %broadcast_in_dim3A_1200], %mul3A_1202 : memref<80x80xf32, #tpu.memory_space<vmem>>[vector<16xi32>, vector<16xi32>], vector<16xf32>,
      %broadcast_in_dim3A_1203 = arith.constant 25 : i32
      %broadcast_in_dim3A_1204 = vector.broadcast %broadcast_in_dim3A_1203 : i32 to vector<16xi32>
      %gather3A_1205 = tpu.vector_load_idx %arg12[%add3A_1062, %broadcast_in_dim3A_1204] : memref<80x80xf32, #tpu.memory_space<vmem>>[vector<16xi32>, vector<16xi32>], vector<16xf32>,
      %mul3A_1206 = arith.mulf %gather3A_1205, %exp3A_1166 : vector<16xf32>
      tpu.vector_store_idx %arg12[%add3A_1062, %broadcast_in_dim3A_1204], %mul3A_1206 : memref<80x80xf32, #tpu.memory_space<vmem>>[vector<16xi32>, vector<16xi32>], vector<16xf32>,
      %broadcast_in_dim3A_1207 = arith.constant 26 : i32
      %broadcast_in_dim3A_1208 = vector.broadcast %broadcast_in_dim3A_1207 : i32 to vector<16xi32>
      %gather3A_1209 = tpu.vector_load_idx %arg12[%add3A_1062, %broadcast_in_dim3A_1208] : memref<80x80xf32, #tpu.memory_space<vmem>>[vector<16xi32>, vector<16xi32>], vector<16xf32>,
      %mul3A_1210 = arith.mulf %gather3A_1209, %exp3A_1166 : vector<16xf32>
      tpu.vector_store_idx %arg12[%add3A_1062, %broadcast_in_dim3A_1208], %mul3A_1210 : memref<80x80xf32, #tpu.memory_space<vmem>>[vector<16xi32>, vector<16xi32>], vector<16xf32>,
      %broadcast_in_dim3A_1211 = arith.constant 27 : i32
      %broadcast_in_dim3A_1212 = vector.broadcast %broadcast_in_dim3A_1211 : i32 to vector<16xi32>
      %gather3A_1213 = tpu.vector_load_idx %arg12[%add3A_1062, %broadcast_in_dim3A_1212] : memref<80x80xf32, #tpu.memory_space<vmem>>[vector<16xi32>, vector<16xi32>], vector<16xf32>,
      %mul3A_1214 = arith.mulf %gather3A_1213, %exp3A_1166 : vector<16xf32>
      tpu.vector_store_idx %arg12[%add3A_1062, %broadcast_in_dim3A_1212], %mul3A_1214 : memref<80x80xf32, #tpu.memory_space<vmem>>[vector<16xi32>, vector<16xi32>], vector<16xf32>,
      %broadcast_in_dim3A_1215 = arith.constant 28 : i32
      %broadcast_in_dim3A_1216 = vector.broadcast %broadcast_in_dim3A_1215 : i32 to vector<16xi32>
      %gather3A_1217 = tpu.vector_load_idx %arg12[%add3A_1062, %broadcast_in_dim3A_1216] : memref<80x80xf32, #tpu.memory_space<vmem>>[vector<16xi32>, vector<16xi32>], vector<16xf32>,
      %mul3A_1218 = arith.mulf %gather3A_1217, %exp3A_1166 : vector<16xf32>
      tpu.vector_store_idx %arg12[%add3A_1062, %broadcast_in_dim3A_1216], %mul3A_1218 : memref<80x80xf32, #tpu.memory_space<vmem>>[vector<16xi32>, vector<16xi32>], vector<16xf32>,
      %broadcast_in_dim3A_1219 = arith.constant 29 : i32
      %broadcast_in_dim3A_1220 = vector.broadcast %broadcast_in_dim3A_1219 : i32 to vector<16xi32>
      %gather3A_1221 = tpu.vector_load_idx %arg12[%add3A_1062, %broadcast_in_dim3A_1220] : memref<80x80xf32, #tpu.memory_space<vmem>>[vector<16xi32>, vector<16xi32>], vector<16xf32>,
      %mul3A_1222 = arith.mulf %gather3A_1221, %exp3A_1166 : vector<16xf32>
      tpu.vector_store_idx %arg12[%add3A_1062, %broadcast_in_dim3A_1220], %mul3A_1222 : memref<80x80xf32, #tpu.memory_space<vmem>>[vector<16xi32>, vector<16xi32>], vector<16xf32>,
      %broadcast_in_dim3A_1223 = arith.constant 30 : i32
      %broadcast_in_dim3A_1224 = vector.broadcast %broadcast_in_dim3A_1223 : i32 to vector<16xi32>
      %gather3A_1225 = tpu.vector_load_idx %arg12[%add3A_1062, %broadcast_in_dim3A_1224] : memref<80x80xf32, #tpu.memory_space<vmem>>[vector<16xi32>, vector<16xi32>], vector<16xf32>,
      %mul3A_1226 = arith.mulf %gather3A_1225, %exp3A_1166 : vector<16xf32>
      tpu.vector_store_idx %arg12[%add3A_1062, %broadcast_in_dim3A_1224], %mul3A_1226 : memref<80x80xf32, #tpu.memory_space<vmem>>[vector<16xi32>, vector<16xi32>], vector<16xf32>,
      %broadcast_in_dim3A_1227 = arith.constant 31 : i32
      %broadcast_in_dim3A_1228 = vector.broadcast %broadcast_in_dim3A_1227 : i32 to vector<16xi32>
      %gather3A_1229 = tpu.vector_load_idx %arg12[%add3A_1062, %broadcast_in_dim3A_1228] : memref<80x80xf32, #tpu.memory_space<vmem>>[vector<16xi32>, vector<16xi32>], vector<16xf32>,
      %mul3A_1230 = arith.mulf %gather3A_1229, %exp3A_1166 : vector<16xf32>
      tpu.vector_store_idx %arg12[%add3A_1062, %broadcast_in_dim3A_1228], %mul3A_1230 : memref<80x80xf32, #tpu.memory_space<vmem>>[vector<16xi32>, vector<16xi32>], vector<16xf32>,
      %broadcast_in_dim3A_1231 = arith.constant 65 : i32
      %broadcast_in_dim3A_1232 = vector.broadcast %broadcast_in_dim3A_1231 : i32 to vector<16xi32>
      tpu.vector_store_idx %arg12[%add3A_1062, %broadcast_in_dim3A_1232], %exp3A_1166 : memref<80x80xf32, #tpu.memory_space<vmem>>[vector<16xi32>, vector<16xi32>], vector<16xf32>,
      %broadcast_in_dim3A_1233 = arith.constant 2 : i32
      %broadcast_in_dim3A_1234 = vector.broadcast %broadcast_in_dim3A_1233 : i32 to vector<16xi32>
      %gather3A_1235 = tpu.vector_load_idx %arg10[%add3A_1062, %broadcast_in_dim3A_1234] : memref<80x16xf32, #tpu.memory_space<vmem>>[vector<16xi32>, vector<16xi32>], vector<16xf32>,
      %broadcast_in_dim3A_1236 = arith.constant 6 : i32
      %broadcast_in_dim3A_1237 = vector.broadcast %broadcast_in_dim3A_1236 : i32 to vector<16xi32>
      %gather3A_1238 = tpu.vector_load_idx %arg11[%add3A_1062, %broadcast_in_dim3A_1237] : memref<80x16xf32, #tpu.memory_space<vmem>>[vector<16xi32>, vector<16xi32>], vector<16xf32>,
      %broadcast_in_dim3A_1239 = arith.constant 10 : i32
      %broadcast_in_dim3A_1240 = vector.broadcast %broadcast_in_dim3A_1239 : i32 to vector<16xi32>
      %gather3A_1241 = tpu.vector_load_idx %arg11[%add3A_1062, %broadcast_in_dim3A_1240] : memref<80x16xf32, #tpu.memory_space<vmem>>[vector<16xi32>, vector<16xi32>], vector<16xf32>,
      %add3A_1242 = arith.addf %gather3A_1235, %gather3A_1238 : vector<16xf32>
      %ge3A_1243 = arith.constant 0.000000e+00 : f32
      %ge3A_1244 = vector.broadcast %ge3A_1243 : f32 to vector<16xf32>
      %ge3A_1245 = arith.cmpf oge, %add3A_1242, %ge3A_1244 : vector<16xf32>
      %mul3A_1246 = arith.constant 2.000000e-01 : f32
      %mul3A_1247 = vector.broadcast %mul3A_1246 : f32 to vector<16xf32>
      %mul3A_1248 = arith.mulf %mul3A_1247, %add3A_1242 : vector<16xf32>
      %select_n3A_1249 = arith.select %ge3A_1245, %add3A_1242, %mul3A_1248 : vector<16xi1>, vector<16xf32>
      %sub3A_1250 = arith.subf %select_n3A_1249, %gather3A_1241 : vector<16xf32>
      %exp3A_1251 = math.exp %sub3A_1250 : vector<16xf32>
      %broadcast_in_dim3A_1252 = arith.constant 32 : i32
      %broadcast_in_dim3A_1253 = vector.broadcast %broadcast_in_dim3A_1252 : i32 to vector<16xi32>
      %gather3A_1254 = tpu.vector_load_idx %arg12[%add3A_1062, %broadcast_in_dim3A_1253] : memref<80x80xf32, #tpu.memory_space<vmem>>[vector<16xi32>, vector<16xi32>], vector<16xf32>,
      %mul3A_1255 = arith.mulf %gather3A_1254, %exp3A_1251 : vector<16xf32>
      tpu.vector_store_idx %arg12[%add3A_1062, %broadcast_in_dim3A_1253], %mul3A_1255 : memref<80x80xf32, #tpu.memory_space<vmem>>[vector<16xi32>, vector<16xi32>], vector<16xf32>,
      %broadcast_in_dim3A_1256 = arith.constant 33 : i32
      %broadcast_in_dim3A_1257 = vector.broadcast %broadcast_in_dim3A_1256 : i32 to vector<16xi32>
      %gather3A_1258 = tpu.vector_load_idx %arg12[%add3A_1062, %broadcast_in_dim3A_1257] : memref<80x80xf32, #tpu.memory_space<vmem>>[vector<16xi32>, vector<16xi32>], vector<16xf32>,
      %mul3A_1259 = arith.mulf %gather3A_1258, %exp3A_1251 : vector<16xf32>
      tpu.vector_store_idx %arg12[%add3A_1062, %broadcast_in_dim3A_1257], %mul3A_1259 : memref<80x80xf32, #tpu.memory_space<vmem>>[vector<16xi32>, vector<16xi32>], vector<16xf32>,
      %broadcast_in_dim3A_1260 = arith.constant 34 : i32
      %broadcast_in_dim3A_1261 = vector.broadcast %broadcast_in_dim3A_1260 : i32 to vector<16xi32>
      %gather3A_1262 = tpu.vector_load_idx %arg12[%add3A_1062, %broadcast_in_dim3A_1261] : memref<80x80xf32, #tpu.memory_space<vmem>>[vector<16xi32>, vector<16xi32>], vector<16xf32>,
      %mul3A_1263 = arith.mulf %gather3A_1262, %exp3A_1251 : vector<16xf32>
      tpu.vector_store_idx %arg12[%add3A_1062, %broadcast_in_dim3A_1261], %mul3A_1263 : memref<80x80xf32, #tpu.memory_space<vmem>>[vector<16xi32>, vector<16xi32>], vector<16xf32>,
      %broadcast_in_dim3A_1264 = arith.constant 35 : i32
      %broadcast_in_dim3A_1265 = vector.broadcast %broadcast_in_dim3A_1264 : i32 to vector<16xi32>
      %gather3A_1266 = tpu.vector_load_idx %arg12[%add3A_1062, %broadcast_in_dim3A_1265] : memref<80x80xf32, #tpu.memory_space<vmem>>[vector<16xi32>, vector<16xi32>], vector<16xf32>,
      %mul3A_1267 = arith.mulf %gather3A_1266, %exp3A_1251 : vector<16xf32>
      tpu.vector_store_idx %arg12[%add3A_1062, %broadcast_in_dim3A_1265], %mul3A_1267 : memref<80x80xf32, #tpu.memory_space<vmem>>[vector<16xi32>, vector<16xi32>], vector<16xf32>,
      %broadcast_in_dim3A_1268 = arith.constant 36 : i32
      %broadcast_in_dim3A_1269 = vector.broadcast %broadcast_in_dim3A_1268 : i32 to vector<16xi32>
      %gather3A_1270 = tpu.vector_load_idx %arg12[%add3A_1062, %broadcast_in_dim3A_1269] : memref<80x80xf32, #tpu.memory_space<vmem>>[vector<16xi32>, vector<16xi32>], vector<16xf32>,
      %mul3A_1271 = arith.mulf %gather3A_1270, %exp3A_1251 : vector<16xf32>
      tpu.vector_store_idx %arg12[%add3A_1062, %broadcast_in_dim3A_1269], %mul3A_1271 : memref<80x80xf32, #tpu.memory_space<vmem>>[vector<16xi32>, vector<16xi32>], vector<16xf32>,
      %broadcast_in_dim3A_1272 = arith.constant 37 : i32
      %broadcast_in_dim3A_1273 = vector.broadcast %broadcast_in_dim3A_1272 : i32 to vector<16xi32>
      %gather3A_1274 = tpu.vector_load_idx %arg12[%add3A_1062, %broadcast_in_dim3A_1273] : memref<80x80xf32, #tpu.memory_space<vmem>>[vector<16xi32>, vector<16xi32>], vector<16xf32>,
      %mul3A_1275 = arith.mulf %gather3A_1274, %exp3A_1251 : vector<16xf32>
      tpu.vector_store_idx %arg12[%add3A_1062, %broadcast_in_dim3A_1273], %mul3A_1275 : memref<80x80xf32, #tpu.memory_space<vmem>>[vector<16xi32>, vector<16xi32>], vector<16xf32>,
      %broadcast_in_dim3A_1276 = arith.constant 38 : i32
      %broadcast_in_dim3A_1277 = vector.broadcast %broadcast_in_dim3A_1276 : i32 to vector<16xi32>
      %gather3A_1278 = tpu.vector_load_idx %arg12[%add3A_1062, %broadcast_in_dim3A_1277] : memref<80x80xf32, #tpu.memory_space<vmem>>[vector<16xi32>, vector<16xi32>], vector<16xf32>,
      %mul3A_1279 = arith.mulf %gather3A_1278, %exp3A_1251 : vector<16xf32>
      tpu.vector_store_idx %arg12[%add3A_1062, %broadcast_in_dim3A_1277], %mul3A_1279 : memref<80x80xf32, #tpu.memory_space<vmem>>[vector<16xi32>, vector<16xi32>], vector<16xf32>,
      %broadcast_in_dim3A_1280 = arith.constant 39 : i32
      %broadcast_in_dim3A_1281 = vector.broadcast %broadcast_in_dim3A_1280 : i32 to vector<16xi32>
      %gather3A_1282 = tpu.vector_load_idx %arg12[%add3A_1062, %broadcast_in_dim3A_1281] : memref<80x80xf32, #tpu.memory_space<vmem>>[vector<16xi32>, vector<16xi32>], vector<16xf32>,
      %mul3A_1283 = arith.mulf %gather3A_1282, %exp3A_1251 : vector<16xf32>
      tpu.vector_store_idx %arg12[%add3A_1062, %broadcast_in_dim3A_1281], %mul3A_1283 : memref<80x80xf32, #tpu.memory_space<vmem>>[vector<16xi32>, vector<16xi32>], vector<16xf32>,
      %broadcast_in_dim3A_1284 = arith.constant 40 : i32
      %broadcast_in_dim3A_1285 = vector.broadcast %broadcast_in_dim3A_1284 : i32 to vector<16xi32>
      %gather3A_1286 = tpu.vector_load_idx %arg12[%add3A_1062, %broadcast_in_dim3A_1285] : memref<80x80xf32, #tpu.memory_space<vmem>>[vector<16xi32>, vector<16xi32>], vector<16xf32>,
      %mul3A_1287 = arith.mulf %gather3A_1286, %exp3A_1251 : vector<16xf32>
      tpu.vector_store_idx %arg12[%add3A_1062, %broadcast_in_dim3A_1285], %mul3A_1287 : memref<80x80xf32, #tpu.memory_space<vmem>>[vector<16xi32>, vector<16xi32>], vector<16xf32>,
      %broadcast_in_dim3A_1288 = arith.constant 41 : i32
      %broadcast_in_dim3A_1289 = vector.broadcast %broadcast_in_dim3A_1288 : i32 to vector<16xi32>
      %gather3A_1290 = tpu.vector_load_idx %arg12[%add3A_1062, %broadcast_in_dim3A_1289] : memref<80x80xf32, #tpu.memory_space<vmem>>[vector<16xi32>, vector<16xi32>], vector<16xf32>,
      %mul3A_1291 = arith.mulf %gather3A_1290, %exp3A_1251 : vector<16xf32>
      tpu.vector_store_idx %arg12[%add3A_1062, %broadcast_in_dim3A_1289], %mul3A_1291 : memref<80x80xf32, #tpu.memory_space<vmem>>[vector<16xi32>, vector<16xi32>], vector<16xf32>,
      %broadcast_in_dim3A_1292 = arith.constant 42 : i32
      %broadcast_in_dim3A_1293 = vector.broadcast %broadcast_in_dim3A_1292 : i32 to vector<16xi32>
      %gather3A_1294 = tpu.vector_load_idx %arg12[%add3A_1062, %broadcast_in_dim3A_1293] : memref<80x80xf32, #tpu.memory_space<vmem>>[vector<16xi32>, vector<16xi32>], vector<16xf32>,
      %mul3A_1295 = arith.mulf %gather3A_1294, %exp3A_1251 : vector<16xf32>
      tpu.vector_store_idx %arg12[%add3A_1062, %broadcast_in_dim3A_1293], %mul3A_1295 : memref<80x80xf32, #tpu.memory_space<vmem>>[vector<16xi32>, vector<16xi32>], vector<16xf32>,
      %broadcast_in_dim3A_1296 = arith.constant 43 : i32
      %broadcast_in_dim3A_1297 = vector.broadcast %broadcast_in_dim3A_1296 : i32 to vector<16xi32>
      %gather3A_1298 = tpu.vector_load_idx %arg12[%add3A_1062, %broadcast_in_dim3A_1297] : memref<80x80xf32, #tpu.memory_space<vmem>>[vector<16xi32>, vector<16xi32>], vector<16xf32>,
      %mul3A_1299 = arith.mulf %gather3A_1298, %exp3A_1251 : vector<16xf32>
      tpu.vector_store_idx %arg12[%add3A_1062, %broadcast_in_dim3A_1297], %mul3A_1299 : memref<80x80xf32, #tpu.memory_space<vmem>>[vector<16xi32>, vector<16xi32>], vector<16xf32>,
      %broadcast_in_dim3A_1300 = arith.constant 44 : i32
      %broadcast_in_dim3A_1301 = vector.broadcast %broadcast_in_dim3A_1300 : i32 to vector<16xi32>
      %gather3A_1302 = tpu.vector_load_idx %arg12[%add3A_1062, %broadcast_in_dim3A_1301] : memref<80x80xf32, #tpu.memory_space<vmem>>[vector<16xi32>, vector<16xi32>], vector<16xf32>,
      %mul3A_1303 = arith.mulf %gather3A_1302, %exp3A_1251 : vector<16xf32>
      tpu.vector_store_idx %arg12[%add3A_1062, %broadcast_in_dim3A_1301], %mul3A_1303 : memref<80x80xf32, #tpu.memory_space<vmem>>[vector<16xi32>, vector<16xi32>], vector<16xf32>,
      %broadcast_in_dim3A_1304 = arith.constant 45 : i32
      %broadcast_in_dim3A_1305 = vector.broadcast %broadcast_in_dim3A_1304 : i32 to vector<16xi32>
      %gather3A_1306 = tpu.vector_load_idx %arg12[%add3A_1062, %broadcast_in_dim3A_1305] : memref<80x80xf32, #tpu.memory_space<vmem>>[vector<16xi32>, vector<16xi32>], vector<16xf32>,
      %mul3A_1307 = arith.mulf %gather3A_1306, %exp3A_1251 : vector<16xf32>
      tpu.vector_store_idx %arg12[%add3A_1062, %broadcast_in_dim3A_1305], %mul3A_1307 : memref<80x80xf32, #tpu.memory_space<vmem>>[vector<16xi32>, vector<16xi32>], vector<16xf32>,
      %broadcast_in_dim3A_1308 = arith.constant 46 : i32
      %broadcast_in_dim3A_1309 = vector.broadcast %broadcast_in_dim3A_1308 : i32 to vector<16xi32>
      %gather3A_1310 = tpu.vector_load_idx %arg12[%add3A_1062, %broadcast_in_dim3A_1309] : memref<80x80xf32, #tpu.memory_space<vmem>>[vector<16xi32>, vector<16xi32>], vector<16xf32>,
      %mul3A_1311 = arith.mulf %gather3A_1310, %exp3A_1251 : vector<16xf32>
      tpu.vector_store_idx %arg12[%add3A_1062, %broadcast_in_dim3A_1309], %mul3A_1311 : memref<80x80xf32, #tpu.memory_space<vmem>>[vector<16xi32>, vector<16xi32>], vector<16xf32>,
      %broadcast_in_dim3A_1312 = arith.constant 47 : i32
      %broadcast_in_dim3A_1313 = vector.broadcast %broadcast_in_dim3A_1312 : i32 to vector<16xi32>
      %gather3A_1314 = tpu.vector_load_idx %arg12[%add3A_1062, %broadcast_in_dim3A_1313] : memref<80x80xf32, #tpu.memory_space<vmem>>[vector<16xi32>, vector<16xi32>], vector<16xf32>,
      %mul3A_1315 = arith.mulf %gather3A_1314, %exp3A_1251 : vector<16xf32>
      tpu.vector_store_idx %arg12[%add3A_1062, %broadcast_in_dim3A_1313], %mul3A_1315 : memref<80x80xf32, #tpu.memory_space<vmem>>[vector<16xi32>, vector<16xi32>], vector<16xf32>,
      %broadcast_in_dim3A_1316 = arith.constant 66 : i32
      %broadcast_in_dim3A_1317 = vector.broadcast %broadcast_in_dim3A_1316 : i32 to vector<16xi32>
      tpu.vector_store_idx %arg12[%add3A_1062, %broadcast_in_dim3A_1317], %exp3A_1251 : memref<80x80xf32, #tpu.memory_space<vmem>>[vector<16xi32>, vector<16xi32>], vector<16xf32>,
      %broadcast_in_dim3A_1318 = arith.constant 3 : i32
      %broadcast_in_dim3A_1319 = vector.broadcast %broadcast_in_dim3A_1318 : i32 to vector<16xi32>
      %gather3A_1320 = tpu.vector_load_idx %arg10[%add3A_1062, %broadcast_in_dim3A_1319] : memref<80x16xf32, #tpu.memory_space<vmem>>[vector<16xi32>, vector<16xi32>], vector<16xf32>,
      %broadcast_in_dim3A_1321 = arith.constant 7 : i32
      %broadcast_in_dim3A_1322 = vector.broadcast %broadcast_in_dim3A_1321 : i32 to vector<16xi32>
      %gather3A_1323 = tpu.vector_load_idx %arg11[%add3A_1062, %broadcast_in_dim3A_1322] : memref<80x16xf32, #tpu.memory_space<vmem>>[vector<16xi32>, vector<16xi32>], vector<16xf32>,
      %broadcast_in_dim3A_1324 = arith.constant 11 : i32
      %broadcast_in_dim3A_1325 = vector.broadcast %broadcast_in_dim3A_1324 : i32 to vector<16xi32>
      %gather3A_1326 = tpu.vector_load_idx %arg11[%add3A_1062, %broadcast_in_dim3A_1325] : memref<80x16xf32, #tpu.memory_space<vmem>>[vector<16xi32>, vector<16xi32>], vector<16xf32>,
      %add3A_1327 = arith.addf %gather3A_1320, %gather3A_1323 : vector<16xf32>
      %ge3A_1328 = arith.constant 0.000000e+00 : f32
      %ge3A_1329 = vector.broadcast %ge3A_1328 : f32 to vector<16xf32>
      %ge3A_1330 = arith.cmpf oge, %add3A_1327, %ge3A_1329 : vector<16xf32>
      %mul3A_1331 = arith.constant 2.000000e-01 : f32
      %mul3A_1332 = vector.broadcast %mul3A_1331 : f32 to vector<16xf32>
      %mul3A_1333 = arith.mulf %mul3A_1332, %add3A_1327 : vector<16xf32>
      %select_n3A_1334 = arith.select %ge3A_1330, %add3A_1327, %mul3A_1333 : vector<16xi1>, vector<16xf32>
      %sub3A_1335 = arith.subf %select_n3A_1334, %gather3A_1326 : vector<16xf32>
      %exp3A_1336 = math.exp %sub3A_1335 : vector<16xf32>
      %broadcast_in_dim3A_1337 = arith.constant 48 : i32
      %broadcast_in_dim3A_1338 = vector.broadcast %broadcast_in_dim3A_1337 : i32 to vector<16xi32>
      %gather3A_1339 = tpu.vector_load_idx %arg12[%add3A_1062, %broadcast_in_dim3A_1338] : memref<80x80xf32, #tpu.memory_space<vmem>>[vector<16xi32>, vector<16xi32>], vector<16xf32>,
      %mul3A_1340 = arith.mulf %gather3A_1339, %exp3A_1336 : vector<16xf32>
      tpu.vector_store_idx %arg12[%add3A_1062, %broadcast_in_dim3A_1338], %mul3A_1340 : memref<80x80xf32, #tpu.memory_space<vmem>>[vector<16xi32>, vector<16xi32>], vector<16xf32>,
      %broadcast_in_dim3A_1341 = arith.constant 49 : i32
      %broadcast_in_dim3A_1342 = vector.broadcast %broadcast_in_dim3A_1341 : i32 to vector<16xi32>
      %gather3A_1343 = tpu.vector_load_idx %arg12[%add3A_1062, %broadcast_in_dim3A_1342] : memref<80x80xf32, #tpu.memory_space<vmem>>[vector<16xi32>, vector<16xi32>], vector<16xf32>,
      %mul3A_1344 = arith.mulf %gather3A_1343, %exp3A_1336 : vector<16xf32>
      tpu.vector_store_idx %arg12[%add3A_1062, %broadcast_in_dim3A_1342], %mul3A_1344 : memref<80x80xf32, #tpu.memory_space<vmem>>[vector<16xi32>, vector<16xi32>], vector<16xf32>,
      %broadcast_in_dim3A_1345 = arith.constant 50 : i32
      %broadcast_in_dim3A_1346 = vector.broadcast %broadcast_in_dim3A_1345 : i32 to vector<16xi32>
      %gather3A_1347 = tpu.vector_load_idx %arg12[%add3A_1062, %broadcast_in_dim3A_1346] : memref<80x80xf32, #tpu.memory_space<vmem>>[vector<16xi32>, vector<16xi32>], vector<16xf32>,
      %mul3A_1348 = arith.mulf %gather3A_1347, %exp3A_1336 : vector<16xf32>
      tpu.vector_store_idx %arg12[%add3A_1062, %broadcast_in_dim3A_1346], %mul3A_1348 : memref<80x80xf32, #tpu.memory_space<vmem>>[vector<16xi32>, vector<16xi32>], vector<16xf32>,
      %broadcast_in_dim3A_1349 = arith.constant 51 : i32
      %broadcast_in_dim3A_1350 = vector.broadcast %broadcast_in_dim3A_1349 : i32 to vector<16xi32>
      %gather3A_1351 = tpu.vector_load_idx %arg12[%add3A_1062, %broadcast_in_dim3A_1350] : memref<80x80xf32, #tpu.memory_space<vmem>>[vector<16xi32>, vector<16xi32>], vector<16xf32>,
      %mul3A_1352 = arith.mulf %gather3A_1351, %exp3A_1336 : vector<16xf32>
      tpu.vector_store_idx %arg12[%add3A_1062, %broadcast_in_dim3A_1350], %mul3A_1352 : memref<80x80xf32, #tpu.memory_space<vmem>>[vector<16xi32>, vector<16xi32>], vector<16xf32>,
      %broadcast_in_dim3A_1353 = arith.constant 52 : i32
      %broadcast_in_dim3A_1354 = vector.broadcast %broadcast_in_dim3A_1353 : i32 to vector<16xi32>
      %gather3A_1355 = tpu.vector_load_idx %arg12[%add3A_1062, %broadcast_in_dim3A_1354] : memref<80x80xf32, #tpu.memory_space<vmem>>[vector<16xi32>, vector<16xi32>], vector<16xf32>,
      %mul3A_1356 = arith.mulf %gather3A_1355, %exp3A_1336 : vector<16xf32>
      tpu.vector_store_idx %arg12[%add3A_1062, %broadcast_in_dim3A_1354], %mul3A_1356 : memref<80x80xf32, #tpu.memory_space<vmem>>[vector<16xi32>, vector<16xi32>], vector<16xf32>,
      %broadcast_in_dim3A_1357 = arith.constant 53 : i32
      %broadcast_in_dim3A_1358 = vector.broadcast %broadcast_in_dim3A_1357 : i32 to vector<16xi32>
      %gather3A_1359 = tpu.vector_load_idx %arg12[%add3A_1062, %broadcast_in_dim3A_1358] : memref<80x80xf32, #tpu.memory_space<vmem>>[vector<16xi32>, vector<16xi32>], vector<16xf32>,
      %mul3A_1360 = arith.mulf %gather3A_1359, %exp3A_1336 : vector<16xf32>
      tpu.vector_store_idx %arg12[%add3A_1062, %broadcast_in_dim3A_1358], %mul3A_1360 : memref<80x80xf32, #tpu.memory_space<vmem>>[vector<16xi32>, vector<16xi32>], vector<16xf32>,
      %broadcast_in_dim3A_1361 = arith.constant 54 : i32
      %broadcast_in_dim3A_1362 = vector.broadcast %broadcast_in_dim3A_1361 : i32 to vector<16xi32>
      %gather3A_1363 = tpu.vector_load_idx %arg12[%add3A_1062, %broadcast_in_dim3A_1362] : memref<80x80xf32, #tpu.memory_space<vmem>>[vector<16xi32>, vector<16xi32>], vector<16xf32>,
      %mul3A_1364 = arith.mulf %gather3A_1363, %exp3A_1336 : vector<16xf32>
      tpu.vector_store_idx %arg12[%add3A_1062, %broadcast_in_dim3A_1362], %mul3A_1364 : memref<80x80xf32, #tpu.memory_space<vmem>>[vector<16xi32>, vector<16xi32>], vector<16xf32>,
      %broadcast_in_dim3A_1365 = arith.constant 55 : i32
      %broadcast_in_dim3A_1366 = vector.broadcast %broadcast_in_dim3A_1365 : i32 to vector<16xi32>
      %gather3A_1367 = tpu.vector_load_idx %arg12[%add3A_1062, %broadcast_in_dim3A_1366] : memref<80x80xf32, #tpu.memory_space<vmem>>[vector<16xi32>, vector<16xi32>], vector<16xf32>,
      %mul3A_1368 = arith.mulf %gather3A_1367, %exp3A_1336 : vector<16xf32>
      tpu.vector_store_idx %arg12[%add3A_1062, %broadcast_in_dim3A_1366], %mul3A_1368 : memref<80x80xf32, #tpu.memory_space<vmem>>[vector<16xi32>, vector<16xi32>], vector<16xf32>,
      %broadcast_in_dim3A_1369 = arith.constant 56 : i32
      %broadcast_in_dim3A_1370 = vector.broadcast %broadcast_in_dim3A_1369 : i32 to vector<16xi32>
      %gather3A_1371 = tpu.vector_load_idx %arg12[%add3A_1062, %broadcast_in_dim3A_1370] : memref<80x80xf32, #tpu.memory_space<vmem>>[vector<16xi32>, vector<16xi32>], vector<16xf32>,
      %mul3A_1372 = arith.mulf %gather3A_1371, %exp3A_1336 : vector<16xf32>
      tpu.vector_store_idx %arg12[%add3A_1062, %broadcast_in_dim3A_1370], %mul3A_1372 : memref<80x80xf32, #tpu.memory_space<vmem>>[vector<16xi32>, vector<16xi32>], vector<16xf32>,
      %broadcast_in_dim3A_1373 = arith.constant 57 : i32
      %broadcast_in_dim3A_1374 = vector.broadcast %broadcast_in_dim3A_1373 : i32 to vector<16xi32>
      %gather3A_1375 = tpu.vector_load_idx %arg12[%add3A_1062, %broadcast_in_dim3A_1374] : memref<80x80xf32, #tpu.memory_space<vmem>>[vector<16xi32>, vector<16xi32>], vector<16xf32>,
      %mul3A_1376 = arith.mulf %gather3A_1375, %exp3A_1336 : vector<16xf32>
      tpu.vector_store_idx %arg12[%add3A_1062, %broadcast_in_dim3A_1374], %mul3A_1376 : memref<80x80xf32, #tpu.memory_space<vmem>>[vector<16xi32>, vector<16xi32>], vector<16xf32>,
      %broadcast_in_dim3A_1377 = arith.constant 58 : i32
      %broadcast_in_dim3A_1378 = vector.broadcast %broadcast_in_dim3A_1377 : i32 to vector<16xi32>
      %gather3A_1379 = tpu.vector_load_idx %arg12[%add3A_1062, %broadcast_in_dim3A_1378] : memref<80x80xf32, #tpu.memory_space<vmem>>[vector<16xi32>, vector<16xi32>], vector<16xf32>,
      %mul3A_1380 = arith.mulf %gather3A_1379, %exp3A_1336 : vector<16xf32>
      tpu.vector_store_idx %arg12[%add3A_1062, %broadcast_in_dim3A_1378], %mul3A_1380 : memref<80x80xf32, #tpu.memory_space<vmem>>[vector<16xi32>, vector<16xi32>], vector<16xf32>,
      %broadcast_in_dim3A_1381 = arith.constant 59 : i32
      %broadcast_in_dim3A_1382 = vector.broadcast %broadcast_in_dim3A_1381 : i32 to vector<16xi32>
      %gather3A_1383 = tpu.vector_load_idx %arg12[%add3A_1062, %broadcast_in_dim3A_1382] : memref<80x80xf32, #tpu.memory_space<vmem>>[vector<16xi32>, vector<16xi32>], vector<16xf32>,
      %mul3A_1384 = arith.mulf %gather3A_1383, %exp3A_1336 : vector<16xf32>
      tpu.vector_store_idx %arg12[%add3A_1062, %broadcast_in_dim3A_1382], %mul3A_1384 : memref<80x80xf32, #tpu.memory_space<vmem>>[vector<16xi32>, vector<16xi32>], vector<16xf32>,
      %broadcast_in_dim3A_1385 = arith.constant 60 : i32
      %broadcast_in_dim3A_1386 = vector.broadcast %broadcast_in_dim3A_1385 : i32 to vector<16xi32>
      %gather3A_1387 = tpu.vector_load_idx %arg12[%add3A_1062, %broadcast_in_dim3A_1386] : memref<80x80xf32, #tpu.memory_space<vmem>>[vector<16xi32>, vector<16xi32>], vector<16xf32>,
      %mul3A_1388 = arith.mulf %gather3A_1387, %exp3A_1336 : vector<16xf32>
      tpu.vector_store_idx %arg12[%add3A_1062, %broadcast_in_dim3A_1386], %mul3A_1388 : memref<80x80xf32, #tpu.memory_space<vmem>>[vector<16xi32>, vector<16xi32>], vector<16xf32>,
      %broadcast_in_dim3A_1389 = arith.constant 61 : i32
      %broadcast_in_dim3A_1390 = vector.broadcast %broadcast_in_dim3A_1389 : i32 to vector<16xi32>
      %gather3A_1391 = tpu.vector_load_idx %arg12[%add3A_1062, %broadcast_in_dim3A_1390] : memref<80x80xf32, #tpu.memory_space<vmem>>[vector<16xi32>, vector<16xi32>], vector<16xf32>,
      %mul3A_1392 = arith.mulf %gather3A_1391, %exp3A_1336 : vector<16xf32>
      tpu.vector_store_idx %arg12[%add3A_1062, %broadcast_in_dim3A_1390], %mul3A_1392 : memref<80x80xf32, #tpu.memory_space<vmem>>[vector<16xi32>, vector<16xi32>], vector<16xf32>,
      %broadcast_in_dim3A_1393 = arith.constant 62 : i32
      %broadcast_in_dim3A_1394 = vector.broadcast %broadcast_in_dim3A_1393 : i32 to vector<16xi32>
      %gather3A_1395 = tpu.vector_load_idx %arg12[%add3A_1062, %broadcast_in_dim3A_1394] : memref<80x80xf32, #tpu.memory_space<vmem>>[vector<16xi32>, vector<16xi32>], vector<16xf32>,
      %mul3A_1396 = arith.mulf %gather3A_1395, %exp3A_1336 : vector<16xf32>
      tpu.vector_store_idx %arg12[%add3A_1062, %broadcast_in_dim3A_1394], %mul3A_1396 : memref<80x80xf32, #tpu.memory_space<vmem>>[vector<16xi32>, vector<16xi32>], vector<16xf32>,
      %broadcast_in_dim3A_1397 = arith.constant 63 : i32
      %broadcast_in_dim3A_1398 = vector.broadcast %broadcast_in_dim3A_1397 : i32 to vector<16xi32>
      %gather3A_1399 = tpu.vector_load_idx %arg12[%add3A_1062, %broadcast_in_dim3A_1398] : memref<80x80xf32, #tpu.memory_space<vmem>>[vector<16xi32>, vector<16xi32>], vector<16xf32>,
      %mul3A_1400 = arith.mulf %gather3A_1399, %exp3A_1336 : vector<16xf32>
      tpu.vector_store_idx %arg12[%add3A_1062, %broadcast_in_dim3A_1398], %mul3A_1400 : memref<80x80xf32, #tpu.memory_space<vmem>>[vector<16xi32>, vector<16xi32>], vector<16xf32>,
      %broadcast_in_dim3A_1401 = arith.constant 67 : i32
      %broadcast_in_dim3A_1402 = vector.broadcast %broadcast_in_dim3A_1401 : i32 to vector<16xi32>
      tpu.vector_store_idx %arg12[%add3A_1062, %broadcast_in_dim3A_1402], %exp3A_1336 : memref<80x80xf32, #tpu.memory_space<vmem>>[vector<16xi32>, vector<16xi32>], vector<16xf32>,
      %add3A_1403 = arith.constant 64 : i32
      %add3A_1404 = vector.broadcast %add3A_1403 : i32 to vector<16xi32>
      %add3A_1405 = arith.addi %iota3A, %add3A_1404 : vector<16xi32>
      %broadcast_in_dim3A_1406 = arith.constant 0 : i32
      %broadcast_in_dim3A_1407 = vector.broadcast %broadcast_in_dim3A_1406 : i32 to vector<16xi32>
      %gather3A_1408 = tpu.vector_load_idx %arg10[%add3A_1405, %broadcast_in_dim3A_1407] : memref<80x16xf32, #tpu.memory_space<vmem>>[vector<16xi32>, vector<16xi32>], vector<16xf32>,
      %broadcast_in_dim3A_1409 = arith.constant 4 : i32
      %broadcast_in_dim3A_1410 = vector.broadcast %broadcast_in_dim3A_1409 : i32 to vector<16xi32>
      %gather3A_1411 = tpu.vector_load_idx %arg11[%add3A_1405, %broadcast_in_dim3A_1410] : memref<80x16xf32, #tpu.memory_space<vmem>>[vector<16xi32>, vector<16xi32>], vector<16xf32>,
      %broadcast_in_dim3A_1412 = arith.constant 8 : i32
      %broadcast_in_dim3A_1413 = vector.broadcast %broadcast_in_dim3A_1412 : i32 to vector<16xi32>
      %gather3A_1414 = tpu.vector_load_idx %arg11[%add3A_1405, %broadcast_in_dim3A_1413] : memref<80x16xf32, #tpu.memory_space<vmem>>[vector<16xi32>, vector<16xi32>], vector<16xf32>,
      %add3A_1415 = arith.addf %gather3A_1408, %gather3A_1411 : vector<16xf32>
      %ge3A_1416 = arith.constant 0.000000e+00 : f32
      %ge3A_1417 = vector.broadcast %ge3A_1416 : f32 to vector<16xf32>
      %ge3A_1418 = arith.cmpf oge, %add3A_1415, %ge3A_1417 : vector<16xf32>
      %mul3A_1419 = arith.constant 2.000000e-01 : f32
      %mul3A_1420 = vector.broadcast %mul3A_1419 : f32 to vector<16xf32>
      %mul3A_1421 = arith.mulf %mul3A_1420, %add3A_1415 : vector<16xf32>
      %select_n3A_1422 = arith.select %ge3A_1418, %add3A_1415, %mul3A_1421 : vector<16xi1>, vector<16xf32>
      %sub3A_1423 = arith.subf %select_n3A_1422, %gather3A_1414 : vector<16xf32>
      %exp3A_1424 = math.exp %sub3A_1423 : vector<16xf32>
      %broadcast_in_dim3A_1425 = arith.constant 0 : i32
      %broadcast_in_dim3A_1426 = vector.broadcast %broadcast_in_dim3A_1425 : i32 to vector<16xi32>
      %gather3A_1427 = tpu.vector_load_idx %arg12[%add3A_1405, %broadcast_in_dim3A_1426] : memref<80x80xf32, #tpu.memory_space<vmem>>[vector<16xi32>, vector<16xi32>], vector<16xf32>,
      %mul3A_1428 = arith.mulf %gather3A_1427, %exp3A_1424 : vector<16xf32>
      tpu.vector_store_idx %arg12[%add3A_1405, %broadcast_in_dim3A_1426], %mul3A_1428 : memref<80x80xf32, #tpu.memory_space<vmem>>[vector<16xi32>, vector<16xi32>], vector<16xf32>,
      %broadcast_in_dim3A_1429 = arith.constant 1 : i32
      %broadcast_in_dim3A_1430 = vector.broadcast %broadcast_in_dim3A_1429 : i32 to vector<16xi32>
      %gather3A_1431 = tpu.vector_load_idx %arg12[%add3A_1405, %broadcast_in_dim3A_1430] : memref<80x80xf32, #tpu.memory_space<vmem>>[vector<16xi32>, vector<16xi32>], vector<16xf32>,
      %mul3A_1432 = arith.mulf %gather3A_1431, %exp3A_1424 : vector<16xf32>
      tpu.vector_store_idx %arg12[%add3A_1405, %broadcast_in_dim3A_1430], %mul3A_1432 : memref<80x80xf32, #tpu.memory_space<vmem>>[vector<16xi32>, vector<16xi32>], vector<16xf32>,
      %broadcast_in_dim3A_1433 = arith.constant 2 : i32
      %broadcast_in_dim3A_1434 = vector.broadcast %broadcast_in_dim3A_1433 : i32 to vector<16xi32>
      %gather3A_1435 = tpu.vector_load_idx %arg12[%add3A_1405, %broadcast_in_dim3A_1434] : memref<80x80xf32, #tpu.memory_space<vmem>>[vector<16xi32>, vector<16xi32>], vector<16xf32>,
      %mul3A_1436 = arith.mulf %gather3A_1435, %exp3A_1424 : vector<16xf32>
      tpu.vector_store_idx %arg12[%add3A_1405, %broadcast_in_dim3A_1434], %mul3A_1436 : memref<80x80xf32, #tpu.memory_space<vmem>>[vector<16xi32>, vector<16xi32>], vector<16xf32>,
      %broadcast_in_dim3A_1437 = arith.constant 3 : i32
      %broadcast_in_dim3A_1438 = vector.broadcast %broadcast_in_dim3A_1437 : i32 to vector<16xi32>
      %gather3A_1439 = tpu.vector_load_idx %arg12[%add3A_1405, %broadcast_in_dim3A_1438] : memref<80x80xf32, #tpu.memory_space<vmem>>[vector<16xi32>, vector<16xi32>], vector<16xf32>,
      %mul3A_1440 = arith.mulf %gather3A_1439, %exp3A_1424 : vector<16xf32>
      tpu.vector_store_idx %arg12[%add3A_1405, %broadcast_in_dim3A_1438], %mul3A_1440 : memref<80x80xf32, #tpu.memory_space<vmem>>[vector<16xi32>, vector<16xi32>], vector<16xf32>,
      %broadcast_in_dim3A_1441 = arith.constant 4 : i32
      %broadcast_in_dim3A_1442 = vector.broadcast %broadcast_in_dim3A_1441 : i32 to vector<16xi32>
      %gather3A_1443 = tpu.vector_load_idx %arg12[%add3A_1405, %broadcast_in_dim3A_1442] : memref<80x80xf32, #tpu.memory_space<vmem>>[vector<16xi32>, vector<16xi32>], vector<16xf32>,
      %mul3A_1444 = arith.mulf %gather3A_1443, %exp3A_1424 : vector<16xf32>
      tpu.vector_store_idx %arg12[%add3A_1405, %broadcast_in_dim3A_1442], %mul3A_1444 : memref<80x80xf32, #tpu.memory_space<vmem>>[vector<16xi32>, vector<16xi32>], vector<16xf32>,
      %broadcast_in_dim3A_1445 = arith.constant 5 : i32
      %broadcast_in_dim3A_1446 = vector.broadcast %broadcast_in_dim3A_1445 : i32 to vector<16xi32>
      %gather3A_1447 = tpu.vector_load_idx %arg12[%add3A_1405, %broadcast_in_dim3A_1446] : memref<80x80xf32, #tpu.memory_space<vmem>>[vector<16xi32>, vector<16xi32>], vector<16xf32>,
      %mul3A_1448 = arith.mulf %gather3A_1447, %exp3A_1424 : vector<16xf32>
      tpu.vector_store_idx %arg12[%add3A_1405, %broadcast_in_dim3A_1446], %mul3A_1448 : memref<80x80xf32, #tpu.memory_space<vmem>>[vector<16xi32>, vector<16xi32>], vector<16xf32>,
      %broadcast_in_dim3A_1449 = arith.constant 6 : i32
      %broadcast_in_dim3A_1450 = vector.broadcast %broadcast_in_dim3A_1449 : i32 to vector<16xi32>
      %gather3A_1451 = tpu.vector_load_idx %arg12[%add3A_1405, %broadcast_in_dim3A_1450] : memref<80x80xf32, #tpu.memory_space<vmem>>[vector<16xi32>, vector<16xi32>], vector<16xf32>,
      %mul3A_1452 = arith.mulf %gather3A_1451, %exp3A_1424 : vector<16xf32>
      tpu.vector_store_idx %arg12[%add3A_1405, %broadcast_in_dim3A_1450], %mul3A_1452 : memref<80x80xf32, #tpu.memory_space<vmem>>[vector<16xi32>, vector<16xi32>], vector<16xf32>,
      %broadcast_in_dim3A_1453 = arith.constant 7 : i32
      %broadcast_in_dim3A_1454 = vector.broadcast %broadcast_in_dim3A_1453 : i32 to vector<16xi32>
      %gather3A_1455 = tpu.vector_load_idx %arg12[%add3A_1405, %broadcast_in_dim3A_1454] : memref<80x80xf32, #tpu.memory_space<vmem>>[vector<16xi32>, vector<16xi32>], vector<16xf32>,
      %mul3A_1456 = arith.mulf %gather3A_1455, %exp3A_1424 : vector<16xf32>
      tpu.vector_store_idx %arg12[%add3A_1405, %broadcast_in_dim3A_1454], %mul3A_1456 : memref<80x80xf32, #tpu.memory_space<vmem>>[vector<16xi32>, vector<16xi32>], vector<16xf32>,
      %broadcast_in_dim3A_1457 = arith.constant 8 : i32
      %broadcast_in_dim3A_1458 = vector.broadcast %broadcast_in_dim3A_1457 : i32 to vector<16xi32>
      %gather3A_1459 = tpu.vector_load_idx %arg12[%add3A_1405, %broadcast_in_dim3A_1458] : memref<80x80xf32, #tpu.memory_space<vmem>>[vector<16xi32>, vector<16xi32>], vector<16xf32>,
      %mul3A_1460 = arith.mulf %gather3A_1459, %exp3A_1424 : vector<16xf32>
      tpu.vector_store_idx %arg12[%add3A_1405, %broadcast_in_dim3A_1458], %mul3A_1460 : memref<80x80xf32, #tpu.memory_space<vmem>>[vector<16xi32>, vector<16xi32>], vector<16xf32>,
      %broadcast_in_dim3A_1461 = arith.constant 9 : i32
      %broadcast_in_dim3A_1462 = vector.broadcast %broadcast_in_dim3A_1461 : i32 to vector<16xi32>
      %gather3A_1463 = tpu.vector_load_idx %arg12[%add3A_1405, %broadcast_in_dim3A_1462] : memref<80x80xf32, #tpu.memory_space<vmem>>[vector<16xi32>, vector<16xi32>], vector<16xf32>,
      %mul3A_1464 = arith.mulf %gather3A_1463, %exp3A_1424 : vector<16xf32>
      tpu.vector_store_idx %arg12[%add3A_1405, %broadcast_in_dim3A_1462], %mul3A_1464 : memref<80x80xf32, #tpu.memory_space<vmem>>[vector<16xi32>, vector<16xi32>], vector<16xf32>,
      %broadcast_in_dim3A_1465 = arith.constant 10 : i32
      %broadcast_in_dim3A_1466 = vector.broadcast %broadcast_in_dim3A_1465 : i32 to vector<16xi32>
      %gather3A_1467 = tpu.vector_load_idx %arg12[%add3A_1405, %broadcast_in_dim3A_1466] : memref<80x80xf32, #tpu.memory_space<vmem>>[vector<16xi32>, vector<16xi32>], vector<16xf32>,
      %mul3A_1468 = arith.mulf %gather3A_1467, %exp3A_1424 : vector<16xf32>
      tpu.vector_store_idx %arg12[%add3A_1405, %broadcast_in_dim3A_1466], %mul3A_1468 : memref<80x80xf32, #tpu.memory_space<vmem>>[vector<16xi32>, vector<16xi32>], vector<16xf32>,
      %broadcast_in_dim3A_1469 = arith.constant 11 : i32
      %broadcast_in_dim3A_1470 = vector.broadcast %broadcast_in_dim3A_1469 : i32 to vector<16xi32>
      %gather3A_1471 = tpu.vector_load_idx %arg12[%add3A_1405, %broadcast_in_dim3A_1470] : memref<80x80xf32, #tpu.memory_space<vmem>>[vector<16xi32>, vector<16xi32>], vector<16xf32>,
      %mul3A_1472 = arith.mulf %gather3A_1471, %exp3A_1424 : vector<16xf32>
      tpu.vector_store_idx %arg12[%add3A_1405, %broadcast_in_dim3A_1470], %mul3A_1472 : memref<80x80xf32, #tpu.memory_space<vmem>>[vector<16xi32>, vector<16xi32>], vector<16xf32>,
      %broadcast_in_dim3A_1473 = arith.constant 12 : i32
      %broadcast_in_dim3A_1474 = vector.broadcast %broadcast_in_dim3A_1473 : i32 to vector<16xi32>
      %gather3A_1475 = tpu.vector_load_idx %arg12[%add3A_1405, %broadcast_in_dim3A_1474] : memref<80x80xf32, #tpu.memory_space<vmem>>[vector<16xi32>, vector<16xi32>], vector<16xf32>,
      %mul3A_1476 = arith.mulf %gather3A_1475, %exp3A_1424 : vector<16xf32>
      tpu.vector_store_idx %arg12[%add3A_1405, %broadcast_in_dim3A_1474], %mul3A_1476 : memref<80x80xf32, #tpu.memory_space<vmem>>[vector<16xi32>, vector<16xi32>], vector<16xf32>,
      %broadcast_in_dim3A_1477 = arith.constant 13 : i32
      %broadcast_in_dim3A_1478 = vector.broadcast %broadcast_in_dim3A_1477 : i32 to vector<16xi32>
      %gather3A_1479 = tpu.vector_load_idx %arg12[%add3A_1405, %broadcast_in_dim3A_1478] : memref<80x80xf32, #tpu.memory_space<vmem>>[vector<16xi32>, vector<16xi32>], vector<16xf32>,
      %mul3A_1480 = arith.mulf %gather3A_1479, %exp3A_1424 : vector<16xf32>
      tpu.vector_store_idx %arg12[%add3A_1405, %broadcast_in_dim3A_1478], %mul3A_1480 : memref<80x80xf32, #tpu.memory_space<vmem>>[vector<16xi32>, vector<16xi32>], vector<16xf32>,
      %broadcast_in_dim3A_1481 = arith.constant 14 : i32
      %broadcast_in_dim3A_1482 = vector.broadcast %broadcast_in_dim3A_1481 : i32 to vector<16xi32>
      %gather3A_1483 = tpu.vector_load_idx %arg12[%add3A_1405, %broadcast_in_dim3A_1482] : memref<80x80xf32, #tpu.memory_space<vmem>>[vector<16xi32>, vector<16xi32>], vector<16xf32>,
      %mul3A_1484 = arith.mulf %gather3A_1483, %exp3A_1424 : vector<16xf32>
      tpu.vector_store_idx %arg12[%add3A_1405, %broadcast_in_dim3A_1482], %mul3A_1484 : memref<80x80xf32, #tpu.memory_space<vmem>>[vector<16xi32>, vector<16xi32>], vector<16xf32>,
      %broadcast_in_dim3A_1485 = arith.constant 15 : i32
      %broadcast_in_dim3A_1486 = vector.broadcast %broadcast_in_dim3A_1485 : i32 to vector<16xi32>
      %gather3A_1487 = tpu.vector_load_idx %arg12[%add3A_1405, %broadcast_in_dim3A_1486] : memref<80x80xf32, #tpu.memory_space<vmem>>[vector<16xi32>, vector<16xi32>], vector<16xf32>,
      %mul3A_1488 = arith.mulf %gather3A_1487, %exp3A_1424 : vector<16xf32>
      tpu.vector_store_idx %arg12[%add3A_1405, %broadcast_in_dim3A_1486], %mul3A_1488 : memref<80x80xf32, #tpu.memory_space<vmem>>[vector<16xi32>, vector<16xi32>], vector<16xf32>,
      %broadcast_in_dim3A_1489 = arith.constant 64 : i32
      %broadcast_in_dim3A_1490 = vector.broadcast %broadcast_in_dim3A_1489 : i32 to vector<16xi32>
      tpu.vector_store_idx %arg12[%add3A_1405, %broadcast_in_dim3A_1490], %exp3A_1424 : memref<80x80xf32, #tpu.memory_space<vmem>>[vector<16xi32>, vector<16xi32>], vector<16xf32>,
      %broadcast_in_dim3A_1491 = arith.constant 1 : i32
      %broadcast_in_dim3A_1492 = vector.broadcast %broadcast_in_dim3A_1491 : i32 to vector<16xi32>
      %gather3A_1493 = tpu.vector_load_idx %arg10[%add3A_1405, %broadcast_in_dim3A_1492] : memref<80x16xf32, #tpu.memory_space<vmem>>[vector<16xi32>, vector<16xi32>], vector<16xf32>,
      %broadcast_in_dim3A_1494 = arith.constant 5 : i32
      %broadcast_in_dim3A_1495 = vector.broadcast %broadcast_in_dim3A_1494 : i32 to vector<16xi32>
      %gather3A_1496 = tpu.vector_load_idx %arg11[%add3A_1405, %broadcast_in_dim3A_1495] : memref<80x16xf32, #tpu.memory_space<vmem>>[vector<16xi32>, vector<16xi32>], vector<16xf32>,
      %broadcast_in_dim3A_1497 = arith.constant 9 : i32
      %broadcast_in_dim3A_1498 = vector.broadcast %broadcast_in_dim3A_1497 : i32 to vector<16xi32>
      %gather3A_1499 = tpu.vector_load_idx %arg11[%add3A_1405, %broadcast_in_dim3A_1498] : memref<80x16xf32, #tpu.memory_space<vmem>>[vector<16xi32>, vector<16xi32>], vector<16xf32>,
      %add3A_1500 = arith.addf %gather3A_1493, %gather3A_1496 : vector<16xf32>
      %ge3A_1501 = arith.constant 0.000000e+00 : f32
      %ge3A_1502 = vector.broadcast %ge3A_1501 : f32 to vector<16xf32>
      %ge3A_1503 = arith.cmpf oge, %add3A_1500, %ge3A_1502 : vector<16xf32>
      %mul3A_1504 = arith.constant 2.000000e-01 : f32
      %mul3A_1505 = vector.broadcast %mul3A_1504 : f32 to vector<16xf32>
      %mul3A_1506 = arith.mulf %mul3A_1505, %add3A_1500 : vector<16xf32>
      %select_n3A_1507 = arith.select %ge3A_1503, %add3A_1500, %mul3A_1506 : vector<16xi1>, vector<16xf32>
      %sub3A_1508 = arith.subf %select_n3A_1507, %gather3A_1499 : vector<16xf32>
      %exp3A_1509 = math.exp %sub3A_1508 : vector<16xf32>
      %broadcast_in_dim3A_1510 = arith.constant 16 : i32
      %broadcast_in_dim3A_1511 = vector.broadcast %broadcast_in_dim3A_1510 : i32 to vector<16xi32>
      %gather3A_1512 = tpu.vector_load_idx %arg12[%add3A_1405, %broadcast_in_dim3A_1511] : memref<80x80xf32, #tpu.memory_space<vmem>>[vector<16xi32>, vector<16xi32>], vector<16xf32>,
      %mul3A_1513 = arith.mulf %gather3A_1512, %exp3A_1509 : vector<16xf32>
      tpu.vector_store_idx %arg12[%add3A_1405, %broadcast_in_dim3A_1511], %mul3A_1513 : memref<80x80xf32, #tpu.memory_space<vmem>>[vector<16xi32>, vector<16xi32>], vector<16xf32>,
      %broadcast_in_dim3A_1514 = arith.constant 17 : i32
      %broadcast_in_dim3A_1515 = vector.broadcast %broadcast_in_dim3A_1514 : i32 to vector<16xi32>
      %gather3A_1516 = tpu.vector_load_idx %arg12[%add3A_1405, %broadcast_in_dim3A_1515] : memref<80x80xf32, #tpu.memory_space<vmem>>[vector<16xi32>, vector<16xi32>], vector<16xf32>,
      %mul3A_1517 = arith.mulf %gather3A_1516, %exp3A_1509 : vector<16xf32>
      tpu.vector_store_idx %arg12[%add3A_1405, %broadcast_in_dim3A_1515], %mul3A_1517 : memref<80x80xf32, #tpu.memory_space<vmem>>[vector<16xi32>, vector<16xi32>], vector<16xf32>,
      %broadcast_in_dim3A_1518 = arith.constant 18 : i32
      %broadcast_in_dim3A_1519 = vector.broadcast %broadcast_in_dim3A_1518 : i32 to vector<16xi32>
      %gather3A_1520 = tpu.vector_load_idx %arg12[%add3A_1405, %broadcast_in_dim3A_1519] : memref<80x80xf32, #tpu.memory_space<vmem>>[vector<16xi32>, vector<16xi32>], vector<16xf32>,
      %mul3A_1521 = arith.mulf %gather3A_1520, %exp3A_1509 : vector<16xf32>
      tpu.vector_store_idx %arg12[%add3A_1405, %broadcast_in_dim3A_1519], %mul3A_1521 : memref<80x80xf32, #tpu.memory_space<vmem>>[vector<16xi32>, vector<16xi32>], vector<16xf32>,
      %broadcast_in_dim3A_1522 = arith.constant 19 : i32
      %broadcast_in_dim3A_1523 = vector.broadcast %broadcast_in_dim3A_1522 : i32 to vector<16xi32>
      %gather3A_1524 = tpu.vector_load_idx %arg12[%add3A_1405, %broadcast_in_dim3A_1523] : memref<80x80xf32, #tpu.memory_space<vmem>>[vector<16xi32>, vector<16xi32>], vector<16xf32>,
      %mul3A_1525 = arith.mulf %gather3A_1524, %exp3A_1509 : vector<16xf32>
      tpu.vector_store_idx %arg12[%add3A_1405, %broadcast_in_dim3A_1523], %mul3A_1525 : memref<80x80xf32, #tpu.memory_space<vmem>>[vector<16xi32>, vector<16xi32>], vector<16xf32>,
      %broadcast_in_dim3A_1526 = arith.constant 20 : i32
      %broadcast_in_dim3A_1527 = vector.broadcast %broadcast_in_dim3A_1526 : i32 to vector<16xi32>
      %gather3A_1528 = tpu.vector_load_idx %arg12[%add3A_1405, %broadcast_in_dim3A_1527] : memref<80x80xf32, #tpu.memory_space<vmem>>[vector<16xi32>, vector<16xi32>], vector<16xf32>,
      %mul3A_1529 = arith.mulf %gather3A_1528, %exp3A_1509 : vector<16xf32>
      tpu.vector_store_idx %arg12[%add3A_1405, %broadcast_in_dim3A_1527], %mul3A_1529 : memref<80x80xf32, #tpu.memory_space<vmem>>[vector<16xi32>, vector<16xi32>], vector<16xf32>,
      %broadcast_in_dim3A_1530 = arith.constant 21 : i32
      %broadcast_in_dim3A_1531 = vector.broadcast %broadcast_in_dim3A_1530 : i32 to vector<16xi32>
      %gather3A_1532 = tpu.vector_load_idx %arg12[%add3A_1405, %broadcast_in_dim3A_1531] : memref<80x80xf32, #tpu.memory_space<vmem>>[vector<16xi32>, vector<16xi32>], vector<16xf32>,
      %mul3A_1533 = arith.mulf %gather3A_1532, %exp3A_1509 : vector<16xf32>
      tpu.vector_store_idx %arg12[%add3A_1405, %broadcast_in_dim3A_1531], %mul3A_1533 : memref<80x80xf32, #tpu.memory_space<vmem>>[vector<16xi32>, vector<16xi32>], vector<16xf32>,
      %broadcast_in_dim3A_1534 = arith.constant 22 : i32
      %broadcast_in_dim3A_1535 = vector.broadcast %broadcast_in_dim3A_1534 : i32 to vector<16xi32>
      %gather3A_1536 = tpu.vector_load_idx %arg12[%add3A_1405, %broadcast_in_dim3A_1535] : memref<80x80xf32, #tpu.memory_space<vmem>>[vector<16xi32>, vector<16xi32>], vector<16xf32>,
      %mul3A_1537 = arith.mulf %gather3A_1536, %exp3A_1509 : vector<16xf32>
      tpu.vector_store_idx %arg12[%add3A_1405, %broadcast_in_dim3A_1535], %mul3A_1537 : memref<80x80xf32, #tpu.memory_space<vmem>>[vector<16xi32>, vector<16xi32>], vector<16xf32>,
      %broadcast_in_dim3A_1538 = arith.constant 23 : i32
      %broadcast_in_dim3A_1539 = vector.broadcast %broadcast_in_dim3A_1538 : i32 to vector<16xi32>
      %gather3A_1540 = tpu.vector_load_idx %arg12[%add3A_1405, %broadcast_in_dim3A_1539] : memref<80x80xf32, #tpu.memory_space<vmem>>[vector<16xi32>, vector<16xi32>], vector<16xf32>,
      %mul3A_1541 = arith.mulf %gather3A_1540, %exp3A_1509 : vector<16xf32>
      tpu.vector_store_idx %arg12[%add3A_1405, %broadcast_in_dim3A_1539], %mul3A_1541 : memref<80x80xf32, #tpu.memory_space<vmem>>[vector<16xi32>, vector<16xi32>], vector<16xf32>,
      %broadcast_in_dim3A_1542 = arith.constant 24 : i32
      %broadcast_in_dim3A_1543 = vector.broadcast %broadcast_in_dim3A_1542 : i32 to vector<16xi32>
      %gather3A_1544 = tpu.vector_load_idx %arg12[%add3A_1405, %broadcast_in_dim3A_1543] : memref<80x80xf32, #tpu.memory_space<vmem>>[vector<16xi32>, vector<16xi32>], vector<16xf32>,
      %mul3A_1545 = arith.mulf %gather3A_1544, %exp3A_1509 : vector<16xf32>
      tpu.vector_store_idx %arg12[%add3A_1405, %broadcast_in_dim3A_1543], %mul3A_1545 : memref<80x80xf32, #tpu.memory_space<vmem>>[vector<16xi32>, vector<16xi32>], vector<16xf32>,
      %broadcast_in_dim3A_1546 = arith.constant 25 : i32
      %broadcast_in_dim3A_1547 = vector.broadcast %broadcast_in_dim3A_1546 : i32 to vector<16xi32>
      %gather3A_1548 = tpu.vector_load_idx %arg12[%add3A_1405, %broadcast_in_dim3A_1547] : memref<80x80xf32, #tpu.memory_space<vmem>>[vector<16xi32>, vector<16xi32>], vector<16xf32>,
      %mul3A_1549 = arith.mulf %gather3A_1548, %exp3A_1509 : vector<16xf32>
      tpu.vector_store_idx %arg12[%add3A_1405, %broadcast_in_dim3A_1547], %mul3A_1549 : memref<80x80xf32, #tpu.memory_space<vmem>>[vector<16xi32>, vector<16xi32>], vector<16xf32>,
      %broadcast_in_dim3A_1550 = arith.constant 26 : i32
      %broadcast_in_dim3A_1551 = vector.broadcast %broadcast_in_dim3A_1550 : i32 to vector<16xi32>
      %gather3A_1552 = tpu.vector_load_idx %arg12[%add3A_1405, %broadcast_in_dim3A_1551] : memref<80x80xf32, #tpu.memory_space<vmem>>[vector<16xi32>, vector<16xi32>], vector<16xf32>,
      %mul3A_1553 = arith.mulf %gather3A_1552, %exp3A_1509 : vector<16xf32>
      tpu.vector_store_idx %arg12[%add3A_1405, %broadcast_in_dim3A_1551], %mul3A_1553 : memref<80x80xf32, #tpu.memory_space<vmem>>[vector<16xi32>, vector<16xi32>], vector<16xf32>,
      %broadcast_in_dim3A_1554 = arith.constant 27 : i32
      %broadcast_in_dim3A_1555 = vector.broadcast %broadcast_in_dim3A_1554 : i32 to vector<16xi32>
      %gather3A_1556 = tpu.vector_load_idx %arg12[%add3A_1405, %broadcast_in_dim3A_1555] : memref<80x80xf32, #tpu.memory_space<vmem>>[vector<16xi32>, vector<16xi32>], vector<16xf32>,
      %mul3A_1557 = arith.mulf %gather3A_1556, %exp3A_1509 : vector<16xf32>
      tpu.vector_store_idx %arg12[%add3A_1405, %broadcast_in_dim3A_1555], %mul3A_1557 : memref<80x80xf32, #tpu.memory_space<vmem>>[vector<16xi32>, vector<16xi32>], vector<16xf32>,
      %broadcast_in_dim3A_1558 = arith.constant 28 : i32
      %broadcast_in_dim3A_1559 = vector.broadcast %broadcast_in_dim3A_1558 : i32 to vector<16xi32>
      %gather3A_1560 = tpu.vector_load_idx %arg12[%add3A_1405, %broadcast_in_dim3A_1559] : memref<80x80xf32, #tpu.memory_space<vmem>>[vector<16xi32>, vector<16xi32>], vector<16xf32>,
      %mul3A_1561 = arith.mulf %gather3A_1560, %exp3A_1509 : vector<16xf32>
      tpu.vector_store_idx %arg12[%add3A_1405, %broadcast_in_dim3A_1559], %mul3A_1561 : memref<80x80xf32, #tpu.memory_space<vmem>>[vector<16xi32>, vector<16xi32>], vector<16xf32>,
      %broadcast_in_dim3A_1562 = arith.constant 29 : i32
      %broadcast_in_dim3A_1563 = vector.broadcast %broadcast_in_dim3A_1562 : i32 to vector<16xi32>
      %gather3A_1564 = tpu.vector_load_idx %arg12[%add3A_1405, %broadcast_in_dim3A_1563] : memref<80x80xf32, #tpu.memory_space<vmem>>[vector<16xi32>, vector<16xi32>], vector<16xf32>,
      %mul3A_1565 = arith.mulf %gather3A_1564, %exp3A_1509 : vector<16xf32>
      tpu.vector_store_idx %arg12[%add3A_1405, %broadcast_in_dim3A_1563], %mul3A_1565 : memref<80x80xf32, #tpu.memory_space<vmem>>[vector<16xi32>, vector<16xi32>], vector<16xf32>,
      %broadcast_in_dim3A_1566 = arith.constant 30 : i32
      %broadcast_in_dim3A_1567 = vector.broadcast %broadcast_in_dim3A_1566 : i32 to vector<16xi32>
      %gather3A_1568 = tpu.vector_load_idx %arg12[%add3A_1405, %broadcast_in_dim3A_1567] : memref<80x80xf32, #tpu.memory_space<vmem>>[vector<16xi32>, vector<16xi32>], vector<16xf32>,
      %mul3A_1569 = arith.mulf %gather3A_1568, %exp3A_1509 : vector<16xf32>
      tpu.vector_store_idx %arg12[%add3A_1405, %broadcast_in_dim3A_1567], %mul3A_1569 : memref<80x80xf32, #tpu.memory_space<vmem>>[vector<16xi32>, vector<16xi32>], vector<16xf32>,
      %broadcast_in_dim3A_1570 = arith.constant 31 : i32
      %broadcast_in_dim3A_1571 = vector.broadcast %broadcast_in_dim3A_1570 : i32 to vector<16xi32>
      %gather3A_1572 = tpu.vector_load_idx %arg12[%add3A_1405, %broadcast_in_dim3A_1571] : memref<80x80xf32, #tpu.memory_space<vmem>>[vector<16xi32>, vector<16xi32>], vector<16xf32>,
      %mul3A_1573 = arith.mulf %gather3A_1572, %exp3A_1509 : vector<16xf32>
      tpu.vector_store_idx %arg12[%add3A_1405, %broadcast_in_dim3A_1571], %mul3A_1573 : memref<80x80xf32, #tpu.memory_space<vmem>>[vector<16xi32>, vector<16xi32>], vector<16xf32>,
      %broadcast_in_dim3A_1574 = arith.constant 65 : i32
      %broadcast_in_dim3A_1575 = vector.broadcast %broadcast_in_dim3A_1574 : i32 to vector<16xi32>
      tpu.vector_store_idx %arg12[%add3A_1405, %broadcast_in_dim3A_1575], %exp3A_1509 : memref<80x80xf32, #tpu.memory_space<vmem>>[vector<16xi32>, vector<16xi32>], vector<16xf32>,
      %broadcast_in_dim3A_1576 = arith.constant 2 : i32
      %broadcast_in_dim3A_1577 = vector.broadcast %broadcast_in_dim3A_1576 : i32 to vector<16xi32>
      %gather3A_1578 = tpu.vector_load_idx %arg10[%add3A_1405, %broadcast_in_dim3A_1577] : memref<80x16xf32, #tpu.memory_space<vmem>>[vector<16xi32>, vector<16xi32>], vector<16xf32>,
      %broadcast_in_dim3A_1579 = arith.constant 6 : i32
      %broadcast_in_dim3A_1580 = vector.broadcast %broadcast_in_dim3A_1579 : i32 to vector<16xi32>
      %gather3A_1581 = tpu.vector_load_idx %arg11[%add3A_1405, %broadcast_in_dim3A_1580] : memref<80x16xf32, #tpu.memory_space<vmem>>[vector<16xi32>, vector<16xi32>], vector<16xf32>,
      %broadcast_in_dim3A_1582 = arith.constant 10 : i32
      %broadcast_in_dim3A_1583 = vector.broadcast %broadcast_in_dim3A_1582 : i32 to vector<16xi32>
      %gather3A_1584 = tpu.vector_load_idx %arg11[%add3A_1405, %broadcast_in_dim3A_1583] : memref<80x16xf32, #tpu.memory_space<vmem>>[vector<16xi32>, vector<16xi32>], vector<16xf32>,
      %add3A_1585 = arith.addf %gather3A_1578, %gather3A_1581 : vector<16xf32>
      %ge3A_1586 = arith.constant 0.000000e+00 : f32
      %ge3A_1587 = vector.broadcast %ge3A_1586 : f32 to vector<16xf32>
      %ge3A_1588 = arith.cmpf oge, %add3A_1585, %ge3A_1587 : vector<16xf32>
      %mul3A_1589 = arith.constant 2.000000e-01 : f32
      %mul3A_1590 = vector.broadcast %mul3A_1589 : f32 to vector<16xf32>
      %mul3A_1591 = arith.mulf %mul3A_1590, %add3A_1585 : vector<16xf32>
      %select_n3A_1592 = arith.select %ge3A_1588, %add3A_1585, %mul3A_1591 : vector<16xi1>, vector<16xf32>
      %sub3A_1593 = arith.subf %select_n3A_1592, %gather3A_1584 : vector<16xf32>
      %exp3A_1594 = math.exp %sub3A_1593 : vector<16xf32>
      %broadcast_in_dim3A_1595 = arith.constant 32 : i32
      %broadcast_in_dim3A_1596 = vector.broadcast %broadcast_in_dim3A_1595 : i32 to vector<16xi32>
      %gather3A_1597 = tpu.vector_load_idx %arg12[%add3A_1405, %broadcast_in_dim3A_1596] : memref<80x80xf32, #tpu.memory_space<vmem>>[vector<16xi32>, vector<16xi32>], vector<16xf32>,
      %mul3A_1598 = arith.mulf %gather3A_1597, %exp3A_1594 : vector<16xf32>
      tpu.vector_store_idx %arg12[%add3A_1405, %broadcast_in_dim3A_1596], %mul3A_1598 : memref<80x80xf32, #tpu.memory_space<vmem>>[vector<16xi32>, vector<16xi32>], vector<16xf32>,
      %broadcast_in_dim3A_1599 = arith.constant 33 : i32
      %broadcast_in_dim3A_1600 = vector.broadcast %broadcast_in_dim3A_1599 : i32 to vector<16xi32>
      %gather3A_1601 = tpu.vector_load_idx %arg12[%add3A_1405, %broadcast_in_dim3A_1600] : memref<80x80xf32, #tpu.memory_space<vmem>>[vector<16xi32>, vector<16xi32>], vector<16xf32>,
      %mul3A_1602 = arith.mulf %gather3A_1601, %exp3A_1594 : vector<16xf32>
      tpu.vector_store_idx %arg12[%add3A_1405, %broadcast_in_dim3A_1600], %mul3A_1602 : memref<80x80xf32, #tpu.memory_space<vmem>>[vector<16xi32>, vector<16xi32>], vector<16xf32>,
      %broadcast_in_dim3A_1603 = arith.constant 34 : i32
      %broadcast_in_dim3A_1604 = vector.broadcast %broadcast_in_dim3A_1603 : i32 to vector<16xi32>
      %gather3A_1605 = tpu.vector_load_idx %arg12[%add3A_1405, %broadcast_in_dim3A_1604] : memref<80x80xf32, #tpu.memory_space<vmem>>[vector<16xi32>, vector<16xi32>], vector<16xf32>,
      %mul3A_1606 = arith.mulf %gather3A_1605, %exp3A_1594 : vector<16xf32>
      tpu.vector_store_idx %arg12[%add3A_1405, %broadcast_in_dim3A_1604], %mul3A_1606 : memref<80x80xf32, #tpu.memory_space<vmem>>[vector<16xi32>, vector<16xi32>], vector<16xf32>,
      %broadcast_in_dim3A_1607 = arith.constant 35 : i32
      %broadcast_in_dim3A_1608 = vector.broadcast %broadcast_in_dim3A_1607 : i32 to vector<16xi32>
      %gather3A_1609 = tpu.vector_load_idx %arg12[%add3A_1405, %broadcast_in_dim3A_1608] : memref<80x80xf32, #tpu.memory_space<vmem>>[vector<16xi32>, vector<16xi32>], vector<16xf32>,
      %mul3A_1610 = arith.mulf %gather3A_1609, %exp3A_1594 : vector<16xf32>
      tpu.vector_store_idx %arg12[%add3A_1405, %broadcast_in_dim3A_1608], %mul3A_1610 : memref<80x80xf32, #tpu.memory_space<vmem>>[vector<16xi32>, vector<16xi32>], vector<16xf32>,
      %broadcast_in_dim3A_1611 = arith.constant 36 : i32
      %broadcast_in_dim3A_1612 = vector.broadcast %broadcast_in_dim3A_1611 : i32 to vector<16xi32>
      %gather3A_1613 = tpu.vector_load_idx %arg12[%add3A_1405, %broadcast_in_dim3A_1612] : memref<80x80xf32, #tpu.memory_space<vmem>>[vector<16xi32>, vector<16xi32>], vector<16xf32>,
      %mul3A_1614 = arith.mulf %gather3A_1613, %exp3A_1594 : vector<16xf32>
      tpu.vector_store_idx %arg12[%add3A_1405, %broadcast_in_dim3A_1612], %mul3A_1614 : memref<80x80xf32, #tpu.memory_space<vmem>>[vector<16xi32>, vector<16xi32>], vector<16xf32>,
      %broadcast_in_dim3A_1615 = arith.constant 37 : i32
      %broadcast_in_dim3A_1616 = vector.broadcast %broadcast_in_dim3A_1615 : i32 to vector<16xi32>
      %gather3A_1617 = tpu.vector_load_idx %arg12[%add3A_1405, %broadcast_in_dim3A_1616] : memref<80x80xf32, #tpu.memory_space<vmem>>[vector<16xi32>, vector<16xi32>], vector<16xf32>,
      %mul3A_1618 = arith.mulf %gather3A_1617, %exp3A_1594 : vector<16xf32>
      tpu.vector_store_idx %arg12[%add3A_1405, %broadcast_in_dim3A_1616], %mul3A_1618 : memref<80x80xf32, #tpu.memory_space<vmem>>[vector<16xi32>, vector<16xi32>], vector<16xf32>,
      %broadcast_in_dim3A_1619 = arith.constant 38 : i32
      %broadcast_in_dim3A_1620 = vector.broadcast %broadcast_in_dim3A_1619 : i32 to vector<16xi32>
      %gather3A_1621 = tpu.vector_load_idx %arg12[%add3A_1405, %broadcast_in_dim3A_1620] : memref<80x80xf32, #tpu.memory_space<vmem>>[vector<16xi32>, vector<16xi32>], vector<16xf32>,
      %mul3A_1622 = arith.mulf %gather3A_1621, %exp3A_1594 : vector<16xf32>
      tpu.vector_store_idx %arg12[%add3A_1405, %broadcast_in_dim3A_1620], %mul3A_1622 : memref<80x80xf32, #tpu.memory_space<vmem>>[vector<16xi32>, vector<16xi32>], vector<16xf32>,
      %broadcast_in_dim3A_1623 = arith.constant 39 : i32
      %broadcast_in_dim3A_1624 = vector.broadcast %broadcast_in_dim3A_1623 : i32 to vector<16xi32>
      %gather3A_1625 = tpu.vector_load_idx %arg12[%add3A_1405, %broadcast_in_dim3A_1624] : memref<80x80xf32, #tpu.memory_space<vmem>>[vector<16xi32>, vector<16xi32>], vector<16xf32>,
      %mul3A_1626 = arith.mulf %gather3A_1625, %exp3A_1594 : vector<16xf32>
      tpu.vector_store_idx %arg12[%add3A_1405, %broadcast_in_dim3A_1624], %mul3A_1626 : memref<80x80xf32, #tpu.memory_space<vmem>>[vector<16xi32>, vector<16xi32>], vector<16xf32>,
      %broadcast_in_dim3A_1627 = arith.constant 40 : i32
      %broadcast_in_dim3A_1628 = vector.broadcast %broadcast_in_dim3A_1627 : i32 to vector<16xi32>
      %gather3A_1629 = tpu.vector_load_idx %arg12[%add3A_1405, %broadcast_in_dim3A_1628] : memref<80x80xf32, #tpu.memory_space<vmem>>[vector<16xi32>, vector<16xi32>], vector<16xf32>,
      %mul3A_1630 = arith.mulf %gather3A_1629, %exp3A_1594 : vector<16xf32>
      tpu.vector_store_idx %arg12[%add3A_1405, %broadcast_in_dim3A_1628], %mul3A_1630 : memref<80x80xf32, #tpu.memory_space<vmem>>[vector<16xi32>, vector<16xi32>], vector<16xf32>,
      %broadcast_in_dim3A_1631 = arith.constant 41 : i32
      %broadcast_in_dim3A_1632 = vector.broadcast %broadcast_in_dim3A_1631 : i32 to vector<16xi32>
      %gather3A_1633 = tpu.vector_load_idx %arg12[%add3A_1405, %broadcast_in_dim3A_1632] : memref<80x80xf32, #tpu.memory_space<vmem>>[vector<16xi32>, vector<16xi32>], vector<16xf32>,
      %mul3A_1634 = arith.mulf %gather3A_1633, %exp3A_1594 : vector<16xf32>
      tpu.vector_store_idx %arg12[%add3A_1405, %broadcast_in_dim3A_1632], %mul3A_1634 : memref<80x80xf32, #tpu.memory_space<vmem>>[vector<16xi32>, vector<16xi32>], vector<16xf32>,
      %broadcast_in_dim3A_1635 = arith.constant 42 : i32
      %broadcast_in_dim3A_1636 = vector.broadcast %broadcast_in_dim3A_1635 : i32 to vector<16xi32>
      %gather3A_1637 = tpu.vector_load_idx %arg12[%add3A_1405, %broadcast_in_dim3A_1636] : memref<80x80xf32, #tpu.memory_space<vmem>>[vector<16xi32>, vector<16xi32>], vector<16xf32>,
      %mul3A_1638 = arith.mulf %gather3A_1637, %exp3A_1594 : vector<16xf32>
      tpu.vector_store_idx %arg12[%add3A_1405, %broadcast_in_dim3A_1636], %mul3A_1638 : memref<80x80xf32, #tpu.memory_space<vmem>>[vector<16xi32>, vector<16xi32>], vector<16xf32>,
      %broadcast_in_dim3A_1639 = arith.constant 43 : i32
      %broadcast_in_dim3A_1640 = vector.broadcast %broadcast_in_dim3A_1639 : i32 to vector<16xi32>
      %gather3A_1641 = tpu.vector_load_idx %arg12[%add3A_1405, %broadcast_in_dim3A_1640] : memref<80x80xf32, #tpu.memory_space<vmem>>[vector<16xi32>, vector<16xi32>], vector<16xf32>,
      %mul3A_1642 = arith.mulf %gather3A_1641, %exp3A_1594 : vector<16xf32>
      tpu.vector_store_idx %arg12[%add3A_1405, %broadcast_in_dim3A_1640], %mul3A_1642 : memref<80x80xf32, #tpu.memory_space<vmem>>[vector<16xi32>, vector<16xi32>], vector<16xf32>,
      %broadcast_in_dim3A_1643 = arith.constant 44 : i32
      %broadcast_in_dim3A_1644 = vector.broadcast %broadcast_in_dim3A_1643 : i32 to vector<16xi32>
      %gather3A_1645 = tpu.vector_load_idx %arg12[%add3A_1405, %broadcast_in_dim3A_1644] : memref<80x80xf32, #tpu.memory_space<vmem>>[vector<16xi32>, vector<16xi32>], vector<16xf32>,
      %mul3A_1646 = arith.mulf %gather3A_1645, %exp3A_1594 : vector<16xf32>
      tpu.vector_store_idx %arg12[%add3A_1405, %broadcast_in_dim3A_1644], %mul3A_1646 : memref<80x80xf32, #tpu.memory_space<vmem>>[vector<16xi32>, vector<16xi32>], vector<16xf32>,
      %broadcast_in_dim3A_1647 = arith.constant 45 : i32
      %broadcast_in_dim3A_1648 = vector.broadcast %broadcast_in_dim3A_1647 : i32 to vector<16xi32>
      %gather3A_1649 = tpu.vector_load_idx %arg12[%add3A_1405, %broadcast_in_dim3A_1648] : memref<80x80xf32, #tpu.memory_space<vmem>>[vector<16xi32>, vector<16xi32>], vector<16xf32>,
      %mul3A_1650 = arith.mulf %gather3A_1649, %exp3A_1594 : vector<16xf32>
      tpu.vector_store_idx %arg12[%add3A_1405, %broadcast_in_dim3A_1648], %mul3A_1650 : memref<80x80xf32, #tpu.memory_space<vmem>>[vector<16xi32>, vector<16xi32>], vector<16xf32>,
      %broadcast_in_dim3A_1651 = arith.constant 46 : i32
      %broadcast_in_dim3A_1652 = vector.broadcast %broadcast_in_dim3A_1651 : i32 to vector<16xi32>
      %gather3A_1653 = tpu.vector_load_idx %arg12[%add3A_1405, %broadcast_in_dim3A_1652] : memref<80x80xf32, #tpu.memory_space<vmem>>[vector<16xi32>, vector<16xi32>], vector<16xf32>,
      %mul3A_1654 = arith.mulf %gather3A_1653, %exp3A_1594 : vector<16xf32>
      tpu.vector_store_idx %arg12[%add3A_1405, %broadcast_in_dim3A_1652], %mul3A_1654 : memref<80x80xf32, #tpu.memory_space<vmem>>[vector<16xi32>, vector<16xi32>], vector<16xf32>,
      %broadcast_in_dim3A_1655 = arith.constant 47 : i32
      %broadcast_in_dim3A_1656 = vector.broadcast %broadcast_in_dim3A_1655 : i32 to vector<16xi32>
      %gather3A_1657 = tpu.vector_load_idx %arg12[%add3A_1405, %broadcast_in_dim3A_1656] : memref<80x80xf32, #tpu.memory_space<vmem>>[vector<16xi32>, vector<16xi32>], vector<16xf32>,
      %mul3A_1658 = arith.mulf %gather3A_1657, %exp3A_1594 : vector<16xf32>
      tpu.vector_store_idx %arg12[%add3A_1405, %broadcast_in_dim3A_1656], %mul3A_1658 : memref<80x80xf32, #tpu.memory_space<vmem>>[vector<16xi32>, vector<16xi32>], vector<16xf32>,
      %broadcast_in_dim3A_1659 = arith.constant 66 : i32
      %broadcast_in_dim3A_1660 = vector.broadcast %broadcast_in_dim3A_1659 : i32 to vector<16xi32>
      tpu.vector_store_idx %arg12[%add3A_1405, %broadcast_in_dim3A_1660], %exp3A_1594 : memref<80x80xf32, #tpu.memory_space<vmem>>[vector<16xi32>, vector<16xi32>], vector<16xf32>,
      %broadcast_in_dim3A_1661 = arith.constant 3 : i32
      %broadcast_in_dim3A_1662 = vector.broadcast %broadcast_in_dim3A_1661 : i32 to vector<16xi32>
      %gather3A_1663 = tpu.vector_load_idx %arg10[%add3A_1405, %broadcast_in_dim3A_1662] : memref<80x16xf32, #tpu.memory_space<vmem>>[vector<16xi32>, vector<16xi32>], vector<16xf32>,
      %broadcast_in_dim3A_1664 = arith.constant 7 : i32
      %broadcast_in_dim3A_1665 = vector.broadcast %broadcast_in_dim3A_1664 : i32 to vector<16xi32>
      %gather3A_1666 = tpu.vector_load_idx %arg11[%add3A_1405, %broadcast_in_dim3A_1665] : memref<80x16xf32, #tpu.memory_space<vmem>>[vector<16xi32>, vector<16xi32>], vector<16xf32>,
      %broadcast_in_dim3A_1667 = arith.constant 11 : i32
      %broadcast_in_dim3A_1668 = vector.broadcast %broadcast_in_dim3A_1667 : i32 to vector<16xi32>
      %gather3A_1669 = tpu.vector_load_idx %arg11[%add3A_1405, %broadcast_in_dim3A_1668] : memref<80x16xf32, #tpu.memory_space<vmem>>[vector<16xi32>, vector<16xi32>], vector<16xf32>,
      %add3A_1670 = arith.addf %gather3A_1663, %gather3A_1666 : vector<16xf32>
      %ge3A_1671 = arith.constant 0.000000e+00 : f32
      %ge3A_1672 = vector.broadcast %ge3A_1671 : f32 to vector<16xf32>
      %ge3A_1673 = arith.cmpf oge, %add3A_1670, %ge3A_1672 : vector<16xf32>
      %mul3A_1674 = arith.constant 2.000000e-01 : f32
      %mul3A_1675 = vector.broadcast %mul3A_1674 : f32 to vector<16xf32>
      %mul3A_1676 = arith.mulf %mul3A_1675, %add3A_1670 : vector<16xf32>
      %select_n3A_1677 = arith.select %ge3A_1673, %add3A_1670, %mul3A_1676 : vector<16xi1>, vector<16xf32>
      %sub3A_1678 = arith.subf %select_n3A_1677, %gather3A_1669 : vector<16xf32>
      %exp3A_1679 = math.exp %sub3A_1678 : vector<16xf32>
      %broadcast_in_dim3A_1680 = arith.constant 48 : i32
      %broadcast_in_dim3A_1681 = vector.broadcast %broadcast_in_dim3A_1680 : i32 to vector<16xi32>
      %gather3A_1682 = tpu.vector_load_idx %arg12[%add3A_1405, %broadcast_in_dim3A_1681] : memref<80x80xf32, #tpu.memory_space<vmem>>[vector<16xi32>, vector<16xi32>], vector<16xf32>,
      %mul3A_1683 = arith.mulf %gather3A_1682, %exp3A_1679 : vector<16xf32>
      tpu.vector_store_idx %arg12[%add3A_1405, %broadcast_in_dim3A_1681], %mul3A_1683 : memref<80x80xf32, #tpu.memory_space<vmem>>[vector<16xi32>, vector<16xi32>], vector<16xf32>,
      %broadcast_in_dim3A_1684 = arith.constant 49 : i32
      %broadcast_in_dim3A_1685 = vector.broadcast %broadcast_in_dim3A_1684 : i32 to vector<16xi32>
      %gather3A_1686 = tpu.vector_load_idx %arg12[%add3A_1405, %broadcast_in_dim3A_1685] : memref<80x80xf32, #tpu.memory_space<vmem>>[vector<16xi32>, vector<16xi32>], vector<16xf32>,
      %mul3A_1687 = arith.mulf %gather3A_1686, %exp3A_1679 : vector<16xf32>
      tpu.vector_store_idx %arg12[%add3A_1405, %broadcast_in_dim3A_1685], %mul3A_1687 : memref<80x80xf32, #tpu.memory_space<vmem>>[vector<16xi32>, vector<16xi32>], vector<16xf32>,
      %broadcast_in_dim3A_1688 = arith.constant 50 : i32
      %broadcast_in_dim3A_1689 = vector.broadcast %broadcast_in_dim3A_1688 : i32 to vector<16xi32>
      %gather3A_1690 = tpu.vector_load_idx %arg12[%add3A_1405, %broadcast_in_dim3A_1689] : memref<80x80xf32, #tpu.memory_space<vmem>>[vector<16xi32>, vector<16xi32>], vector<16xf32>,
      %mul3A_1691 = arith.mulf %gather3A_1690, %exp3A_1679 : vector<16xf32>
      tpu.vector_store_idx %arg12[%add3A_1405, %broadcast_in_dim3A_1689], %mul3A_1691 : memref<80x80xf32, #tpu.memory_space<vmem>>[vector<16xi32>, vector<16xi32>], vector<16xf32>,
      %broadcast_in_dim3A_1692 = arith.constant 51 : i32
      %broadcast_in_dim3A_1693 = vector.broadcast %broadcast_in_dim3A_1692 : i32 to vector<16xi32>
      %gather3A_1694 = tpu.vector_load_idx %arg12[%add3A_1405, %broadcast_in_dim3A_1693] : memref<80x80xf32, #tpu.memory_space<vmem>>[vector<16xi32>, vector<16xi32>], vector<16xf32>,
      %mul3A_1695 = arith.mulf %gather3A_1694, %exp3A_1679 : vector<16xf32>
      tpu.vector_store_idx %arg12[%add3A_1405, %broadcast_in_dim3A_1693], %mul3A_1695 : memref<80x80xf32, #tpu.memory_space<vmem>>[vector<16xi32>, vector<16xi32>], vector<16xf32>,
      %broadcast_in_dim3A_1696 = arith.constant 52 : i32
      %broadcast_in_dim3A_1697 = vector.broadcast %broadcast_in_dim3A_1696 : i32 to vector<16xi32>
      %gather3A_1698 = tpu.vector_load_idx %arg12[%add3A_1405, %broadcast_in_dim3A_1697] : memref<80x80xf32, #tpu.memory_space<vmem>>[vector<16xi32>, vector<16xi32>], vector<16xf32>,
      %mul3A_1699 = arith.mulf %gather3A_1698, %exp3A_1679 : vector<16xf32>
      tpu.vector_store_idx %arg12[%add3A_1405, %broadcast_in_dim3A_1697], %mul3A_1699 : memref<80x80xf32, #tpu.memory_space<vmem>>[vector<16xi32>, vector<16xi32>], vector<16xf32>,
      %broadcast_in_dim3A_1700 = arith.constant 53 : i32
      %broadcast_in_dim3A_1701 = vector.broadcast %broadcast_in_dim3A_1700 : i32 to vector<16xi32>
      %gather3A_1702 = tpu.vector_load_idx %arg12[%add3A_1405, %broadcast_in_dim3A_1701] : memref<80x80xf32, #tpu.memory_space<vmem>>[vector<16xi32>, vector<16xi32>], vector<16xf32>,
      %mul3A_1703 = arith.mulf %gather3A_1702, %exp3A_1679 : vector<16xf32>
      tpu.vector_store_idx %arg12[%add3A_1405, %broadcast_in_dim3A_1701], %mul3A_1703 : memref<80x80xf32, #tpu.memory_space<vmem>>[vector<16xi32>, vector<16xi32>], vector<16xf32>,
      %broadcast_in_dim3A_1704 = arith.constant 54 : i32
      %broadcast_in_dim3A_1705 = vector.broadcast %broadcast_in_dim3A_1704 : i32 to vector<16xi32>
      %gather3A_1706 = tpu.vector_load_idx %arg12[%add3A_1405, %broadcast_in_dim3A_1705] : memref<80x80xf32, #tpu.memory_space<vmem>>[vector<16xi32>, vector<16xi32>], vector<16xf32>,
      %mul3A_1707 = arith.mulf %gather3A_1706, %exp3A_1679 : vector<16xf32>
      tpu.vector_store_idx %arg12[%add3A_1405, %broadcast_in_dim3A_1705], %mul3A_1707 : memref<80x80xf32, #tpu.memory_space<vmem>>[vector<16xi32>, vector<16xi32>], vector<16xf32>,
      %broadcast_in_dim3A_1708 = arith.constant 55 : i32
      %broadcast_in_dim3A_1709 = vector.broadcast %broadcast_in_dim3A_1708 : i32 to vector<16xi32>
      %gather3A_1710 = tpu.vector_load_idx %arg12[%add3A_1405, %broadcast_in_dim3A_1709] : memref<80x80xf32, #tpu.memory_space<vmem>>[vector<16xi32>, vector<16xi32>], vector<16xf32>,
      %mul3A_1711 = arith.mulf %gather3A_1710, %exp3A_1679 : vector<16xf32>
      tpu.vector_store_idx %arg12[%add3A_1405, %broadcast_in_dim3A_1709], %mul3A_1711 : memref<80x80xf32, #tpu.memory_space<vmem>>[vector<16xi32>, vector<16xi32>], vector<16xf32>,
      %broadcast_in_dim3A_1712 = arith.constant 56 : i32
      %broadcast_in_dim3A_1713 = vector.broadcast %broadcast_in_dim3A_1712 : i32 to vector<16xi32>
      %gather3A_1714 = tpu.vector_load_idx %arg12[%add3A_1405, %broadcast_in_dim3A_1713] : memref<80x80xf32, #tpu.memory_space<vmem>>[vector<16xi32>, vector<16xi32>], vector<16xf32>,
      %mul3A_1715 = arith.mulf %gather3A_1714, %exp3A_1679 : vector<16xf32>
      tpu.vector_store_idx %arg12[%add3A_1405, %broadcast_in_dim3A_1713], %mul3A_1715 : memref<80x80xf32, #tpu.memory_space<vmem>>[vector<16xi32>, vector<16xi32>], vector<16xf32>,
      %broadcast_in_dim3A_1716 = arith.constant 57 : i32
      %broadcast_in_dim3A_1717 = vector.broadcast %broadcast_in_dim3A_1716 : i32 to vector<16xi32>
      %gather3A_1718 = tpu.vector_load_idx %arg12[%add3A_1405, %broadcast_in_dim3A_1717] : memref<80x80xf32, #tpu.memory_space<vmem>>[vector<16xi32>, vector<16xi32>], vector<16xf32>,
      %mul3A_1719 = arith.mulf %gather3A_1718, %exp3A_1679 : vector<16xf32>
      tpu.vector_store_idx %arg12[%add3A_1405, %broadcast_in_dim3A_1717], %mul3A_1719 : memref<80x80xf32, #tpu.memory_space<vmem>>[vector<16xi32>, vector<16xi32>], vector<16xf32>,
      %broadcast_in_dim3A_1720 = arith.constant 58 : i32
      %broadcast_in_dim3A_1721 = vector.broadcast %broadcast_in_dim3A_1720 : i32 to vector<16xi32>
      %gather3A_1722 = tpu.vector_load_idx %arg12[%add3A_1405, %broadcast_in_dim3A_1721] : memref<80x80xf32, #tpu.memory_space<vmem>>[vector<16xi32>, vector<16xi32>], vector<16xf32>,
      %mul3A_1723 = arith.mulf %gather3A_1722, %exp3A_1679 : vector<16xf32>
      tpu.vector_store_idx %arg12[%add3A_1405, %broadcast_in_dim3A_1721], %mul3A_1723 : memref<80x80xf32, #tpu.memory_space<vmem>>[vector<16xi32>, vector<16xi32>], vector<16xf32>,
      %broadcast_in_dim3A_1724 = arith.constant 59 : i32
      %broadcast_in_dim3A_1725 = vector.broadcast %broadcast_in_dim3A_1724 : i32 to vector<16xi32>
      %gather3A_1726 = tpu.vector_load_idx %arg12[%add3A_1405, %broadcast_in_dim3A_1725] : memref<80x80xf32, #tpu.memory_space<vmem>>[vector<16xi32>, vector<16xi32>], vector<16xf32>,
      %mul3A_1727 = arith.mulf %gather3A_1726, %exp3A_1679 : vector<16xf32>
      tpu.vector_store_idx %arg12[%add3A_1405, %broadcast_in_dim3A_1725], %mul3A_1727 : memref<80x80xf32, #tpu.memory_space<vmem>>[vector<16xi32>, vector<16xi32>], vector<16xf32>,
      %broadcast_in_dim3A_1728 = arith.constant 60 : i32
      %broadcast_in_dim3A_1729 = vector.broadcast %broadcast_in_dim3A_1728 : i32 to vector<16xi32>
      %gather3A_1730 = tpu.vector_load_idx %arg12[%add3A_1405, %broadcast_in_dim3A_1729] : memref<80x80xf32, #tpu.memory_space<vmem>>[vector<16xi32>, vector<16xi32>], vector<16xf32>,
      %mul3A_1731 = arith.mulf %gather3A_1730, %exp3A_1679 : vector<16xf32>
      tpu.vector_store_idx %arg12[%add3A_1405, %broadcast_in_dim3A_1729], %mul3A_1731 : memref<80x80xf32, #tpu.memory_space<vmem>>[vector<16xi32>, vector<16xi32>], vector<16xf32>,
      %broadcast_in_dim3A_1732 = arith.constant 61 : i32
      %broadcast_in_dim3A_1733 = vector.broadcast %broadcast_in_dim3A_1732 : i32 to vector<16xi32>
      %gather3A_1734 = tpu.vector_load_idx %arg12[%add3A_1405, %broadcast_in_dim3A_1733] : memref<80x80xf32, #tpu.memory_space<vmem>>[vector<16xi32>, vector<16xi32>], vector<16xf32>,
      %mul3A_1735 = arith.mulf %gather3A_1734, %exp3A_1679 : vector<16xf32>
      tpu.vector_store_idx %arg12[%add3A_1405, %broadcast_in_dim3A_1733], %mul3A_1735 : memref<80x80xf32, #tpu.memory_space<vmem>>[vector<16xi32>, vector<16xi32>], vector<16xf32>,
      %broadcast_in_dim3A_1736 = arith.constant 62 : i32
      %broadcast_in_dim3A_1737 = vector.broadcast %broadcast_in_dim3A_1736 : i32 to vector<16xi32>
      %gather3A_1738 = tpu.vector_load_idx %arg12[%add3A_1405, %broadcast_in_dim3A_1737] : memref<80x80xf32, #tpu.memory_space<vmem>>[vector<16xi32>, vector<16xi32>], vector<16xf32>,
      %mul3A_1739 = arith.mulf %gather3A_1738, %exp3A_1679 : vector<16xf32>
      tpu.vector_store_idx %arg12[%add3A_1405, %broadcast_in_dim3A_1737], %mul3A_1739 : memref<80x80xf32, #tpu.memory_space<vmem>>[vector<16xi32>, vector<16xi32>], vector<16xf32>,
      %broadcast_in_dim3A_1740 = arith.constant 63 : i32
      %broadcast_in_dim3A_1741 = vector.broadcast %broadcast_in_dim3A_1740 : i32 to vector<16xi32>
      %gather3A_1742 = tpu.vector_load_idx %arg12[%add3A_1405, %broadcast_in_dim3A_1741] : memref<80x80xf32, #tpu.memory_space<vmem>>[vector<16xi32>, vector<16xi32>], vector<16xf32>,
      %mul3A_1743 = arith.mulf %gather3A_1742, %exp3A_1679 : vector<16xf32>
      tpu.vector_store_idx %arg12[%add3A_1405, %broadcast_in_dim3A_1741], %mul3A_1743 : memref<80x80xf32, #tpu.memory_space<vmem>>[vector<16xi32>, vector<16xi32>], vector<16xf32>,
      %broadcast_in_dim3A_1744 = arith.constant 67 : i32
      %broadcast_in_dim3A_1745 = vector.broadcast %broadcast_in_dim3A_1744 : i32 to vector<16xi32>
      tpu.vector_store_idx %arg12[%add3A_1405, %broadcast_in_dim3A_1745], %exp3A_1679 : memref<80x80xf32, #tpu.memory_space<vmem>>[vector<16xi32>, vector<16xi32>], vector<16xf32>,
      "tpu.region"() ({
        %run_scoped3A = tpu.sem_alloc : memref<!tpu.dma_semaphore, #tpu.memory_space<semaphore_mem>>
        %dma_start3A_1746 = arith.constant 0 : i32
        %dma_start3A_1747 = arith.constant 0 : i32
        %dma_start3A_1748 = tpu.memref_slice %arg13[%dma_start3A_1746, %dma_start3A_1747] : memref<10240x80xf32, #tpu.memory_space<vmem_shared>> -> memref<10240x80xf32, #tpu.memory_space<vmem_shared>>
        tpu.enqueue_indirect_dma source(%arg12 : memref<80x80xf32, #tpu.memory_space<vmem>>) target(%dma_start3A_1748 : memref<10240x80xf32, #tpu.memory_space<vmem_shared>>) offsets(%arg9 : memref<80xi32, #tpu.memory_space<vmem>>) semaphore(%run_scoped3A : memref<!tpu.dma_semaphore, #tpu.memory_space<semaphore_mem>>) {add = true}
        %dma_wait3A_1749 = arith.constant 0 : i32
        %dma_wait3A_1750 = arith.constant 0 : i32
        %dma_wait3A_1751 = tpu.memref_slice %arg13[%dma_wait3A_1749, %dma_wait3A_1750] : memref<10240x80xf32, #tpu.memory_space<vmem_shared>> -> memref<10240x80xf32, #tpu.memory_space<vmem_shared>>
        tpu.wait_indirect_dma semaphore(%run_scoped3A : memref<!tpu.dma_semaphore, #tpu.memory_space<semaphore_mem>>) src(%arg12 : memref<80x80xf32, #tpu.memory_space<vmem>>) dst(%dma_wait3A_1751 : memref<10240x80xf32, #tpu.memory_space<vmem_shared>>)
        tpu.yield
      }) : () -> ()
    }
    %scan3A_9 = arith.constant 125 : i32
    %barrier3A_10 = arith.constant 0 : index
    tpu.barrier barrier_id(%barrier3A_10)
    %mul3A_11 = arith.constant 640 : i32
    %mul3A_12 = arith.muli %arg1, %mul3A_11 : i32
    %mul3A_13 = arith.constant 640 : i32
    %mul3A_14 = arith.muli %arg1, %mul3A_13 : i32
    "tpu.region"() ({
      %run_scoped3A = tpu.sem_alloc : memref<!tpu.dma_semaphore, #tpu.memory_space<semaphore_mem>>
      %dma_start3A = arith.constant 0 : i32
      %dma_start3A_15 = tpu.memref_slice %arg7[%arg0, %mul3A_14, %dma_start3A] : memref<2x10240x80xf32, #tpu.memory_space<hbm>> -> memref<1x640x80xf32, #tpu.memory_space<hbm>>
      %dma_start3A_16 = tpu.memref_squeeze %dma_start3A_15 : memref<1x640x80xf32, #tpu.memory_space<hbm>> -> memref<640x80xf32, #tpu.memory_space<hbm>>
      %dma_start3A_17 = arith.constant 0 : i32
      %dma_start3A_18 = tpu.memref_slice %arg13[%mul3A_12, %dma_start3A_17] : memref<10240x80xf32, #tpu.memory_space<vmem_shared>> -> memref<640x80xf32, #tpu.memory_space<vmem_shared>>
      tpu.enqueue_dma source(%dma_start3A_18 : memref<640x80xf32, #tpu.memory_space<vmem_shared>>) target(%dma_start3A_16 : memref<640x80xf32, #tpu.memory_space<hbm>>) target_semaphore(%run_scoped3A : memref<!tpu.dma_semaphore, #tpu.memory_space<semaphore_mem>>)
      %dma_wait3A = arith.constant 0 : i32
      %dma_wait3A_19 = tpu.memref_slice %arg7[%arg0, %mul3A_14, %dma_wait3A] : memref<2x10240x80xf32, #tpu.memory_space<hbm>> -> memref<1x640x80xf32, #tpu.memory_space<hbm>>
      %dma_wait3A_20 = tpu.memref_squeeze %dma_wait3A_19 : memref<1x640x80xf32, #tpu.memory_space<hbm>> -> memref<640x80xf32, #tpu.memory_space<hbm>>
      %dma_wait3A_21 = arith.constant 0 : i32
      %dma_wait3A_22 = tpu.memref_slice %arg13[%mul3A_12, %dma_wait3A_21] : memref<10240x80xf32, #tpu.memory_space<vmem_shared>> -> memref<640x80xf32, #tpu.memory_space<vmem_shared>>
      tpu.wait_dma2 semaphore(%run_scoped3A : memref<!tpu.dma_semaphore, #tpu.memory_space<semaphore_mem>>) src(%dma_wait3A_22 : memref<640x80xf32, #tpu.memory_space<vmem_shared>>) dst(%dma_wait3A_20 : memref<640x80xf32, #tpu.memory_space<hbm>>)
      tpu.yield
    }) : () -> ()
    return
  }
}

module attributes {stable_mosaic.version = 14 : i64} {
  func.func @_k1_body(%arg0: memref<10000x128xf32, #tpu.memory_space<vmem>>, %arg1: memref<128x64xf32, #tpu.memory_space<vmem>>, %arg2: memref<64x4xf32, #tpu.memory_space<vmem>>, %arg3: memref<64x4xf32, #tpu.memory_space<vmem>>, %arg4: memref<10000x80xf32, #tpu.memory_space<vmem>>, %arg5: memref<10000x16xf32, #tpu.memory_space<vmem>>) attributes {dimension_semantics = [], scalar_prefetch = 0 : i64, scratch_operands = 0 : i64, tpu.core_type = #tpu.core_type<tc>} {
    %get3A = arith.constant 0 : index
    %get3A_0 = arith.constant 0 : index
    %get3A_1 = vector.load %arg0[%get3A, %get3A_0] : memref<10000x128xf32, #tpu.memory_space<vmem>>, vector<10000x128xf32>
    %get3A_2 = arith.constant 0 : index
    %get3A_3 = arith.constant 0 : index
    %get3A_4 = vector.load %arg1[%get3A_2, %get3A_3] : memref<128x64xf32, #tpu.memory_space<vmem>>, vector<128x64xf32>
    %dot_general3A = arith.constant dense<0.000000e+00> : vector<10000x64xf32>
    %dot_general3A_5 = tpu.matmul %get3A_1, %get3A_4, %dot_general3A {dimension_numbers = #tpu.dot_dimension_numbers<[1], [0], [0], [1], [0, 0, 1, 1], [], []>, transpose_lhs_hint = false} : vector<10000x128xf32>, vector<128x64xf32>, vector<10000x64xf32> -> vector<10000x64xf32>
    %get3A_6 = arith.constant 0 : index
    %get3A_7 = arith.constant 0 : index
    %get3A_8 = vector.load %arg2[%get3A_6, %get3A_7] : memref<64x4xf32, #tpu.memory_space<vmem>>, vector<64x4xf32>
    %dot_general3A_9 = arith.constant dense<0.000000e+00> : vector<10000x4xf32>
    %dot_general3A_10 = tpu.matmul %dot_general3A_5, %get3A_8, %dot_general3A_9 {dimension_numbers = #tpu.dot_dimension_numbers<[1], [0], [0], [1], [0, 0, 1, 1], [], []>, transpose_lhs_hint = false} : vector<10000x64xf32>, vector<64x4xf32>, vector<10000x4xf32> -> vector<10000x4xf32>
    %get3A_11 = arith.constant 0 : index
    %get3A_12 = arith.constant 0 : index
    %get3A_13 = vector.load %arg3[%get3A_11, %get3A_12] : memref<64x4xf32, #tpu.memory_space<vmem>>, vector<64x4xf32>
    %dot_general3A_14 = arith.constant dense<0.000000e+00> : vector<10000x4xf32>
    %dot_general3A_15 = tpu.matmul %dot_general3A_5, %get3A_13, %dot_general3A_14 {dimension_numbers = #tpu.dot_dimension_numbers<[1], [0], [0], [1], [0, 0, 1, 1], [], []>, transpose_lhs_hint = false} : vector<10000x64xf32>, vector<64x4xf32>, vector<10000x4xf32> -> vector<10000x4xf32>
    %swap3A = arith.constant 0 : index
    %swap3A_16 = arith.constant 0 : index
    %swap3A_17 = vector.load %arg4[%swap3A, %swap3A_16] : memref<10000x80xf32, #tpu.memory_space<vmem>>, vector<10000x64xf32>
    tpu.vector_store %arg4[%swap3A, %swap3A_16], %dot_general3A_5 {strides = array<i32>} : memref<10000x80xf32, #tpu.memory_space<vmem>>, vector<10000x64xf32>,
    %broadcast_in_dim3A = arith.constant 1.000000e+00 : f32
    %broadcast_in_dim3A_18 = vector.broadcast %broadcast_in_dim3A : f32 to vector<10000x4xf32>
    %swap3A_19 = arith.constant 0 : index
    %swap3A_20 = arith.constant 64 : index
    %swap3A_21 = vector.load %arg4[%swap3A_19, %swap3A_20] : memref<10000x80xf32, #tpu.memory_space<vmem>>, vector<10000x4xf32>
    tpu.vector_store %arg4[%swap3A_19, %swap3A_20], %broadcast_in_dim3A_18 {strides = array<i32>} : memref<10000x80xf32, #tpu.memory_space<vmem>>, vector<10000x4xf32>,
    %broadcast_in_dim3A_22 = arith.constant 0.000000e+00 : f32
    %broadcast_in_dim3A_23 = vector.broadcast %broadcast_in_dim3A_22 : f32 to vector<10000x12xf32>
    %swap3A_24 = arith.constant 0 : index
    %swap3A_25 = arith.constant 68 : index
    %swap3A_26 = vector.load %arg4[%swap3A_24, %swap3A_25] : memref<10000x80xf32, #tpu.memory_space<vmem>>, vector<10000x12xf32>
    tpu.vector_store %arg4[%swap3A_24, %swap3A_25], %broadcast_in_dim3A_23 {strides = array<i32>} : memref<10000x80xf32, #tpu.memory_space<vmem>>, vector<10000x12xf32>,
    %reduce_max3A = arith.constant dense<0xFF800000> : vector<4xf32>
    %reduce_max3A_27 = vector.multi_reduction <maximumf>, %dot_general3A_10, %reduce_max3A [0] : vector<10000x4xf32> to vector<4xf32>
    %broadcast_in_dim3A_28 = vector.shape_cast %reduce_max3A_27 : vector<4xf32> to vector<1x4xf32>
    %add3A = vector.broadcast %broadcast_in_dim3A_28 : vector<1x4xf32> to vector<10000x4xf32>
    %add3A_29 = arith.addf %add3A, %dot_general3A_15 : vector<10000x4xf32>
    %ge3A = arith.constant 0.000000e+00 : f32
    %ge3A_30 = vector.broadcast %ge3A : f32 to vector<10000x4xf32>
    %ge3A_31 = arith.cmpf oge, %add3A_29, %ge3A_30 : vector<10000x4xf32>
    %mul3A = arith.constant 2.000000e-01 : f32
    %mul3A_32 = vector.broadcast %mul3A : f32 to vector<10000x4xf32>
    %mul3A_33 = arith.mulf %mul3A_32, %add3A_29 : vector<10000x4xf32>
    %select_n3A = arith.select %ge3A_31, %add3A_29, %mul3A_33 : vector<10000x4xi1>, vector<10000x4xf32>
    %swap3A_34 = arith.constant 0 : index
    %swap3A_35 = arith.constant 0 : index
    %swap3A_36 = vector.load %arg5[%swap3A_34, %swap3A_35] : memref<10000x16xf32, #tpu.memory_space<vmem>>, vector<10000x4xf32>
    tpu.vector_store %arg5[%swap3A_34, %swap3A_35], %dot_general3A_10 {strides = array<i32>} : memref<10000x16xf32, #tpu.memory_space<vmem>>, vector<10000x4xf32>,
    %swap3A_37 = arith.constant 0 : index
    %swap3A_38 = arith.constant 4 : index
    %swap3A_39 = vector.load %arg5[%swap3A_37, %swap3A_38] : memref<10000x16xf32, #tpu.memory_space<vmem>>, vector<10000x4xf32>
    tpu.vector_store %arg5[%swap3A_37, %swap3A_38], %dot_general3A_15 {strides = array<i32>} : memref<10000x16xf32, #tpu.memory_space<vmem>>, vector<10000x4xf32>,
    %swap3A_40 = arith.constant 0 : index
    %swap3A_41 = arith.constant 8 : index
    %swap3A_42 = vector.load %arg5[%swap3A_40, %swap3A_41] : memref<10000x16xf32, #tpu.memory_space<vmem>>, vector<10000x4xf32>
    tpu.vector_store %arg5[%swap3A_40, %swap3A_41], %select_n3A {strides = array<i32>} : memref<10000x16xf32, #tpu.memory_space<vmem>>, vector<10000x4xf32>,
    %broadcast_in_dim3A_43 = arith.constant 0.000000e+00 : f32
    %broadcast_in_dim3A_44 = vector.broadcast %broadcast_in_dim3A_43 : f32 to vector<10000x4xf32>
    %swap3A_45 = arith.constant 0 : index
    %swap3A_46 = arith.constant 12 : index
    %swap3A_47 = vector.load %arg5[%swap3A_45, %swap3A_46] : memref<10000x16xf32, #tpu.memory_space<vmem>>, vector<10000x4xf32>
    tpu.vector_store %arg5[%swap3A_45, %swap3A_46], %broadcast_in_dim3A_44 {strides = array<i32>} : memref<10000x16xf32, #tpu.memory_space<vmem>>, vector<10000x4xf32>,
    return
  }
}

module attributes {stable_mosaic.version = 14 : i64} {
  func.func @_k2_body(%arg0: memref<10000x80xf32, #tpu.memory_space<vmem>>, %arg1: memref<10000x16xf32, #tpu.memory_space<vmem>>, %arg2: memref<20480x80xf32, #tpu.memory_space<vmem>>, %arg3: memref<64xf32, #tpu.memory_space<vmem>>, %arg4: memref<64xf32, #tpu.memory_space<vmem>>, %arg5: memref<64xf32, #tpu.memory_space<vmem>>, %arg6: memref<64x2xf32, #tpu.memory_space<vmem>>, %arg7: memref<2x1xf32, #tpu.memory_space<vmem>>, %arg8: memref<2x1xf32, #tpu.memory_space<vmem>>, %arg9: memref<4x64xf32, #tpu.memory_space<vmem>>, %arg10: memref<10000x16xf32, #tpu.memory_space<vmem>>, %arg11: memref<10000x16xf32, #tpu.memory_space<vmem>>) attributes {dimension_semantics = [], scalar_prefetch = 0 : i64, scratch_operands = 0 : i64, tpu.core_type = #tpu.core_type<tc>} {
    %get3A = arith.constant 0 : index
    %get3A_0 = arith.constant 0 : index
    %get3A_1 = vector.load %arg0[%get3A, %get3A_0] : memref<10000x80xf32, #tpu.memory_space<vmem>>, vector<10000x64xf32>
    %get3A_2 = arith.constant 0 : index
    %get3A_3 = arith.constant 0 : index
    %get3A_4 = vector.load %arg1[%get3A_2, %get3A_3] : memref<10000x16xf32, #tpu.memory_space<vmem>>, vector<10000x4xf32>
    %get3A_5 = arith.constant 0 : index
    %get3A_6 = arith.constant 4 : index
    %get3A_7 = vector.load %arg1[%get3A_5, %get3A_6] : memref<10000x16xf32, #tpu.memory_space<vmem>>, vector<10000x4xf32>
    %get3A_8 = arith.constant 0 : index
    %get3A_9 = arith.constant 8 : index
    %get3A_10 = vector.load %arg1[%get3A_8, %get3A_9] : memref<10000x16xf32, #tpu.memory_space<vmem>>, vector<10000x4xf32>
    %add3A = arith.addf %get3A_4, %get3A_7 : vector<10000x4xf32>
    %ge3A = arith.constant 0.000000e+00 : f32
    %ge3A_11 = vector.broadcast %ge3A : f32 to vector<10000x4xf32>
    %ge3A_12 = arith.cmpf oge, %add3A, %ge3A_11 : vector<10000x4xf32>
    %mul3A = arith.constant 2.000000e-01 : f32
    %mul3A_13 = vector.broadcast %mul3A : f32 to vector<10000x4xf32>
    %mul3A_14 = arith.mulf %mul3A_13, %add3A : vector<10000x4xf32>
    %select_n3A = arith.select %ge3A_12, %add3A, %mul3A_14 : vector<10000x4xi1>, vector<10000x4xf32>
    %sub3A = arith.subf %select_n3A, %get3A_10 : vector<10000x4xf32>
    %exp3A = math.exp %sub3A : vector<10000x4xf32>
    %get3A_15 = arith.constant 0 : index
    %get3A_16 = arith.constant 64 : index
    %get3A_17 = vector.load %arg2[%get3A_15, %get3A_16] : memref<20480x80xf32, #tpu.memory_space<vmem>>, vector<10000x4xf32>
    %add3A_18 = arith.addf %exp3A, %get3A_17 : vector<10000x4xf32>
    %get3A_19 = arith.constant 10240 : index
    %get3A_20 = arith.constant 64 : index
    %get3A_21 = vector.load %arg2[%get3A_19, %get3A_20] : memref<20480x80xf32, #tpu.memory_space<vmem>>, vector<10000x4xf32>
    %add3A_22 = arith.addf %add3A_18, %get3A_21 : vector<10000x4xf32>
    %add3A_23 = arith.constant 1.000000e-16 : f32
    %add3A_24 = vector.broadcast %add3A_23 : f32 to vector<10000x4xf32>
    %add3A_25 = arith.addf %add3A_22, %add3A_24 : vector<10000x4xf32>
    %get3A_26 = arith.constant 0 : index
    %get3A_27 = arith.constant 0 : index
    %get3A_28 = vector.load %arg2[%get3A_26, %get3A_27] : memref<20480x80xf32, #tpu.memory_space<vmem>>, vector<10000x64xf32>
    %get3A_29 = arith.constant 10240 : index
    %get3A_30 = arith.constant 0 : index
    %get3A_31 = vector.load %arg2[%get3A_29, %get3A_30] : memref<20480x80xf32, #tpu.memory_space<vmem>>, vector<10000x64xf32>
    %add3A_32 = arith.addf %get3A_28, %get3A_31 : vector<10000x64xf32>
    %get3A_33 = arith.constant 0 : index
    %get3A_34 = arith.constant 0 : index
    %get3A_35 = vector.load %arg9[%get3A_33, %get3A_34] : memref<4x64xf32, #tpu.memory_space<vmem>>, vector<4x64xf32>
    %dot_general3A = arith.constant dense<0.000000e+00> : vector<10000x64xf32>
    %dot_general3A_36 = tpu.matmul %exp3A, %get3A_35, %dot_general3A {dimension_numbers = #tpu.dot_dimension_numbers<[1], [0], [0], [1], [0, 0, 1, 1], [], []>, transpose_lhs_hint = false} : vector<10000x4xf32>, vector<4x64xf32>, vector<10000x64xf32> -> vector<10000x64xf32>
    %get3A_37 = arith.constant 0 : index
    %get3A_38 = arith.constant 0 : index
    %get3A_39 = vector.load %arg9[%get3A_37, %get3A_38] : memref<4x64xf32, #tpu.memory_space<vmem>>, vector<4x64xf32>
    %dot_general3A_40 = arith.constant dense<0.000000e+00> : vector<10000x64xf32>
    %dot_general3A_41 = tpu.matmul %add3A_25, %get3A_39, %dot_general3A_40 {dimension_numbers = #tpu.dot_dimension_numbers<[1], [0], [0], [1], [0, 0, 1, 1], [], []>, transpose_lhs_hint = false} : vector<10000x4xf32>, vector<4x64xf32>, vector<10000x64xf32> -> vector<10000x64xf32>
    %mul3A_42 = arith.mulf %dot_general3A_36, %get3A_1 : vector<10000x64xf32>
    %add3A_43 = arith.addf %mul3A_42, %add3A_32 : vector<10000x64xf32>
    %div3A = arith.divf %add3A_43, %dot_general3A_41 : vector<10000x64xf32>
    %get3A_44 = arith.constant 0 : index
    %get3A_45 = vector.load %arg3[%get3A_44] : memref<64xf32, #tpu.memory_space<vmem>>, vector<64xf32>
    %broadcast_in_dim3A = vector.shape_cast %get3A_45 : vector<64xf32> to vector<1x64xf32>
    %add3A_46 = vector.broadcast %broadcast_in_dim3A : vector<1x64xf32> to vector<10000x64xf32>
    %add3A_47 = arith.addf %div3A, %add3A_46 : vector<10000x64xf32>
    %reduce_sum3A = arith.constant dense<0.000000e+00> : vector<64xf32>
    %reduce_sum3A_48 = vector.multi_reduction <add>, %add3A_47, %reduce_sum3A [0] : vector<10000x64xf32> to vector<64xf32>
    %div3A_49 = arith.constant 1.000000e+04 : f32
    %div3A_50 = vector.broadcast %div3A_49 : f32 to vector<64xf32>
    %div3A_51 = arith.divf %reduce_sum3A_48, %div3A_50 : vector<64xf32>
    %broadcast_in_dim3A_52 = vector.shape_cast %div3A_51 : vector<64xf32> to vector<1x64xf32>
    %sub3A_53 = vector.broadcast %broadcast_in_dim3A_52 : vector<1x64xf32> to vector<10000x64xf32>
    %sub3A_54 = arith.subf %add3A_47, %sub3A_53 : vector<10000x64xf32>
    %mul3A_55 = arith.mulf %sub3A_54, %sub3A_54 : vector<10000x64xf32>
    %reduce_sum3A_56 = arith.constant dense<0.000000e+00> : vector<64xf32>
    %reduce_sum3A_57 = vector.multi_reduction <add>, %mul3A_55, %reduce_sum3A_56 [0] : vector<10000x64xf32> to vector<64xf32>
    %div3A_58 = arith.constant 1.000000e+04 : f32
    %div3A_59 = vector.broadcast %div3A_58 : f32 to vector<64xf32>
    %div3A_60 = arith.divf %reduce_sum3A_57, %div3A_59 : vector<64xf32>
    %broadcast_in_dim3A_61 = vector.shape_cast %div3A_60 : vector<64xf32> to vector<1x64xf32>
    %add3A_62 = arith.constant 9.99999974E-6 : f32
    %add3A_63 = vector.broadcast %add3A_62 : f32 to vector<1x64xf32>
    %add3A_64 = arith.addf %broadcast_in_dim3A_61, %add3A_63 : vector<1x64xf32>
    %sqrt3A = math.sqrt %add3A_64 : vector<1x64xf32>
    %div3A_65 = vector.broadcast %sqrt3A : vector<1x64xf32> to vector<10000x64xf32>
    %div3A_66 = arith.divf %sub3A_54, %div3A_65 : vector<10000x64xf32>
    %get3A_67 = arith.constant 0 : index
    %get3A_68 = vector.load %arg4[%get3A_67] : memref<64xf32, #tpu.memory_space<vmem>>, vector<64xf32>
    %broadcast_in_dim3A_69 = vector.shape_cast %get3A_68 : vector<64xf32> to vector<1x64xf32>
    %mul3A_70 = vector.broadcast %broadcast_in_dim3A_69 : vector<1x64xf32> to vector<10000x64xf32>
    %mul3A_71 = arith.mulf %div3A_66, %mul3A_70 : vector<10000x64xf32>
    %get3A_72 = arith.constant 0 : index
    %get3A_73 = vector.load %arg5[%get3A_72] : memref<64xf32, #tpu.memory_space<vmem>>, vector<64xf32>
    %broadcast_in_dim3A_74 = vector.shape_cast %get3A_73 : vector<64xf32> to vector<1x64xf32>
    %add3A_75 = vector.broadcast %broadcast_in_dim3A_74 : vector<1x64xf32> to vector<10000x64xf32>
    %add3A_76 = arith.addf %mul3A_71, %add3A_75 : vector<10000x64xf32>
    %ge3A_77 = arith.constant 0.000000e+00 : f32
    %ge3A_78 = vector.broadcast %ge3A_77 : f32 to vector<10000x64xf32>
    %ge3A_79 = arith.cmpf oge, %add3A_76, %ge3A_78 : vector<10000x64xf32>
    %mul3A_80 = arith.constant 2.000000e-01 : f32
    %mul3A_81 = vector.broadcast %mul3A_80 : f32 to vector<10000x64xf32>
    %mul3A_82 = arith.mulf %mul3A_81, %add3A_76 : vector<10000x64xf32>
    %select_n3A_83 = arith.select %ge3A_79, %add3A_76, %mul3A_82 : vector<10000x64xi1>, vector<10000x64xf32>
    %get3A_84 = arith.constant 0 : index
    %get3A_85 = arith.constant 0 : index
    %get3A_86 = vector.load %arg6[%get3A_84, %get3A_85] : memref<64x2xf32, #tpu.memory_space<vmem>>, vector<64x2xf32>
    %dot_general3A_87 = arith.constant dense<0.000000e+00> : vector<10000x2xf32>
    %dot_general3A_88 = tpu.matmul %select_n3A_83, %get3A_86, %dot_general3A_87 {dimension_numbers = #tpu.dot_dimension_numbers<[1], [0], [0], [1], [0, 0, 1, 1], [], []>, transpose_lhs_hint = false} : vector<10000x64xf32>, vector<64x2xf32>, vector<10000x2xf32> -> vector<10000x2xf32>
    %get3A_89 = arith.constant 0 : index
    %get3A_90 = arith.constant 0 : index
    %get3A_91 = vector.load %arg7[%get3A_89, %get3A_90] : memref<2x1xf32, #tpu.memory_space<vmem>>, vector<2x1xf32>
    %dot_general3A_92 = arith.constant dense<0.000000e+00> : vector<10000x1xf32>
    %dot_general3A_93 = tpu.matmul %dot_general3A_88, %get3A_91, %dot_general3A_92 {dimension_numbers = #tpu.dot_dimension_numbers<[1], [0], [0], [1], [0, 0, 1, 1], [], []>, transpose_lhs_hint = false} : vector<10000x2xf32>, vector<2x1xf32>, vector<10000x1xf32> -> vector<10000x1xf32>
    %get3A_94 = arith.constant 0 : index
    %get3A_95 = arith.constant 0 : index
    %get3A_96 = vector.load %arg8[%get3A_94, %get3A_95] : memref<2x1xf32, #tpu.memory_space<vmem>>, vector<2x1xf32>
    %dot_general3A_97 = arith.constant dense<0.000000e+00> : vector<10000x1xf32>
    %dot_general3A_98 = tpu.matmul %dot_general3A_88, %get3A_96, %dot_general3A_97 {dimension_numbers = #tpu.dot_dimension_numbers<[1], [0], [0], [1], [0, 0, 1, 1], [], []>, transpose_lhs_hint = false} : vector<10000x2xf32>, vector<2x1xf32>, vector<10000x1xf32> -> vector<10000x1xf32>
    %reduce_max3A = arith.constant dense<0xFF800000> : vector<1xf32>
    %reduce_max3A_99 = vector.multi_reduction <maximumf>, %dot_general3A_93, %reduce_max3A [0] : vector<10000x1xf32> to vector<1xf32>
    %broadcast_in_dim3A_100 = vector.shape_cast %reduce_max3A_99 : vector<1xf32> to vector<1x1xf32>
    %add3A_101 = vector.broadcast %broadcast_in_dim3A_100 : vector<1x1xf32> to vector<10000x1xf32>
    %add3A_102 = arith.addf %add3A_101, %dot_general3A_98 : vector<10000x1xf32>
    %ge3A_103 = arith.constant 0.000000e+00 : f32
    %ge3A_104 = vector.broadcast %ge3A_103 : f32 to vector<10000x1xf32>
    %ge3A_105 = arith.cmpf oge, %add3A_102, %ge3A_104 : vector<10000x1xf32>
    %mul3A_106 = arith.constant 2.000000e-01 : f32
    %mul3A_107 = vector.broadcast %mul3A_106 : f32 to vector<10000x1xf32>
    %mul3A_108 = arith.mulf %mul3A_107, %add3A_102 : vector<10000x1xf32>
    %select_n3A_109 = arith.select %ge3A_105, %add3A_102, %mul3A_108 : vector<10000x1xi1>, vector<10000x1xf32>
    %swap3A = arith.constant 0 : index
    %swap3A_110 = arith.constant 0 : index
    %swap3A_111 = vector.load %arg10[%swap3A, %swap3A_110] : memref<10000x16xf32, #tpu.memory_space<vmem>>, vector<10000x2xf32>
    tpu.vector_store %arg10[%swap3A, %swap3A_110], %dot_general3A_88 {strides = array<i32>} : memref<10000x16xf32, #tpu.memory_space<vmem>>, vector<10000x2xf32>,
    %broadcast_in_dim3A_112 = arith.constant 1.000000e+00 : f32
    %broadcast_in_dim3A_113 = vector.broadcast %broadcast_in_dim3A_112 : f32 to vector<10000x1xf32>
    %swap3A_114 = arith.constant 0 : index
    %swap3A_115 = arith.constant 2 : index
    %swap3A_116 = vector.load %arg10[%swap3A_114, %swap3A_115] : memref<10000x16xf32, #tpu.memory_space<vmem>>, vector<10000x1xf32>
    tpu.vector_store %arg10[%swap3A_114, %swap3A_115], %broadcast_in_dim3A_113 {strides = array<i32>} : memref<10000x16xf32, #tpu.memory_space<vmem>>, vector<10000x1xf32>,
    %broadcast_in_dim3A_117 = arith.constant 0.000000e+00 : f32
    %broadcast_in_dim3A_118 = vector.broadcast %broadcast_in_dim3A_117 : f32 to vector<10000x13xf32>
    %swap3A_119 = arith.constant 0 : index
    %swap3A_120 = arith.constant 3 : index
    %swap3A_121 = vector.load %arg10[%swap3A_119, %swap3A_120] : memref<10000x16xf32, #tpu.memory_space<vmem>>, vector<10000x13xf32>
    tpu.vector_store %arg10[%swap3A_119, %swap3A_120], %broadcast_in_dim3A_118 {strides = array<i32>} : memref<10000x16xf32, #tpu.memory_space<vmem>>, vector<10000x13xf32>,
    %swap3A_122 = arith.constant 0 : index
    %swap3A_123 = arith.constant 0 : index
    %swap3A_124 = vector.load %arg11[%swap3A_122, %swap3A_123] : memref<10000x16xf32, #tpu.memory_space<vmem>>, vector<10000x1xf32>
    tpu.vector_store %arg11[%swap3A_122, %swap3A_123], %dot_general3A_93 {strides = array<i32>} : memref<10000x16xf32, #tpu.memory_space<vmem>>, vector<10000x1xf32>,
    %swap3A_125 = arith.constant 0 : index
    %swap3A_126 = arith.constant 1 : index
    %swap3A_127 = vector.load %arg11[%swap3A_125, %swap3A_126] : memref<10000x16xf32, #tpu.memory_space<vmem>>, vector<10000x1xf32>
    tpu.vector_store %arg11[%swap3A_125, %swap3A_126], %dot_general3A_98 {strides = array<i32>} : memref<10000x16xf32, #tpu.memory_space<vmem>>, vector<10000x1xf32>,
    %swap3A_128 = arith.constant 0 : index
    %swap3A_129 = arith.constant 2 : index
    %swap3A_130 = vector.load %arg11[%swap3A_128, %swap3A_129] : memref<10000x16xf32, #tpu.memory_space<vmem>>, vector<10000x1xf32>
    tpu.vector_store %arg11[%swap3A_128, %swap3A_129], %select_n3A_109 {strides = array<i32>} : memref<10000x16xf32, #tpu.memory_space<vmem>>, vector<10000x1xf32>,
    %broadcast_in_dim3A_131 = arith.constant 0.000000e+00 : f32
    %broadcast_in_dim3A_132 = vector.broadcast %broadcast_in_dim3A_131 : f32 to vector<10000x13xf32>
    %swap3A_133 = arith.constant 0 : index
    %swap3A_134 = arith.constant 3 : index
    %swap3A_135 = vector.load %arg11[%swap3A_133, %swap3A_134] : memref<10000x16xf32, #tpu.memory_space<vmem>>, vector<10000x13xf32>
    tpu.vector_store %arg11[%swap3A_133, %swap3A_134], %broadcast_in_dim3A_132 {strides = array<i32>} : memref<10000x16xf32, #tpu.memory_space<vmem>>, vector<10000x13xf32>,
    return
  }
}

module attributes {stable_mosaic.version = 14 : i64} {
  func.func @_k3_body(%arg0: memref<10000x16xf32, #tpu.memory_space<vmem>>, %arg1: memref<10000x16xf32, #tpu.memory_space<vmem>>, %arg2: memref<20480x16xf32, #tpu.memory_space<vmem>>, %arg3: memref<2xf32, #tpu.memory_space<vmem>>, %arg4: memref<10000x2xf32, #tpu.memory_space<vmem>>) attributes {dimension_semantics = [], scalar_prefetch = 0 : i64, scratch_operands = 0 : i64, tpu.core_type = #tpu.core_type<tc>} {
    %get3A = arith.constant 0 : index
    %get3A_0 = arith.constant 0 : index
    %get3A_1 = vector.load %arg0[%get3A, %get3A_0] : memref<10000x16xf32, #tpu.memory_space<vmem>>, vector<10000x2xf32>
    %get3A_2 = arith.constant 0 : index
    %get3A_3 = arith.constant 0 : index
    %get3A_4 = vector.load %arg1[%get3A_2, %get3A_3] : memref<10000x16xf32, #tpu.memory_space<vmem>>, vector<10000x1xf32>
    %get3A_5 = arith.constant 0 : index
    %get3A_6 = arith.constant 1 : index
    %get3A_7 = vector.load %arg1[%get3A_5, %get3A_6] : memref<10000x16xf32, #tpu.memory_space<vmem>>, vector<10000x1xf32>
    %get3A_8 = arith.constant 0 : index
    %get3A_9 = arith.constant 2 : index
    %get3A_10 = vector.load %arg1[%get3A_8, %get3A_9] : memref<10000x16xf32, #tpu.memory_space<vmem>>, vector<10000x1xf32>
    %add3A = arith.addf %get3A_4, %get3A_7 : vector<10000x1xf32>
    %ge3A = arith.constant 0.000000e+00 : f32
    %ge3A_11 = vector.broadcast %ge3A : f32 to vector<10000x1xf32>
    %ge3A_12 = arith.cmpf oge, %add3A, %ge3A_11 : vector<10000x1xf32>
    %mul3A = arith.constant 2.000000e-01 : f32
    %mul3A_13 = vector.broadcast %mul3A : f32 to vector<10000x1xf32>
    %mul3A_14 = arith.mulf %mul3A_13, %add3A : vector<10000x1xf32>
    %select_n3A = arith.select %ge3A_12, %add3A, %mul3A_14 : vector<10000x1xi1>, vector<10000x1xf32>
    %sub3A = arith.subf %select_n3A, %get3A_10 : vector<10000x1xf32>
    %exp3A = math.exp %sub3A : vector<10000x1xf32>
    %get3A_15 = arith.constant 0 : index
    %get3A_16 = arith.constant 2 : index
    %get3A_17 = vector.load %arg2[%get3A_15, %get3A_16] : memref<20480x16xf32, #tpu.memory_space<vmem>>, vector<10000x1xf32>
    %add3A_18 = arith.addf %exp3A, %get3A_17 : vector<10000x1xf32>
    %get3A_19 = arith.constant 10240 : index
    %get3A_20 = arith.constant 2 : index
    %get3A_21 = vector.load %arg2[%get3A_19, %get3A_20] : memref<20480x16xf32, #tpu.memory_space<vmem>>, vector<10000x1xf32>
    %add3A_22 = arith.addf %add3A_18, %get3A_21 : vector<10000x1xf32>
    %add3A_23 = arith.constant 1.000000e-16 : f32
    %add3A_24 = vector.broadcast %add3A_23 : f32 to vector<10000x1xf32>
    %add3A_25 = arith.addf %add3A_22, %add3A_24 : vector<10000x1xf32>
    %mul3A_26 = vector.broadcast %exp3A : vector<10000x1xf32> to vector<10000x2xf32>
    %mul3A_27 = arith.mulf %mul3A_26, %get3A_1 : vector<10000x2xf32>
    %get3A_28 = arith.constant 0 : index
    %get3A_29 = arith.constant 0 : index
    %get3A_30 = vector.load %arg2[%get3A_28, %get3A_29] : memref<20480x16xf32, #tpu.memory_space<vmem>>, vector<10000x2xf32>
    %add3A_31 = arith.addf %mul3A_27, %get3A_30 : vector<10000x2xf32>
    %get3A_32 = arith.constant 10240 : index
    %get3A_33 = arith.constant 0 : index
    %get3A_34 = vector.load %arg2[%get3A_32, %get3A_33] : memref<20480x16xf32, #tpu.memory_space<vmem>>, vector<10000x2xf32>
    %add3A_35 = arith.addf %add3A_31, %get3A_34 : vector<10000x2xf32>
    %div3A = vector.broadcast %add3A_25 : vector<10000x1xf32> to vector<10000x2xf32>
    %div3A_36 = arith.divf %add3A_35, %div3A : vector<10000x2xf32>
    %get3A_37 = arith.constant 0 : index
    %get3A_38 = vector.load %arg3[%get3A_37] : memref<2xf32, #tpu.memory_space<vmem>>, vector<2xf32>
    %broadcast_in_dim3A = vector.shape_cast %get3A_38 : vector<2xf32> to vector<1x2xf32>
    %add3A_39 = vector.broadcast %broadcast_in_dim3A : vector<1x2xf32> to vector<10000x2xf32>
    %add3A_40 = arith.addf %div3A_36, %add3A_39 : vector<10000x2xf32>
    %reduce_max3A = arith.constant dense<0xFF800000> : vector<10000xf32>
    %reduce_max3A_41 = vector.multi_reduction <maximumf>, %add3A_40, %reduce_max3A [1] : vector<10000x2xf32> to vector<10000xf32>
    %broadcast_in_dim3A_42 = vector.shape_cast %reduce_max3A_41 : vector<10000xf32> to vector<10000x1xf32>
    %sub3A_43 = vector.broadcast %broadcast_in_dim3A_42 : vector<10000x1xf32> to vector<10000x2xf32>
    %sub3A_44 = arith.subf %add3A_40, %sub3A_43 : vector<10000x2xf32>
    %exp3A_45 = math.exp %sub3A_44 : vector<10000x2xf32>
    %reduce_sum3A = arith.constant dense<0.000000e+00> : vector<10000xf32>
    %reduce_sum3A_46 = vector.multi_reduction <add>, %exp3A_45, %reduce_sum3A [1] : vector<10000x2xf32> to vector<10000xf32>
    %broadcast_in_dim3A_47 = vector.shape_cast %reduce_sum3A_46 : vector<10000xf32> to vector<10000x1xf32>
    %log3A = math.log %broadcast_in_dim3A_47 : vector<10000x1xf32>
    %add3A_48 = arith.addf %broadcast_in_dim3A_42, %log3A : vector<10000x1xf32>
    %sub3A_49 = vector.broadcast %add3A_48 : vector<10000x1xf32> to vector<10000x2xf32>
    %sub3A_50 = arith.subf %add3A_40, %sub3A_49 : vector<10000x2xf32>
    %swap3A = arith.constant 0 : index
    %swap3A_51 = arith.constant 0 : index
    %swap3A_52 = vector.load %arg4[%swap3A, %swap3A_51] : memref<10000x2xf32, #tpu.memory_space<vmem>>, vector<10000x2xf32>
    tpu.vector_store %arg4[%swap3A, %swap3A_51], %sub3A_50 {strides = array<i32>} : memref<10000x2xf32, #tpu.memory_space<vmem>>, vector<10000x2xf32>,
    return
  }
}

</mosaic_0001>

<sc_bundles>
// kernel: kernel.10.cloned.1.call-start
scs
__scs_entry_jumppad:
0x0: {  	(pc) =	sbr.rel $0x88, $3  }
0x1: {  	(tag) =	ssettag $0x0;
	lr =	simm.s32 $0x1  }
0x2: {  	[smem:$0x3F95] =	sst lr;
	_ =	strace $0xD0000000  }
0x3: {  	_ = 	snop  }
0x4: {  	_ = 	snop  }
0x5: {  	_ = 	snop  }
0x6: {  	_ = 	snop  }
0x7: {  	_ = 	snop  }
__scs_overlays_trampoline_lowered:
0x8: {  	[smem:$0x3FA4] =	sst s0  }
0x9: {  	[smem:$0x3FA5] =	sst s1  }
0xa: {  	[smem:$0x3FA6] =	sst s2  }
0xb: {  	[smem:$0x3FA7] =	sst s3  }
0xc: {  	[smem:$0x3FA8] =	sst s4  }
0xd: {  	[smem:$0x3FA9] =	sst s5  }
0xe: {  	[smem:$0x3FAA] =	sst s6  }
0xf: {  	[smem:$0x3FAB] =	sst s7  }
0x10: {  	[smem:$0x3FAC] =	sst s8  }
0x11: {  	[smem:$0x3FAD] =	sst s9;
	s0 =	simm.s32 @!p0 $0x0  }
0x12: {  	s1 =	sld [smem:$0x3F93];
	s0 =	simm.s32 @p0 $0x1  }
0x13: {  	[smem:$0x3FAE] =	sst s0;
	s0 =	simm.s32 @!p1 $0x0  }
0x14: {  	s2 =	sld [smem:$0x3F92];
	s0 =	simm.s32 @p1 $0x1  }
0x15: {  	[smem:$0x3FAF] =	sst s0;
	s0 =	simm.s32 @!p2 $0x0  }
0x16: {  	s3 =	sld [smem:$0x3FDB];
	s0 =	simm.s32 @p2 $0x1  }
0x17: {  	s4 =	simm.s32 $0x1BF5;
	[smem:$0x3FB1] =	sst s0  }
0x18: {  	s0 =	sld [smem:$0x3F94];
	_ =	swait.ge [sflag:s4], $0x0  }
0x19: {  	s7 =	sld [smem:$0x3F95]  }
0x1a: {  	s8 =	sadd.s32 $0xFFFFE003, lr  }
0x1b: {  	s9 =	sadd.s32 $0xFFFFFEF7, lr;
	s5 =	simm.s32 $0xFFFFFFFF;
	p2 =	slt.u32 s8, $0xFFFFF086  }
0x1c: {  	p1 =	slt.u32 s9, $0xF7A;
	s5 =	simm.s32 @!p2 $0x0  }
0x1d: {  	s5 =	simm.s32 @p1 $0x1;
	p0 =	seq.s32 s7, s2  }
0x1e: {  	s7 =	smul.u32 @!p0 $0xF7A, s2;
	p2 =	seq.s32 @!p0 s5, $0x0  }
0x1f: {  	s9 =	smul.u32 $0xF7A, s1;
	s8 =	simm.s32 @!p0 $0x1BF5;
	p2 =	por !p2, p0  }
0x20: {  	[sflag:s8] =	ssyncset.s32 @!p0 $0xFFFFF086;
	s6 =	sadd.s32 @!p0 s3, s7;
	s7 =	simm.s32 @!p0 $0x108  }
0x21: {  	s3 =	sadd.s32 s3, s9;
	s6 =	sadd.s32 @!p0 $0x88, s6;
	s7 =	simm.s32 @p2 $0x1082  }
0x22: {  	[simem:s7], [sflag:s8] =	dma.local @!p0 [hbm:s6], $0xF7A  }
0x23: {  	s9 =	sor.u32 $0xD0000000, s2;
	s6 =	simm.s32 $0x108;
	_ =	swait.ge @!p0 [sflag:s8], $0x0  }
0x24: {  	s3 =	sadd.s32 $0x88, s3;
	s6 =	simm.s32 @!p1 $0x1082;
	[sflag:s4] =	ssyncset.s32 $0xFFFFF086  }
0x25: {  	[simem:s6], [sflag:s4] =	dma.local [hbm:s3], $0xF7A  }
0x26: {  	[smem:$0x3F95] =	sst s1;
	(tag) =	ssettag s2;
	_ =	strace s9  }
0x27: {  	s1 =	sld [smem:$0x3FA5]  }
0x28: {  	s2 =	sld [smem:$0x3FA6]  }
0x29: {  	s4 =	sld [smem:$0x3FA8]  }
0x2a: {  	p0 =	seq.s32 s5, $0x0;
	s5 =	sld [smem:$0x3FA9]  }
0x2b: {  	s6 =	sld [smem:$0x3FAA]  }
0x2c: {  	s7 =	sld [smem:$0x3FAB]  }
0x2d: {  	s3 =	simm.s32 $0x108;
	s8 =	sld [smem:$0x3FAC]  }
0x2e: {  	s3 =	simm.s32 @!p0 $0x1082;
	s9 =	sld [smem:$0x3FAD]  }
0x2f: {  	lr =	sadd.s32 s0, s3;
	s0 =	sld [smem:$0x3FA4]  }
0x30: {  	s3 =	sld [smem:$0x3FA7]  }
0x31: {  	[smem:$0x3FB0] =	sst s10  }
0x32: {  	s10 =	sld [smem:$0x3FAE];
	_ =	sdelay $0x3  }
0x33: {  	p0 =	seq.s32 s10, $0x1;
	s10 =	sld [smem:$0x3FB0];
	_ =	sdelay $0x3  }
0x34: {  	[smem:$0x3FB0] =	sst s10  }
0x35: {  	s10 =	sld [smem:$0x3FAF];
	_ =	sdelay $0x3  }
0x36: {  	p1 =	seq.s32 s10, $0x1;
	s10 =	sld [smem:$0x3FB0];
	_ =	sdelay $0x3  }
0x37: {  	[smem:$0x3FB0] =	sst s10  }
0x38: {  	s10 =	sld [smem:$0x3FB1]  }
0x39: {  	_ = 	snop;
	(pc) =	sbr.ind lr, $3  }
0x3a: {  	_ = 	snop  }
0x3b: {  	_ = 	snop  }
0x3c: {  	p2 =	seq.s32 s10, $0x1;
	s10 =	sld [smem:$0x3FB0]  }
0x3d: {  	_ =	shalt  }
0x3e: {  	_ =	shalt  }
0x3f: {  	_ =	shalt  }
0x40: {  	_ =	shalt  }
0x41: {  	_ =	shalt  }
0x42: {  	_ =	shalt  }
0x43: {  	_ =	shalt  }
0x44: {  	_ =	shalt  }
0x45: {  	_ =	shalt  }
0x46: {  	_ =	shalt  }
0x47: {  	_ =	shalt  }
0x48: {  	_ =	shalt  }
0x49: {  	_ =	shalt  }
0x4a: {  	_ =	shalt  }
0x4b: {  	_ =	shalt  }
0x4c: {  	_ =	shalt  }
0x4d: {  	_ =	shalt  }
0x4e: {  	_ =	shalt  }
0x4f: {  	_ =	shalt  }
0x50: {  	_ =	shalt  }
0x51: {  	_ =	shalt  }
0x52: {  	_ =	shalt  }
0x53: {  	_ =	shalt  }
0x54: {  	_ =	shalt  }
0x55: {  	_ =	shalt  }
0x56: {  	_ =	shalt  }
0x57: {  	_ =	shalt  }
0x58: {  	_ =	shalt  }
0x59: {  	_ =	shalt  }
0x5a: {  	_ =	shalt  }
0x5b: {  	_ =	shalt  }
0x5c: {  	_ =	shalt  }
0x5d: {  	_ =	shalt  }
0x5e: {  	_ =	shalt  }
0x5f: {  	_ =	shalt  }
0x60: {  	_ =	shalt  }
0x61: {  	_ =	shalt  }
0x62: {  	_ =	shalt  }
0x63: {  	_ =	shalt  }
0x64: {  	_ =	shalt  }
0x65: {  	_ =	shalt  }
0x66: {  	_ =	shalt  }
0x67: {  	_ =	shalt  }
0x68: {  	_ =	shalt  }
0x69: {  	_ =	shalt  }
0x6a: {  	_ =	shalt  }
0x6b: {  	_ =	shalt  }
0x6c: {  	_ =	shalt  }
0x6d: {  	_ =	shalt  }
0x6e: {  	_ =	shalt  }
0x6f: {  	_ =	shalt  }
0x70: {  	_ =	shalt  }
0x71: {  	_ =	shalt  }
0x72: {  	_ =	shalt  }
0x73: {  	_ =	shalt  }
0x74: {  	_ =	shalt  }
0x75: {  	_ =	shalt  }
0x76: {  	_ =	shalt  }
0x77: {  	_ =	shalt  }
0x78: {  	_ =	shalt  }
0x79: {  	_ =	shalt  }
0x7a: {  	_ =	shalt  }
0x7b: {  	_ =	shalt  }
0x7c: {  	_ =	shalt  }
0x7d: {  	_ =	shalt  }
0x7e: {  	_ =	shalt  }
0x7f: {  	_ =	shalt  }
0x80: {  	_ =	shalt  }
0x81: {  	_ =	shalt  }
0x82: {  	_ =	shalt  }
0x83: {  	_ =	shalt  }
0x84: {  	_ =	shalt  }
0x85: {  	_ =	shalt  }
0x86: {  	_ =	shalt  }
0x87: {  	_ =	shalt  }
.Lfunc_end0:
.L_simem_size_0:
called_computation.1_lowered:
.L_overlay_start_0:
0x88: {  	s2 =	sld [smem:$0x3FD9]  }
0x89: {  	s3 =	sld [smem:$0x3FFE];
	_ =	sdelay $0x1  }
0x8a: {  	s1 =	srdreg.scid  }
0x8b: {  	s0 =	sand.u32 $0x1, s1  }
0x8c: {  	s16 =	sshll.u32 s0, $0xA;
	s2 =	sadd.s32 s3, s2  }
0x8d: {  	s2 =	sadd.s32 s2, s16  }
0x8e: {  	[smem:$0x3FBC] =	sst s2  }
0x8f: {  	_ = 	snop  }
0x90: {  	(tm) =	ssettm $0x1  }
0x91: {  	s17 =	sld [smem:$0x3FFB];
	_ =	sdelay $0x3  }
0x92: {  	_ =	strace s17  }
0x93: {  	s2 =	sld [smem:$0x3FFC];
	_ =	sdelay $0x3  }
0x94: {  	_ =	strace s2  }
0x95: {  	s2 =	sld [smem:$0x3FFD];
	_ =	sdelay $0x3  }
0x96: {  	_ =	strace s2  }
0x97: {  	_ =	strace $0x8FFFFFFF  }
0x98: {  	s18 =	sld [smem:$0x3FDB];
	_ =	sdelay $0x1  }
0x99: {  	s19 =	simm.s32 $_scs_section_size  }
0x9a: {  	s4 =	simm.s32 $_size__tile_overlayer_lowered;
	s5 =	simm.s32 $_tile_overlayer_lowered  }
0x9b: {  	s22 =	simm.s32 $0x1BFF;
	s21 =	sshll.u32 s5, $0x1;
	s2 =	sadd.s32 s19, s18  }
0x9c: {  	s6 =	simm.s32 $0x0;
	s20 =	sshll.u32 s4, $0x1;
	s4 =	sadd.s32 s21, s2  }
0x9d: {  	[timem:s6], [sflag:s22] =	dma.local [hbm:s4], s20  }
0x9e: {  	_ =	swait.ge [sflag:s22], s20  }
0x9f: {  	s3 =	ssub.s32 $0x0, s20;
	[sflag:s22] =	ssyncset.done $0x0  }
0xa0: {  	[sflag:s22] =	ssyncadd.s32 s3;
	_ =	sdelay $0x1  }
0xa1: {  	s23 =	simm.s32 $0x1B8B  }
0xa2: {  	_ =	swait.ge [sflag:s23], $0x1  }
0xa3: {  	[sflag:s23] =	ssyncset.done $0x0  }
0xa4: {  	s25 =	simm.s32 $0x1B8E;
	s24 =	sld [smem:$0x3FFE];
	[sflag:s23] =	ssyncadd.s32 $0xFFFFFFFF  }
0xa5: {  	s26 =	simm.s32 $execute0_lowered;
	[smem:$0x3FD2] =	sst s25  }
0xa6: {  	s4 =	sshll.u32 s26, $0x1;
	_ =	strace $0x80000049;
	[dreg:$0x1] =	wrdreg $0xFFFFFFFF  }
0xa7: {  	s28 =	simm.s32 $_size_execute0_lowered;
	s2 =	sadd.s32 s2, s4;
	[dreg:$0x0] =	wrdreg $0x0  }
0xa8: {  	s4 =	sshll.u32 s28, $0x1;
	[dreg:$0x2] =	wrdreg s2  }
0xa9: {  	[dreg:$0x3] =	wrdreg s4  }
0xaa: {  	[dreg:$0x4] =	wrdreg $0xC0  }
0xab: {  	_ =	task [dreg:s6], $0x5FFFF  }
0xac: {  	[dreg:$0x1] =	wrdreg $0xFFFFFFFF  }
0xad: {  	[dreg:$0x0] =	wrdreg $0x60  }
0xae: {  	[dreg:$0x2] =	wrdreg s24  }
0xaf: {  	[dreg:$0x3] =	wrdreg $0xFA00  }
0xb0: {  	[dreg:$0x4] =	wrdreg $0x9  }
0xb1: {  	_ =	task.clear_ibuf [dreg:s6], $0x5FFFF;
	_ =	strace $0x90000049  }
0xb2: {  	s29 =	simm.s32 $0x9;
	_ =	strace $0x8000004B  }
0xb3: {  	_ =	swait.ge [sflag:s29], $0x1  }
0xb4: {  	[sflag:s29] =	ssyncadd.s32 $0xFFFFFFFF  }
0xb5: {  	_ =	strace $0x9000004B  }
0xb6: {  	_ =	sfence  }
0xb7: {  	s30 =	sld [smem:$0x0];
	_ =	sdelay $0x2  }
0xb8: {  	s31 =	sshll.u32 s1, $0xD;
	s1 =	sshrl.u32 s1, $0x2  }
0xb9: {  	s3 =	sand.u32 $0x4000, s31;
	s1 =	sadd.s32 s1, s30  }
0xba: {  	s0 =	sor.u32 s3, s0;
	s1 =	sshll.u32 s1, $0x11  }
0xbb: {  	s0 =	sor.u32 s1, s0  }
0xbc: {  	s0 =	sadd.s32 $0x8F2B, s0  }
0xbd: {  	[sflag:s0] =	ssyncadd.remote.s32 $0x1  }
0xbe: {  	_ =	sfence.sel $0xFFFF  }
0xbf: {  	[dreg:$0x0] =	wrdreg $0xFFFFFFFF;
	(pc) =	sbr.abs _section_cstart, $3  }
0xc0: {  	[dreg:$0x1] =	wrdreg $0xFFFFFFFF  }
0xc1: {  	_ =	task.clear_ibuf [dreg:s6], $0x2FFFF;
	_ =	strace $0x9FFFFFFF  }
0xc2: {  	(tm) =	ssettm $0x7FFFFFFF  }
0xc3: {  	_ =	shalt  }
tec
execute0_lowered:
.L_overlay_start_1:
0x0: {  	(tag) =	ssettag $0x1  }
0x1: {  	s6 =	rddreg [dreg:$0x0]  }
0x2: {  	s0 =	srdreg.scid;
	s2 =	rddreg [dreg:$0x1]  }
0x3: {  	s1 =	rddreg [dreg:$0x2];
	s3 =	simm.s32 $0x0;
	s14 =	simm.s32 $0x50  }
0x4: {  	s15 =	simm.s32 $0xA0;
	s16 =	simm.s32 $0x1;
	s7 =	sand.u32 $0x1, s0  }
0x5: {  	s17 =	simm.s32 $0x5A0;
	s0 =	stileid.u32;
	s4 =	smul.u32 $0x27100, s7  }
0x6: {  	s18 =	simm.s32 $0xAA0;
	[smem:$0x7FF] =	sst s3;
	s5 =	smul.u32 $0x2710, s0  }
0x7: {  	s19 =	simm.s32 $0x0;
	s8 =	smul.u32 $0x2800, s0;
	_ =	strace $0x8000004A  }
0x8: {  	v0 =	vlaneseq.u32;
	s9 =	smul.u32 $0x28000, s7;
	s7 =	ssub.s32 $0x2, s7;
	s31 =	sshll.u32 s0, $0x6  }
0x9: {  	v0 =	vmul.u32 $0x10, v0;
	s12 =	sshrl.u32 s7, $0x1;
	s4 =	sadd.s32 s5, s4;
	s5 =	sadd.s32 $0x2200, s6  }
0xa: {  	s10 =	sshrl.u32 s8, $0x3;
	s9 =	sadd.s32 s8, s9;
	s12 =	ssub.s32 s7, s12  }
0xb: {  	v1 =	vor.u32 $0x1, v0;
	v2 =	vor.u32 $0x2, v0;
	s13 =	sadd.s32 s8, s2;
	s7 =	sor.u32 $0x1C02, s31;
	s4 =	sshrl.u32 s4, $0x3  }
0xc: {  	v3 =	vor.u32 $0x100, v0;
	v4 =	vor.u32 $0x101, v0;
	v13 =	vor.u32 $0x401, v0;
	s10 =	sadd.s32 s10, s6;
	s9 =	sshrl.u32 s9, $0x3;
	s11 =	sadd.s32 s4, s6  }
0xd: {  	v5 =	vor.u32 $0x102, v0;
	v6 =	vor.u32 $0x200, v0;
	v14 =	vor.u32 $0x402, v0;
	s4 =	sadd.s32 $0x7200, s6;
	s9 =	sadd.s32 s9, s6;
	s6 =	sadd.s32 $0xC200, s10  }
0xe: {  	v7 =	vor.u32 $0x201, v0;
	v8 =	vor.u32 $0x202, v0;
	v9 =	vor.u32 $0x300, v0;
	s8 =	sadd.s32 $0x11200, s9;
	s9 =	smax.u32 s12, $0x1;
	s10 =	sadd.s32 $0x46C00, s11  }
0xf: {  	v10 =	vor.u32 $0x301, v0;
	v11 =	vor.u32 $0x302, v0;
	v12 =	vor.u32 $0x400, v0;
	s11 =	sadd.s32 $0x50A00, s11;
	s12 =	sshrl.u32 s13, $0x3;
	s13 =	simm.s32 $0x2  }
.LBB2_1:
0x10: {  	[spmem:s12], [sflag:s7] =	dma.local [hbm:s6], $0x500  }
0x11: {  	_ =	swait.ge [sflag:s13], $0x500  }
0x12: {  	[sflag:s13] =	ssyncset.done $0x0  }
0x13: {  	[sflag:s13] =	ssyncadd.s32 $0xFFFFFB00  }
0x14: {  	s20 =	sadd.s32 $0x0, s11;
	[bflag:$0x0] =	sbarrier.arrive $0xFFFF  }
0x15: {  	[tilespmem:s3], [sflag:$0x2] =	stream.linear.gather [hbm4b:s20+s3], $0x50, $0x38;
	[tilespmem:$0x37A0] =	vst v63  }
0x16: {  	_ =	swait.ge [sflag:s13], $0x50  }
0x17: {  	[sflag:s13] =	ssyncset.done $0x0  }
0x18: {  	s31 =	sadd.s32 $0x0, s10;
	[sflag:s13] =	ssyncadd.s32 $0xFFFFFFB0  }
0x19: {  	[tilespmem:s14], [sflag:$0x2] =	stream.linear.gather [hbm4b:s31+s3], $0x50, $0x38;
	[tilespmem:$0x37A0] =	vst v63  }
0x1a: {  	_ =	swait.ge [sflag:s13], $0x50  }
0x1b: {  	[sflag:s13] =	ssyncset.done $0x0  }
0x1c: {  	[sflag:s13] =	ssyncadd.s32 $0xFFFFFFB0  }
0x1d: {  	[tilespmem:s15], [sflag:$0x1] =	stream.indirect.gather [hbm4b:s4+s14], $0x10, s3, s14, $0xb8;
	[tilespmem:$0x37A0] =	vst v63  }
0x1e: {  	_ =	swait.ge [sflag:s16], $0x500  }
0x1f: {  	[sflag:s16] =	ssyncset.done $0x0  }
0x20: {  	[sflag:s16] =	ssyncadd.s32 $0xFFFFFB00  }
0x21: {  	[tilespmem:s17], [sflag:$0x1] =	stream.indirect.gather [hbm4b:s4+s14], $0x10, s14, s14, $0xb8;
	[tilespmem:$0x37A0] =	vst v63  }
0x22: {  	_ =	swait.ge [sflag:s16], $0x500  }
0x23: {  	[sflag:s16] =	ssyncset.done $0x0  }
0x24: {  	[sflag:s16] =	ssyncadd.s32 $0xFFFFFB00  }
0x25: {  	[tilespmem:s18], [sflag:$0x1] =	stream.indirect.gather [hbm4b:s5+s14], $0x10, s3, s14, $0xb8;
	[tilespmem:$0x37A0] =	vst v63  }
0x26: {  	_ =	swait.ge [sflag:s16], $0x500  }
0x27: {  	[sflag:s16] =	ssyncset.done $0x0  }
0x28: {  	[sflag:s16] =	ssyncadd.s32 $0xFFFFFB00  }
0x29: {  	v15 =	vld.idx.msk [tilespmem:v0+s15+$0x0], $0xffff  }
0x2a: {  	v16 =	vld.idx.msk [tilespmem:v1+s17+$0x0], $0xffff;
	_ =	sdelay $0x4  }
0x2b: {  	v17 =	vld.idx.msk [tilespmem:v2+s17+$0x0], $0xffff;
	v15 =	vadd.f32 v16, v15;
	_ =	sdelay $0x1  }
0x2c: {  	v16 =	vmul.f32 $2.000000030e-01, v15  }
0x2d: {  	vm0 =	vge.f32 v15, $0.0e+00  }
0x2e: {  	v15 =	vsel vm0, v15, v16  }
0x2f: {  	v15 =	vsub.f32 v15, v17;
	_ =	sdelay $0x1  }
0x30: {  	v15 =	vmul.f32 $1.442695020e+00, v15;
	_ =	sdelay $0x1  }
0x31: {  	(erf) = vpow2.f32 v15;
	_ =	sdelay $0x4  }
0x32: {  	v15 =	vld.idx.msk [tilespmem:v0+s18+$0x0], $0xffff;
	_ =	sdelay $0x3  }
0x33: {  	v16 =	vpop (erf)  }
0x34: {  	v15 =	vmul.f32 v16, v15;
	_ =	sdelay $0x1  }
0x35: {  	[tilespmem:v0+s18+$0x0] =	vst.idx.msk $0xffff, v15  }
0x36: {  	v15 =	vld.idx.msk [tilespmem:v1+s18+$0x0], $0xffff;
	_ =	sdelay $0x4  }
0x37: {  	v15 =	vmul.f32 v16, v15;
	_ =	sdelay $0x1  }
0x38: {  	[tilespmem:v1+s18+$0x0] =	vst.idx.msk $0xffff, v15  }
0x39: {  	[tilespmem:v2+s18+$0x0] =	vst.idx.msk $0xffff, v16  }
0x3a: {  	v15 =	vld.idx.msk [tilespmem:v3+s15+$0x0], $0xffff  }
0x3b: {  	v16 =	vld.idx.msk [tilespmem:v4+s17+$0x0], $0xffff;
	_ =	sdelay $0x4  }
0x3c: {  	v17 =	vld.idx.msk [tilespmem:v5+s17+$0x0], $0xffff;
	v15 =	vadd.f32 v16, v15;
	_ =	sdelay $0x1  }
0x3d: {  	v16 =	vmul.f32 $2.000000030e-01, v15  }
0x3e: {  	vm12 =	vge.f32 v15, $0.0e+00  }
0x3f: {  	v15 =	vsel vm12, v15, v16  }
0x40: {  	v15 =	vsub.f32 v15, v17;
	_ =	sdelay $0x1  }
0x41: {  	v15 =	vmul.f32 $1.442695020e+00, v15;
	_ =	sdelay $0x1  }
0x42: {  	(erf) = vpow2.f32 v15;
	_ =	sdelay $0x4  }
0x43: {  	v15 =	vld.idx.msk [tilespmem:v3+s18+$0x0], $0xffff;
	_ =	sdelay $0x3  }
0x44: {  	v16 =	vpop (erf)  }
0x45: {  	v15 =	vmul.f32 v16, v15;
	_ =	sdelay $0x1  }
0x46: {  	[tilespmem:v3+s18+$0x0] =	vst.idx.msk $0xffff, v15  }
0x47: {  	v15 =	vld.idx.msk [tilespmem:v4+s18+$0x0], $0xffff;
	_ =	sdelay $0x4  }
0x48: {  	v15 =	vmul.f32 v16, v15;
	_ =	sdelay $0x1  }
0x49: {  	[tilespmem:v4+s18+$0x0] =	vst.idx.msk $0xffff, v15  }
0x4a: {  	[tilespmem:v5+s18+$0x0] =	vst.idx.msk $0xffff, v16  }
0x4b: {  	v15 =	vld.idx.msk [tilespmem:v6+s15+$0x0], $0xffff  }
0x4c: {  	v16 =	vld.idx.msk [tilespmem:v7+s17+$0x0], $0xffff;
	_ =	sdelay $0x4  }
0x4d: {  	v17 =	vld.idx.msk [tilespmem:v8+s17+$0x0], $0xffff;
	v15 =	vadd.f32 v16, v15;
	_ =	sdelay $0x1  }
0x4e: {  	v16 =	vmul.f32 $2.000000030e-01, v15  }
0x4f: {  	vm13 =	vge.f32 v15, $0.0e+00  }
0x50: {  	v15 =	vsel vm13, v15, v16  }
0x51: {  	v15 =	vsub.f32 v15, v17;
	_ =	sdelay $0x1  }
0x52: {  	v15 =	vmul.f32 $1.442695020e+00, v15;
	_ =	sdelay $0x1  }
0x53: {  	(erf) = vpow2.f32 v15;
	_ =	sdelay $0x4  }
0x54: {  	v15 =	vld.idx.msk [tilespmem:v6+s18+$0x0], $0xffff;
	_ =	sdelay $0x3  }
0x55: {  	v16 =	vpop (erf)  }
0x56: {  	v15 =	vmul.f32 v16, v15;
	_ =	sdelay $0x1  }
0x57: {  	[tilespmem:v6+s18+$0x0] =	vst.idx.msk $0xffff, v15  }
0x58: {  	v15 =	vld.idx.msk [tilespmem:v7+s18+$0x0], $0xffff;
	_ =	sdelay $0x4  }
0x59: {  	v15 =	vmul.f32 v16, v15;
	_ =	sdelay $0x1  }
0x5a: {  	[tilespmem:v7+s18+$0x0] =	vst.idx.msk $0xffff, v15  }
0x5b: {  	[tilespmem:v8+s18+$0x0] =	vst.idx.msk $0xffff, v16  }
0x5c: {  	v15 =	vld.idx.msk [tilespmem:v9+s15+$0x0], $0xffff  }
0x5d: {  	v16 =	vld.idx.msk [tilespmem:v10+s17+$0x0], $0xffff;
	_ =	sdelay $0x4  }
0x5e: {  	v17 =	vld.idx.msk [tilespmem:v11+s17+$0x0], $0xffff;
	v15 =	vadd.f32 v16, v15;
	_ =	sdelay $0x1  }
0x5f: {  	v16 =	vmul.f32 $2.000000030e-01, v15  }
0x60: {  	vm14 =	vge.f32 v15, $0.0e+00  }
0x61: {  	v15 =	vsel vm14, v15, v16  }
0x62: {  	v15 =	vsub.f32 v15, v17;
	_ =	sdelay $0x1  }
0x63: {  	v15 =	vmul.f32 $1.442695020e+00, v15;
	_ =	sdelay $0x1  }
0x64: {  	(erf) = vpow2.f32 v15;
	_ =	sdelay $0x4  }
0x65: {  	v15 =	vld.idx.msk [tilespmem:v9+s18+$0x0], $0xffff;
	_ =	sdelay $0x3  }
0x66: {  	v16 =	vpop (erf)  }
0x67: {  	v15 =	vmul.f32 v16, v15;
	_ =	sdelay $0x1  }
0x68: {  	[tilespmem:v9+s18+$0x0] =	vst.idx.msk $0xffff, v15  }
0x69: {  	v15 =	vld.idx.msk [tilespmem:v10+s18+$0x0], $0xffff;
	_ =	sdelay $0x4  }
0x6a: {  	v15 =	vmul.f32 v16, v15;
	_ =	sdelay $0x1  }
0x6b: {  	[tilespmem:v10+s18+$0x0] =	vst.idx.msk $0xffff, v15  }
0x6c: {  	[tilespmem:v11+s18+$0x0] =	vst.idx.msk $0xffff, v16  }
0x6d: {  	v15 =	vld.idx.msk [tilespmem:v12+s15+$0x0], $0xffff  }
0x6e: {  	v16 =	vld.idx.msk [tilespmem:v13+s17+$0x0], $0xffff;
	_ =	sdelay $0x4  }
0x6f: {  	v17 =	vld.idx.msk [tilespmem:v14+s17+$0x0], $0xffff;
	v15 =	vadd.f32 v16, v15;
	_ =	sdelay $0x1  }
0x70: {  	v16 =	vmul.f32 $2.000000030e-01, v15  }
0x71: {  	vm15 =	vge.f32 v15, $0.0e+00  }
0x72: {  	v15 =	vsel vm15, v15, v16  }
0x73: {  	v15 =	vsub.f32 v15, v17;
	_ =	sdelay $0x1  }
0x74: {  	v15 =	vmul.f32 $1.442695020e+00, v15;
	_ =	sdelay $0x1  }
0x75: {  	(erf) = vpow2.f32 v15;
	_ =	sdelay $0x4  }
0x76: {  	v16 =	vld.idx.msk [tilespmem:v12+s18+$0x0], $0xffff;
	_ =	sdelay $0x3  }
0x77: {  	v15 =	vpop (erf)  }
0x78: {  	v16 =	vmul.f32 v15, v16;
	_ =	sdelay $0x1  }
0x79: {  	[tilespmem:v12+s18+$0x0] =	vst.idx.msk $0xffff, v16  }
0x7a: {  	v16 =	vld.idx.msk [tilespmem:v13+s18+$0x0], $0xffff;
	_ =	sdelay $0x4  }
0x7b: {  	s20 =	simm.s32 $0xA;
	v16 =	vmul.f32 v15, v16  }
.LBB2_2:
0x7c: {  	p0 =	sne.s32 s20, $0x4D8;
	s21 =	smov.u32 s20;
	s20 =	sadd.s32 $0xA, s20  }
0x7d: {  	[tilespmem:v13+s18+$0x0] =	vst.idx.msk $0xffff, v16  }
0x7e: {  	[tilespmem:v14+s18+$0x0] =	vst.idx.msk $0xffff, v15  }
0x7f: {  	[spmem:s2] =	stream.indirect.scatter.add.f32 [tilespmem:s18], [sflag:$0x2], $0x10, s14, s14, $0xb8;
	[tilespmem:$0x37A0] =	vst v63  }
0x80: {  	_ =	swait.ge [sflag:s13], $0x500  }
0x81: {  	s22 =	sadd.s32 s21, s11;
	[sflag:s13] =	ssyncset.done $0x0  }
0x82: {  	[sflag:s13] =	ssyncadd.s32 $0xFFFFFB00  }
0x83: {  	[tilespmem:s3], [sflag:$0x2] =	stream.linear.gather [hbm4b:s22+s3], $0x50, $0x38;
	[tilespmem:$0x37A0] =	vst v63  }
0x84: {  	_ =	swait.ge [sflag:s13], $0x50  }
0x85: {  	[sflag:s13] =	ssyncset.done $0x0  }
0x86: {  	s21 =	sadd.s32 s21, s10;
	[sflag:s13] =	ssyncadd.s32 $0xFFFFFFB0  }
0x87: {  	[tilespmem:s14], [sflag:$0x2] =	stream.linear.gather [hbm4b:s21+s3], $0x50, $0x38;
	[tilespmem:$0x37A0] =	vst v63  }
0x88: {  	_ =	swait.ge [sflag:s13], $0x50  }
0x89: {  	[sflag:s13] =	ssyncset.done $0x0  }
0x8a: {  	[sflag:s13] =	ssyncadd.s32 $0xFFFFFFB0  }
0x8b: {  	[tilespmem:s15], [sflag:$0x1] =	stream.indirect.gather [hbm4b:s4+s14], $0x10, s3, s14, $0xb8;
	[tilespmem:$0x37A0] =	vst v63  }
0x8c: {  	_ =	swait.ge [sflag:s16], $0x500  }
0x8d: {  	[sflag:s16] =	ssyncset.done $0x0  }
0x8e: {  	[sflag:s16] =	ssyncadd.s32 $0xFFFFFB00  }
0x8f: {  	[tilespmem:s17], [sflag:$0x1] =	stream.indirect.gather [hbm4b:s4+s14], $0x10, s14, s14, $0xb8;
	[tilespmem:$0x37A0] =	vst v63  }
0x90: {  	_ =	swait.ge [sflag:s16], $0x500  }
0x91: {  	[sflag:s16] =	ssyncset.done $0x0  }
0x92: {  	[sflag:s16] =	ssyncadd.s32 $0xFFFFFB00  }
0x93: {  	[tilespmem:s18], [sflag:$0x1] =	stream.indirect.gather [hbm4b:s5+s14], $0x10, s3, s14, $0xb8;
	[tilespmem:$0x37A0] =	vst v63  }
0x94: {  	_ =	swait.ge [sflag:s16], $0x500  }
0x95: {  	[sflag:s16] =	ssyncset.done $0x0  }
0x96: {  	[sflag:s16] =	ssyncadd.s32 $0xFFFFFB00  }
0x97: {  	v15 =	vld.idx.msk [tilespmem:v0+s15+$0x0], $0xffff  }
0x98: {  	v16 =	vld.idx.msk [tilespmem:v1+s17+$0x0], $0xffff;
	_ =	sdelay $0x4  }
0x99: {  	v17 =	vld.idx.msk [tilespmem:v2+s17+$0x0], $0xffff  }
0x9a: {  	v15 =	vadd.f32 v16, v15;
	_ =	sdelay $0x1  }
0x9b: {  	v16 =	vmul.f32 $2.000000030e-01, v15  }
0x9c: {  	vm0 =	vge.f32 v15, $0.0e+00  }
0x9d: {  	v15 =	vsel vm0, v15, v16  }
0x9e: {  	v15 =	vsub.f32 v15, v17;
	_ =	sdelay $0x1  }
0x9f: {  	v15 =	vmul.f32 $1.442695020e+00, v15;
	_ =	sdelay $0x1  }
0xa0: {  	(erf) = vpow2.f32 v15;
	_ =	sdelay $0x3  }
0xa1: {  	v15 =	vld.idx.msk [tilespmem:v0+s18+$0x0], $0xffff;
	_ =	sdelay $0x4  }
0xa2: {  	v16 =	vpop (erf)  }
0xa3: {  	v15 =	vmul.f32 v16, v15;
	_ =	sdelay $0x1  }
0xa4: {  	[tilespmem:v0+s18+$0x0] =	vst.idx.msk $0xffff, v15  }
0xa5: {  	v15 =	vld.idx.msk [tilespmem:v1+s18+$0x0], $0xffff;
	_ =	sdelay $0x5  }
0xa6: {  	v15 =	vmul.f32 v16, v15;
	_ =	sdelay $0x1  }
0xa7: {  	[tilespmem:v1+s18+$0x0] =	vst.idx.msk $0xffff, v15  }
0xa8: {  	[tilespmem:v2+s18+$0x0] =	vst.idx.msk $0xffff, v16  }
0xa9: {  	v15 =	vld.idx.msk [tilespmem:v3+s15+$0x0], $0xffff  }
0xaa: {  	v16 =	vld.idx.msk [tilespmem:v4+s17+$0x0], $0xffff;
	_ =	sdelay $0x4  }
0xab: {  	v17 =	vld.idx.msk [tilespmem:v5+s17+$0x0], $0xffff  }
0xac: {  	v15 =	vadd.f32 v16, v15;
	_ =	sdelay $0x1  }
0xad: {  	v16 =	vmul.f32 $2.000000030e-01, v15  }
0xae: {  	vm0 =	vge.f32 v15, $0.0e+00  }
0xaf: {  	v15 =	vsel vm0, v15, v16  }
0xb0: {  	v15 =	vsub.f32 v15, v17;
	_ =	sdelay $0x1  }
0xb1: {  	v15 =	vmul.f32 $1.442695020e+00, v15;
	_ =	sdelay $0x1  }
0xb2: {  	(erf) = vpow2.f32 v15;
	_ =	sdelay $0x3  }
0xb3: {  	v15 =	vld.idx.msk [tilespmem:v3+s18+$0x0], $0xffff;
	_ =	sdelay $0x4  }
0xb4: {  	v16 =	vpop (erf)  }
0xb5: {  	v15 =	vmul.f32 v16, v15;
	_ =	sdelay $0x1  }
0xb6: {  	[tilespmem:v3+s18+$0x0] =	vst.idx.msk $0xffff, v15  }
0xb7: {  	v15 =	vld.idx.msk [tilespmem:v4+s18+$0x0], $0xffff;
	_ =	sdelay $0x5  }
0xb8: {  	v15 =	vmul.f32 v16, v15;
	_ =	sdelay $0x1  }
0xb9: {  	[tilespmem:v4+s18+$0x0] =	vst.idx.msk $0xffff, v15  }
0xba: {  	[tilespmem:v5+s18+$0x0] =	vst.idx.msk $0xffff, v16  }
0xbb: {  	v15 =	vld.idx.msk [tilespmem:v6+s15+$0x0], $0xffff  }
0xbc: {  	v16 =	vld.idx.msk [tilespmem:v7+s17+$0x0], $0xffff;
	_ =	sdelay $0x4  }
0xbd: {  	v17 =	vld.idx.msk [tilespmem:v8+s17+$0x0], $0xffff  }
0xbe: {  	v15 =	vadd.f32 v16, v15;
	_ =	sdelay $0x1  }
0xbf: {  	v16 =	vmul.f32 $2.000000030e-01, v15  }
0xc0: {  	vm0 =	vge.f32 v15, $0.0e+00  }
0xc1: {  	v15 =	vsel vm0, v15, v16  }
0xc2: {  	v15 =	vsub.f32 v15, v17;
	_ =	sdelay $0x1  }
0xc3: {  	v15 =	vmul.f32 $1.442695020e+00, v15;
	_ =	sdelay $0x1  }
0xc4: {  	(erf) = vpow2.f32 v15;
	_ =	sdelay $0x3  }
0xc5: {  	v15 =	vld.idx.msk [tilespmem:v6+s18+$0x0], $0xffff;
	_ =	sdelay $0x4  }
0xc6: {  	v16 =	vpop (erf)  }
0xc7: {  	v15 =	vmul.f32 v16, v15;
	_ =	sdelay $0x1  }
0xc8: {  	[tilespmem:v6+s18+$0x0] =	vst.idx.msk $0xffff, v15  }
0xc9: {  	v15 =	vld.idx.msk [tilespmem:v7+s18+$0x0], $0xffff;
	_ =	sdelay $0x5  }
0xca: {  	v15 =	vmul.f32 v16, v15;
	_ =	sdelay $0x1  }
0xcb: {  	[tilespmem:v7+s18+$0x0] =	vst.idx.msk $0xffff, v15  }
0xcc: {  	[tilespmem:v8+s18+$0x0] =	vst.idx.msk $0xffff, v16  }
0xcd: {  	v15 =	vld.idx.msk [tilespmem:v9+s15+$0x0], $0xffff  }
0xce: {  	v16 =	vld.idx.msk [tilespmem:v10+s17+$0x0], $0xffff  }
0xcf: {  	v17 =	vld.idx.msk [tilespmem:v11+s17+$0x0], $0xffff  }
0xd0: {  	v18 =	vld.idx.msk [tilespmem:v9+s18+$0x0], $0xffff;
	_ =	sdelay $0x3  }
0xd1: {  	v15 =	vadd.f32 v16, v15;
	_ =	sdelay $0x1  }
0xd2: {  	v16 =	vmul.f32 $2.000000030e-01, v15  }
0xd3: {  	vm0 =	vge.f32 v15, $0.0e+00  }
0xd4: {  	v15 =	vsel vm0, v15, v16  }
0xd5: {  	v15 =	vsub.f32 v15, v17;
	_ =	sdelay $0x1  }
0xd6: {  	v15 =	vmul.f32 $1.442695020e+00, v15;
	_ =	sdelay $0x1  }
0xd7: {  	(erf) = vpow2.f32 v15;
	_ =	sdelay $0x8  }
0xd8: {  	v15 =	vpop (erf)  }
0xd9: {  	v16 =	vmul.f32 v15, v18;
	_ =	sdelay $0x1  }
0xda: {  	[tilespmem:v9+s18+$0x0] =	vst.idx.msk $0xffff, v16  }
0xdb: {  	v16 =	vld.idx.msk [tilespmem:v10+s18+$0x0], $0xffff;
	_ =	sdelay $0x5  }
0xdc: {  	v16 =	vmul.f32 v15, v16;
	_ =	sdelay $0x1  }
0xdd: {  	[tilespmem:v10+s18+$0x0] =	vst.idx.msk $0xffff, v16  }
0xde: {  	[tilespmem:v11+s18+$0x0] =	vst.idx.msk $0xffff, v15  }
0xdf: {  	v15 =	vld.idx.msk [tilespmem:v12+s15+$0x0], $0xffff  }
0xe0: {  	v16 =	vld.idx.msk [tilespmem:v13+s17+$0x0], $0xffff  }
0xe1: {  	v17 =	vld.idx.msk [tilespmem:v14+s17+$0x0], $0xffff  }
0xe2: {  	v18 =	vld.idx.msk [tilespmem:v12+s18+$0x0], $0xffff;
	_ =	sdelay $0x3  }
0xe3: {  	v15 =	vadd.f32 v16, v15;
	_ =	sdelay $0x1  }
0xe4: {  	vm0 =	vge.f32 v15, $0.0e+00;
	v16 =	vmul.f32 $2.000000030e-01, v15;
	_ =	sdelay $0x1  }
0xe5: {  	v15 =	vsel vm0, v15, v16  }
0xe6: {  	v15 =	vsub.f32 v15, v17;
	_ =	sdelay $0x1  }
0xe7: {  	v15 =	vmul.f32 $1.442695020e+00, v15;
	_ =	sdelay $0x1  }
0xe8: {  	(erf) = vpow2.f32 v15;
	_ =	sdelay $0x8  }
0xe9: {  	v15 =	vpop (erf)  }
0xea: {  	v16 =	vmul.f32 v15, v18;
	_ =	sdelay $0x1  }
0xeb: {  	[tilespmem:v12+s18+$0x0] =	vst.idx.msk $0xffff, v16  }
0xec: {  	v16 =	vld.idx.msk [tilespmem:v13+s18+$0x0], $0xffff;
	_ =	sdelay $0x1  }
.Ltmp0:
0xed: {  	(pc) =	sbr.rel @p0 .LBB2_2-.Ltmp0, $2  }
0xee: {  	_ =	sdelay $0x2  }
0xef: {  	v16 =	vmul.f32 v15, v16  }
0xf0: {  	_ =	sdelay $0x3  }
0xf1: {  	[tilespmem:v13+s18+$0x0] =	vst.idx.msk $0xffff, v16  }
0xf2: {  	[tilespmem:v14+s18+$0x0] =	vst.idx.msk $0xffff, v15  }
0xf3: {  	[spmem:s2] =	stream.indirect.scatter.add.f32 [tilespmem:s18], [sflag:$0x2], $0x10, s14, s14, $0xb8;
	[tilespmem:$0x37A0] =	vst v63  }
0xf4: {  	_ =	swait.ge [sflag:s13], $0x500  }
0xf5: {  	s19 =	sadd.s32 $0x1, s19;
	[sflag:s13] =	ssyncset.done $0x0  }
0xf6: {  	p0 =	sne.s32 s19, s9;
	[sflag:s13] =	ssyncadd.s32 $0xFFFFFB00  }
.Ltmp1:
0xf7: {  	[bflag:$0x0] =	sbarrier.arrive $0xFFFF;
	(pc) =	sbr.rel @p0 .LBB2_1-.Ltmp1, $4  }
0xf8: {  	[hbm:s8], [sflag:s7] =	dma.local [spmem:s12], $0x500  }
0xf9: {  	_ =	swait.ge [sflag:s13], $0x500  }
0xfa: {  	[sflag:s13] =	ssyncset.done $0x0  }
0xfb: {  	[sflag:s13] =	ssyncadd.s32 $0xFFFFFB00  }
0xfc: {  	_ =	sfence.sel $0x180000  }
0xfd: {  	[bflag:$0x0] =	sbarrier.arrive $0xFFFF  }
0xfe: {  	p0 =	sne.s32 s0, $0x0;
	_ =	strace $0x9000004A  }
0xff: {  	s0 =	sadd.s32 @!p0 $0x100000, s1;
	[bflag:$0x2] =	sbarrier.arrive $0xFFFF  }
0x100: {  	[sflag:s0] =	ssyncadd.tile.s32 @!p0 $0x1;
	_ =	shalt  }
.Lfunc_end2:
_tile_overlayer_lowered:
.L_overlay_start_2:
0x101: {  	(tag) =	ssettag $0x2  }
0x102: {  	s0 =	rddreg [dreg:$0x0];
	s2 =	stileid.u32  }
0x103: {  	s1 =	rddreg [dreg:$0x1];
	p0 =	sne.s32 s2, $0x0  }
0x104: {  	s3 =	rddreg [dreg:$0x2];
	[bflag:$0x3] =	sbarrier.arrive $0xFFFF;
	s2 =	simm.s32 @!p0 $0x1C02  }
0x105: {  	[timem:s3], [sflag:s2] =	dma.local @!p0 [hbm:s0], s1  }
0x106: {  	s0 =	simm.s32 @!p0 $0x2  }
0x107: {  	_ =	swait.ge @!p0 [sflag:s0], s1  }
0x108: {  	s1 =	ssub.s32 @!p0 $0x0, s1;
	[sflag:s0] =	ssyncset.done @!p0 $0x0  }
0x109: {  	[sflag:s0] =	ssyncadd.s32 @!p0 s1  }
0x10a: {  	[bflag:$0x3] =	sbarrier.arrive $0xFFFF  }
0x10b: {  	_ =	shalt  }

// kernel: kernel.7.cloned.1.call-start
scs
__scs_entry_jumppad:
0x0: {  	(pc) =	sbr.rel $0x88, $3  }
0x1: {  	(tag) =	ssettag $0x0;
	lr =	simm.s32 $0x1  }
0x2: {  	[smem:$0x3F95] =	sst lr;
	_ =	strace $0xD0000000  }
0x3: {  	_ = 	snop  }
0x4: {  	_ = 	snop  }
0x5: {  	_ = 	snop  }
0x6: {  	_ = 	snop  }
0x7: {  	_ = 	snop  }
__scs_overlays_trampoline_lowered:
0x8: {  	[smem:$0x3FA4] =	sst s0  }
0x9: {  	[smem:$0x3FA5] =	sst s1  }
0xa: {  	[smem:$0x3FA6] =	sst s2  }
0xb: {  	[smem:$0x3FA7] =	sst s3  }
0xc: {  	[smem:$0x3FA8] =	sst s4  }
0xd: {  	[smem:$0x3FA9] =	sst s5  }
0xe: {  	[smem:$0x3FAA] =	sst s6  }
0xf: {  	[smem:$0x3FAB] =	sst s7  }
0x10: {  	[smem:$0x3FAC] =	sst s8  }
0x11: {  	[smem:$0x3FAD] =	sst s9;
	s0 =	simm.s32 @!p0 $0x0  }
0x12: {  	s1 =	sld [smem:$0x3F93];
	s0 =	simm.s32 @p0 $0x1  }
0x13: {  	[smem:$0x3FAE] =	sst s0;
	s0 =	simm.s32 @!p1 $0x0  }
0x14: {  	s2 =	sld [smem:$0x3F92];
	s0 =	simm.s32 @p1 $0x1  }
0x15: {  	[smem:$0x3FAF] =	sst s0;
	s0 =	simm.s32 @!p2 $0x0  }
0x16: {  	s3 =	sld [smem:$0x3FDB];
	s0 =	simm.s32 @p2 $0x1  }
0x17: {  	s4 =	simm.s32 $0x1BF5;
	[smem:$0x3FB1] =	sst s0  }
0x18: {  	s0 =	sld [smem:$0x3F94];
	_ =	swait.ge [sflag:s4], $0x0  }
0x19: {  	s7 =	sld [smem:$0x3F95]  }
0x1a: {  	s8 =	sadd.s32 $0xFFFFE003, lr  }
0x1b: {  	s9 =	sadd.s32 $0xFFFFFEF7, lr;
	s5 =	simm.s32 $0xFFFFFFFF;
	p2 =	slt.u32 s8, $0xFFFFF086  }
0x1c: {  	p1 =	slt.u32 s9, $0xF7A;
	s5 =	simm.s32 @!p2 $0x0  }
0x1d: {  	s5 =	simm.s32 @p1 $0x1;
	p0 =	seq.s32 s7, s2  }
0x1e: {  	s7 =	smul.u32 @!p0 $0xF7A, s2;
	p2 =	seq.s32 @!p0 s5, $0x0  }
0x1f: {  	s9 =	smul.u32 $0xF7A, s1;
	s8 =	simm.s32 @!p0 $0x1BF5;
	p2 =	por !p2, p0  }
0x20: {  	[sflag:s8] =	ssyncset.s32 @!p0 $0xFFFFF086;
	s6 =	sadd.s32 @!p0 s3, s7;
	s7 =	simm.s32 @!p0 $0x108  }
0x21: {  	s3 =	sadd.s32 s3, s9;
	s6 =	sadd.s32 @!p0 $0x88, s6;
	s7 =	simm.s32 @p2 $0x1082  }
0x22: {  	[simem:s7], [sflag:s8] =	dma.local @!p0 [hbm:s6], $0xF7A  }
0x23: {  	s9 =	sor.u32 $0xD0000000, s2;
	s6 =	simm.s32 $0x108;
	_ =	swait.ge @!p0 [sflag:s8], $0x0  }
0x24: {  	s3 =	sadd.s32 $0x88, s3;
	s6 =	simm.s32 @!p1 $0x1082;
	[sflag:s4] =	ssyncset.s32 $0xFFFFF086  }
0x25: {  	[simem:s6], [sflag:s4] =	dma.local [hbm:s3], $0xF7A  }
0x26: {  	[smem:$0x3F95] =	sst s1;
	(tag) =	ssettag s2;
	_ =	strace s9  }
0x27: {  	s1 =	sld [smem:$0x3FA5]  }
0x28: {  	s2 =	sld [smem:$0x3FA6]  }
0x29: {  	s4 =	sld [smem:$0x3FA8]  }
0x2a: {  	p0 =	seq.s32 s5, $0x0;
	s5 =	sld [smem:$0x3FA9]  }
0x2b: {  	s6 =	sld [smem:$0x3FAA]  }
0x2c: {  	s7 =	sld [smem:$0x3FAB]  }
0x2d: {  	s3 =	simm.s32 $0x108;
	s8 =	sld [smem:$0x3FAC]  }
0x2e: {  	s3 =	simm.s32 @!p0 $0x1082;
	s9 =	sld [smem:$0x3FAD]  }
0x2f: {  	lr =	sadd.s32 s0, s3;
	s0 =	sld [smem:$0x3FA4]  }
0x30: {  	s3 =	sld [smem:$0x3FA7]  }
0x31: {  	[smem:$0x3FB0] =	sst s10  }
0x32: {  	s10 =	sld [smem:$0x3FAE];
	_ =	sdelay $0x3  }
0x33: {  	p0 =	seq.s32 s10, $0x1;
	s10 =	sld [smem:$0x3FB0];
	_ =	sdelay $0x3  }
0x34: {  	[smem:$0x3FB0] =	sst s10  }
0x35: {  	s10 =	sld [smem:$0x3FAF];
	_ =	sdelay $0x3  }
0x36: {  	p1 =	seq.s32 s10, $0x1;
	s10 =	sld [smem:$0x3FB0];
	_ =	sdelay $0x3  }
0x37: {  	[smem:$0x3FB0] =	sst s10  }
0x38: {  	s10 =	sld [smem:$0x3FB1]  }
0x39: {  	_ = 	snop;
	(pc) =	sbr.ind lr, $3  }
0x3a: {  	_ = 	snop  }
0x3b: {  	_ = 	snop  }
0x3c: {  	p2 =	seq.s32 s10, $0x1;
	s10 =	sld [smem:$0x3FB0]  }
0x3d: {  	_ =	shalt  }
0x3e: {  	_ =	shalt  }
0x3f: {  	_ =	shalt  }
0x40: {  	_ =	shalt  }
0x41: {  	_ =	shalt  }
0x42: {  	_ =	shalt  }
0x43: {  	_ =	shalt  }
0x44: {  	_ =	shalt  }
0x45: {  	_ =	shalt  }
0x46: {  	_ =	shalt  }
0x47: {  	_ =	shalt  }
0x48: {  	_ =	shalt  }
0x49: {  	_ =	shalt  }
0x4a: {  	_ =	shalt  }
0x4b: {  	_ =	shalt  }
0x4c: {  	_ =	shalt  }
0x4d: {  	_ =	shalt  }
0x4e: {  	_ =	shalt  }
0x4f: {  	_ =	shalt  }
0x50: {  	_ =	shalt  }
0x51: {  	_ =	shalt  }
0x52: {  	_ =	shalt  }
0x53: {  	_ =	shalt  }
0x54: {  	_ =	shalt  }
0x55: {  	_ =	shalt  }
0x56: {  	_ =	shalt  }
0x57: {  	_ =	shalt  }
0x58: {  	_ =	shalt  }
0x59: {  	_ =	shalt  }
0x5a: {  	_ =	shalt  }
0x5b: {  	_ =	shalt  }
0x5c: {  	_ =	shalt  }
0x5d: {  	_ =	shalt  }
0x5e: {  	_ =	shalt  }
0x5f: {  	_ =	shalt  }
0x60: {  	_ =	shalt  }
0x61: {  	_ =	shalt  }
0x62: {  	_ =	shalt  }
0x63: {  	_ =	shalt  }
0x64: {  	_ =	shalt  }
0x65: {  	_ =	shalt  }
0x66: {  	_ =	shalt  }
0x67: {  	_ =	shalt  }
0x68: {  	_ =	shalt  }
0x69: {  	_ =	shalt  }
0x6a: {  	_ =	shalt  }
0x6b: {  	_ =	shalt  }
0x6c: {  	_ =	shalt  }
0x6d: {  	_ =	shalt  }
0x6e: {  	_ =	shalt  }
0x6f: {  	_ =	shalt  }
0x70: {  	_ =	shalt  }
0x71: {  	_ =	shalt  }
0x72: {  	_ =	shalt  }
0x73: {  	_ =	shalt  }
0x74: {  	_ =	shalt  }
0x75: {  	_ =	shalt  }
0x76: {  	_ =	shalt  }
0x77: {  	_ =	shalt  }
0x78: {  	_ =	shalt  }
0x79: {  	_ =	shalt  }
0x7a: {  	_ =	shalt  }
0x7b: {  	_ =	shalt  }
0x7c: {  	_ =	shalt  }
0x7d: {  	_ =	shalt  }
0x7e: {  	_ =	shalt  }
0x7f: {  	_ =	shalt  }
0x80: {  	_ =	shalt  }
0x81: {  	_ =	shalt  }
0x82: {  	_ =	shalt  }
0x83: {  	_ =	shalt  }
0x84: {  	_ =	shalt  }
0x85: {  	_ =	shalt  }
0x86: {  	_ =	shalt  }
0x87: {  	_ =	shalt  }
.Lfunc_end0:
.L_simem_size_0:
called_computation_lowered:
.L_overlay_start_0:
0x88: {  	s2 =	sld [smem:$0x3FD9]  }
0x89: {  	s3 =	sld [smem:$0x3FFE];
	_ =	sdelay $0x1  }
0x8a: {  	s1 =	srdreg.scid  }
0x8b: {  	s0 =	sand.u32 $0x1, s1  }
0x8c: {  	s16 =	sshll.u32 s0, $0xA;
	s2 =	sadd.s32 s3, s2  }
0x8d: {  	s2 =	sadd.s32 s2, s16  }
0x8e: {  	[smem:$0x3FBC] =	sst s2  }
0x8f: {  	_ = 	snop  }
0x90: {  	(tm) =	ssettm $0x1  }
0x91: {  	s17 =	sld [smem:$0x3FFB];
	_ =	sdelay $0x3  }
0x92: {  	_ =	strace s17  }
0x93: {  	s2 =	sld [smem:$0x3FFC];
	_ =	sdelay $0x3  }
0x94: {  	_ =	strace s2  }
0x95: {  	s2 =	sld [smem:$0x3FFD];
	_ =	sdelay $0x3  }
0x96: {  	_ =	strace s2  }
0x97: {  	_ =	strace $0x8FFFFFFF  }
0x98: {  	s18 =	sld [smem:$0x3FDB];
	_ =	sdelay $0x1  }
0x99: {  	s19 =	simm.s32 $_scs_section_size  }
0x9a: {  	s4 =	simm.s32 $_size__tile_overlayer_lowered;
	s5 =	simm.s32 $_tile_overlayer_lowered  }
0x9b: {  	s22 =	simm.s32 $0x1BFF;
	s21 =	sshll.u32 s5, $0x1;
	s2 =	sadd.s32 s19, s18  }
0x9c: {  	s6 =	simm.s32 $0x0;
	s20 =	sshll.u32 s4, $0x1;
	s4 =	sadd.s32 s21, s2  }
0x9d: {  	[timem:s6], [sflag:s22] =	dma.local [hbm:s4], s20  }
0x9e: {  	_ =	swait.ge [sflag:s22], s20  }
0x9f: {  	s3 =	ssub.s32 $0x0, s20;
	[sflag:s22] =	ssyncset.done $0x0  }
0xa0: {  	[sflag:s22] =	ssyncadd.s32 s3;
	_ =	sdelay $0x1  }
0xa1: {  	s23 =	simm.s32 $0x1B8B  }
0xa2: {  	_ =	swait.ge [sflag:s23], $0x1  }
0xa3: {  	[sflag:s23] =	ssyncset.done $0x0  }
0xa4: {  	s25 =	simm.s32 $0x1B8E;
	s24 =	sld [smem:$0x3FFE];
	[sflag:s23] =	ssyncadd.s32 $0xFFFFFFFF  }
0xa5: {  	s26 =	simm.s32 $execute0_lowered;
	[smem:$0x3FD2] =	sst s25  }
0xa6: {  	s4 =	sshll.u32 s26, $0x1;
	_ =	strace $0x80000046;
	[dreg:$0x1] =	wrdreg $0xFFFFFFFF  }
0xa7: {  	s28 =	simm.s32 $_size_execute0_lowered;
	s2 =	sadd.s32 s2, s4;
	[dreg:$0x0] =	wrdreg $0x0  }
0xa8: {  	s4 =	sshll.u32 s28, $0x1;
	[dreg:$0x2] =	wrdreg s2  }
0xa9: {  	[dreg:$0x3] =	wrdreg s4  }
0xaa: {  	[dreg:$0x4] =	wrdreg $0xC0  }
0xab: {  	_ =	task [dreg:s6], $0x5FFFF  }
0xac: {  	[dreg:$0x1] =	wrdreg $0xFFFFFFFF  }
0xad: {  	[dreg:$0x0] =	wrdreg $0x60  }
0xae: {  	[dreg:$0x2] =	wrdreg s24  }
0xaf: {  	[dreg:$0x3] =	wrdreg $0x23A00  }
0xb0: {  	[dreg:$0x4] =	wrdreg $0x9  }
0xb1: {  	_ =	task.clear_ibuf [dreg:s6], $0x5FFFF;
	_ =	strace $0x90000046  }
0xb2: {  	s29 =	simm.s32 $0x9;
	_ =	strace $0x80000048  }
0xb3: {  	_ =	swait.ge [sflag:s29], $0x1  }
0xb4: {  	[sflag:s29] =	ssyncadd.s32 $0xFFFFFFFF  }
0xb5: {  	_ =	strace $0x90000048  }
0xb6: {  	_ =	sfence  }
0xb7: {  	s30 =	sld [smem:$0x0];
	_ =	sdelay $0x2  }
0xb8: {  	s31 =	sshll.u32 s1, $0xD;
	s1 =	sshrl.u32 s1, $0x2  }
0xb9: {  	s3 =	sand.u32 $0x4000, s31;
	s1 =	sadd.s32 s1, s30  }
0xba: {  	s0 =	sor.u32 s3, s0;
	s1 =	sshll.u32 s1, $0x11  }
0xbb: {  	s0 =	sor.u32 s1, s0  }
0xbc: {  	s0 =	sadd.s32 $0x8F2B, s0  }
0xbd: {  	[sflag:s0] =	ssyncadd.remote.s32 $0x1  }
0xbe: {  	_ =	sfence.sel $0xFFFF  }
0xbf: {  	[dreg:$0x0] =	wrdreg $0xFFFFFFFF;
	(pc) =	sbr.abs _section_cstart, $3  }
0xc0: {  	[dreg:$0x1] =	wrdreg $0xFFFFFFFF  }
0xc1: {  	_ =	task.clear_ibuf [dreg:s6], $0x2FFFF;
	_ =	strace $0x9FFFFFFF  }
0xc2: {  	(tm) =	ssettm $0x7FFFFFFF  }
0xc3: {  	_ =	shalt  }
tec
execute0_lowered:
.L_overlay_start_1:
0x0: {  	(tag) =	ssettag $0x1  }
0x1: {  	v1 =	vlaneseq.u32  }
0x2: {  	v0 =	vmul.u32 $0x10, v1  }
0x3: {  	v1 =	vmul.u32 $0x50, v1  }
0x4: {  	v22 =	vor.u32 $0x4, v0  }
0x5: {  	v39 =	vor.u32 $0x8, v0;
	v5 =	vor.u32 $0x1, v1;
	v6 =	vor.u32 $0x2, v1  }
0x6: {  	v7 =	vor.u32 $0x3, v1;
	v8 =	vor.u32 $0x4, v1;
	v9 =	vor.u32 $0x5, v1  }
0x7: {  	v10 =	vor.u32 $0x6, v1;
	v11 =	vor.u32 $0x7, v1;
	v12 =	vor.u32 $0x8, v1  }
0x8: {  	v13 =	vor.u32 $0x9, v1;
	v14 =	vor.u32 $0xA, v1;
	v15 =	vor.u32 $0xB, v1  }
0x9: {  	v16 =	vor.u32 $0xC, v1;
	v17 =	vor.u32 $0xD, v1;
	v18 =	vor.u32 $0xE, v1  }
0xa: {  	s6 =	rddreg [dreg:$0x0];
	v23 =	vor.u32 $0xF, v1;
	v19 =	vadd.s32 $0x40, v1;
	v41 =	vor.u32 $0x1, v0  }
0xb: {  	s0 =	srdreg.scid;
	s2 =	rddreg [dreg:$0x1];
	v42 =	vor.u32 $0x5, v0;
	v59 =	vor.u32 $0x9, v0;
	v24 =	vadd.s32 $0x10, v1  }
0xc: {  	s1 =	rddreg [dreg:$0x2];
	s3 =	simm.s32 $0x0;
	s14 =	simm.s32 $0x50;
	v25 =	vadd.s32 $0x11, v1;
	v26 =	vadd.s32 $0x12, v1;
	v27 =	vadd.s32 $0x13, v1  }
0xd: {  	s15 =	simm.s32 $0xA0;
	s16 =	simm.s32 $0x1;
	s7 =	sand.u32 $0x1, s0;
	v28 =	vadd.s32 $0x14, v1;
	v29 =	vadd.s32 $0x15, v1;
	v30 =	vadd.s32 $0x16, v1  }
0xe: {  	s17 =	simm.s32 $0x5A0;
	s0 =	stileid.u32;
	s4 =	smul.u32 $0x27100, s7;
	v31 =	vadd.s32 $0x17, v1;
	v32 =	vadd.s32 $0x18, v1;
	v33 =	vadd.s32 $0x19, v1  }
0xf: {  	s18 =	simm.s32 $0xAA0;
	[smem:$0x7FF] =	sst s3;
	s5 =	smul.u32 $0x2710, s0;
	v34 =	vadd.s32 $0x1A, v1;
	v35 =	vadd.s32 $0x1B, v1;
	v36 =	vadd.s32 $0x1C, v1  }
0x10: {  	s19 =	simm.s32 $0x0;
	s8 =	smul.u32 $0xC800, s0;
	_ =	strace $0x80000047;
	v37 =	vadd.s32 $0x1D, v1;
	v38 =	vadd.s32 $0x1E, v1;
	v43 =	vadd.s32 $0x1F, v1  }
0x11: {  	s9 =	smul.u32 $0xC8000, s7;
	s7 =	ssub.s32 $0x2, s7;
	s31 =	sshll.u32 s0, $0x6;
	v60 =	vadd.s32 $0x41, v1;
	v61 =	vor.u32 $0x2, v0;
	v62 =	vor.u32 $0x6, v0  }
0x12: {  	s12 =	sshrl.u32 s7, $0x1;
	v4 =	vor.u32 $0xA, v0;
	v44 =	vadd.s32 $0x20, v1;
	v45 =	vadd.s32 $0x21, v1;
	s4 =	sadd.s32 s5, s4;
	s5 =	sadd.s32 $0x29400, s6  }
0x13: {  	v46 =	vadd.s32 $0x22, v1;
	v47 =	vadd.s32 $0x23, v1;
	v2 =	vor.u32 $0x7, v0;
	s10 =	sshrl.u32 s8, $0x3;
	s9 =	sadd.s32 s8, s9;
	s12 =	ssub.s32 s7, s12  }
0x14: {  	v48 =	vadd.s32 $0x24, v1;
	v49 =	vadd.s32 $0x25, v1;
	v50 =	vadd.s32 $0x26, v1;
	s13 =	sadd.s32 s8, s2;
	s7 =	sor.u32 $0x1C02, s31;
	[tilespmem:$0x1FFB0] =	vst v2;
	s4 =	sshrl.u32 s4, $0x3  }
0x15: {  	v51 =	vadd.s32 $0x27, v1;
	v52 =	vadd.s32 $0x28, v1;
	v53 =	vadd.s32 $0x29, v1;
	[tilespmem:$0x1FFD0] =	vst v19;
	s10 =	sadd.s32 s10, s6;
	s9 =	sshrl.u32 s9, $0x3;
	s11 =	sadd.s32 s4, s6  }
0x16: {  	v54 =	vadd.s32 $0x2A, v1;
	v55 =	vadd.s32 $0x2B, v1;
	v20 =	vor.u32 $0x3, v0;
	[tilespmem:$0x1FFE0] =	vst v41;
	s4 =	sadd.s32 $0x41C00, s6;
	s9 =	sadd.s32 s9, s6;
	s6 =	sadd.s32 $0x5A800, s10  }
0x17: {  	v56 =	vadd.s32 $0x2C, v1;
	v57 =	vadd.s32 $0x2D, v1;
	v2 =	vor.u32 $0xB, v0;
	[tilespmem:$0x1FFF0] =	vst v20;
	s8 =	sadd.s32 $0x73800, s9;
	s9 =	smax.u32 s12, $0x1;
	s10 =	sadd.s32 $0x46C00, s11  }
0x18: {  	v58 =	vadd.s32 $0x2E, v1;
	v21 =	vadd.s32 $0x2F, v1;
	v40 =	vadd.s32 $0x42, v1;
	[tilespmem:$0x1FFC0] =	vst v2;
	s11 =	sadd.s32 $0x50A00, s11;
	s12 =	sshrl.u32 s13, $0x3;
	s13 =	simm.s32 $0x2  }
.LBB2_1:
0x19: {  	[spmem:s12], [sflag:s7] =	dma.local [hbm:s6], $0x1900  }
0x1a: {  	_ =	swait.ge [sflag:s13], $0x1900  }
0x1b: {  	[sflag:s13] =	ssyncset.done $0x0  }
0x1c: {  	[sflag:s13] =	ssyncadd.s32 $0xFFFFE700  }
0x1d: {  	s20 =	simm.s32 $0x0;
	[bflag:$0x0] =	sbarrier.arrive $0xFFFF  }
.LBB2_2:
0x1e: {  	s21 =	sadd.s32 s20, s11  }
0x1f: {  	[tilespmem:s3], [sflag:$0x2] =	stream.linear.gather [hbm4b:s21+s3], $0x50, $0x38;
	[tilespmem:$0xEBA0] =	vst v63  }
0x20: {  	_ =	swait.ge [sflag:s13], $0x50  }
0x21: {  	[sflag:s13] =	ssyncset.done $0x0  }
0x22: {  	s31 =	sadd.s32 s20, s10;
	[sflag:s13] =	ssyncadd.s32 $0xFFFFFFB0  }
0x23: {  	[tilespmem:s14], [sflag:$0x2] =	stream.linear.gather [hbm4b:s31+s3], $0x50, $0x38;
	[tilespmem:$0xEBA0] =	vst v63  }
0x24: {  	_ =	swait.ge [sflag:s13], $0x50  }
0x25: {  	[sflag:s13] =	ssyncset.done $0x0  }
0x26: {  	[sflag:s13] =	ssyncadd.s32 $0xFFFFFFB0  }
0x27: {  	[tilespmem:s15], [sflag:$0x1] =	stream.indirect.gather [hbm4b:s4+s14], $0x10, s3, s14, $0xb8;
	[tilespmem:$0xEBA0] =	vst v63  }
0x28: {  	_ =	swait.ge [sflag:s16], $0x500  }
0x29: {  	[sflag:s16] =	ssyncset.done $0x0  }
0x2a: {  	[sflag:s16] =	ssyncadd.s32 $0xFFFFFB00  }
0x2b: {  	[tilespmem:s17], [sflag:$0x1] =	stream.indirect.gather [hbm4b:s4+s14], $0x10, s14, s14, $0xb8;
	[tilespmem:$0xEBA0] =	vst v63  }
0x2c: {  	_ =	swait.ge [sflag:s16], $0x500  }
0x2d: {  	[sflag:s16] =	ssyncset.done $0x0  }
0x2e: {  	[sflag:s16] =	ssyncadd.s32 $0xFFFFFB00  }
0x2f: {  	[tilespmem:s18], [sflag:$0x1] =	stream.indirect.gather [hbm4b:s5+s14], $0x50, s3, s14, $0xb8;
	[tilespmem:$0xEBA0] =	vst v63  }
0x30: {  	_ =	swait.ge [sflag:s16], $0x1900  }
0x31: {  	[sflag:s16] =	ssyncset.done $0x0  }
0x32: {  	[sflag:s16] =	ssyncadd.s32 $0xFFFFE700  }
0x33: {  	v63 =	vld.idx.msk [tilespmem:v0+s15+$0x0], $0xffff  }
0x34: {  	v2 =	vld.idx.msk [tilespmem:v22+s17+$0x0], $0xffff;
	_ =	sdelay $0x4  }
0x35: {  	v3 =	vld.idx.msk [tilespmem:v39+s17+$0x0], $0xffff;
	v2 =	vadd.f32 v2, v63;
	_ =	sdelay $0x1  }
0x36: {  	v63 =	vmul.f32 $2.000000030e-01, v2  }
0x37: {  	vm0 =	vge.f32 v2, $0.0e+00  }
0x38: {  	v2 =	vsel vm0, v2, v63  }
0x39: {  	v2 =	vsub.f32 v2, v3;
	_ =	sdelay $0x1  }
0x3a: {  	v2 =	vmul.f32 $1.442695020e+00, v2;
	_ =	sdelay $0x1  }
0x3b: {  	(erf) = vpow2.f32 v2;
	_ =	sdelay $0x4  }
0x3c: {  	v2 =	vld.idx.msk [tilespmem:v1+s18+$0x0], $0xffff;
	_ =	sdelay $0x3  }
0x3d: {  	v3 =	vpop (erf)  }
0x3e: {  	v2 =	vmul.f32 v3, v2;
	_ =	sdelay $0x1  }
0x3f: {  	[tilespmem:v1+s18+$0x0] =	vst.idx.msk $0xffff, v2  }
0x40: {  	v2 =	vld.idx.msk [tilespmem:v5+s18+$0x0], $0xffff;
	_ =	sdelay $0x4  }
0x41: {  	v2 =	vmul.f32 v3, v2;
	_ =	sdelay $0x1  }
0x42: {  	[tilespmem:v5+s18+$0x0] =	vst.idx.msk $0xffff, v2  }
0x43: {  	v2 =	vld.idx.msk [tilespmem:v6+s18+$0x0], $0xffff;
	_ =	sdelay $0x4  }
0x44: {  	v2 =	vmul.f32 v3, v2;
	_ =	sdelay $0x1  }
0x45: {  	[tilespmem:v6+s18+$0x0] =	vst.idx.msk $0xffff, v2  }
0x46: {  	v2 =	vld.idx.msk [tilespmem:v7+s18+$0x0], $0xffff;
	_ =	sdelay $0x4  }
0x47: {  	v2 =	vmul.f32 v2, v3;
	_ =	sdelay $0x1  }
0x48: {  	[tilespmem:v7+s18+$0x0] =	vst.idx.msk $0xffff, v2  }
0x49: {  	v2 =	vld.idx.msk [tilespmem:v8+s18+$0x0], $0xffff;
	_ =	sdelay $0x4  }
0x4a: {  	v2 =	vmul.f32 v2, v3;
	_ =	sdelay $0x1  }
0x4b: {  	[tilespmem:v8+s18+$0x0] =	vst.idx.msk $0xffff, v2  }
0x4c: {  	v2 =	vld.idx.msk [tilespmem:v9+s18+$0x0], $0xffff;
	_ =	sdelay $0x4  }
0x4d: {  	v2 =	vmul.f32 v2, v3;
	_ =	sdelay $0x1  }
0x4e: {  	[tilespmem:v9+s18+$0x0] =	vst.idx.msk $0xffff, v2  }
0x4f: {  	v2 =	vld.idx.msk [tilespmem:v10+s18+$0x0], $0xffff;
	_ =	sdelay $0x4  }
0x50: {  	v2 =	vmul.f32 v2, v3;
	_ =	sdelay $0x1  }
0x51: {  	[tilespmem:v10+s18+$0x0] =	vst.idx.msk $0xffff, v2  }
0x52: {  	v2 =	vld.idx.msk [tilespmem:v11+s18+$0x0], $0xffff;
	_ =	sdelay $0x4  }
0x53: {  	v2 =	vmul.f32 v2, v3;
	_ =	sdelay $0x1  }
0x54: {  	[tilespmem:v11+s18+$0x0] =	vst.idx.msk $0xffff, v2  }
0x55: {  	v2 =	vld.idx.msk [tilespmem:v12+s18+$0x0], $0xffff;
	_ =	sdelay $0x4  }
0x56: {  	v2 =	vmul.f32 v2, v3;
	_ =	sdelay $0x1  }
0x57: {  	[tilespmem:v12+s18+$0x0] =	vst.idx.msk $0xffff, v2  }
0x58: {  	v2 =	vld.idx.msk [tilespmem:v13+s18+$0x0], $0xffff;
	_ =	sdelay $0x4  }
0x59: {  	v2 =	vmul.f32 v2, v3;
	_ =	sdelay $0x1  }
0x5a: {  	[tilespmem:v13+s18+$0x0] =	vst.idx.msk $0xffff, v2  }
0x5b: {  	v2 =	vld.idx.msk [tilespmem:v14+s18+$0x0], $0xffff;
	_ =	sdelay $0x4  }
0x5c: {  	v2 =	vmul.f32 v2, v3;
	_ =	sdelay $0x1  }
0x5d: {  	[tilespmem:v14+s18+$0x0] =	vst.idx.msk $0xffff, v2  }
0x5e: {  	v2 =	vld.idx.msk [tilespmem:v15+s18+$0x0], $0xffff;
	_ =	sdelay $0x4  }
0x5f: {  	v2 =	vmul.f32 v2, v3;
	_ =	sdelay $0x1  }
0x60: {  	[tilespmem:v15+s18+$0x0] =	vst.idx.msk $0xffff, v2  }
0x61: {  	v2 =	vld.idx.msk [tilespmem:v16+s18+$0x0], $0xffff;
	_ =	sdelay $0x4  }
0x62: {  	v2 =	vmul.f32 v2, v3;
	_ =	sdelay $0x1  }
0x63: {  	[tilespmem:v16+s18+$0x0] =	vst.idx.msk $0xffff, v2  }
0x64: {  	v2 =	vld.idx.msk [tilespmem:v17+s18+$0x0], $0xffff;
	_ =	sdelay $0x4  }
0x65: {  	v2 =	vmul.f32 v2, v3;
	_ =	sdelay $0x1  }
0x66: {  	[tilespmem:v17+s18+$0x0] =	vst.idx.msk $0xffff, v2  }
0x67: {  	v2 =	vld.idx.msk [tilespmem:v18+s18+$0x0], $0xffff;
	_ =	sdelay $0x4  }
0x68: {  	v2 =	vmul.f32 v2, v3;
	_ =	sdelay $0x1  }
0x69: {  	[tilespmem:v18+s18+$0x0] =	vst.idx.msk $0xffff, v2  }
0x6a: {  	v2 =	vld.idx.msk [tilespmem:v23+s18+$0x0], $0xffff;
	_ =	sdelay $0x4  }
0x6b: {  	v2 =	vmul.f32 v2, v3;
	_ =	sdelay $0x1  }
0x6c: {  	[tilespmem:v23+s18+$0x0] =	vst.idx.msk $0xffff, v2  }
0x6d: {  	[tilespmem:v19+s18+$0x0] =	vst.idx.msk $0xffff, v3  }
0x6e: {  	v2 =	vld.idx.msk [tilespmem:v41+s15+$0x0], $0xffff  }
0x6f: {  	v3 =	vld.idx.msk [tilespmem:v42+s17+$0x0], $0xffff;
	_ =	sdelay $0x4  }
0x70: {  	v41 =	vld.idx.msk [tilespmem:v59+s17+$0x0], $0xffff;
	v2 =	vadd.f32 v3, v2;
	_ =	sdelay $0x1  }
0x71: {  	v3 =	vmul.f32 $2.000000030e-01, v2  }
0x72: {  	vm9 =	vge.f32 v2, $0.0e+00  }
0x73: {  	v2 =	vsel vm9, v2, v3  }
0x74: {  	v2 =	vsub.f32 v2, v41;
	_ =	sdelay $0x1  }
0x75: {  	v2 =	vmul.f32 $1.442695020e+00, v2;
	_ =	sdelay $0x1  }
0x76: {  	(erf) = vpow2.f32 v2;
	_ =	sdelay $0x4  }
0x77: {  	v2 =	vld.idx.msk [tilespmem:v24+s18+$0x0], $0xffff;
	_ =	sdelay $0x3  }
0x78: {  	v3 =	vpop (erf)  }
0x79: {  	v2 =	vmul.f32 v3, v2;
	_ =	sdelay $0x1  }
0x7a: {  	[tilespmem:v24+s18+$0x0] =	vst.idx.msk $0xffff, v2  }
0x7b: {  	v2 =	vld.idx.msk [tilespmem:v25+s18+$0x0], $0xffff;
	_ =	sdelay $0x4  }
0x7c: {  	v2 =	vmul.f32 v3, v2;
	_ =	sdelay $0x1  }
0x7d: {  	[tilespmem:v25+s18+$0x0] =	vst.idx.msk $0xffff, v2  }
0x7e: {  	v2 =	vld.idx.msk [tilespmem:v26+s18+$0x0], $0xffff;
	_ =	sdelay $0x4  }
0x7f: {  	v2 =	vmul.f32 v3, v2;
	_ =	sdelay $0x1  }
0x80: {  	[tilespmem:v26+s18+$0x0] =	vst.idx.msk $0xffff, v2  }
0x81: {  	v2 =	vld.idx.msk [tilespmem:v27+s18+$0x0], $0xffff;
	_ =	sdelay $0x4  }
0x82: {  	v2 =	vmul.f32 v2, v3;
	_ =	sdelay $0x1  }
0x83: {  	[tilespmem:v27+s18+$0x0] =	vst.idx.msk $0xffff, v2  }
0x84: {  	v2 =	vld.idx.msk [tilespmem:v28+s18+$0x0], $0xffff;
	_ =	sdelay $0x4  }
0x85: {  	v2 =	vmul.f32 v2, v3;
	_ =	sdelay $0x1  }
0x86: {  	[tilespmem:v28+s18+$0x0] =	vst.idx.msk $0xffff, v2  }
0x87: {  	v2 =	vld.idx.msk [tilespmem:v29+s18+$0x0], $0xffff;
	_ =	sdelay $0x4  }
0x88: {  	v2 =	vmul.f32 v2, v3;
	_ =	sdelay $0x1  }
0x89: {  	[tilespmem:v29+s18+$0x0] =	vst.idx.msk $0xffff, v2  }
0x8a: {  	v2 =	vld.idx.msk [tilespmem:v30+s18+$0x0], $0xffff;
	_ =	sdelay $0x4  }
0x8b: {  	v2 =	vmul.f32 v2, v3;
	_ =	sdelay $0x1  }
0x8c: {  	[tilespmem:v30+s18+$0x0] =	vst.idx.msk $0xffff, v2  }
0x8d: {  	v2 =	vld.idx.msk [tilespmem:v31+s18+$0x0], $0xffff;
	_ =	sdelay $0x4  }
0x8e: {  	v2 =	vmul.f32 v2, v3;
	_ =	sdelay $0x1  }
0x8f: {  	[tilespmem:v31+s18+$0x0] =	vst.idx.msk $0xffff, v2  }
0x90: {  	v2 =	vld.idx.msk [tilespmem:v32+s18+$0x0], $0xffff;
	_ =	sdelay $0x4  }
0x91: {  	v2 =	vmul.f32 v2, v3;
	_ =	sdelay $0x1  }
0x92: {  	[tilespmem:v32+s18+$0x0] =	vst.idx.msk $0xffff, v2  }
0x93: {  	v2 =	vld.idx.msk [tilespmem:v33+s18+$0x0], $0xffff;
	_ =	sdelay $0x4  }
0x94: {  	v2 =	vmul.f32 v2, v3;
	_ =	sdelay $0x1  }
0x95: {  	[tilespmem:v33+s18+$0x0] =	vst.idx.msk $0xffff, v2  }
0x96: {  	v2 =	vld.idx.msk [tilespmem:v34+s18+$0x0], $0xffff;
	_ =	sdelay $0x4  }
0x97: {  	v2 =	vmul.f32 v2, v3;
	_ =	sdelay $0x1  }
0x98: {  	[tilespmem:v34+s18+$0x0] =	vst.idx.msk $0xffff, v2  }
0x99: {  	v2 =	vld.idx.msk [tilespmem:v35+s18+$0x0], $0xffff;
	_ =	sdelay $0x4  }
0x9a: {  	v2 =	vmul.f32 v2, v3;
	_ =	sdelay $0x1  }
0x9b: {  	[tilespmem:v35+s18+$0x0] =	vst.idx.msk $0xffff, v2  }
0x9c: {  	v2 =	vld.idx.msk [tilespmem:v36+s18+$0x0], $0xffff;
	_ =	sdelay $0x4  }
0x9d: {  	v2 =	vmul.f32 v2, v3;
	_ =	sdelay $0x1  }
0x9e: {  	[tilespmem:v36+s18+$0x0] =	vst.idx.msk $0xffff, v2  }
0x9f: {  	v2 =	vld.idx.msk [tilespmem:v37+s18+$0x0], $0xffff;
	_ =	sdelay $0x4  }
0xa0: {  	v2 =	vmul.f32 v2, v3;
	_ =	sdelay $0x1  }
0xa1: {  	[tilespmem:v37+s18+$0x0] =	vst.idx.msk $0xffff, v2  }
0xa2: {  	v2 =	vld.idx.msk [tilespmem:v38+s18+$0x0], $0xffff;
	_ =	sdelay $0x4  }
0xa3: {  	v2 =	vmul.f32 v2, v3;
	_ =	sdelay $0x1  }
0xa4: {  	[tilespmem:v38+s18+$0x0] =	vst.idx.msk $0xffff, v2  }
0xa5: {  	v2 =	vld.idx.msk [tilespmem:v43+s18+$0x0], $0xffff;
	_ =	sdelay $0x4  }
0xa6: {  	v2 =	vmul.f32 v2, v3;
	_ =	sdelay $0x1  }
0xa7: {  	[tilespmem:v43+s18+$0x0] =	vst.idx.msk $0xffff, v2  }
0xa8: {  	[tilespmem:v60+s18+$0x0] =	vst.idx.msk $0xffff, v3  }
0xa9: {  	v2 =	vld.idx.msk [tilespmem:v61+s15+$0x0], $0xffff  }
0xaa: {  	v3 =	vld.idx.msk [tilespmem:v62+s17+$0x0], $0xffff;
	_ =	sdelay $0x4  }
0xab: {  	v41 =	vld.idx.msk [tilespmem:v4+s17+$0x0], $0xffff;
	v2 =	vadd.f32 v3, v2;
	_ =	sdelay $0x1  }
0xac: {  	v3 =	vmul.f32 $2.000000030e-01, v2  }
0xad: {  	vm10 =	vge.f32 v2, $0.0e+00  }
0xae: {  	v2 =	vsel vm10, v2, v3  }
0xaf: {  	v2 =	vsub.f32 v2, v41;
	_ =	sdelay $0x1  }
0xb0: {  	v2 =	vmul.f32 $1.442695020e+00, v2;
	_ =	sdelay $0x1  }
0xb1: {  	(erf) = vpow2.f32 v2;
	_ =	sdelay $0x4  }
0xb2: {  	v2 =	vld.idx.msk [tilespmem:v44+s18+$0x0], $0xffff;
	_ =	sdelay $0x3  }
0xb3: {  	v3 =	vpop (erf)  }
0xb4: {  	v2 =	vmul.f32 v3, v2;
	_ =	sdelay $0x1  }
0xb5: {  	[tilespmem:v44+s18+$0x0] =	vst.idx.msk $0xffff, v2  }
0xb6: {  	v2 =	vld.idx.msk [tilespmem:v45+s18+$0x0], $0xffff;
	_ =	sdelay $0x4  }
0xb7: {  	v2 =	vmul.f32 v3, v2;
	_ =	sdelay $0x1  }
0xb8: {  	[tilespmem:v45+s18+$0x0] =	vst.idx.msk $0xffff, v2  }
0xb9: {  	v2 =	vld.idx.msk [tilespmem:v46+s18+$0x0], $0xffff;
	_ =	sdelay $0x4  }
0xba: {  	v2 =	vmul.f32 v3, v2;
	_ =	sdelay $0x1  }
0xbb: {  	[tilespmem:v46+s18+$0x0] =	vst.idx.msk $0xffff, v2  }
0xbc: {  	v2 =	vld.idx.msk [tilespmem:v47+s18+$0x0], $0xffff;
	_ =	sdelay $0x4  }
0xbd: {  	v2 =	vmul.f32 v2, v3;
	_ =	sdelay $0x1  }
0xbe: {  	[tilespmem:v47+s18+$0x0] =	vst.idx.msk $0xffff, v2  }
0xbf: {  	v2 =	vld.idx.msk [tilespmem:v48+s18+$0x0], $0xffff;
	_ =	sdelay $0x4  }
0xc0: {  	v2 =	vmul.f32 v2, v3;
	_ =	sdelay $0x1  }
0xc1: {  	[tilespmem:v48+s18+$0x0] =	vst.idx.msk $0xffff, v2  }
0xc2: {  	v2 =	vld.idx.msk [tilespmem:v49+s18+$0x0], $0xffff;
	_ =	sdelay $0x4  }
0xc3: {  	v2 =	vmul.f32 v2, v3;
	_ =	sdelay $0x1  }
0xc4: {  	[tilespmem:v49+s18+$0x0] =	vst.idx.msk $0xffff, v2  }
0xc5: {  	v2 =	vld.idx.msk [tilespmem:v50+s18+$0x0], $0xffff;
	_ =	sdelay $0x4  }
0xc6: {  	v2 =	vmul.f32 v2, v3;
	_ =	sdelay $0x1  }
0xc7: {  	[tilespmem:v50+s18+$0x0] =	vst.idx.msk $0xffff, v2  }
0xc8: {  	v2 =	vld.idx.msk [tilespmem:v51+s18+$0x0], $0xffff;
	_ =	sdelay $0x4  }
0xc9: {  	v2 =	vmul.f32 v2, v3;
	_ =	sdelay $0x1  }
0xca: {  	[tilespmem:v51+s18+$0x0] =	vst.idx.msk $0xffff, v2  }
0xcb: {  	v2 =	vld.idx.msk [tilespmem:v52+s18+$0x0], $0xffff;
	_ =	sdelay $0x4  }
0xcc: {  	v2 =	vmul.f32 v2, v3;
	_ =	sdelay $0x1  }
0xcd: {  	[tilespmem:v52+s18+$0x0] =	vst.idx.msk $0xffff, v2  }
0xce: {  	v2 =	vld.idx.msk [tilespmem:v53+s18+$0x0], $0xffff;
	_ =	sdelay $0x4  }
0xcf: {  	v2 =	vmul.f32 v2, v3;
	_ =	sdelay $0x1  }
0xd0: {  	[tilespmem:v53+s18+$0x0] =	vst.idx.msk $0xffff, v2  }
0xd1: {  	v2 =	vld.idx.msk [tilespmem:v54+s18+$0x0], $0xffff;
	_ =	sdelay $0x4  }
0xd2: {  	v2 =	vmul.f32 v2, v3;
	_ =	sdelay $0x1  }
0xd3: {  	[tilespmem:v54+s18+$0x0] =	vst.idx.msk $0xffff, v2  }
0xd4: {  	v2 =	vld.idx.msk [tilespmem:v55+s18+$0x0], $0xffff;
	_ =	sdelay $0x4  }
0xd5: {  	v2 =	vmul.f32 v2, v3;
	_ =	sdelay $0x1  }
0xd6: {  	[tilespmem:v55+s18+$0x0] =	vst.idx.msk $0xffff, v2  }
0xd7: {  	v2 =	vld.idx.msk [tilespmem:v56+s18+$0x0], $0xffff;
	_ =	sdelay $0x4  }
0xd8: {  	v2 =	vmul.f32 v2, v3;
	_ =	sdelay $0x1  }
0xd9: {  	[tilespmem:v56+s18+$0x0] =	vst.idx.msk $0xffff, v2  }
0xda: {  	v2 =	vld.idx.msk [tilespmem:v57+s18+$0x0], $0xffff;
	_ =	sdelay $0x4  }
0xdb: {  	v2 =	vmul.f32 v2, v3;
	_ =	sdelay $0x1  }
0xdc: {  	[tilespmem:v57+s18+$0x0] =	vst.idx.msk $0xffff, v2  }
0xdd: {  	v2 =	vld.idx.msk [tilespmem:v58+s18+$0x0], $0xffff;
	_ =	sdelay $0x4  }
0xde: {  	v2 =	vmul.f32 v2, v3;
	_ =	sdelay $0x1  }
0xdf: {  	[tilespmem:v58+s18+$0x0] =	vst.idx.msk $0xffff, v2  }
0xe0: {  	v2 =	vld.idx.msk [tilespmem:v21+s18+$0x0], $0xffff;
	_ =	sdelay $0x4  }
0xe1: {  	v2 =	vmul.f32 v2, v3;
	_ =	sdelay $0x1  }
0xe2: {  	[tilespmem:v21+s18+$0x0] =	vst.idx.msk $0xffff, v2  }
0xe3: {  	[tilespmem:v40+s18+$0x0] =	vst.idx.msk $0xffff, v3;
	v3 =	vld [tilespmem:$0x1FFB0];
	_ =	sdelay $0x4  }
0xe4: {  	v19 =	vld [tilespmem:$0x1FFC0];
	_ =	sdelay $0x1  }
0xe5: {  	v2 =	vld.idx.msk [tilespmem:v20+s15+$0x0], $0xffff  }
0xe6: {  	v3 =	vld.idx.msk [tilespmem:v3+s17+$0x0], $0xffff;
	_ =	sdelay $0x4  }
0xe7: {  	v41 =	vld.idx.msk [tilespmem:v19+s17+$0x0], $0xffff;
	v2 =	vadd.f32 v3, v2;
	_ =	sdelay $0x1  }
0xe8: {  	v3 =	vmul.f32 $2.000000030e-01, v2  }
0xe9: {  	vm11 =	vge.f32 v2, $0.0e+00  }
0xea: {  	v2 =	vsel vm11, v2, v3  }
0xeb: {  	v2 =	vsub.f32 v2, v41;
	_ =	sdelay $0x1  }
0xec: {  	v2 =	vmul.f32 $1.442695020e+00, v2;
	_ =	sdelay $0x1  }
0xed: {  	(erf) = vpow2.f32 v2;
	v2 =	vadd.s32 $0x30, v1;
	_ =	sdelay $0x4  }
0xee: {  	v3 =	vld.idx.msk [tilespmem:v2+s18+$0x0], $0xffff;
	_ =	sdelay $0x2  }
0xef: {  	v63 =	vadd.s32 $0x31, v1  }
0xf0: {  	v19 =	vpop (erf)  }
0xf1: {  	v3 =	vmul.f32 v19, v3;
	_ =	sdelay $0x1  }
0xf2: {  	[tilespmem:v2+s18+$0x0] =	vst.idx.msk $0xffff, v3  }
0xf3: {  	v2 =	vld.idx.msk [tilespmem:v63+s18+$0x0], $0xffff;
	_ =	sdelay $0x2  }
0xf4: {  	v3 =	vadd.s32 $0x32, v1;
	_ =	sdelay $0x1  }
0xf5: {  	v2 =	vmul.f32 v19, v2;
	_ =	sdelay $0x1  }
0xf6: {  	[tilespmem:v63+s18+$0x0] =	vst.idx.msk $0xffff, v2  }
0xf7: {  	v2 =	vld.idx.msk [tilespmem:v3+s18+$0x0], $0xffff;
	_ =	sdelay $0x2  }
0xf8: {  	v63 =	vadd.s32 $0x33, v1;
	_ =	sdelay $0x1  }
0xf9: {  	v2 =	vmul.f32 v19, v2;
	_ =	sdelay $0x1  }
0xfa: {  	[tilespmem:v3+s18+$0x0] =	vst.idx.msk $0xffff, v2  }
0xfb: {  	v2 =	vld.idx.msk [tilespmem:v63+s18+$0x0], $0xffff;
	_ =	sdelay $0x2  }
0xfc: {  	v3 =	vadd.s32 $0x34, v1;
	_ =	sdelay $0x1  }
0xfd: {  	v2 =	vmul.f32 v2, v19;
	_ =	sdelay $0x1  }
0xfe: {  	[tilespmem:v63+s18+$0x0] =	vst.idx.msk $0xffff, v2  }
0xff: {  	v2 =	vld.idx.msk [tilespmem:v3+s18+$0x0], $0xffff;
	_ =	sdelay $0x2  }
0x100: {  	v63 =	vadd.s32 $0x35, v1;
	_ =	sdelay $0x1  }
0x101: {  	v2 =	vmul.f32 v2, v19;
	_ =	sdelay $0x1  }
0x102: {  	[tilespmem:v3+s18+$0x0] =	vst.idx.msk $0xffff, v2  }
0x103: {  	v2 =	vld.idx.msk [tilespmem:v63+s18+$0x0], $0xffff;
	_ =	sdelay $0x2  }
0x104: {  	v3 =	vadd.s32 $0x36, v1;
	_ =	sdelay $0x1  }
0x105: {  	v2 =	vmul.f32 v2, v19;
	_ =	sdelay $0x1  }
0x106: {  	[tilespmem:v63+s18+$0x0] =	vst.idx.msk $0xffff, v2  }
0x107: {  	v2 =	vld.idx.msk [tilespmem:v3+s18+$0x0], $0xffff;
	_ =	sdelay $0x2  }
0x108: {  	v63 =	vadd.s32 $0x37, v1;
	_ =	sdelay $0x1  }
0x109: {  	v2 =	vmul.f32 v2, v19;
	_ =	sdelay $0x1  }
0x10a: {  	[tilespmem:v3+s18+$0x0] =	vst.idx.msk $0xffff, v2  }
0x10b: {  	v2 =	vld.idx.msk [tilespmem:v63+s18+$0x0], $0xffff;
	_ =	sdelay $0x2  }
0x10c: {  	v3 =	vadd.s32 $0x38, v1;
	_ =	sdelay $0x1  }
0x10d: {  	v2 =	vmul.f32 v2, v19;
	_ =	sdelay $0x1  }
0x10e: {  	[tilespmem:v63+s18+$0x0] =	vst.idx.msk $0xffff, v2  }
0x10f: {  	v2 =	vld.idx.msk [tilespmem:v3+s18+$0x0], $0xffff;
	_ =	sdelay $0x2  }
0x110: {  	v63 =	vadd.s32 $0x39, v1;
	_ =	sdelay $0x1  }
0x111: {  	v2 =	vmul.f32 v2, v19;
	_ =	sdelay $0x1  }
0x112: {  	[tilespmem:v3+s18+$0x0] =	vst.idx.msk $0xffff, v2  }
0x113: {  	v2 =	vld.idx.msk [tilespmem:v63+s18+$0x0], $0xffff;
	_ =	sdelay $0x2  }
0x114: {  	v3 =	vadd.s32 $0x3A, v1;
	_ =	sdelay $0x1  }
0x115: {  	v2 =	vmul.f32 v2, v19;
	_ =	sdelay $0x1  }
0x116: {  	[tilespmem:v63+s18+$0x0] =	vst.idx.msk $0xffff, v2  }
0x117: {  	v2 =	vld.idx.msk [tilespmem:v3+s18+$0x0], $0xffff;
	_ =	sdelay $0x2  }
0x118: {  	v63 =	vadd.s32 $0x3B, v1;
	_ =	sdelay $0x1  }
0x119: {  	v2 =	vmul.f32 v2, v19;
	_ =	sdelay $0x1  }
0x11a: {  	[tilespmem:v3+s18+$0x0] =	vst.idx.msk $0xffff, v2  }
0x11b: {  	v2 =	vld.idx.msk [tilespmem:v63+s18+$0x0], $0xffff;
	_ =	sdelay $0x2  }
0x11c: {  	v3 =	vadd.s32 $0x3C, v1;
	_ =	sdelay $0x1  }
0x11d: {  	v2 =	vmul.f32 v2, v19;
	_ =	sdelay $0x1  }
0x11e: {  	[tilespmem:v63+s18+$0x0] =	vst.idx.msk $0xffff, v2  }
0x11f: {  	v2 =	vld.idx.msk [tilespmem:v3+s18+$0x0], $0xffff;
	_ =	sdelay $0x2  }
0x120: {  	v63 =	vadd.s32 $0x3D, v1;
	_ =	sdelay $0x1  }
0x121: {  	v2 =	vmul.f32 v2, v19;
	_ =	sdelay $0x1  }
0x122: {  	[tilespmem:v3+s18+$0x0] =	vst.idx.msk $0xffff, v2  }
0x123: {  	v2 =	vld.idx.msk [tilespmem:v63+s18+$0x0], $0xffff;
	_ =	sdelay $0x2  }
0x124: {  	v3 =	vadd.s32 $0x3E, v1;
	_ =	sdelay $0x1  }
0x125: {  	v2 =	vmul.f32 v2, v19;
	_ =	sdelay $0x1  }
0x126: {  	[tilespmem:v63+s18+$0x0] =	vst.idx.msk $0xffff, v2  }
0x127: {  	v2 =	vld.idx.msk [tilespmem:v3+s18+$0x0], $0xffff;
	_ =	sdelay $0x2  }
0x128: {  	v63 =	vadd.s32 $0x3F, v1;
	_ =	sdelay $0x1  }
0x129: {  	v2 =	vmul.f32 v2, v19;
	_ =	sdelay $0x1  }
0x12a: {  	[tilespmem:v3+s18+$0x0] =	vst.idx.msk $0xffff, v2  }
0x12b: {  	v2 =	vld.idx.msk [tilespmem:v63+s18+$0x0], $0xffff;
	_ =	sdelay $0x2  }
0x12c: {  	v3 =	vadd.s32 $0x43, v1  }
0x12d: {  	v20 =	vor.u32 $0x100, v0  }
0x12e: {  	v41 =	vmovc v4;
	v4 =	vmov v21;
	v21 =	vor.u32 $0x104, v0;
	v2 =	vmul.f32 v2, v19;
	_ =	sdelay $0x1  }
0x12f: {  	[tilespmem:v63+s18+$0x0] =	vst.idx.msk $0xffff, v2  }
0x130: {  	[tilespmem:v3+s18+$0x0] =	vst.idx.msk $0xffff, v19  }
0x131: {  	v2 =	vld.idx.msk [tilespmem:v20+s15+$0x0], $0xffff  }
0x132: {  	v19 =	vor.u32 $0x108, v0;
	v3 =	vld.idx.msk [tilespmem:v21+s17+$0x0], $0xffff;
	_ =	sdelay $0x4  }
0x133: {  	v19 =	vld.idx.msk [tilespmem:v19+s17+$0x0], $0xffff;
	v2 =	vadd.f32 v3, v2;
	_ =	sdelay $0x1  }
0x134: {  	v3 =	vmul.f32 $2.000000030e-01, v2  }
0x135: {  	vm12 =	vge.f32 v2, $0.0e+00  }
0x136: {  	v2 =	vsel vm12, v2, v3  }
0x137: {  	v2 =	vsub.f32 v2, v19;
	_ =	sdelay $0x1  }
0x138: {  	v2 =	vmul.f32 $1.442695020e+00, v2;
	_ =	sdelay $0x1  }
0x139: {  	(erf) = vpow2.f32 v2;
	v2 =	vadd.s32 $0x500, v1;
	_ =	sdelay $0x4  }
0x13a: {  	v3 =	vld.idx.msk [tilespmem:v2+s18+$0x0], $0xffff;
	_ =	sdelay $0x2  }
0x13b: {  	v19 =	vadd.s32 $0x501, v1  }
0x13c: {  	v20 =	vpop (erf)  }
0x13d: {  	v3 =	vmul.f32 v20, v3;
	_ =	sdelay $0x1  }
0x13e: {  	[tilespmem:v2+s18+$0x0] =	vst.idx.msk $0xffff, v3  }
0x13f: {  	v2 =	vld.idx.msk [tilespmem:v19+s18+$0x0], $0xffff;
	_ =	sdelay $0x2  }
0x140: {  	v3 =	vadd.s32 $0x502, v1;
	_ =	sdelay $0x1  }
0x141: {  	v2 =	vmul.f32 v20, v2;
	_ =	sdelay $0x1  }
0x142: {  	[tilespmem:v19+s18+$0x0] =	vst.idx.msk $0xffff, v2  }
0x143: {  	v2 =	vld.idx.msk [tilespmem:v3+s18+$0x0], $0xffff;
	_ =	sdelay $0x2  }
0x144: {  	v19 =	vadd.s32 $0x503, v1;
	_ =	sdelay $0x1  }
0x145: {  	v2 =	vmul.f32 v20, v2;
	_ =	sdelay $0x1  }
0x146: {  	[tilespmem:v3+s18+$0x0] =	vst.idx.msk $0xffff, v2  }
0x147: {  	v2 =	vld.idx.msk [tilespmem:v19+s18+$0x0], $0xffff;
	_ =	sdelay $0x2  }
0x148: {  	v3 =	vadd.s32 $0x504, v1;
	_ =	sdelay $0x1  }
0x149: {  	v2 =	vmul.f32 v2, v20;
	_ =	sdelay $0x1  }
0x14a: {  	[tilespmem:v19+s18+$0x0] =	vst.idx.msk $0xffff, v2  }
0x14b: {  	v2 =	vld.idx.msk [tilespmem:v3+s18+$0x0], $0xffff;
	_ =	sdelay $0x2  }
0x14c: {  	v19 =	vadd.s32 $0x505, v1;
	_ =	sdelay $0x1  }
0x14d: {  	v2 =	vmul.f32 v2, v20;
	_ =	sdelay $0x1  }
0x14e: {  	[tilespmem:v3+s18+$0x0] =	vst.idx.msk $0xffff, v2  }
0x14f: {  	v2 =	vld.idx.msk [tilespmem:v19+s18+$0x0], $0xffff;
	_ =	sdelay $0x2  }
0x150: {  	v3 =	vadd.s32 $0x506, v1;
	_ =	sdelay $0x1  }
0x151: {  	v2 =	vmul.f32 v2, v20;
	_ =	sdelay $0x1  }
0x152: {  	[tilespmem:v19+s18+$0x0] =	vst.idx.msk $0xffff, v2  }
0x153: {  	v2 =	vld.idx.msk [tilespmem:v3+s18+$0x0], $0xffff;
	_ =	sdelay $0x2  }
0x154: {  	v19 =	vadd.s32 $0x507, v1;
	_ =	sdelay $0x1  }
0x155: {  	v2 =	vmul.f32 v2, v20;
	_ =	sdelay $0x1  }
0x156: {  	[tilespmem:v3+s18+$0x0] =	vst.idx.msk $0xffff, v2  }
0x157: {  	v2 =	vld.idx.msk [tilespmem:v19+s18+$0x0], $0xffff;
	_ =	sdelay $0x2  }
0x158: {  	v3 =	vadd.s32 $0x508, v1;
	_ =	sdelay $0x1  }
0x159: {  	v2 =	vmul.f32 v2, v20;
	_ =	sdelay $0x1  }
0x15a: {  	[tilespmem:v19+s18+$0x0] =	vst.idx.msk $0xffff, v2  }
0x15b: {  	v2 =	vld.idx.msk [tilespmem:v3+s18+$0x0], $0xffff;
	_ =	sdelay $0x2  }
0x15c: {  	v19 =	vadd.s32 $0x509, v1;
	_ =	sdelay $0x1  }
0x15d: {  	v2 =	vmul.f32 v2, v20;
	_ =	sdelay $0x1  }
0x15e: {  	[tilespmem:v3+s18+$0x0] =	vst.idx.msk $0xffff, v2  }
0x15f: {  	v2 =	vld.idx.msk [tilespmem:v19+s18+$0x0], $0xffff;
	_ =	sdelay $0x2  }
0x160: {  	v3 =	vadd.s32 $0x50A, v1;
	_ =	sdelay $0x1  }
0x161: {  	v2 =	vmul.f32 v2, v20;
	_ =	sdelay $0x1  }
0x162: {  	[tilespmem:v19+s18+$0x0] =	vst.idx.msk $0xffff, v2  }
0x163: {  	v2 =	vld.idx.msk [tilespmem:v3+s18+$0x0], $0xffff;
	_ =	sdelay $0x2  }
0x164: {  	v19 =	vadd.s32 $0x50B, v1;
	_ =	sdelay $0x1  }
0x165: {  	v2 =	vmul.f32 v2, v20;
	_ =	sdelay $0x1  }
0x166: {  	[tilespmem:v3+s18+$0x0] =	vst.idx.msk $0xffff, v2  }
0x167: {  	v2 =	vld.idx.msk [tilespmem:v19+s18+$0x0], $0xffff;
	_ =	sdelay $0x2  }
0x168: {  	v3 =	vadd.s32 $0x50C, v1;
	_ =	sdelay $0x1  }
0x169: {  	v2 =	vmul.f32 v2, v20;
	_ =	sdelay $0x1  }
0x16a: {  	[tilespmem:v19+s18+$0x0] =	vst.idx.msk $0xffff, v2  }
0x16b: {  	v2 =	vld.idx.msk [tilespmem:v3+s18+$0x0], $0xffff;
	_ =	sdelay $0x2  }
0x16c: {  	v19 =	vadd.s32 $0x50D, v1;
	_ =	sdelay $0x1  }
0x16d: {  	v2 =	vmul.f32 v2, v20;
	_ =	sdelay $0x1  }
0x16e: {  	[tilespmem:v3+s18+$0x0] =	vst.idx.msk $0xffff, v2  }
0x16f: {  	v2 =	vld.idx.msk [tilespmem:v19+s18+$0x0], $0xffff;
	_ =	sdelay $0x2  }
0x170: {  	v3 =	vadd.s32 $0x50E, v1;
	_ =	sdelay $0x1  }
0x171: {  	v2 =	vmul.f32 v2, v20;
	_ =	sdelay $0x1  }
0x172: {  	[tilespmem:v19+s18+$0x0] =	vst.idx.msk $0xffff, v2  }
0x173: {  	v2 =	vld.idx.msk [tilespmem:v3+s18+$0x0], $0xffff;
	_ =	sdelay $0x2  }
0x174: {  	v19 =	vadd.s32 $0x50F, v1;
	_ =	sdelay $0x1  }
0x175: {  	v2 =	vmul.f32 v2, v20;
	_ =	sdelay $0x1  }
0x176: {  	[tilespmem:v3+s18+$0x0] =	vst.idx.msk $0xffff, v2  }
0x177: {  	v2 =	vld.idx.msk [tilespmem:v19+s18+$0x0], $0xffff;
	_ =	sdelay $0x2  }
0x178: {  	v3 =	vadd.s32 $0x540, v1  }
0x179: {  	v21 =	vor.u32 $0x101, v0  }
0x17a: {  	v63 =	vor.u32 $0x105, v0;
	v2 =	vmul.f32 v2, v20;
	_ =	sdelay $0x1  }
0x17b: {  	[tilespmem:v19+s18+$0x0] =	vst.idx.msk $0xffff, v2  }
0x17c: {  	[tilespmem:v3+s18+$0x0] =	vst.idx.msk $0xffff, v20  }
0x17d: {  	v2 =	vld.idx.msk [tilespmem:v21+s15+$0x0], $0xffff  }
0x17e: {  	v19 =	vor.u32 $0x109, v0;
	v3 =	vld.idx.msk [tilespmem:v63+s17+$0x0], $0xffff;
	_ =	sdelay $0x4  }
0x17f: {  	v19 =	vld.idx.msk [tilespmem:v19+s17+$0x0], $0xffff;
	v2 =	vadd.f32 v3, v2;
	_ =	sdelay $0x1  }
0x180: {  	v3 =	vmul.f32 $2.000000030e-01, v2  }
0x181: {  	vm13 =	vge.f32 v2, $0.0e+00  }
0x182: {  	v2 =	vsel vm13, v2, v3  }
0x183: {  	v2 =	vsub.f32 v2, v19;
	_ =	sdelay $0x1  }
0x184: {  	v2 =	vmul.f32 $1.442695020e+00, v2;
	_ =	sdelay $0x1  }
0x185: {  	(erf) = vpow2.f32 v2;
	v2 =	vadd.s32 $0x510, v1;
	_ =	sdelay $0x4  }
0x186: {  	v3 =	vld.idx.msk [tilespmem:v2+s18+$0x0], $0xffff;
	_ =	sdelay $0x2  }
0x187: {  	v19 =	vadd.s32 $0x511, v1  }
0x188: {  	v20 =	vpop (erf)  }
0x189: {  	v3 =	vmul.f32 v20, v3;
	_ =	sdelay $0x1  }
0x18a: {  	[tilespmem:v2+s18+$0x0] =	vst.idx.msk $0xffff, v3  }
0x18b: {  	v2 =	vld.idx.msk [tilespmem:v19+s18+$0x0], $0xffff;
	_ =	sdelay $0x2  }
0x18c: {  	v3 =	vadd.s32 $0x512, v1;
	_ =	sdelay $0x1  }
0x18d: {  	v2 =	vmul.f32 v20, v2;
	_ =	sdelay $0x1  }
0x18e: {  	[tilespmem:v19+s18+$0x0] =	vst.idx.msk $0xffff, v2  }
0x18f: {  	v2 =	vld.idx.msk [tilespmem:v3+s18+$0x0], $0xffff;
	_ =	sdelay $0x2  }
0x190: {  	v19 =	vadd.s32 $0x513, v1;
	_ =	sdelay $0x1  }
0x191: {  	v2 =	vmul.f32 v20, v2;
	_ =	sdelay $0x1  }
0x192: {  	[tilespmem:v3+s18+$0x0] =	vst.idx.msk $0xffff, v2  }
0x193: {  	v2 =	vld.idx.msk [tilespmem:v19+s18+$0x0], $0xffff;
	_ =	sdelay $0x2  }
0x194: {  	v3 =	vadd.s32 $0x514, v1;
	_ =	sdelay $0x1  }
0x195: {  	v2 =	vmul.f32 v2, v20;
	_ =	sdelay $0x1  }
0x196: {  	[tilespmem:v19+s18+$0x0] =	vst.idx.msk $0xffff, v2  }
0x197: {  	v2 =	vld.idx.msk [tilespmem:v3+s18+$0x0], $0xffff;
	_ =	sdelay $0x2  }
0x198: {  	v19 =	vadd.s32 $0x515, v1;
	_ =	sdelay $0x1  }
0x199: {  	v2 =	vmul.f32 v2, v20;
	_ =	sdelay $0x1  }
0x19a: {  	[tilespmem:v3+s18+$0x0] =	vst.idx.msk $0xffff, v2  }
0x19b: {  	v2 =	vld.idx.msk [tilespmem:v19+s18+$0x0], $0xffff;
	_ =	sdelay $0x2  }
0x19c: {  	v3 =	vadd.s32 $0x516, v1;
	_ =	sdelay $0x1  }
0x19d: {  	v2 =	vmul.f32 v2, v20;
	_ =	sdelay $0x1  }
0x19e: {  	[tilespmem:v19+s18+$0x0] =	vst.idx.msk $0xffff, v2  }
0x19f: {  	v2 =	vld.idx.msk [tilespmem:v3+s18+$0x0], $0xffff;
	_ =	sdelay $0x2  }
0x1a0: {  	v19 =	vadd.s32 $0x517, v1;
	_ =	sdelay $0x1  }
0x1a1: {  	v2 =	vmul.f32 v2, v20;
	_ =	sdelay $0x1  }
0x1a2: {  	[tilespmem:v3+s18+$0x0] =	vst.idx.msk $0xffff, v2  }
0x1a3: {  	v2 =	vld.idx.msk [tilespmem:v19+s18+$0x0], $0xffff;
	_ =	sdelay $0x2  }
0x1a4: {  	v3 =	vadd.s32 $0x518, v1;
	_ =	sdelay $0x1  }
0x1a5: {  	v2 =	vmul.f32 v2, v20;
	_ =	sdelay $0x1  }
0x1a6: {  	[tilespmem:v19+s18+$0x0] =	vst.idx.msk $0xffff, v2  }
0x1a7: {  	v2 =	vld.idx.msk [tilespmem:v3+s18+$0x0], $0xffff;
	_ =	sdelay $0x2  }
0x1a8: {  	v19 =	vadd.s32 $0x519, v1;
	_ =	sdelay $0x1  }
0x1a9: {  	v2 =	vmul.f32 v2, v20;
	_ =	sdelay $0x1  }
0x1aa: {  	[tilespmem:v3+s18+$0x0] =	vst.idx.msk $0xffff, v2  }
0x1ab: {  	v2 =	vld.idx.msk [tilespmem:v19+s18+$0x0], $0xffff;
	_ =	sdelay $0x2  }
0x1ac: {  	v3 =	vadd.s32 $0x51A, v1;
	_ =	sdelay $0x1  }
0x1ad: {  	v2 =	vmul.f32 v2, v20;
	_ =	sdelay $0x1  }
0x1ae: {  	[tilespmem:v19+s18+$0x0] =	vst.idx.msk $0xffff, v2  }
0x1af: {  	v2 =	vld.idx.msk [tilespmem:v3+s18+$0x0], $0xffff;
	_ =	sdelay $0x2  }
0x1b0: {  	v19 =	vadd.s32 $0x51B, v1;
	_ =	sdelay $0x1  }
0x1b1: {  	v2 =	vmul.f32 v2, v20;
	_ =	sdelay $0x1  }
0x1b2: {  	[tilespmem:v3+s18+$0x0] =	vst.idx.msk $0xffff, v2  }
0x1b3: {  	v2 =	vld.idx.msk [tilespmem:v19+s18+$0x0], $0xffff;
	_ =	sdelay $0x2  }
0x1b4: {  	v3 =	vadd.s32 $0x51C, v1;
	_ =	sdelay $0x1  }
0x1b5: {  	v2 =	vmul.f32 v2, v20;
	_ =	sdelay $0x1  }
0x1b6: {  	[tilespmem:v19+s18+$0x0] =	vst.idx.msk $0xffff, v2  }
0x1b7: {  	v2 =	vld.idx.msk [tilespmem:v3+s18+$0x0], $0xffff;
	_ =	sdelay $0x2  }
0x1b8: {  	v19 =	vadd.s32 $0x51D, v1;
	_ =	sdelay $0x1  }
0x1b9: {  	v2 =	vmul.f32 v2, v20;
	_ =	sdelay $0x1  }
0x1ba: {  	[tilespmem:v3+s18+$0x0] =	vst.idx.msk $0xffff, v2  }
0x1bb: {  	v2 =	vld.idx.msk [tilespmem:v19+s18+$0x0], $0xffff;
	_ =	sdelay $0x2  }
0x1bc: {  	v3 =	vadd.s32 $0x51E, v1;
	_ =	sdelay $0x1  }
0x1bd: {  	v2 =	vmul.f32 v2, v20;
	_ =	sdelay $0x1  }
0x1be: {  	[tilespmem:v19+s18+$0x0] =	vst.idx.msk $0xffff, v2  }
0x1bf: {  	v2 =	vld.idx.msk [tilespmem:v3+s18+$0x0], $0xffff;
	_ =	sdelay $0x2  }
0x1c0: {  	v19 =	vadd.s32 $0x51F, v1;
	_ =	sdelay $0x1  }
0x1c1: {  	v2 =	vmul.f32 v2, v20;
	_ =	sdelay $0x1  }
0x1c2: {  	[tilespmem:v3+s18+$0x0] =	vst.idx.msk $0xffff, v2  }
0x1c3: {  	v2 =	vld.idx.msk [tilespmem:v19+s18+$0x0], $0xffff;
	_ =	sdelay $0x2  }
0x1c4: {  	v3 =	vadd.s32 $0x541, v1  }
0x1c5: {  	v21 =	vor.u32 $0x102, v0  }
0x1c6: {  	v63 =	vor.u32 $0x106, v0;
	v2 =	vmul.f32 v2, v20;
	_ =	sdelay $0x1  }
0x1c7: {  	[tilespmem:v19+s18+$0x0] =	vst.idx.msk $0xffff, v2  }
0x1c8: {  	[tilespmem:v3+s18+$0x0] =	vst.idx.msk $0xffff, v20  }
0x1c9: {  	v2 =	vld.idx.msk [tilespmem:v21+s15+$0x0], $0xffff  }
0x1ca: {  	v19 =	vor.u32 $0x10A, v0;
	v3 =	vld.idx.msk [tilespmem:v63+s17+$0x0], $0xffff;
	_ =	sdelay $0x4  }
0x1cb: {  	v19 =	vld.idx.msk [tilespmem:v19+s17+$0x0], $0xffff;
	v2 =	vadd.f32 v3, v2;
	_ =	sdelay $0x1  }
0x1cc: {  	v3 =	vmul.f32 $2.000000030e-01, v2  }
0x1cd: {  	vm14 =	vge.f32 v2, $0.0e+00  }
0x1ce: {  	v2 =	vsel vm14, v2, v3  }
0x1cf: {  	v2 =	vsub.f32 v2, v19;
	_ =	sdelay $0x1  }
0x1d0: {  	v2 =	vmul.f32 $1.442695020e+00, v2;
	_ =	sdelay $0x1  }
0x1d1: {  	(erf) = vpow2.f32 v2;
	v2 =	vadd.s32 $0x520, v1;
	_ =	sdelay $0x4  }
0x1d2: {  	v3 =	vld.idx.msk [tilespmem:v2+s18+$0x0], $0xffff;
	_ =	sdelay $0x2  }
0x1d3: {  	v19 =	vadd.s32 $0x521, v1  }
0x1d4: {  	v20 =	vpop (erf)  }
0x1d5: {  	v3 =	vmul.f32 v20, v3;
	_ =	sdelay $0x1  }
0x1d6: {  	[tilespmem:v2+s18+$0x0] =	vst.idx.msk $0xffff, v3  }
0x1d7: {  	v2 =	vld.idx.msk [tilespmem:v19+s18+$0x0], $0xffff;
	_ =	sdelay $0x2  }
0x1d8: {  	v3 =	vadd.s32 $0x522, v1;
	_ =	sdelay $0x1  }
0x1d9: {  	v2 =	vmul.f32 v20, v2;
	_ =	sdelay $0x1  }
0x1da: {  	[tilespmem:v19+s18+$0x0] =	vst.idx.msk $0xffff, v2  }
0x1db: {  	v2 =	vld.idx.msk [tilespmem:v3+s18+$0x0], $0xffff;
	_ =	sdelay $0x2  }
0x1dc: {  	v19 =	vadd.s32 $0x523, v1;
	_ =	sdelay $0x1  }
0x1dd: {  	v2 =	vmul.f32 v20, v2;
	_ =	sdelay $0x1  }
0x1de: {  	[tilespmem:v3+s18+$0x0] =	vst.idx.msk $0xffff, v2  }
0x1df: {  	v2 =	vld.idx.msk [tilespmem:v19+s18+$0x0], $0xffff;
	_ =	sdelay $0x2  }
0x1e0: {  	v3 =	vadd.s32 $0x524, v1;
	_ =	sdelay $0x1  }
0x1e1: {  	v2 =	vmul.f32 v2, v20;
	_ =	sdelay $0x1  }
0x1e2: {  	[tilespmem:v19+s18+$0x0] =	vst.idx.msk $0xffff, v2  }
0x1e3: {  	v2 =	vld.idx.msk [tilespmem:v3+s18+$0x0], $0xffff;
	_ =	sdelay $0x2  }
0x1e4: {  	v19 =	vadd.s32 $0x525, v1;
	_ =	sdelay $0x1  }
0x1e5: {  	v2 =	vmul.f32 v2, v20;
	_ =	sdelay $0x1  }
0x1e6: {  	[tilespmem:v3+s18+$0x0] =	vst.idx.msk $0xffff, v2  }
0x1e7: {  	v2 =	vld.idx.msk [tilespmem:v19+s18+$0x0], $0xffff;
	_ =	sdelay $0x2  }
0x1e8: {  	v3 =	vadd.s32 $0x526, v1;
	_ =	sdelay $0x1  }
0x1e9: {  	v2 =	vmul.f32 v2, v20;
	_ =	sdelay $0x1  }
0x1ea: {  	[tilespmem:v19+s18+$0x0] =	vst.idx.msk $0xffff, v2  }
0x1eb: {  	v2 =	vld.idx.msk [tilespmem:v3+s18+$0x0], $0xffff;
	_ =	sdelay $0x2  }
0x1ec: {  	v19 =	vadd.s32 $0x527, v1;
	_ =	sdelay $0x1  }
0x1ed: {  	v2 =	vmul.f32 v2, v20;
	_ =	sdelay $0x1  }
0x1ee: {  	[tilespmem:v3+s18+$0x0] =	vst.idx.msk $0xffff, v2  }
0x1ef: {  	v2 =	vld.idx.msk [tilespmem:v19+s18+$0x0], $0xffff;
	_ =	sdelay $0x2  }
0x1f0: {  	v3 =	vadd.s32 $0x528, v1;
	_ =	sdelay $0x1  }
0x1f1: {  	v2 =	vmul.f32 v2, v20;
	_ =	sdelay $0x1  }
0x1f2: {  	[tilespmem:v19+s18+$0x0] =	vst.idx.msk $0xffff, v2  }
0x1f3: {  	v2 =	vld.idx.msk [tilespmem:v3+s18+$0x0], $0xffff;
	_ =	sdelay $0x2  }
0x1f4: {  	v19 =	vadd.s32 $0x529, v1;
	_ =	sdelay $0x1  }
0x1f5: {  	v2 =	vmul.f32 v2, v20;
	_ =	sdelay $0x1  }
0x1f6: {  	[tilespmem:v3+s18+$0x0] =	vst.idx.msk $0xffff, v2  }
0x1f7: {  	v2 =	vld.idx.msk [tilespmem:v19+s18+$0x0], $0xffff;
	_ =	sdelay $0x2  }
0x1f8: {  	v3 =	vadd.s32 $0x52A, v1;
	_ =	sdelay $0x1  }
0x1f9: {  	v2 =	vmul.f32 v2, v20;
	_ =	sdelay $0x1  }
0x1fa: {  	[tilespmem:v19+s18+$0x0] =	vst.idx.msk $0xffff, v2  }
0x1fb: {  	v2 =	vld.idx.msk [tilespmem:v3+s18+$0x0], $0xffff;
	_ =	sdelay $0x2  }
0x1fc: {  	v19 =	vadd.s32 $0x52B, v1;
	_ =	sdelay $0x1  }
0x1fd: {  	v2 =	vmul.f32 v2, v20;
	_ =	sdelay $0x1  }
0x1fe: {  	[tilespmem:v3+s18+$0x0] =	vst.idx.msk $0xffff, v2  }
0x1ff: {  	v2 =	vld.idx.msk [tilespmem:v19+s18+$0x0], $0xffff;
	_ =	sdelay $0x2  }
0x200: {  	v3 =	vadd.s32 $0x52C, v1;
	_ =	sdelay $0x1  }
0x201: {  	v2 =	vmul.f32 v2, v20;
	_ =	sdelay $0x1  }
0x202: {  	[tilespmem:v19+s18+$0x0] =	vst.idx.msk $0xffff, v2  }
0x203: {  	v2 =	vld.idx.msk [tilespmem:v3+s18+$0x0], $0xffff;
	_ =	sdelay $0x2  }
0x204: {  	v19 =	vadd.s32 $0x52D, v1;
	_ =	sdelay $0x1  }
0x205: {  	v2 =	vmul.f32 v2, v20;
	_ =	sdelay $0x1  }
0x206: {  	[tilespmem:v3+s18+$0x0] =	vst.idx.msk $0xffff, v2  }
0x207: {  	v2 =	vld.idx.msk [tilespmem:v19+s18+$0x0], $0xffff;
	_ =	sdelay $0x2  }
0x208: {  	v3 =	vadd.s32 $0x52E, v1;
	_ =	sdelay $0x1  }
0x209: {  	v2 =	vmul.f32 v2, v20;
	_ =	sdelay $0x1  }
0x20a: {  	[tilespmem:v19+s18+$0x0] =	vst.idx.msk $0xffff, v2  }
0x20b: {  	v2 =	vld.idx.msk [tilespmem:v3+s18+$0x0], $0xffff;
	_ =	sdelay $0x2  }
0x20c: {  	v19 =	vadd.s32 $0x52F, v1;
	_ =	sdelay $0x1  }
0x20d: {  	v2 =	vmul.f32 v2, v20;
	_ =	sdelay $0x1  }
0x20e: {  	[tilespmem:v3+s18+$0x0] =	vst.idx.msk $0xffff, v2  }
0x20f: {  	v2 =	vld.idx.msk [tilespmem:v19+s18+$0x0], $0xffff;
	_ =	sdelay $0x2  }
0x210: {  	v3 =	vadd.s32 $0x542, v1  }
0x211: {  	v21 =	vor.u32 $0x103, v0  }
0x212: {  	v63 =	vor.u32 $0x107, v0;
	v2 =	vmul.f32 v2, v20;
	_ =	sdelay $0x1  }
0x213: {  	[tilespmem:v19+s18+$0x0] =	vst.idx.msk $0xffff, v2  }
0x214: {  	[tilespmem:v3+s18+$0x0] =	vst.idx.msk $0xffff, v20  }
0x215: {  	v2 =	vld.idx.msk [tilespmem:v21+s15+$0x0], $0xffff  }
0x216: {  	v19 =	vor.u32 $0x10B, v0;
	v3 =	vld.idx.msk [tilespmem:v63+s17+$0x0], $0xffff;
	_ =	sdelay $0x4  }
0x217: {  	v19 =	vld.idx.msk [tilespmem:v19+s17+$0x0], $0xffff;
	v2 =	vadd.f32 v3, v2;
	_ =	sdelay $0x1  }
0x218: {  	v3 =	vmul.f32 $2.000000030e-01, v2  }
0x219: {  	vm15 =	vge.f32 v2, $0.0e+00  }
0x21a: {  	v2 =	vsel vm15, v2, v3  }
0x21b: {  	v2 =	vsub.f32 v2, v19;
	_ =	sdelay $0x1  }
0x21c: {  	v2 =	vmul.f32 $1.442695020e+00, v2;
	_ =	sdelay $0x1  }
0x21d: {  	(erf) = vpow2.f32 v2;
	v2 =	vadd.s32 $0x530, v1;
	_ =	sdelay $0x4  }
0x21e: {  	v3 =	vld.idx.msk [tilespmem:v2+s18+$0x0], $0xffff;
	_ =	sdelay $0x2  }
0x21f: {  	v19 =	vadd.s32 $0x531, v1  }
0x220: {  	v20 =	vpop (erf)  }
0x221: {  	v3 =	vmul.f32 v20, v3;
	_ =	sdelay $0x1  }
0x222: {  	[tilespmem:v2+s18+$0x0] =	vst.idx.msk $0xffff, v3  }
0x223: {  	v2 =	vld.idx.msk [tilespmem:v19+s18+$0x0], $0xffff;
	_ =	sdelay $0x2  }
0x224: {  	v3 =	vadd.s32 $0x532, v1;
	_ =	sdelay $0x1  }
0x225: {  	v2 =	vmul.f32 v20, v2;
	_ =	sdelay $0x1  }
0x226: {  	[tilespmem:v19+s18+$0x0] =	vst.idx.msk $0xffff, v2  }
0x227: {  	v2 =	vld.idx.msk [tilespmem:v3+s18+$0x0], $0xffff;
	_ =	sdelay $0x2  }
0x228: {  	v19 =	vadd.s32 $0x533, v1;
	_ =	sdelay $0x1  }
0x229: {  	v2 =	vmul.f32 v20, v2;
	_ =	sdelay $0x1  }
0x22a: {  	[tilespmem:v3+s18+$0x0] =	vst.idx.msk $0xffff, v2  }
0x22b: {  	v2 =	vld.idx.msk [tilespmem:v19+s18+$0x0], $0xffff;
	_ =	sdelay $0x2  }
0x22c: {  	v3 =	vadd.s32 $0x534, v1;
	_ =	sdelay $0x1  }
0x22d: {  	v2 =	vmul.f32 v2, v20;
	_ =	sdelay $0x1  }
0x22e: {  	[tilespmem:v19+s18+$0x0] =	vst.idx.msk $0xffff, v2  }
0x22f: {  	v2 =	vld.idx.msk [tilespmem:v3+s18+$0x0], $0xffff;
	_ =	sdelay $0x2  }
0x230: {  	v19 =	vadd.s32 $0x535, v1;
	_ =	sdelay $0x1  }
0x231: {  	v2 =	vmul.f32 v2, v20;
	_ =	sdelay $0x1  }
0x232: {  	[tilespmem:v3+s18+$0x0] =	vst.idx.msk $0xffff, v2  }
0x233: {  	v2 =	vld.idx.msk [tilespmem:v19+s18+$0x0], $0xffff;
	_ =	sdelay $0x2  }
0x234: {  	v3 =	vadd.s32 $0x536, v1;
	_ =	sdelay $0x1  }
0x235: {  	v2 =	vmul.f32 v2, v20;
	_ =	sdelay $0x1  }
0x236: {  	[tilespmem:v19+s18+$0x0] =	vst.idx.msk $0xffff, v2  }
0x237: {  	v2 =	vld.idx.msk [tilespmem:v3+s18+$0x0], $0xffff;
	_ =	sdelay $0x2  }
0x238: {  	v19 =	vadd.s32 $0x537, v1;
	_ =	sdelay $0x1  }
0x239: {  	v2 =	vmul.f32 v2, v20;
	_ =	sdelay $0x1  }
0x23a: {  	[tilespmem:v3+s18+$0x0] =	vst.idx.msk $0xffff, v2  }
0x23b: {  	v2 =	vld.idx.msk [tilespmem:v19+s18+$0x0], $0xffff;
	_ =	sdelay $0x2  }
0x23c: {  	v3 =	vadd.s32 $0x538, v1;
	_ =	sdelay $0x1  }
0x23d: {  	v2 =	vmul.f32 v2, v20;
	_ =	sdelay $0x1  }
0x23e: {  	[tilespmem:v19+s18+$0x0] =	vst.idx.msk $0xffff, v2  }
0x23f: {  	v2 =	vld.idx.msk [tilespmem:v3+s18+$0x0], $0xffff;
	_ =	sdelay $0x2  }
0x240: {  	v19 =	vadd.s32 $0x539, v1;
	_ =	sdelay $0x1  }
0x241: {  	v2 =	vmul.f32 v2, v20;
	_ =	sdelay $0x1  }
0x242: {  	[tilespmem:v3+s18+$0x0] =	vst.idx.msk $0xffff, v2  }
0x243: {  	v2 =	vld.idx.msk [tilespmem:v19+s18+$0x0], $0xffff;
	_ =	sdelay $0x2  }
0x244: {  	v3 =	vadd.s32 $0x53A, v1;
	_ =	sdelay $0x1  }
0x245: {  	v2 =	vmul.f32 v2, v20;
	_ =	sdelay $0x1  }
0x246: {  	[tilespmem:v19+s18+$0x0] =	vst.idx.msk $0xffff, v2  }
0x247: {  	v2 =	vld.idx.msk [tilespmem:v3+s18+$0x0], $0xffff;
	_ =	sdelay $0x2  }
0x248: {  	v19 =	vadd.s32 $0x53B, v1;
	_ =	sdelay $0x1  }
0x249: {  	v2 =	vmul.f32 v2, v20;
	_ =	sdelay $0x1  }
0x24a: {  	[tilespmem:v3+s18+$0x0] =	vst.idx.msk $0xffff, v2  }
0x24b: {  	v2 =	vld.idx.msk [tilespmem:v19+s18+$0x0], $0xffff;
	_ =	sdelay $0x2  }
0x24c: {  	v3 =	vadd.s32 $0x53C, v1;
	_ =	sdelay $0x1  }
0x24d: {  	v2 =	vmul.f32 v2, v20;
	_ =	sdelay $0x1  }
0x24e: {  	[tilespmem:v19+s18+$0x0] =	vst.idx.msk $0xffff, v2  }
0x24f: {  	v2 =	vld.idx.msk [tilespmem:v3+s18+$0x0], $0xffff;
	_ =	sdelay $0x2  }
0x250: {  	v19 =	vadd.s32 $0x53D, v1;
	_ =	sdelay $0x1  }
0x251: {  	v2 =	vmul.f32 v2, v20;
	_ =	sdelay $0x1  }
0x252: {  	[tilespmem:v3+s18+$0x0] =	vst.idx.msk $0xffff, v2  }
0x253: {  	v2 =	vld.idx.msk [tilespmem:v19+s18+$0x0], $0xffff;
	_ =	sdelay $0x2  }
0x254: {  	v3 =	vadd.s32 $0x53E, v1;
	_ =	sdelay $0x1  }
0x255: {  	v2 =	vmul.f32 v2, v20;
	_ =	sdelay $0x1  }
0x256: {  	[tilespmem:v19+s18+$0x0] =	vst.idx.msk $0xffff, v2  }
0x257: {  	v2 =	vld.idx.msk [tilespmem:v3+s18+$0x0], $0xffff;
	_ =	sdelay $0x2  }
0x258: {  	v19 =	vadd.s32 $0x53F, v1;
	_ =	sdelay $0x1  }
0x259: {  	v2 =	vmul.f32 v2, v20;
	_ =	sdelay $0x1  }
0x25a: {  	[tilespmem:v3+s18+$0x0] =	vst.idx.msk $0xffff, v2  }
0x25b: {  	v2 =	vld.idx.msk [tilespmem:v19+s18+$0x0], $0xffff;
	_ =	sdelay $0x2  }
0x25c: {  	v3 =	vadd.s32 $0x543, v1  }
0x25d: {  	v21 =	vor.u32 $0x200, v0  }
0x25e: {  	v63 =	vor.u32 $0x204, v0;
	v2 =	vmul.f32 v2, v20;
	_ =	sdelay $0x1  }
0x25f: {  	[tilespmem:v19+s18+$0x0] =	vst.idx.msk $0xffff, v2  }
0x260: {  	[tilespmem:v3+s18+$0x0] =	vst.idx.msk $0xffff, v20  }
0x261: {  	v2 =	vld.idx.msk [tilespmem:v21+s15+$0x0], $0xffff  }
0x262: {  	v19 =	vor.u32 $0x208, v0;
	v3 =	vld.idx.msk [tilespmem:v63+s17+$0x0], $0xffff;
	_ =	sdelay $0x4  }
0x263: {  	v19 =	vld.idx.msk [tilespmem:v19+s17+$0x0], $0xffff;
	v2 =	vadd.f32 v3, v2;
	_ =	sdelay $0x1  }
0x264: {  	v3 =	vmul.f32 $2.000000030e-01, v2  }
0x265: {  	vm4 =	vge.f32 v2, $0.0e+00  }
0x266: {  	v2 =	vsel vm4, v2, v3  }
0x267: {  	v2 =	vsub.f32 v2, v19;
	_ =	sdelay $0x1  }
0x268: {  	v2 =	vmul.f32 $1.442695020e+00, v2;
	_ =	sdelay $0x1  }
0x269: {  	(erf) = vpow2.f32 v2;
	v2 =	vadd.s32 $0xA00, v1;
	_ =	sdelay $0x4  }
0x26a: {  	v3 =	vld.idx.msk [tilespmem:v2+s18+$0x0], $0xffff;
	_ =	sdelay $0x2  }
0x26b: {  	v19 =	vadd.s32 $0xA01, v1  }
0x26c: {  	v20 =	vpop (erf)  }
0x26d: {  	v3 =	vmul.f32 v20, v3;
	_ =	sdelay $0x1  }
0x26e: {  	[tilespmem:v2+s18+$0x0] =	vst.idx.msk $0xffff, v3  }
0x26f: {  	v2 =	vld.idx.msk [tilespmem:v19+s18+$0x0], $0xffff;
	_ =	sdelay $0x2  }
0x270: {  	v3 =	vadd.s32 $0xA02, v1;
	_ =	sdelay $0x1  }
0x271: {  	v2 =	vmul.f32 v20, v2;
	_ =	sdelay $0x1  }
0x272: {  	[tilespmem:v19+s18+$0x0] =	vst.idx.msk $0xffff, v2  }
0x273: {  	v2 =	vld.idx.msk [tilespmem:v3+s18+$0x0], $0xffff;
	_ =	sdelay $0x2  }
0x274: {  	v19 =	vadd.s32 $0xA03, v1;
	_ =	sdelay $0x1  }
0x275: {  	v2 =	vmul.f32 v20, v2;
	_ =	sdelay $0x1  }
0x276: {  	[tilespmem:v3+s18+$0x0] =	vst.idx.msk $0xffff, v2  }
0x277: {  	v2 =	vld.idx.msk [tilespmem:v19+s18+$0x0], $0xffff;
	_ =	sdelay $0x2  }
0x278: {  	v3 =	vadd.s32 $0xA04, v1;
	_ =	sdelay $0x1  }
0x279: {  	v2 =	vmul.f32 v2, v20;
	_ =	sdelay $0x1  }
0x27a: {  	[tilespmem:v19+s18+$0x0] =	vst.idx.msk $0xffff, v2  }
0x27b: {  	v2 =	vld.idx.msk [tilespmem:v3+s18+$0x0], $0xffff;
	_ =	sdelay $0x2  }
0x27c: {  	v19 =	vadd.s32 $0xA05, v1;
	_ =	sdelay $0x1  }
0x27d: {  	v2 =	vmul.f32 v2, v20;
	_ =	sdelay $0x1  }
0x27e: {  	[tilespmem:v3+s18+$0x0] =	vst.idx.msk $0xffff, v2  }
0x27f: {  	v2 =	vld.idx.msk [tilespmem:v19+s18+$0x0], $0xffff;
	_ =	sdelay $0x2  }
0x280: {  	v3 =	vadd.s32 $0xA06, v1;
	_ =	sdelay $0x1  }
0x281: {  	v2 =	vmul.f32 v2, v20;
	_ =	sdelay $0x1  }
0x282: {  	[tilespmem:v19+s18+$0x0] =	vst.idx.msk $0xffff, v2  }
0x283: {  	v2 =	vld.idx.msk [tilespmem:v3+s18+$0x0], $0xffff;
	_ =	sdelay $0x2  }
0x284: {  	v19 =	vadd.s32 $0xA07, v1;
	_ =	sdelay $0x1  }
0x285: {  	v2 =	vmul.f32 v2, v20;
	_ =	sdelay $0x1  }
0x286: {  	[tilespmem:v3+s18+$0x0] =	vst.idx.msk $0xffff, v2  }
0x287: {  	v2 =	vld.idx.msk [tilespmem:v19+s18+$0x0], $0xffff;
	_ =	sdelay $0x2  }
0x288: {  	v3 =	vadd.s32 $0xA08, v1;
	_ =	sdelay $0x1  }
0x289: {  	v2 =	vmul.f32 v2, v20;
	_ =	sdelay $0x1  }
0x28a: {  	[tilespmem:v19+s18+$0x0] =	vst.idx.msk $0xffff, v2  }
0x28b: {  	v2 =	vld.idx.msk [tilespmem:v3+s18+$0x0], $0xffff;
	_ =	sdelay $0x2  }
0x28c: {  	v19 =	vadd.s32 $0xA09, v1;
	_ =	sdelay $0x1  }
0x28d: {  	v2 =	vmul.f32 v2, v20;
	_ =	sdelay $0x1  }
0x28e: {  	[tilespmem:v3+s18+$0x0] =	vst.idx.msk $0xffff, v2  }
0x28f: {  	v2 =	vld.idx.msk [tilespmem:v19+s18+$0x0], $0xffff;
	_ =	sdelay $0x2  }
0x290: {  	v3 =	vadd.s32 $0xA0A, v1;
	_ =	sdelay $0x1  }
0x291: {  	v2 =	vmul.f32 v2, v20;
	_ =	sdelay $0x1  }
0x292: {  	[tilespmem:v19+s18+$0x0] =	vst.idx.msk $0xffff, v2  }
0x293: {  	v2 =	vld.idx.msk [tilespmem:v3+s18+$0x0], $0xffff;
	_ =	sdelay $0x2  }
0x294: {  	v19 =	vadd.s32 $0xA0B, v1;
	_ =	sdelay $0x1  }
0x295: {  	v2 =	vmul.f32 v2, v20;
	_ =	sdelay $0x1  }
0x296: {  	[tilespmem:v3+s18+$0x0] =	vst.idx.msk $0xffff, v2  }
0x297: {  	v2 =	vld.idx.msk [tilespmem:v19+s18+$0x0], $0xffff;
	_ =	sdelay $0x2  }
0x298: {  	v3 =	vadd.s32 $0xA0C, v1;
	_ =	sdelay $0x1  }
0x299: {  	v2 =	vmul.f32 v2, v20;
	_ =	sdelay $0x1  }
0x29a: {  	[tilespmem:v19+s18+$0x0] =	vst.idx.msk $0xffff, v2  }
0x29b: {  	v2 =	vld.idx.msk [tilespmem:v3+s18+$0x0], $0xffff;
	_ =	sdelay $0x2  }
0x29c: {  	v19 =	vadd.s32 $0xA0D, v1;
	_ =	sdelay $0x1  }
0x29d: {  	v2 =	vmul.f32 v2, v20;
	_ =	sdelay $0x1  }
0x29e: {  	[tilespmem:v3+s18+$0x0] =	vst.idx.msk $0xffff, v2  }
0x29f: {  	v2 =	vld.idx.msk [tilespmem:v19+s18+$0x0], $0xffff;
	_ =	sdelay $0x2  }
0x2a0: {  	v3 =	vadd.s32 $0xA0E, v1;
	_ =	sdelay $0x1  }
0x2a1: {  	v2 =	vmul.f32 v2, v20;
	_ =	sdelay $0x1  }
0x2a2: {  	[tilespmem:v19+s18+$0x0] =	vst.idx.msk $0xffff, v2  }
0x2a3: {  	v2 =	vld.idx.msk [tilespmem:v3+s18+$0x0], $0xffff;
	_ =	sdelay $0x2  }
0x2a4: {  	v19 =	vadd.s32 $0xA0F, v1;
	_ =	sdelay $0x1  }
0x2a5: {  	v2 =	vmul.f32 v2, v20;
	_ =	sdelay $0x1  }
0x2a6: {  	[tilespmem:v3+s18+$0x0] =	vst.idx.msk $0xffff, v2  }
0x2a7: {  	v2 =	vld.idx.msk [tilespmem:v19+s18+$0x0], $0xffff;
	_ =	sdelay $0x2  }
0x2a8: {  	v3 =	vadd.s32 $0xA40, v1  }
0x2a9: {  	v21 =	vor.u32 $0x201, v0  }
0x2aa: {  	v63 =	vor.u32 $0x205, v0;
	v2 =	vmul.f32 v2, v20;
	_ =	sdelay $0x1  }
0x2ab: {  	[tilespmem:v19+s18+$0x0] =	vst.idx.msk $0xffff, v2  }
0x2ac: {  	[tilespmem:v3+s18+$0x0] =	vst.idx.msk $0xffff, v20  }
0x2ad: {  	v2 =	vld.idx.msk [tilespmem:v21+s15+$0x0], $0xffff  }
0x2ae: {  	v19 =	vor.u32 $0x209, v0;
	v3 =	vld.idx.msk [tilespmem:v63+s17+$0x0], $0xffff;
	_ =	sdelay $0x4  }
0x2af: {  	v19 =	vld.idx.msk [tilespmem:v19+s17+$0x0], $0xffff;
	v2 =	vadd.f32 v3, v2;
	_ =	sdelay $0x1  }
0x2b0: {  	v3 =	vmul.f32 $2.000000030e-01, v2  }
0x2b1: {  	vm5 =	vge.f32 v2, $0.0e+00  }
0x2b2: {  	v2 =	vsel vm5, v2, v3  }
0x2b3: {  	v2 =	vsub.f32 v2, v19;
	_ =	sdelay $0x1  }
0x2b4: {  	v2 =	vmul.f32 $1.442695020e+00, v2;
	_ =	sdelay $0x1  }
0x2b5: {  	(erf) = vpow2.f32 v2;
	v2 =	vadd.s32 $0xA10, v1;
	_ =	sdelay $0x4  }
0x2b6: {  	v3 =	vld.idx.msk [tilespmem:v2+s18+$0x0], $0xffff;
	_ =	sdelay $0x2  }
0x2b7: {  	v19 =	vadd.s32 $0xA11, v1  }
0x2b8: {  	v20 =	vpop (erf)  }
0x2b9: {  	v3 =	vmul.f32 v20, v3;
	_ =	sdelay $0x1  }
0x2ba: {  	[tilespmem:v2+s18+$0x0] =	vst.idx.msk $0xffff, v3  }
0x2bb: {  	v2 =	vld.idx.msk [tilespmem:v19+s18+$0x0], $0xffff;
	_ =	sdelay $0x2  }
0x2bc: {  	v3 =	vadd.s32 $0xA12, v1;
	_ =	sdelay $0x1  }
0x2bd: {  	v2 =	vmul.f32 v20, v2;
	_ =	sdelay $0x1  }
0x2be: {  	[tilespmem:v19+s18+$0x0] =	vst.idx.msk $0xffff, v2  }
0x2bf: {  	v2 =	vld.idx.msk [tilespmem:v3+s18+$0x0], $0xffff;
	_ =	sdelay $0x2  }
0x2c0: {  	v19 =	vadd.s32 $0xA13, v1;
	_ =	sdelay $0x1  }
0x2c1: {  	v2 =	vmul.f32 v20, v2;
	_ =	sdelay $0x1  }
0x2c2: {  	[tilespmem:v3+s18+$0x0] =	vst.idx.msk $0xffff, v2  }
0x2c3: {  	v2 =	vld.idx.msk [tilespmem:v19+s18+$0x0], $0xffff;
	_ =	sdelay $0x2  }
0x2c4: {  	v3 =	vadd.s32 $0xA14, v1;
	_ =	sdelay $0x1  }
0x2c5: {  	v2 =	vmul.f32 v2, v20;
	_ =	sdelay $0x1  }
0x2c6: {  	[tilespmem:v19+s18+$0x0] =	vst.idx.msk $0xffff, v2  }
0x2c7: {  	v2 =	vld.idx.msk [tilespmem:v3+s18+$0x0], $0xffff;
	_ =	sdelay $0x2  }
0x2c8: {  	v19 =	vadd.s32 $0xA15, v1;
	_ =	sdelay $0x1  }
0x2c9: {  	v2 =	vmul.f32 v2, v20;
	_ =	sdelay $0x1  }
0x2ca: {  	[tilespmem:v3+s18+$0x0] =	vst.idx.msk $0xffff, v2  }
0x2cb: {  	v2 =	vld.idx.msk [tilespmem:v19+s18+$0x0], $0xffff;
	_ =	sdelay $0x2  }
0x2cc: {  	v3 =	vadd.s32 $0xA16, v1;
	_ =	sdelay $0x1  }
0x2cd: {  	v2 =	vmul.f32 v2, v20;
	_ =	sdelay $0x1  }
0x2ce: {  	[tilespmem:v19+s18+$0x0] =	vst.idx.msk $0xffff, v2  }
0x2cf: {  	v2 =	vld.idx.msk [tilespmem:v3+s18+$0x0], $0xffff;
	_ =	sdelay $0x2  }
0x2d0: {  	v19 =	vadd.s32 $0xA17, v1;
	_ =	sdelay $0x1  }
0x2d1: {  	v2 =	vmul.f32 v2, v20;
	_ =	sdelay $0x1  }
0x2d2: {  	[tilespmem:v3+s18+$0x0] =	vst.idx.msk $0xffff, v2  }
0x2d3: {  	v2 =	vld.idx.msk [tilespmem:v19+s18+$0x0], $0xffff;
	_ =	sdelay $0x2  }
0x2d4: {  	v3 =	vadd.s32 $0xA18, v1;
	_ =	sdelay $0x1  }
0x2d5: {  	v2 =	vmul.f32 v2, v20;
	_ =	sdelay $0x1  }
0x2d6: {  	[tilespmem:v19+s18+$0x0] =	vst.idx.msk $0xffff, v2  }
0x2d7: {  	v2 =	vld.idx.msk [tilespmem:v3+s18+$0x0], $0xffff;
	_ =	sdelay $0x2  }
0x2d8: {  	v19 =	vadd.s32 $0xA19, v1;
	_ =	sdelay $0x1  }
0x2d9: {  	v2 =	vmul.f32 v2, v20;
	_ =	sdelay $0x1  }
0x2da: {  	[tilespmem:v3+s18+$0x0] =	vst.idx.msk $0xffff, v2  }
0x2db: {  	v2 =	vld.idx.msk [tilespmem:v19+s18+$0x0], $0xffff;
	_ =	sdelay $0x2  }
0x2dc: {  	v3 =	vadd.s32 $0xA1A, v1;
	_ =	sdelay $0x1  }
0x2dd: {  	v2 =	vmul.f32 v2, v20;
	_ =	sdelay $0x1  }
0x2de: {  	[tilespmem:v19+s18+$0x0] =	vst.idx.msk $0xffff, v2  }
0x2df: {  	v2 =	vld.idx.msk [tilespmem:v3+s18+$0x0], $0xffff;
	_ =	sdelay $0x2  }
0x2e0: {  	v19 =	vadd.s32 $0xA1B, v1;
	_ =	sdelay $0x1  }
0x2e1: {  	v2 =	vmul.f32 v2, v20;
	_ =	sdelay $0x1  }
0x2e2: {  	[tilespmem:v3+s18+$0x0] =	vst.idx.msk $0xffff, v2  }
0x2e3: {  	v2 =	vld.idx.msk [tilespmem:v19+s18+$0x0], $0xffff;
	_ =	sdelay $0x2  }
0x2e4: {  	v3 =	vadd.s32 $0xA1C, v1;
	_ =	sdelay $0x1  }
0x2e5: {  	v2 =	vmul.f32 v2, v20;
	_ =	sdelay $0x1  }
0x2e6: {  	[tilespmem:v19+s18+$0x0] =	vst.idx.msk $0xffff, v2  }
0x2e7: {  	v2 =	vld.idx.msk [tilespmem:v3+s18+$0x0], $0xffff;
	_ =	sdelay $0x2  }
0x2e8: {  	v19 =	vadd.s32 $0xA1D, v1;
	_ =	sdelay $0x1  }
0x2e9: {  	v2 =	vmul.f32 v2, v20;
	_ =	sdelay $0x1  }
0x2ea: {  	[tilespmem:v3+s18+$0x0] =	vst.idx.msk $0xffff, v2  }
0x2eb: {  	v2 =	vld.idx.msk [tilespmem:v19+s18+$0x0], $0xffff;
	_ =	sdelay $0x2  }
0x2ec: {  	v3 =	vadd.s32 $0xA1E, v1;
	_ =	sdelay $0x1  }
0x2ed: {  	v2 =	vmul.f32 v2, v20;
	_ =	sdelay $0x1  }
0x2ee: {  	[tilespmem:v19+s18+$0x0] =	vst.idx.msk $0xffff, v2  }
0x2ef: {  	v2 =	vld.idx.msk [tilespmem:v3+s18+$0x0], $0xffff;
	_ =	sdelay $0x2  }
0x2f0: {  	v19 =	vadd.s32 $0xA1F, v1;
	_ =	sdelay $0x1  }
0x2f1: {  	v2 =	vmul.f32 v2, v20;
	_ =	sdelay $0x1  }
0x2f2: {  	[tilespmem:v3+s18+$0x0] =	vst.idx.msk $0xffff, v2  }
0x2f3: {  	v2 =	vld.idx.msk [tilespmem:v19+s18+$0x0], $0xffff;
	_ =	sdelay $0x2  }
0x2f4: {  	v3 =	vadd.s32 $0xA41, v1  }
0x2f5: {  	v21 =	vor.u32 $0x202, v0  }
0x2f6: {  	v63 =	vor.u32 $0x206, v0;
	v2 =	vmul.f32 v2, v20;
	_ =	sdelay $0x1  }
0x2f7: {  	[tilespmem:v19+s18+$0x0] =	vst.idx.msk $0xffff, v2  }
0x2f8: {  	[tilespmem:v3+s18+$0x0] =	vst.idx.msk $0xffff, v20  }
0x2f9: {  	v2 =	vld.idx.msk [tilespmem:v21+s15+$0x0], $0xffff  }
0x2fa: {  	v19 =	vor.u32 $0x20A, v0;
	v3 =	vld.idx.msk [tilespmem:v63+s17+$0x0], $0xffff;
	_ =	sdelay $0x4  }
0x2fb: {  	v19 =	vld.idx.msk [tilespmem:v19+s17+$0x0], $0xffff;
	v2 =	vadd.f32 v3, v2;
	_ =	sdelay $0x1  }
0x2fc: {  	v3 =	vmul.f32 $2.000000030e-01, v2  }
0x2fd: {  	vm6 =	vge.f32 v2, $0.0e+00  }
0x2fe: {  	v2 =	vsel vm6, v2, v3  }
0x2ff: {  	v2 =	vsub.f32 v2, v19;
	_ =	sdelay $0x1  }
0x300: {  	v2 =	vmul.f32 $1.442695020e+00, v2;
	_ =	sdelay $0x1  }
0x301: {  	(erf) = vpow2.f32 v2;
	v2 =	vadd.s32 $0xA20, v1;
	_ =	sdelay $0x4  }
0x302: {  	v3 =	vld.idx.msk [tilespmem:v2+s18+$0x0], $0xffff;
	_ =	sdelay $0x2  }
0x303: {  	v19 =	vadd.s32 $0xA21, v1  }
0x304: {  	v20 =	vpop (erf)  }
0x305: {  	v3 =	vmul.f32 v20, v3;
	_ =	sdelay $0x1  }
0x306: {  	[tilespmem:v2+s18+$0x0] =	vst.idx.msk $0xffff, v3  }
0x307: {  	v2 =	vld.idx.msk [tilespmem:v19+s18+$0x0], $0xffff;
	_ =	sdelay $0x2  }
0x308: {  	v3 =	vadd.s32 $0xA22, v1;
	_ =	sdelay $0x1  }
0x309: {  	v2 =	vmul.f32 v20, v2;
	_ =	sdelay $0x1  }
0x30a: {  	[tilespmem:v19+s18+$0x0] =	vst.idx.msk $0xffff, v2  }
0x30b: {  	v2 =	vld.idx.msk [tilespmem:v3+s18+$0x0], $0xffff;
	_ =	sdelay $0x2  }
0x30c: {  	v19 =	vadd.s32 $0xA23, v1;
	_ =	sdelay $0x1  }
0x30d: {  	v2 =	vmul.f32 v20, v2;
	_ =	sdelay $0x1  }
0x30e: {  	[tilespmem:v3+s18+$0x0] =	vst.idx.msk $0xffff, v2  }
0x30f: {  	v2 =	vld.idx.msk [tilespmem:v19+s18+$0x0], $0xffff;
	_ =	sdelay $0x2  }
0x310: {  	v3 =	vadd.s32 $0xA24, v1;
	_ =	sdelay $0x1  }
0x311: {  	v2 =	vmul.f32 v2, v20;
	_ =	sdelay $0x1  }
0x312: {  	[tilespmem:v19+s18+$0x0] =	vst.idx.msk $0xffff, v2  }
0x313: {  	v2 =	vld.idx.msk [tilespmem:v3+s18+$0x0], $0xffff;
	_ =	sdelay $0x2  }
0x314: {  	v19 =	vadd.s32 $0xA25, v1;
	_ =	sdelay $0x1  }
0x315: {  	v2 =	vmul.f32 v2, v20;
	_ =	sdelay $0x1  }
0x316: {  	[tilespmem:v3+s18+$0x0] =	vst.idx.msk $0xffff, v2  }
0x317: {  	v2 =	vld.idx.msk [tilespmem:v19+s18+$0x0], $0xffff;
	_ =	sdelay $0x2  }
0x318: {  	v3 =	vadd.s32 $0xA26, v1;
	_ =	sdelay $0x1  }
0x319: {  	v2 =	vmul.f32 v2, v20;
	_ =	sdelay $0x1  }
0x31a: {  	[tilespmem:v19+s18+$0x0] =	vst.idx.msk $0xffff, v2  }
0x31b: {  	v2 =	vld.idx.msk [tilespmem:v3+s18+$0x0], $0xffff;
	_ =	sdelay $0x2  }
0x31c: {  	v19 =	vadd.s32 $0xA27, v1;
	_ =	sdelay $0x1  }
0x31d: {  	v2 =	vmul.f32 v2, v20;
	_ =	sdelay $0x1  }
0x31e: {  	[tilespmem:v3+s18+$0x0] =	vst.idx.msk $0xffff, v2  }
0x31f: {  	v2 =	vld.idx.msk [tilespmem:v19+s18+$0x0], $0xffff;
	_ =	sdelay $0x2  }
0x320: {  	v3 =	vadd.s32 $0xA28, v1;
	_ =	sdelay $0x1  }
0x321: {  	v2 =	vmul.f32 v2, v20;
	_ =	sdelay $0x1  }
0x322: {  	[tilespmem:v19+s18+$0x0] =	vst.idx.msk $0xffff, v2  }
0x323: {  	v2 =	vld.idx.msk [tilespmem:v3+s18+$0x0], $0xffff;
	_ =	sdelay $0x2  }
0x324: {  	v19 =	vadd.s32 $0xA29, v1;
	_ =	sdelay $0x1  }
0x325: {  	v2 =	vmul.f32 v2, v20;
	_ =	sdelay $0x1  }
0x326: {  	[tilespmem:v3+s18+$0x0] =	vst.idx.msk $0xffff, v2  }
0x327: {  	v2 =	vld.idx.msk [tilespmem:v19+s18+$0x0], $0xffff;
	_ =	sdelay $0x2  }
0x328: {  	v3 =	vadd.s32 $0xA2A, v1;
	_ =	sdelay $0x1  }
0x329: {  	v2 =	vmul.f32 v2, v20;
	_ =	sdelay $0x1  }
0x32a: {  	[tilespmem:v19+s18+$0x0] =	vst.idx.msk $0xffff, v2  }
0x32b: {  	v2 =	vld.idx.msk [tilespmem:v3+s18+$0x0], $0xffff;
	_ =	sdelay $0x2  }
0x32c: {  	v19 =	vadd.s32 $0xA2B, v1;
	_ =	sdelay $0x1  }
0x32d: {  	v2 =	vmul.f32 v2, v20;
	_ =	sdelay $0x1  }
0x32e: {  	[tilespmem:v3+s18+$0x0] =	vst.idx.msk $0xffff, v2  }
0x32f: {  	v2 =	vld.idx.msk [tilespmem:v19+s18+$0x0], $0xffff;
	_ =	sdelay $0x2  }
0x330: {  	v3 =	vadd.s32 $0xA2C, v1;
	_ =	sdelay $0x1  }
0x331: {  	v2 =	vmul.f32 v2, v20;
	_ =	sdelay $0x1  }
0x332: {  	[tilespmem:v19+s18+$0x0] =	vst.idx.msk $0xffff, v2  }
0x333: {  	v2 =	vld.idx.msk [tilespmem:v3+s18+$0x0], $0xffff;
	_ =	sdelay $0x2  }
0x334: {  	v19 =	vadd.s32 $0xA2D, v1;
	_ =	sdelay $0x1  }
0x335: {  	v2 =	vmul.f32 v2, v20;
	_ =	sdelay $0x1  }
0x336: {  	[tilespmem:v3+s18+$0x0] =	vst.idx.msk $0xffff, v2  }
0x337: {  	v2 =	vld.idx.msk [tilespmem:v19+s18+$0x0], $0xffff;
	_ =	sdelay $0x2  }
0x338: {  	v3 =	vadd.s32 $0xA2E, v1;
	_ =	sdelay $0x1  }
0x339: {  	v2 =	vmul.f32 v2, v20;
	_ =	sdelay $0x1  }
0x33a: {  	[tilespmem:v19+s18+$0x0] =	vst.idx.msk $0xffff, v2  }
0x33b: {  	v2 =	vld.idx.msk [tilespmem:v3+s18+$0x0], $0xffff;
	_ =	sdelay $0x2  }
0x33c: {  	v19 =	vadd.s32 $0xA2F, v1;
	_ =	sdelay $0x1  }
0x33d: {  	v2 =	vmul.f32 v2, v20;
	_ =	sdelay $0x1  }
0x33e: {  	[tilespmem:v3+s18+$0x0] =	vst.idx.msk $0xffff, v2  }
0x33f: {  	v2 =	vld.idx.msk [tilespmem:v19+s18+$0x0], $0xffff;
	_ =	sdelay $0x2  }
0x340: {  	v3 =	vadd.s32 $0xA42, v1  }
0x341: {  	v21 =	vor.u32 $0x203, v0  }
0x342: {  	v63 =	vor.u32 $0x207, v0;
	v2 =	vmul.f32 v2, v20;
	_ =	sdelay $0x1  }
0x343: {  	[tilespmem:v19+s18+$0x0] =	vst.idx.msk $0xffff, v2  }
0x344: {  	[tilespmem:v3+s18+$0x0] =	vst.idx.msk $0xffff, v20  }
0x345: {  	v2 =	vld.idx.msk [tilespmem:v21+s15+$0x0], $0xffff  }
0x346: {  	v19 =	vor.u32 $0x20B, v0;
	v3 =	vld.idx.msk [tilespmem:v63+s17+$0x0], $0xffff;
	_ =	sdelay $0x4  }
0x347: {  	v19 =	vld.idx.msk [tilespmem:v19+s17+$0x0], $0xffff;
	v2 =	vadd.f32 v3, v2;
	_ =	sdelay $0x1  }
0x348: {  	v3 =	vmul.f32 $2.000000030e-01, v2  }
0x349: {  	vm7 =	vge.f32 v2, $0.0e+00  }
0x34a: {  	v2 =	vsel vm7, v2, v3  }
0x34b: {  	v2 =	vsub.f32 v2, v19;
	_ =	sdelay $0x1  }
0x34c: {  	v2 =	vmul.f32 $1.442695020e+00, v2;
	_ =	sdelay $0x1  }
0x34d: {  	(erf) = vpow2.f32 v2;
	v2 =	vadd.s32 $0xA30, v1;
	_ =	sdelay $0x4  }
0x34e: {  	v3 =	vld.idx.msk [tilespmem:v2+s18+$0x0], $0xffff;
	_ =	sdelay $0x2  }
0x34f: {  	v19 =	vadd.s32 $0xA31, v1  }
0x350: {  	v20 =	vpop (erf)  }
0x351: {  	v3 =	vmul.f32 v20, v3;
	_ =	sdelay $0x1  }
0x352: {  	[tilespmem:v2+s18+$0x0] =	vst.idx.msk $0xffff, v3  }
0x353: {  	v2 =	vld.idx.msk [tilespmem:v19+s18+$0x0], $0xffff;
	_ =	sdelay $0x2  }
0x354: {  	v3 =	vadd.s32 $0xA32, v1;
	_ =	sdelay $0x1  }
0x355: {  	v2 =	vmul.f32 v20, v2;
	_ =	sdelay $0x1  }
0x356: {  	[tilespmem:v19+s18+$0x0] =	vst.idx.msk $0xffff, v2  }
0x357: {  	v2 =	vld.idx.msk [tilespmem:v3+s18+$0x0], $0xffff;
	_ =	sdelay $0x2  }
0x358: {  	v19 =	vadd.s32 $0xA33, v1;
	_ =	sdelay $0x1  }
0x359: {  	v2 =	vmul.f32 v20, v2;
	_ =	sdelay $0x1  }
0x35a: {  	[tilespmem:v3+s18+$0x0] =	vst.idx.msk $0xffff, v2  }
0x35b: {  	v2 =	vld.idx.msk [tilespmem:v19+s18+$0x0], $0xffff;
	_ =	sdelay $0x2  }
0x35c: {  	v3 =	vadd.s32 $0xA34, v1;
	_ =	sdelay $0x1  }
0x35d: {  	v2 =	vmul.f32 v2, v20;
	_ =	sdelay $0x1  }
0x35e: {  	[tilespmem:v19+s18+$0x0] =	vst.idx.msk $0xffff, v2  }
0x35f: {  	v2 =	vld.idx.msk [tilespmem:v3+s18+$0x0], $0xffff;
	_ =	sdelay $0x2  }
0x360: {  	v19 =	vadd.s32 $0xA35, v1;
	_ =	sdelay $0x1  }
0x361: {  	v2 =	vmul.f32 v2, v20;
	_ =	sdelay $0x1  }
0x362: {  	[tilespmem:v3+s18+$0x0] =	vst.idx.msk $0xffff, v2  }
0x363: {  	v2 =	vld.idx.msk [tilespmem:v19+s18+$0x0], $0xffff;
	_ =	sdelay $0x2  }
0x364: {  	v3 =	vadd.s32 $0xA36, v1;
	_ =	sdelay $0x1  }
0x365: {  	v2 =	vmul.f32 v2, v20;
	_ =	sdelay $0x1  }
0x366: {  	[tilespmem:v19+s18+$0x0] =	vst.idx.msk $0xffff, v2  }
0x367: {  	v2 =	vld.idx.msk [tilespmem:v3+s18+$0x0], $0xffff;
	_ =	sdelay $0x2  }
0x368: {  	v19 =	vadd.s32 $0xA37, v1;
	_ =	sdelay $0x1  }
0x369: {  	v2 =	vmul.f32 v2, v20;
	_ =	sdelay $0x1  }
0x36a: {  	[tilespmem:v3+s18+$0x0] =	vst.idx.msk $0xffff, v2  }
0x36b: {  	v2 =	vld.idx.msk [tilespmem:v19+s18+$0x0], $0xffff;
	_ =	sdelay $0x2  }
0x36c: {  	v3 =	vadd.s32 $0xA38, v1;
	_ =	sdelay $0x1  }
0x36d: {  	v2 =	vmul.f32 v2, v20;
	_ =	sdelay $0x1  }
0x36e: {  	[tilespmem:v19+s18+$0x0] =	vst.idx.msk $0xffff, v2  }
0x36f: {  	v2 =	vld.idx.msk [tilespmem:v3+s18+$0x0], $0xffff;
	_ =	sdelay $0x2  }
0x370: {  	v19 =	vadd.s32 $0xA39, v1;
	_ =	sdelay $0x1  }
0x371: {  	v2 =	vmul.f32 v2, v20;
	_ =	sdelay $0x1  }
0x372: {  	[tilespmem:v3+s18+$0x0] =	vst.idx.msk $0xffff, v2  }
0x373: {  	v2 =	vld.idx.msk [tilespmem:v19+s18+$0x0], $0xffff;
	_ =	sdelay $0x2  }
0x374: {  	v3 =	vadd.s32 $0xA3A, v1;
	_ =	sdelay $0x1  }
0x375: {  	v2 =	vmul.f32 v2, v20;
	_ =	sdelay $0x1  }
0x376: {  	[tilespmem:v19+s18+$0x0] =	vst.idx.msk $0xffff, v2  }
0x377: {  	v2 =	vld.idx.msk [tilespmem:v3+s18+$0x0], $0xffff;
	_ =	sdelay $0x2  }
0x378: {  	v19 =	vadd.s32 $0xA3B, v1;
	_ =	sdelay $0x1  }
0x379: {  	v2 =	vmul.f32 v2, v20;
	_ =	sdelay $0x1  }
0x37a: {  	[tilespmem:v3+s18+$0x0] =	vst.idx.msk $0xffff, v2  }
0x37b: {  	v2 =	vld.idx.msk [tilespmem:v19+s18+$0x0], $0xffff;
	_ =	sdelay $0x2  }
0x37c: {  	v3 =	vadd.s32 $0xA3C, v1;
	_ =	sdelay $0x1  }
0x37d: {  	v2 =	vmul.f32 v2, v20;
	_ =	sdelay $0x1  }
0x37e: {  	[tilespmem:v19+s18+$0x0] =	vst.idx.msk $0xffff, v2  }
0x37f: {  	v2 =	vld.idx.msk [tilespmem:v3+s18+$0x0], $0xffff;
	_ =	sdelay $0x2  }
0x380: {  	v19 =	vadd.s32 $0xA3D, v1;
	_ =	sdelay $0x1  }
0x381: {  	v2 =	vmul.f32 v2, v20;
	_ =	sdelay $0x1  }
0x382: {  	[tilespmem:v3+s18+$0x0] =	vst.idx.msk $0xffff, v2  }
0x383: {  	v2 =	vld.idx.msk [tilespmem:v19+s18+$0x0], $0xffff;
	_ =	sdelay $0x2  }
0x384: {  	v3 =	vadd.s32 $0xA3E, v1;
	_ =	sdelay $0x1  }
0x385: {  	v2 =	vmul.f32 v2, v20;
	_ =	sdelay $0x1  }
0x386: {  	[tilespmem:v19+s18+$0x0] =	vst.idx.msk $0xffff, v2  }
0x387: {  	v2 =	vld.idx.msk [tilespmem:v3+s18+$0x0], $0xffff;
	_ =	sdelay $0x2  }
0x388: {  	v19 =	vadd.s32 $0xA3F, v1;
	_ =	sdelay $0x1  }
0x389: {  	v2 =	vmul.f32 v2, v20;
	_ =	sdelay $0x1  }
0x38a: {  	[tilespmem:v3+s18+$0x0] =	vst.idx.msk $0xffff, v2  }
0x38b: {  	v2 =	vld.idx.msk [tilespmem:v19+s18+$0x0], $0xffff;
	_ =	sdelay $0x2  }
0x38c: {  	v3 =	vadd.s32 $0xA43, v1  }
0x38d: {  	v21 =	vor.u32 $0x300, v0  }
0x38e: {  	v63 =	vor.u32 $0x304, v0;
	v2 =	vmul.f32 v2, v20;
	_ =	sdelay $0x1  }
0x38f: {  	[tilespmem:v19+s18+$0x0] =	vst.idx.msk $0xffff, v2  }
0x390: {  	[tilespmem:v3+s18+$0x0] =	vst.idx.msk $0xffff, v20  }
0x391: {  	v2 =	vld.idx.msk [tilespmem:v21+s15+$0x0], $0xffff  }
0x392: {  	v19 =	vor.u32 $0x308, v0;
	v3 =	vld.idx.msk [tilespmem:v63+s17+$0x0], $0xffff;
	_ =	sdelay $0x4  }
0x393: {  	v19 =	vld.idx.msk [tilespmem:v19+s17+$0x0], $0xffff;
	v2 =	vadd.f32 v3, v2;
	_ =	sdelay $0x1  }
0x394: {  	v3 =	vmul.f32 $2.000000030e-01, v2  }
0x395: {  	vm8 =	vge.f32 v2, $0.0e+00  }
0x396: {  	v2 =	vsel vm8, v2, v3  }
0x397: {  	v2 =	vsub.f32 v2, v19;
	_ =	sdelay $0x1  }
0x398: {  	v2 =	vmul.f32 $1.442695020e+00, v2;
	_ =	sdelay $0x1  }
0x399: {  	(erf) = vpow2.f32 v2;
	v2 =	vadd.s32 $0xF00, v1;
	_ =	sdelay $0x4  }
0x39a: {  	v3 =	vld.idx.msk [tilespmem:v2+s18+$0x0], $0xffff;
	_ =	sdelay $0x2  }
0x39b: {  	v19 =	vadd.s32 $0xF01, v1  }
0x39c: {  	v20 =	vpop (erf)  }
0x39d: {  	v3 =	vmul.f32 v20, v3;
	_ =	sdelay $0x1  }
0x39e: {  	[tilespmem:v2+s18+$0x0] =	vst.idx.msk $0xffff, v3  }
0x39f: {  	v2 =	vld.idx.msk [tilespmem:v19+s18+$0x0], $0xffff;
	_ =	sdelay $0x2  }
0x3a0: {  	v3 =	vadd.s32 $0xF02, v1;
	_ =	sdelay $0x1  }
0x3a1: {  	v2 =	vmul.f32 v20, v2;
	_ =	sdelay $0x1  }
0x3a2: {  	[tilespmem:v19+s18+$0x0] =	vst.idx.msk $0xffff, v2  }
0x3a3: {  	v2 =	vld.idx.msk [tilespmem:v3+s18+$0x0], $0xffff;
	_ =	sdelay $0x2  }
0x3a4: {  	v19 =	vadd.s32 $0xF03, v1;
	_ =	sdelay $0x1  }
0x3a5: {  	v2 =	vmul.f32 v20, v2;
	_ =	sdelay $0x1  }
0x3a6: {  	[tilespmem:v3+s18+$0x0] =	vst.idx.msk $0xffff, v2  }
0x3a7: {  	v2 =	vld.idx.msk [tilespmem:v19+s18+$0x0], $0xffff;
	_ =	sdelay $0x2  }
0x3a8: {  	v3 =	vadd.s32 $0xF04, v1;
	_ =	sdelay $0x1  }
0x3a9: {  	v2 =	vmul.f32 v2, v20;
	_ =	sdelay $0x1  }
0x3aa: {  	[tilespmem:v19+s18+$0x0] =	vst.idx.msk $0xffff, v2  }
0x3ab: {  	v2 =	vld.idx.msk [tilespmem:v3+s18+$0x0], $0xffff;
	_ =	sdelay $0x2  }
0x3ac: {  	v19 =	vadd.s32 $0xF05, v1;
	_ =	sdelay $0x1  }
0x3ad: {  	v2 =	vmul.f32 v2, v20;
	_ =	sdelay $0x1  }
0x3ae: {  	[tilespmem:v3+s18+$0x0] =	vst.idx.msk $0xffff, v2  }
0x3af: {  	v2 =	vld.idx.msk [tilespmem:v19+s18+$0x0], $0xffff;
	_ =	sdelay $0x2  }
0x3b0: {  	v3 =	vadd.s32 $0xF06, v1;
	_ =	sdelay $0x1  }
0x3b1: {  	v2 =	vmul.f32 v2, v20;
	_ =	sdelay $0x1  }
0x3b2: {  	[tilespmem:v19+s18+$0x0] =	vst.idx.msk $0xffff, v2  }
0x3b3: {  	v2 =	vld.idx.msk [tilespmem:v3+s18+$0x0], $0xffff;
	_ =	sdelay $0x2  }
0x3b4: {  	v19 =	vadd.s32 $0xF07, v1;
	_ =	sdelay $0x1  }
0x3b5: {  	v2 =	vmul.f32 v2, v20;
	_ =	sdelay $0x1  }
0x3b6: {  	[tilespmem:v3+s18+$0x0] =	vst.idx.msk $0xffff, v2  }
0x3b7: {  	v2 =	vld.idx.msk [tilespmem:v19+s18+$0x0], $0xffff;
	_ =	sdelay $0x2  }
0x3b8: {  	v3 =	vadd.s32 $0xF08, v1;
	_ =	sdelay $0x1  }
0x3b9: {  	v2 =	vmul.f32 v2, v20;
	_ =	sdelay $0x1  }
0x3ba: {  	[tilespmem:v19+s18+$0x0] =	vst.idx.msk $0xffff, v2  }
0x3bb: {  	v2 =	vld.idx.msk [tilespmem:v3+s18+$0x0], $0xffff;
	_ =	sdelay $0x2  }
0x3bc: {  	v19 =	vadd.s32 $0xF09, v1;
	_ =	sdelay $0x1  }
0x3bd: {  	v2 =	vmul.f32 v2, v20;
	_ =	sdelay $0x1  }
0x3be: {  	[tilespmem:v3+s18+$0x0] =	vst.idx.msk $0xffff, v2  }
0x3bf: {  	v2 =	vld.idx.msk [tilespmem:v19+s18+$0x0], $0xffff;
	_ =	sdelay $0x2  }
0x3c0: {  	v3 =	vadd.s32 $0xF0A, v1;
	_ =	sdelay $0x1  }
0x3c1: {  	v2 =	vmul.f32 v2, v20;
	_ =	sdelay $0x1  }
0x3c2: {  	[tilespmem:v19+s18+$0x0] =	vst.idx.msk $0xffff, v2  }
0x3c3: {  	v2 =	vld.idx.msk [tilespmem:v3+s18+$0x0], $0xffff;
	_ =	sdelay $0x2  }
0x3c4: {  	v19 =	vadd.s32 $0xF0B, v1;
	_ =	sdelay $0x1  }
0x3c5: {  	v2 =	vmul.f32 v2, v20;
	_ =	sdelay $0x1  }
0x3c6: {  	[tilespmem:v3+s18+$0x0] =	vst.idx.msk $0xffff, v2  }
0x3c7: {  	v2 =	vld.idx.msk [tilespmem:v19+s18+$0x0], $0xffff;
	_ =	sdelay $0x2  }
0x3c8: {  	v3 =	vadd.s32 $0xF0C, v1;
	_ =	sdelay $0x1  }
0x3c9: {  	v2 =	vmul.f32 v2, v20;
	_ =	sdelay $0x1  }
0x3ca: {  	[tilespmem:v19+s18+$0x0] =	vst.idx.msk $0xffff, v2  }
0x3cb: {  	v2 =	vld.idx.msk [tilespmem:v3+s18+$0x0], $0xffff;
	_ =	sdelay $0x2  }
0x3cc: {  	v19 =	vadd.s32 $0xF0D, v1;
	_ =	sdelay $0x1  }
0x3cd: {  	v2 =	vmul.f32 v2, v20;
	_ =	sdelay $0x1  }
0x3ce: {  	[tilespmem:v3+s18+$0x0] =	vst.idx.msk $0xffff, v2  }
0x3cf: {  	v2 =	vld.idx.msk [tilespmem:v19+s18+$0x0], $0xffff;
	_ =	sdelay $0x2  }
0x3d0: {  	v3 =	vadd.s32 $0xF0E, v1;
	_ =	sdelay $0x1  }
0x3d1: {  	v2 =	vmul.f32 v2, v20;
	_ =	sdelay $0x1  }
0x3d2: {  	[tilespmem:v19+s18+$0x0] =	vst.idx.msk $0xffff, v2  }
0x3d3: {  	v2 =	vld.idx.msk [tilespmem:v3+s18+$0x0], $0xffff;
	_ =	sdelay $0x2  }
0x3d4: {  	v19 =	vadd.s32 $0xF0F, v1;
	_ =	sdelay $0x1  }
0x3d5: {  	v2 =	vmul.f32 v2, v20;
	_ =	sdelay $0x1  }
0x3d6: {  	[tilespmem:v3+s18+$0x0] =	vst.idx.msk $0xffff, v2  }
0x3d7: {  	v2 =	vld.idx.msk [tilespmem:v19+s18+$0x0], $0xffff;
	_ =	sdelay $0x2  }
0x3d8: {  	v3 =	vadd.s32 $0xF40, v1  }
0x3d9: {  	v21 =	vor.u32 $0x301, v0  }
0x3da: {  	v63 =	vor.u32 $0x305, v0;
	v2 =	vmul.f32 v2, v20;
	_ =	sdelay $0x1  }
0x3db: {  	[tilespmem:v19+s18+$0x0] =	vst.idx.msk $0xffff, v2  }
0x3dc: {  	[tilespmem:v3+s18+$0x0] =	vst.idx.msk $0xffff, v20  }
0x3dd: {  	v2 =	vld.idx.msk [tilespmem:v21+s15+$0x0], $0xffff  }
0x3de: {  	v19 =	vor.u32 $0x309, v0;
	v3 =	vld.idx.msk [tilespmem:v63+s17+$0x0], $0xffff;
	_ =	sdelay $0x4  }
0x3df: {  	v19 =	vld.idx.msk [tilespmem:v19+s17+$0x0], $0xffff;
	v2 =	vadd.f32 v3, v2;
	_ =	sdelay $0x1  }
0x3e0: {  	v3 =	vmul.f32 $2.000000030e-01, v2  }
0x3e1: {  	vm9 =	vge.f32 v2, $0.0e+00  }
0x3e2: {  	v2 =	vsel vm9, v2, v3  }
0x3e3: {  	v2 =	vsub.f32 v2, v19;
	_ =	sdelay $0x1  }
0x3e4: {  	v2 =	vmul.f32 $1.442695020e+00, v2;
	_ =	sdelay $0x1  }
0x3e5: {  	(erf) = vpow2.f32 v2;
	v2 =	vadd.s32 $0xF10, v1;
	_ =	sdelay $0x4  }
0x3e6: {  	v3 =	vld.idx.msk [tilespmem:v2+s18+$0x0], $0xffff;
	_ =	sdelay $0x2  }
0x3e7: {  	v19 =	vadd.s32 $0xF11, v1  }
0x3e8: {  	v20 =	vpop (erf)  }
0x3e9: {  	v3 =	vmul.f32 v20, v3;
	_ =	sdelay $0x1  }
0x3ea: {  	[tilespmem:v2+s18+$0x0] =	vst.idx.msk $0xffff, v3  }
0x3eb: {  	v2 =	vld.idx.msk [tilespmem:v19+s18+$0x0], $0xffff;
	_ =	sdelay $0x2  }
0x3ec: {  	v3 =	vadd.s32 $0xF12, v1;
	_ =	sdelay $0x1  }
0x3ed: {  	v2 =	vmul.f32 v20, v2;
	_ =	sdelay $0x1  }
0x3ee: {  	[tilespmem:v19+s18+$0x0] =	vst.idx.msk $0xffff, v2  }
0x3ef: {  	v2 =	vld.idx.msk [tilespmem:v3+s18+$0x0], $0xffff;
	_ =	sdelay $0x2  }
0x3f0: {  	v19 =	vadd.s32 $0xF13, v1;
	_ =	sdelay $0x1  }
0x3f1: {  	v2 =	vmul.f32 v20, v2;
	_ =	sdelay $0x1  }
0x3f2: {  	[tilespmem:v3+s18+$0x0] =	vst.idx.msk $0xffff, v2  }
0x3f3: {  	v2 =	vld.idx.msk [tilespmem:v19+s18+$0x0], $0xffff;
	_ =	sdelay $0x2  }
0x3f4: {  	v3 =	vadd.s32 $0xF14, v1;
	_ =	sdelay $0x1  }
0x3f5: {  	v2 =	vmul.f32 v2, v20;
	_ =	sdelay $0x1  }
0x3f6: {  	[tilespmem:v19+s18+$0x0] =	vst.idx.msk $0xffff, v2  }
0x3f7: {  	v2 =	vld.idx.msk [tilespmem:v3+s18+$0x0], $0xffff;
	_ =	sdelay $0x2  }
0x3f8: {  	v19 =	vadd.s32 $0xF15, v1;
	_ =	sdelay $0x1  }
0x3f9: {  	v2 =	vmul.f32 v2, v20;
	_ =	sdelay $0x1  }
0x3fa: {  	[tilespmem:v3+s18+$0x0] =	vst.idx.msk $0xffff, v2  }
0x3fb: {  	v2 =	vld.idx.msk [tilespmem:v19+s18+$0x0], $0xffff;
	_ =	sdelay $0x2  }
0x3fc: {  	v3 =	vadd.s32 $0xF16, v1;
	_ =	sdelay $0x1  }
0x3fd: {  	v2 =	vmul.f32 v2, v20;
	_ =	sdelay $0x1  }
0x3fe: {  	[tilespmem:v19+s18+$0x0] =	vst.idx.msk $0xffff, v2  }
0x3ff: {  	v2 =	vld.idx.msk [tilespmem:v3+s18+$0x0], $0xffff;
	_ =	sdelay $0x2  }
0x400: {  	v19 =	vadd.s32 $0xF17, v1;
	_ =	sdelay $0x1  }
0x401: {  	v2 =	vmul.f32 v2, v20;
	_ =	sdelay $0x1  }
0x402: {  	[tilespmem:v3+s18+$0x0] =	vst.idx.msk $0xffff, v2  }
0x403: {  	v2 =	vld.idx.msk [tilespmem:v19+s18+$0x0], $0xffff;
	_ =	sdelay $0x2  }
0x404: {  	v3 =	vadd.s32 $0xF18, v1;
	_ =	sdelay $0x1  }
0x405: {  	v2 =	vmul.f32 v2, v20;
	_ =	sdelay $0x1  }
0x406: {  	[tilespmem:v19+s18+$0x0] =	vst.idx.msk $0xffff, v2  }
0x407: {  	v2 =	vld.idx.msk [tilespmem:v3+s18+$0x0], $0xffff;
	_ =	sdelay $0x2  }
0x408: {  	v19 =	vadd.s32 $0xF19, v1;
	_ =	sdelay $0x1  }
0x409: {  	v2 =	vmul.f32 v2, v20;
	_ =	sdelay $0x1  }
0x40a: {  	[tilespmem:v3+s18+$0x0] =	vst.idx.msk $0xffff, v2  }
0x40b: {  	v2 =	vld.idx.msk [tilespmem:v19+s18+$0x0], $0xffff;
	_ =	sdelay $0x2  }
0x40c: {  	v3 =	vadd.s32 $0xF1A, v1;
	_ =	sdelay $0x1  }
0x40d: {  	v2 =	vmul.f32 v2, v20;
	_ =	sdelay $0x1  }
0x40e: {  	[tilespmem:v19+s18+$0x0] =	vst.idx.msk $0xffff, v2  }
0x40f: {  	v2 =	vld.idx.msk [tilespmem:v3+s18+$0x0], $0xffff;
	_ =	sdelay $0x2  }
0x410: {  	v19 =	vadd.s32 $0xF1B, v1;
	_ =	sdelay $0x1  }
0x411: {  	v2 =	vmul.f32 v2, v20;
	_ =	sdelay $0x1  }
0x412: {  	[tilespmem:v3+s18+$0x0] =	vst.idx.msk $0xffff, v2  }
0x413: {  	v2 =	vld.idx.msk [tilespmem:v19+s18+$0x0], $0xffff;
	_ =	sdelay $0x2  }
0x414: {  	v3 =	vadd.s32 $0xF1C, v1;
	_ =	sdelay $0x1  }
0x415: {  	v2 =	vmul.f32 v2, v20;
	_ =	sdelay $0x1  }
0x416: {  	[tilespmem:v19+s18+$0x0] =	vst.idx.msk $0xffff, v2  }
0x417: {  	v2 =	vld.idx.msk [tilespmem:v3+s18+$0x0], $0xffff;
	_ =	sdelay $0x2  }
0x418: {  	v19 =	vadd.s32 $0xF1D, v1;
	_ =	sdelay $0x1  }
0x419: {  	v2 =	vmul.f32 v2, v20;
	_ =	sdelay $0x1  }
0x41a: {  	[tilespmem:v3+s18+$0x0] =	vst.idx.msk $0xffff, v2  }
0x41b: {  	v2 =	vld.idx.msk [tilespmem:v19+s18+$0x0], $0xffff;
	_ =	sdelay $0x2  }
0x41c: {  	v3 =	vadd.s32 $0xF1E, v1;
	_ =	sdelay $0x1  }
0x41d: {  	v2 =	vmul.f32 v2, v20;
	_ =	sdelay $0x1  }
0x41e: {  	[tilespmem:v19+s18+$0x0] =	vst.idx.msk $0xffff, v2  }
0x41f: {  	v2 =	vld.idx.msk [tilespmem:v3+s18+$0x0], $0xffff;
	_ =	sdelay $0x2  }
0x420: {  	v19 =	vadd.s32 $0xF1F, v1;
	_ =	sdelay $0x1  }
0x421: {  	v2 =	vmul.f32 v2, v20;
	_ =	sdelay $0x1  }
0x422: {  	[tilespmem:v3+s18+$0x0] =	vst.idx.msk $0xffff, v2  }
0x423: {  	v2 =	vld.idx.msk [tilespmem:v19+s18+$0x0], $0xffff;
	_ =	sdelay $0x2  }
0x424: {  	v3 =	vadd.s32 $0xF41, v1  }
0x425: {  	v21 =	vor.u32 $0x302, v0  }
0x426: {  	v63 =	vor.u32 $0x306, v0;
	v2 =	vmul.f32 v2, v20;
	_ =	sdelay $0x1  }
0x427: {  	[tilespmem:v19+s18+$0x0] =	vst.idx.msk $0xffff, v2  }
0x428: {  	[tilespmem:v3+s18+$0x0] =	vst.idx.msk $0xffff, v20  }
0x429: {  	v2 =	vld.idx.msk [tilespmem:v21+s15+$0x0], $0xffff  }
0x42a: {  	v19 =	vor.u32 $0x30A, v0;
	v3 =	vld.idx.msk [tilespmem:v63+s17+$0x0], $0xffff;
	_ =	sdelay $0x4  }
0x42b: {  	v19 =	vld.idx.msk [tilespmem:v19+s17+$0x0], $0xffff;
	v2 =	vadd.f32 v3, v2;
	_ =	sdelay $0x1  }
0x42c: {  	v3 =	vmul.f32 $2.000000030e-01, v2  }
0x42d: {  	vm10 =	vge.f32 v2, $0.0e+00  }
0x42e: {  	v2 =	vsel vm10, v2, v3  }
0x42f: {  	v2 =	vsub.f32 v2, v19;
	_ =	sdelay $0x1  }
0x430: {  	v2 =	vmul.f32 $1.442695020e+00, v2;
	_ =	sdelay $0x1  }
0x431: {  	(erf) = vpow2.f32 v2;
	v2 =	vadd.s32 $0xF20, v1;
	_ =	sdelay $0x4  }
0x432: {  	v3 =	vld.idx.msk [tilespmem:v2+s18+$0x0], $0xffff;
	_ =	sdelay $0x2  }
0x433: {  	v19 =	vadd.s32 $0xF21, v1  }
0x434: {  	v20 =	vpop (erf)  }
0x435: {  	v3 =	vmul.f32 v20, v3;
	_ =	sdelay $0x1  }
0x436: {  	[tilespmem:v2+s18+$0x0] =	vst.idx.msk $0xffff, v3  }
0x437: {  	v2 =	vld.idx.msk [tilespmem:v19+s18+$0x0], $0xffff;
	_ =	sdelay $0x2  }
0x438: {  	v3 =	vadd.s32 $0xF22, v1;
	_ =	sdelay $0x1  }
0x439: {  	v2 =	vmul.f32 v20, v2;
	_ =	sdelay $0x1  }
0x43a: {  	[tilespmem:v19+s18+$0x0] =	vst.idx.msk $0xffff, v2  }
0x43b: {  	v2 =	vld.idx.msk [tilespmem:v3+s18+$0x0], $0xffff;
	_ =	sdelay $0x2  }
0x43c: {  	v19 =	vadd.s32 $0xF23, v1;
	_ =	sdelay $0x1  }
0x43d: {  	v2 =	vmul.f32 v20, v2;
	_ =	sdelay $0x1  }
0x43e: {  	[tilespmem:v3+s18+$0x0] =	vst.idx.msk $0xffff, v2  }
0x43f: {  	v2 =	vld.idx.msk [tilespmem:v19+s18+$0x0], $0xffff;
	_ =	sdelay $0x2  }
0x440: {  	v3 =	vadd.s32 $0xF24, v1;
	_ =	sdelay $0x1  }
0x441: {  	v2 =	vmul.f32 v2, v20;
	_ =	sdelay $0x1  }
0x442: {  	[tilespmem:v19+s18+$0x0] =	vst.idx.msk $0xffff, v2  }
0x443: {  	v2 =	vld.idx.msk [tilespmem:v3+s18+$0x0], $0xffff;
	_ =	sdelay $0x2  }
0x444: {  	v19 =	vadd.s32 $0xF25, v1;
	_ =	sdelay $0x1  }
0x445: {  	v2 =	vmul.f32 v2, v20;
	_ =	sdelay $0x1  }
0x446: {  	[tilespmem:v3+s18+$0x0] =	vst.idx.msk $0xffff, v2  }
0x447: {  	v2 =	vld.idx.msk [tilespmem:v19+s18+$0x0], $0xffff;
	_ =	sdelay $0x2  }
0x448: {  	v3 =	vadd.s32 $0xF26, v1;
	_ =	sdelay $0x1  }
0x449: {  	v2 =	vmul.f32 v2, v20;
	_ =	sdelay $0x1  }
0x44a: {  	[tilespmem:v19+s18+$0x0] =	vst.idx.msk $0xffff, v2  }
0x44b: {  	v2 =	vld.idx.msk [tilespmem:v3+s18+$0x0], $0xffff;
	_ =	sdelay $0x2  }
0x44c: {  	v19 =	vadd.s32 $0xF27, v1;
	_ =	sdelay $0x1  }
0x44d: {  	v2 =	vmul.f32 v2, v20;
	_ =	sdelay $0x1  }
0x44e: {  	[tilespmem:v3+s18+$0x0] =	vst.idx.msk $0xffff, v2  }
0x44f: {  	v2 =	vld.idx.msk [tilespmem:v19+s18+$0x0], $0xffff;
	_ =	sdelay $0x2  }
0x450: {  	v3 =	vadd.s32 $0xF28, v1;
	_ =	sdelay $0x1  }
0x451: {  	v2 =	vmul.f32 v2, v20;
	_ =	sdelay $0x1  }
0x452: {  	[tilespmem:v19+s18+$0x0] =	vst.idx.msk $0xffff, v2  }
0x453: {  	v2 =	vld.idx.msk [tilespmem:v3+s18+$0x0], $0xffff;
	_ =	sdelay $0x2  }
0x454: {  	v19 =	vadd.s32 $0xF29, v1;
	_ =	sdelay $0x1  }
0x455: {  	v2 =	vmul.f32 v2, v20;
	_ =	sdelay $0x1  }
0x456: {  	[tilespmem:v3+s18+$0x0] =	vst.idx.msk $0xffff, v2  }
0x457: {  	v2 =	vld.idx.msk [tilespmem:v19+s18+$0x0], $0xffff;
	_ =	sdelay $0x2  }
0x458: {  	v3 =	vadd.s32 $0xF2A, v1;
	_ =	sdelay $0x1  }
0x459: {  	v2 =	vmul.f32 v2, v20;
	_ =	sdelay $0x1  }
0x45a: {  	[tilespmem:v19+s18+$0x0] =	vst.idx.msk $0xffff, v2  }
0x45b: {  	v2 =	vld.idx.msk [tilespmem:v3+s18+$0x0], $0xffff;
	_ =	sdelay $0x2  }
0x45c: {  	v19 =	vadd.s32 $0xF2B, v1;
	_ =	sdelay $0x1  }
0x45d: {  	v2 =	vmul.f32 v2, v20;
	_ =	sdelay $0x1  }
0x45e: {  	[tilespmem:v3+s18+$0x0] =	vst.idx.msk $0xffff, v2  }
0x45f: {  	v2 =	vld.idx.msk [tilespmem:v19+s18+$0x0], $0xffff;
	_ =	sdelay $0x2  }
0x460: {  	v3 =	vadd.s32 $0xF2C, v1;
	_ =	sdelay $0x1  }
0x461: {  	v2 =	vmul.f32 v2, v20;
	_ =	sdelay $0x1  }
0x462: {  	[tilespmem:v19+s18+$0x0] =	vst.idx.msk $0xffff, v2  }
0x463: {  	v2 =	vld.idx.msk [tilespmem:v3+s18+$0x0], $0xffff;
	_ =	sdelay $0x2  }
0x464: {  	v19 =	vadd.s32 $0xF2D, v1;
	_ =	sdelay $0x1  }
0x465: {  	v2 =	vmul.f32 v2, v20;
	_ =	sdelay $0x1  }
0x466: {  	[tilespmem:v3+s18+$0x0] =	vst.idx.msk $0xffff, v2  }
0x467: {  	v2 =	vld.idx.msk [tilespmem:v19+s18+$0x0], $0xffff;
	_ =	sdelay $0x2  }
0x468: {  	v3 =	vadd.s32 $0xF2E, v1;
	_ =	sdelay $0x1  }
0x469: {  	v2 =	vmul.f32 v2, v20;
	_ =	sdelay $0x1  }
0x46a: {  	[tilespmem:v19+s18+$0x0] =	vst.idx.msk $0xffff, v2  }
0x46b: {  	v2 =	vld.idx.msk [tilespmem:v3+s18+$0x0], $0xffff;
	_ =	sdelay $0x2  }
0x46c: {  	v19 =	vadd.s32 $0xF2F, v1;
	_ =	sdelay $0x1  }
0x46d: {  	v2 =	vmul.f32 v2, v20;
	_ =	sdelay $0x1  }
0x46e: {  	[tilespmem:v3+s18+$0x0] =	vst.idx.msk $0xffff, v2  }
0x46f: {  	v2 =	vld.idx.msk [tilespmem:v19+s18+$0x0], $0xffff;
	_ =	sdelay $0x2  }
0x470: {  	v3 =	vadd.s32 $0xF42, v1  }
0x471: {  	v21 =	vor.u32 $0x303, v0  }
0x472: {  	v63 =	vor.u32 $0x307, v0;
	v2 =	vmul.f32 v2, v20;
	_ =	sdelay $0x1  }
0x473: {  	[tilespmem:v19+s18+$0x0] =	vst.idx.msk $0xffff, v2  }
0x474: {  	[tilespmem:v3+s18+$0x0] =	vst.idx.msk $0xffff, v20  }
0x475: {  	v2 =	vld.idx.msk [tilespmem:v21+s15+$0x0], $0xffff  }
0x476: {  	v19 =	vor.u32 $0x30B, v0;
	v3 =	vld.idx.msk [tilespmem:v63+s17+$0x0], $0xffff;
	_ =	sdelay $0x4  }
0x477: {  	v19 =	vld.idx.msk [tilespmem:v19+s17+$0x0], $0xffff;
	v2 =	vadd.f32 v3, v2;
	_ =	sdelay $0x1  }
0x478: {  	v3 =	vmul.f32 $2.000000030e-01, v2  }
0x479: {  	vm11 =	vge.f32 v2, $0.0e+00  }
0x47a: {  	v2 =	vsel vm11, v2, v3  }
0x47b: {  	v2 =	vsub.f32 v2, v19;
	_ =	sdelay $0x1  }
0x47c: {  	v2 =	vmul.f32 $1.442695020e+00, v2;
	_ =	sdelay $0x1  }
0x47d: {  	(erf) = vpow2.f32 v2;
	v2 =	vadd.s32 $0xF30, v1;
	_ =	sdelay $0x4  }
0x47e: {  	v3 =	vld.idx.msk [tilespmem:v2+s18+$0x0], $0xffff;
	_ =	sdelay $0x2  }
0x47f: {  	v19 =	vadd.s32 $0xF31, v1  }
0x480: {  	v20 =	vpop (erf)  }
0x481: {  	v3 =	vmul.f32 v20, v3;
	_ =	sdelay $0x1  }
0x482: {  	[tilespmem:v2+s18+$0x0] =	vst.idx.msk $0xffff, v3  }
0x483: {  	v2 =	vld.idx.msk [tilespmem:v19+s18+$0x0], $0xffff;
	_ =	sdelay $0x2  }
0x484: {  	v3 =	vadd.s32 $0xF32, v1;
	_ =	sdelay $0x1  }
0x485: {  	v2 =	vmul.f32 v20, v2;
	_ =	sdelay $0x1  }
0x486: {  	[tilespmem:v19+s18+$0x0] =	vst.idx.msk $0xffff, v2  }
0x487: {  	v2 =	vld.idx.msk [tilespmem:v3+s18+$0x0], $0xffff;
	_ =	sdelay $0x2  }
0x488: {  	v19 =	vadd.s32 $0xF33, v1;
	_ =	sdelay $0x1  }
0x489: {  	v2 =	vmul.f32 v20, v2;
	_ =	sdelay $0x1  }
0x48a: {  	[tilespmem:v3+s18+$0x0] =	vst.idx.msk $0xffff, v2  }
0x48b: {  	v2 =	vld.idx.msk [tilespmem:v19+s18+$0x0], $0xffff;
	_ =	sdelay $0x2  }
0x48c: {  	v3 =	vadd.s32 $0xF34, v1;
	_ =	sdelay $0x1  }
0x48d: {  	v2 =	vmul.f32 v2, v20;
	_ =	sdelay $0x1  }
0x48e: {  	[tilespmem:v19+s18+$0x0] =	vst.idx.msk $0xffff, v2  }
0x48f: {  	v2 =	vld.idx.msk [tilespmem:v3+s18+$0x0], $0xffff;
	_ =	sdelay $0x2  }
0x490: {  	v19 =	vadd.s32 $0xF35, v1;
	_ =	sdelay $0x1  }
0x491: {  	v2 =	vmul.f32 v2, v20;
	_ =	sdelay $0x1  }
0x492: {  	[tilespmem:v3+s18+$0x0] =	vst.idx.msk $0xffff, v2  }
0x493: {  	v2 =	vld.idx.msk [tilespmem:v19+s18+$0x0], $0xffff;
	_ =	sdelay $0x2  }
0x494: {  	v3 =	vadd.s32 $0xF36, v1;
	_ =	sdelay $0x1  }
0x495: {  	v2 =	vmul.f32 v2, v20;
	_ =	sdelay $0x1  }
0x496: {  	[tilespmem:v19+s18+$0x0] =	vst.idx.msk $0xffff, v2  }
0x497: {  	v2 =	vld.idx.msk [tilespmem:v3+s18+$0x0], $0xffff;
	_ =	sdelay $0x2  }
0x498: {  	v19 =	vadd.s32 $0xF37, v1;
	_ =	sdelay $0x1  }
0x499: {  	v2 =	vmul.f32 v2, v20;
	_ =	sdelay $0x1  }
0x49a: {  	[tilespmem:v3+s18+$0x0] =	vst.idx.msk $0xffff, v2  }
0x49b: {  	v2 =	vld.idx.msk [tilespmem:v19+s18+$0x0], $0xffff;
	_ =	sdelay $0x2  }
0x49c: {  	v3 =	vadd.s32 $0xF38, v1;
	_ =	sdelay $0x1  }
0x49d: {  	v2 =	vmul.f32 v2, v20;
	_ =	sdelay $0x1  }
0x49e: {  	[tilespmem:v19+s18+$0x0] =	vst.idx.msk $0xffff, v2  }
0x49f: {  	v2 =	vld.idx.msk [tilespmem:v3+s18+$0x0], $0xffff;
	_ =	sdelay $0x2  }
0x4a0: {  	v19 =	vadd.s32 $0xF39, v1;
	_ =	sdelay $0x1  }
0x4a1: {  	v2 =	vmul.f32 v2, v20;
	_ =	sdelay $0x1  }
0x4a2: {  	[tilespmem:v3+s18+$0x0] =	vst.idx.msk $0xffff, v2  }
0x4a3: {  	v2 =	vld.idx.msk [tilespmem:v19+s18+$0x0], $0xffff;
	_ =	sdelay $0x2  }
0x4a4: {  	v3 =	vadd.s32 $0xF3A, v1;
	_ =	sdelay $0x1  }
0x4a5: {  	v2 =	vmul.f32 v2, v20;
	_ =	sdelay $0x1  }
0x4a6: {  	[tilespmem:v19+s18+$0x0] =	vst.idx.msk $0xffff, v2  }
0x4a7: {  	v2 =	vld.idx.msk [tilespmem:v3+s18+$0x0], $0xffff;
	_ =	sdelay $0x2  }
0x4a8: {  	v19 =	vadd.s32 $0xF3B, v1;
	_ =	sdelay $0x1  }
0x4a9: {  	v2 =	vmul.f32 v2, v20;
	_ =	sdelay $0x1  }
0x4aa: {  	[tilespmem:v3+s18+$0x0] =	vst.idx.msk $0xffff, v2  }
0x4ab: {  	v2 =	vld.idx.msk [tilespmem:v19+s18+$0x0], $0xffff;
	_ =	sdelay $0x2  }
0x4ac: {  	v3 =	vadd.s32 $0xF3C, v1;
	_ =	sdelay $0x1  }
0x4ad: {  	v2 =	vmul.f32 v2, v20;
	_ =	sdelay $0x1  }
0x4ae: {  	[tilespmem:v19+s18+$0x0] =	vst.idx.msk $0xffff, v2  }
0x4af: {  	v2 =	vld.idx.msk [tilespmem:v3+s18+$0x0], $0xffff;
	_ =	sdelay $0x2  }
0x4b0: {  	v19 =	vadd.s32 $0xF3D, v1;
	_ =	sdelay $0x1  }
0x4b1: {  	v2 =	vmul.f32 v2, v20;
	_ =	sdelay $0x1  }
0x4b2: {  	[tilespmem:v3+s18+$0x0] =	vst.idx.msk $0xffff, v2  }
0x4b3: {  	v2 =	vld.idx.msk [tilespmem:v19+s18+$0x0], $0xffff;
	_ =	sdelay $0x2  }
0x4b4: {  	v3 =	vadd.s32 $0xF3E, v1;
	_ =	sdelay $0x1  }
0x4b5: {  	v2 =	vmul.f32 v2, v20;
	_ =	sdelay $0x1  }
0x4b6: {  	[tilespmem:v19+s18+$0x0] =	vst.idx.msk $0xffff, v2  }
0x4b7: {  	v2 =	vld.idx.msk [tilespmem:v3+s18+$0x0], $0xffff;
	_ =	sdelay $0x2  }
0x4b8: {  	v19 =	vadd.s32 $0xF3F, v1;
	_ =	sdelay $0x1  }
0x4b9: {  	v2 =	vmul.f32 v2, v20;
	_ =	sdelay $0x1  }
0x4ba: {  	[tilespmem:v3+s18+$0x0] =	vst.idx.msk $0xffff, v2  }
0x4bb: {  	v2 =	vld.idx.msk [tilespmem:v19+s18+$0x0], $0xffff;
	_ =	sdelay $0x2  }
0x4bc: {  	v3 =	vadd.s32 $0xF43, v1  }
0x4bd: {  	v21 =	vor.u32 $0x400, v0  }
0x4be: {  	v63 =	vor.u32 $0x404, v0;
	v2 =	vmul.f32 v2, v20;
	_ =	sdelay $0x1  }
0x4bf: {  	[tilespmem:v19+s18+$0x0] =	vst.idx.msk $0xffff, v2  }
0x4c0: {  	[tilespmem:v3+s18+$0x0] =	vst.idx.msk $0xffff, v20  }
0x4c1: {  	v2 =	vld.idx.msk [tilespmem:v21+s15+$0x0], $0xffff  }
0x4c2: {  	v19 =	vor.u32 $0x408, v0;
	v3 =	vld.idx.msk [tilespmem:v63+s17+$0x0], $0xffff;
	_ =	sdelay $0x4  }
0x4c3: {  	v19 =	vld.idx.msk [tilespmem:v19+s17+$0x0], $0xffff;
	v2 =	vadd.f32 v3, v2;
	_ =	sdelay $0x1  }
0x4c4: {  	v3 =	vmul.f32 $2.000000030e-01, v2  }
0x4c5: {  	vm12 =	vge.f32 v2, $0.0e+00  }
0x4c6: {  	v2 =	vsel vm12, v2, v3  }
0x4c7: {  	v2 =	vsub.f32 v2, v19;
	_ =	sdelay $0x1  }
0x4c8: {  	v2 =	vmul.f32 $1.442695020e+00, v2;
	_ =	sdelay $0x1  }
0x4c9: {  	(erf) = vpow2.f32 v2;
	v2 =	vadd.s32 $0x1400, v1;
	_ =	sdelay $0x4  }
0x4ca: {  	v3 =	vld.idx.msk [tilespmem:v2+s18+$0x0], $0xffff;
	_ =	sdelay $0x2  }
0x4cb: {  	v19 =	vadd.s32 $0x1401, v1  }
0x4cc: {  	v20 =	vpop (erf)  }
0x4cd: {  	v3 =	vmul.f32 v20, v3;
	_ =	sdelay $0x1  }
0x4ce: {  	[tilespmem:v2+s18+$0x0] =	vst.idx.msk $0xffff, v3  }
0x4cf: {  	v2 =	vld.idx.msk [tilespmem:v19+s18+$0x0], $0xffff;
	_ =	sdelay $0x2  }
0x4d0: {  	v3 =	vadd.s32 $0x1402, v1;
	_ =	sdelay $0x1  }
0x4d1: {  	v2 =	vmul.f32 v20, v2;
	_ =	sdelay $0x1  }
0x4d2: {  	[tilespmem:v19+s18+$0x0] =	vst.idx.msk $0xffff, v2  }
0x4d3: {  	v2 =	vld.idx.msk [tilespmem:v3+s18+$0x0], $0xffff;
	_ =	sdelay $0x2  }
0x4d4: {  	v19 =	vadd.s32 $0x1403, v1;
	_ =	sdelay $0x1  }
0x4d5: {  	v2 =	vmul.f32 v20, v2;
	_ =	sdelay $0x1  }
0x4d6: {  	[tilespmem:v3+s18+$0x0] =	vst.idx.msk $0xffff, v2  }
0x4d7: {  	v2 =	vld.idx.msk [tilespmem:v19+s18+$0x0], $0xffff;
	_ =	sdelay $0x2  }
0x4d8: {  	v3 =	vadd.s32 $0x1404, v1;
	_ =	sdelay $0x1  }
0x4d9: {  	v2 =	vmul.f32 v2, v20;
	_ =	sdelay $0x1  }
0x4da: {  	[tilespmem:v19+s18+$0x0] =	vst.idx.msk $0xffff, v2  }
0x4db: {  	v2 =	vld.idx.msk [tilespmem:v3+s18+$0x0], $0xffff;
	_ =	sdelay $0x2  }
0x4dc: {  	v19 =	vadd.s32 $0x1405, v1;
	_ =	sdelay $0x1  }
0x4dd: {  	v2 =	vmul.f32 v2, v20;
	_ =	sdelay $0x1  }
0x4de: {  	[tilespmem:v3+s18+$0x0] =	vst.idx.msk $0xffff, v2  }
0x4df: {  	v2 =	vld.idx.msk [tilespmem:v19+s18+$0x0], $0xffff;
	_ =	sdelay $0x2  }
0x4e0: {  	v3 =	vadd.s32 $0x1406, v1;
	_ =	sdelay $0x1  }
0x4e1: {  	v2 =	vmul.f32 v2, v20;
	_ =	sdelay $0x1  }
0x4e2: {  	[tilespmem:v19+s18+$0x0] =	vst.idx.msk $0xffff, v2  }
0x4e3: {  	v2 =	vld.idx.msk [tilespmem:v3+s18+$0x0], $0xffff;
	_ =	sdelay $0x2  }
0x4e4: {  	v19 =	vadd.s32 $0x1407, v1;
	_ =	sdelay $0x1  }
0x4e5: {  	v2 =	vmul.f32 v2, v20;
	_ =	sdelay $0x1  }
0x4e6: {  	[tilespmem:v3+s18+$0x0] =	vst.idx.msk $0xffff, v2  }
0x4e7: {  	v2 =	vld.idx.msk [tilespmem:v19+s18+$0x0], $0xffff;
	_ =	sdelay $0x2  }
0x4e8: {  	v3 =	vadd.s32 $0x1408, v1;
	_ =	sdelay $0x1  }
0x4e9: {  	v2 =	vmul.f32 v2, v20;
	_ =	sdelay $0x1  }
0x4ea: {  	[tilespmem:v19+s18+$0x0] =	vst.idx.msk $0xffff, v2  }
0x4eb: {  	v2 =	vld.idx.msk [tilespmem:v3+s18+$0x0], $0xffff;
	_ =	sdelay $0x2  }
0x4ec: {  	v19 =	vadd.s32 $0x1409, v1;
	_ =	sdelay $0x1  }
0x4ed: {  	v2 =	vmul.f32 v2, v20;
	_ =	sdelay $0x1  }
0x4ee: {  	[tilespmem:v3+s18+$0x0] =	vst.idx.msk $0xffff, v2  }
0x4ef: {  	v2 =	vld.idx.msk [tilespmem:v19+s18+$0x0], $0xffff;
	_ =	sdelay $0x2  }
0x4f0: {  	v3 =	vadd.s32 $0x140A, v1;
	_ =	sdelay $0x1  }
0x4f1: {  	v2 =	vmul.f32 v2, v20;
	_ =	sdelay $0x1  }
0x4f2: {  	[tilespmem:v19+s18+$0x0] =	vst.idx.msk $0xffff, v2  }
0x4f3: {  	v2 =	vld.idx.msk [tilespmem:v3+s18+$0x0], $0xffff;
	_ =	sdelay $0x2  }
0x4f4: {  	v19 =	vadd.s32 $0x140B, v1;
	_ =	sdelay $0x1  }
0x4f5: {  	v2 =	vmul.f32 v2, v20;
	_ =	sdelay $0x1  }
0x4f6: {  	[tilespmem:v3+s18+$0x0] =	vst.idx.msk $0xffff, v2  }
0x4f7: {  	v2 =	vld.idx.msk [tilespmem:v19+s18+$0x0], $0xffff;
	_ =	sdelay $0x2  }
0x4f8: {  	v3 =	vadd.s32 $0x140C, v1;
	_ =	sdelay $0x1  }
0x4f9: {  	v2 =	vmul.f32 v2, v20;
	_ =	sdelay $0x1  }
0x4fa: {  	[tilespmem:v19+s18+$0x0] =	vst.idx.msk $0xffff, v2  }
0x4fb: {  	v2 =	vld.idx.msk [tilespmem:v3+s18+$0x0], $0xffff;
	_ =	sdelay $0x2  }
0x4fc: {  	v19 =	vadd.s32 $0x140D, v1;
	_ =	sdelay $0x1  }
0x4fd: {  	v2 =	vmul.f32 v2, v20;
	_ =	sdelay $0x1  }
0x4fe: {  	[tilespmem:v3+s18+$0x0] =	vst.idx.msk $0xffff, v2  }
0x4ff: {  	v2 =	vld.idx.msk [tilespmem:v19+s18+$0x0], $0xffff;
	_ =	sdelay $0x2  }
0x500: {  	v3 =	vadd.s32 $0x140E, v1;
	_ =	sdelay $0x1  }
0x501: {  	v2 =	vmul.f32 v2, v20;
	_ =	sdelay $0x1  }
0x502: {  	[tilespmem:v19+s18+$0x0] =	vst.idx.msk $0xffff, v2  }
0x503: {  	v2 =	vld.idx.msk [tilespmem:v3+s18+$0x0], $0xffff;
	_ =	sdelay $0x2  }
0x504: {  	v19 =	vadd.s32 $0x140F, v1;
	_ =	sdelay $0x1  }
0x505: {  	v2 =	vmul.f32 v2, v20;
	_ =	sdelay $0x1  }
0x506: {  	[tilespmem:v3+s18+$0x0] =	vst.idx.msk $0xffff, v2  }
0x507: {  	v2 =	vld.idx.msk [tilespmem:v19+s18+$0x0], $0xffff;
	_ =	sdelay $0x2  }
0x508: {  	v3 =	vadd.s32 $0x1440, v1  }
0x509: {  	v21 =	vor.u32 $0x401, v0  }
0x50a: {  	v63 =	vor.u32 $0x405, v0;
	v2 =	vmul.f32 v2, v20;
	_ =	sdelay $0x1  }
0x50b: {  	[tilespmem:v19+s18+$0x0] =	vst.idx.msk $0xffff, v2  }
0x50c: {  	[tilespmem:v3+s18+$0x0] =	vst.idx.msk $0xffff, v20  }
0x50d: {  	v2 =	vld.idx.msk [tilespmem:v21+s15+$0x0], $0xffff  }
0x50e: {  	v19 =	vor.u32 $0x409, v0;
	v3 =	vld.idx.msk [tilespmem:v63+s17+$0x0], $0xffff;
	_ =	sdelay $0x4  }
0x50f: {  	v19 =	vld.idx.msk [tilespmem:v19+s17+$0x0], $0xffff;
	v2 =	vadd.f32 v3, v2;
	_ =	sdelay $0x1  }
0x510: {  	v3 =	vmul.f32 $2.000000030e-01, v2  }
0x511: {  	vm13 =	vge.f32 v2, $0.0e+00  }
0x512: {  	v2 =	vsel vm13, v2, v3  }
0x513: {  	v2 =	vsub.f32 v2, v19;
	_ =	sdelay $0x1  }
0x514: {  	v2 =	vmul.f32 $1.442695020e+00, v2;
	_ =	sdelay $0x1  }
0x515: {  	(erf) = vpow2.f32 v2;
	v2 =	vadd.s32 $0x1410, v1;
	_ =	sdelay $0x4  }
0x516: {  	v3 =	vld.idx.msk [tilespmem:v2+s18+$0x0], $0xffff;
	_ =	sdelay $0x2  }
0x517: {  	v19 =	vadd.s32 $0x1411, v1  }
0x518: {  	v20 =	vpop (erf)  }
0x519: {  	v3 =	vmul.f32 v20, v3;
	_ =	sdelay $0x1  }
0x51a: {  	[tilespmem:v2+s18+$0x0] =	vst.idx.msk $0xffff, v3  }
0x51b: {  	v2 =	vld.idx.msk [tilespmem:v19+s18+$0x0], $0xffff;
	_ =	sdelay $0x2  }
0x51c: {  	v3 =	vadd.s32 $0x1412, v1;
	_ =	sdelay $0x1  }
0x51d: {  	v2 =	vmul.f32 v20, v2;
	_ =	sdelay $0x1  }
0x51e: {  	[tilespmem:v19+s18+$0x0] =	vst.idx.msk $0xffff, v2  }
0x51f: {  	v2 =	vld.idx.msk [tilespmem:v3+s18+$0x0], $0xffff;
	_ =	sdelay $0x2  }
0x520: {  	v19 =	vadd.s32 $0x1413, v1;
	_ =	sdelay $0x1  }
0x521: {  	v2 =	vmul.f32 v20, v2;
	_ =	sdelay $0x1  }
0x522: {  	[tilespmem:v3+s18+$0x0] =	vst.idx.msk $0xffff, v2  }
0x523: {  	v2 =	vld.idx.msk [tilespmem:v19+s18+$0x0], $0xffff;
	_ =	sdelay $0x2  }
0x524: {  	v3 =	vadd.s32 $0x1414, v1;
	_ =	sdelay $0x1  }
0x525: {  	v2 =	vmul.f32 v2, v20;
	_ =	sdelay $0x1  }
0x526: {  	[tilespmem:v19+s18+$0x0] =	vst.idx.msk $0xffff, v2  }
0x527: {  	v2 =	vld.idx.msk [tilespmem:v3+s18+$0x0], $0xffff;
	_ =	sdelay $0x2  }
0x528: {  	v19 =	vadd.s32 $0x1415, v1;
	_ =	sdelay $0x1  }
0x529: {  	v2 =	vmul.f32 v2, v20;
	_ =	sdelay $0x1  }
0x52a: {  	[tilespmem:v3+s18+$0x0] =	vst.idx.msk $0xffff, v2  }
0x52b: {  	v2 =	vld.idx.msk [tilespmem:v19+s18+$0x0], $0xffff;
	_ =	sdelay $0x2  }
0x52c: {  	v3 =	vadd.s32 $0x1416, v1;
	_ =	sdelay $0x1  }
0x52d: {  	v2 =	vmul.f32 v2, v20;
	_ =	sdelay $0x1  }
0x52e: {  	[tilespmem:v19+s18+$0x0] =	vst.idx.msk $0xffff, v2  }
0x52f: {  	v2 =	vld.idx.msk [tilespmem:v3+s18+$0x0], $0xffff;
	_ =	sdelay $0x2  }
0x530: {  	v19 =	vadd.s32 $0x1417, v1;
	_ =	sdelay $0x1  }
0x531: {  	v2 =	vmul.f32 v2, v20;
	_ =	sdelay $0x1  }
0x532: {  	[tilespmem:v3+s18+$0x0] =	vst.idx.msk $0xffff, v2  }
0x533: {  	v2 =	vld.idx.msk [tilespmem:v19+s18+$0x0], $0xffff;
	_ =	sdelay $0x2  }
0x534: {  	v3 =	vadd.s32 $0x1418, v1;
	_ =	sdelay $0x1  }
0x535: {  	v2 =	vmul.f32 v2, v20;
	_ =	sdelay $0x1  }
0x536: {  	[tilespmem:v19+s18+$0x0] =	vst.idx.msk $0xffff, v2  }
0x537: {  	v2 =	vld.idx.msk [tilespmem:v3+s18+$0x0], $0xffff;
	_ =	sdelay $0x2  }
0x538: {  	v19 =	vadd.s32 $0x1419, v1;
	_ =	sdelay $0x1  }
0x539: {  	v2 =	vmul.f32 v2, v20;
	_ =	sdelay $0x1  }
0x53a: {  	[tilespmem:v3+s18+$0x0] =	vst.idx.msk $0xffff, v2  }
0x53b: {  	v2 =	vld.idx.msk [tilespmem:v19+s18+$0x0], $0xffff;
	_ =	sdelay $0x2  }
0x53c: {  	v3 =	vadd.s32 $0x141A, v1;
	_ =	sdelay $0x1  }
0x53d: {  	v2 =	vmul.f32 v2, v20;
	_ =	sdelay $0x1  }
0x53e: {  	[tilespmem:v19+s18+$0x0] =	vst.idx.msk $0xffff, v2  }
0x53f: {  	v2 =	vld.idx.msk [tilespmem:v3+s18+$0x0], $0xffff;
	_ =	sdelay $0x2  }
0x540: {  	v19 =	vadd.s32 $0x141B, v1;
	_ =	sdelay $0x1  }
0x541: {  	v2 =	vmul.f32 v2, v20;
	_ =	sdelay $0x1  }
0x542: {  	[tilespmem:v3+s18+$0x0] =	vst.idx.msk $0xffff, v2  }
0x543: {  	v2 =	vld.idx.msk [tilespmem:v19+s18+$0x0], $0xffff;
	_ =	sdelay $0x2  }
0x544: {  	v3 =	vadd.s32 $0x141C, v1;
	_ =	sdelay $0x1  }
0x545: {  	v2 =	vmul.f32 v2, v20;
	_ =	sdelay $0x1  }
0x546: {  	[tilespmem:v19+s18+$0x0] =	vst.idx.msk $0xffff, v2  }
0x547: {  	v2 =	vld.idx.msk [tilespmem:v3+s18+$0x0], $0xffff;
	_ =	sdelay $0x2  }
0x548: {  	v19 =	vadd.s32 $0x141D, v1;
	_ =	sdelay $0x1  }
0x549: {  	v2 =	vmul.f32 v2, v20;
	_ =	sdelay $0x1  }
0x54a: {  	[tilespmem:v3+s18+$0x0] =	vst.idx.msk $0xffff, v2  }
0x54b: {  	v2 =	vld.idx.msk [tilespmem:v19+s18+$0x0], $0xffff;
	_ =	sdelay $0x2  }
0x54c: {  	v3 =	vadd.s32 $0x141E, v1;
	_ =	sdelay $0x1  }
0x54d: {  	v2 =	vmul.f32 v2, v20;
	_ =	sdelay $0x1  }
0x54e: {  	[tilespmem:v19+s18+$0x0] =	vst.idx.msk $0xffff, v2  }
0x54f: {  	v2 =	vld.idx.msk [tilespmem:v3+s18+$0x0], $0xffff;
	_ =	sdelay $0x2  }
0x550: {  	v19 =	vadd.s32 $0x141F, v1;
	_ =	sdelay $0x1  }
0x551: {  	v2 =	vmul.f32 v2, v20;
	_ =	sdelay $0x1  }
0x552: {  	[tilespmem:v3+s18+$0x0] =	vst.idx.msk $0xffff, v2  }
0x553: {  	v2 =	vld.idx.msk [tilespmem:v19+s18+$0x0], $0xffff;
	_ =	sdelay $0x2  }
0x554: {  	v3 =	vadd.s32 $0x1441, v1  }
0x555: {  	v21 =	vor.u32 $0x402, v0  }
0x556: {  	v63 =	vor.u32 $0x406, v0;
	v2 =	vmul.f32 v2, v20;
	_ =	sdelay $0x1  }
0x557: {  	[tilespmem:v19+s18+$0x0] =	vst.idx.msk $0xffff, v2  }
0x558: {  	[tilespmem:v3+s18+$0x0] =	vst.idx.msk $0xffff, v20  }
0x559: {  	v2 =	vld.idx.msk [tilespmem:v21+s15+$0x0], $0xffff  }
0x55a: {  	v19 =	vor.u32 $0x40A, v0;
	v3 =	vld.idx.msk [tilespmem:v63+s17+$0x0], $0xffff;
	_ =	sdelay $0x4  }
0x55b: {  	v19 =	vld.idx.msk [tilespmem:v19+s17+$0x0], $0xffff;
	v2 =	vadd.f32 v3, v2;
	_ =	sdelay $0x1  }
0x55c: {  	v3 =	vmul.f32 $2.000000030e-01, v2  }
0x55d: {  	vm14 =	vge.f32 v2, $0.0e+00  }
0x55e: {  	v2 =	vsel vm14, v2, v3  }
0x55f: {  	v2 =	vsub.f32 v2, v19;
	_ =	sdelay $0x1  }
0x560: {  	v2 =	vmul.f32 $1.442695020e+00, v2;
	_ =	sdelay $0x1  }
0x561: {  	(erf) = vpow2.f32 v2;
	v2 =	vadd.s32 $0x1420, v1;
	_ =	sdelay $0x4  }
0x562: {  	v3 =	vld.idx.msk [tilespmem:v2+s18+$0x0], $0xffff;
	_ =	sdelay $0x2  }
0x563: {  	v19 =	vadd.s32 $0x1421, v1  }
0x564: {  	v20 =	vpop (erf)  }
0x565: {  	v3 =	vmul.f32 v20, v3;
	_ =	sdelay $0x1  }
0x566: {  	[tilespmem:v2+s18+$0x0] =	vst.idx.msk $0xffff, v3  }
0x567: {  	v2 =	vld.idx.msk [tilespmem:v19+s18+$0x0], $0xffff;
	_ =	sdelay $0x2  }
0x568: {  	v3 =	vadd.s32 $0x1422, v1;
	_ =	sdelay $0x1  }
0x569: {  	v2 =	vmul.f32 v20, v2;
	_ =	sdelay $0x1  }
0x56a: {  	[tilespmem:v19+s18+$0x0] =	vst.idx.msk $0xffff, v2  }
0x56b: {  	v2 =	vld.idx.msk [tilespmem:v3+s18+$0x0], $0xffff;
	_ =	sdelay $0x2  }
0x56c: {  	v19 =	vadd.s32 $0x1423, v1;
	_ =	sdelay $0x1  }
0x56d: {  	v2 =	vmul.f32 v20, v2;
	_ =	sdelay $0x1  }
0x56e: {  	[tilespmem:v3+s18+$0x0] =	vst.idx.msk $0xffff, v2  }
0x56f: {  	v2 =	vld.idx.msk [tilespmem:v19+s18+$0x0], $0xffff;
	_ =	sdelay $0x2  }
0x570: {  	v3 =	vadd.s32 $0x1424, v1;
	_ =	sdelay $0x1  }
0x571: {  	v2 =	vmul.f32 v2, v20;
	_ =	sdelay $0x1  }
0x572: {  	[tilespmem:v19+s18+$0x0] =	vst.idx.msk $0xffff, v2  }
0x573: {  	v2 =	vld.idx.msk [tilespmem:v3+s18+$0x0], $0xffff;
	_ =	sdelay $0x2  }
0x574: {  	v19 =	vadd.s32 $0x1425, v1;
	_ =	sdelay $0x1  }
0x575: {  	v2 =	vmul.f32 v2, v20;
	_ =	sdelay $0x1  }
0x576: {  	[tilespmem:v3+s18+$0x0] =	vst.idx.msk $0xffff, v2  }
0x577: {  	v2 =	vld.idx.msk [tilespmem:v19+s18+$0x0], $0xffff;
	_ =	sdelay $0x2  }
0x578: {  	v3 =	vadd.s32 $0x1426, v1;
	_ =	sdelay $0x1  }
0x579: {  	v2 =	vmul.f32 v2, v20;
	_ =	sdelay $0x1  }
0x57a: {  	[tilespmem:v19+s18+$0x0] =	vst.idx.msk $0xffff, v2  }
0x57b: {  	v2 =	vld.idx.msk [tilespmem:v3+s18+$0x0], $0xffff;
	_ =	sdelay $0x2  }
0x57c: {  	v19 =	vadd.s32 $0x1427, v1;
	_ =	sdelay $0x1  }
0x57d: {  	v2 =	vmul.f32 v2, v20;
	_ =	sdelay $0x1  }
0x57e: {  	[tilespmem:v3+s18+$0x0] =	vst.idx.msk $0xffff, v2  }
0x57f: {  	v2 =	vld.idx.msk [tilespmem:v19+s18+$0x0], $0xffff;
	_ =	sdelay $0x2  }
0x580: {  	v3 =	vadd.s32 $0x1428, v1;
	_ =	sdelay $0x1  }
0x581: {  	v2 =	vmul.f32 v2, v20;
	_ =	sdelay $0x1  }
0x582: {  	[tilespmem:v19+s18+$0x0] =	vst.idx.msk $0xffff, v2  }
0x583: {  	v2 =	vld.idx.msk [tilespmem:v3+s18+$0x0], $0xffff;
	_ =	sdelay $0x2  }
0x584: {  	v19 =	vadd.s32 $0x1429, v1;
	_ =	sdelay $0x1  }
0x585: {  	v2 =	vmul.f32 v2, v20;
	_ =	sdelay $0x1  }
0x586: {  	[tilespmem:v3+s18+$0x0] =	vst.idx.msk $0xffff, v2  }
0x587: {  	v2 =	vld.idx.msk [tilespmem:v19+s18+$0x0], $0xffff;
	_ =	sdelay $0x2  }
0x588: {  	v3 =	vadd.s32 $0x142A, v1;
	_ =	sdelay $0x1  }
0x589: {  	v2 =	vmul.f32 v2, v20;
	_ =	sdelay $0x1  }
0x58a: {  	[tilespmem:v19+s18+$0x0] =	vst.idx.msk $0xffff, v2  }
0x58b: {  	v2 =	vld.idx.msk [tilespmem:v3+s18+$0x0], $0xffff;
	_ =	sdelay $0x2  }
0x58c: {  	v19 =	vadd.s32 $0x142B, v1;
	_ =	sdelay $0x1  }
0x58d: {  	v2 =	vmul.f32 v2, v20;
	_ =	sdelay $0x1  }
0x58e: {  	[tilespmem:v3+s18+$0x0] =	vst.idx.msk $0xffff, v2  }
0x58f: {  	v2 =	vld.idx.msk [tilespmem:v19+s18+$0x0], $0xffff;
	_ =	sdelay $0x2  }
0x590: {  	v3 =	vadd.s32 $0x142C, v1;
	_ =	sdelay $0x1  }
0x591: {  	v2 =	vmul.f32 v2, v20;
	_ =	sdelay $0x1  }
0x592: {  	[tilespmem:v19+s18+$0x0] =	vst.idx.msk $0xffff, v2  }
0x593: {  	v2 =	vld.idx.msk [tilespmem:v3+s18+$0x0], $0xffff;
	_ =	sdelay $0x2  }
0x594: {  	v19 =	vadd.s32 $0x142D, v1;
	_ =	sdelay $0x1  }
0x595: {  	v2 =	vmul.f32 v2, v20;
	_ =	sdelay $0x1  }
0x596: {  	[tilespmem:v3+s18+$0x0] =	vst.idx.msk $0xffff, v2  }
0x597: {  	v2 =	vld.idx.msk [tilespmem:v19+s18+$0x0], $0xffff;
	_ =	sdelay $0x2  }
0x598: {  	v3 =	vadd.s32 $0x142E, v1;
	_ =	sdelay $0x1  }
0x599: {  	v2 =	vmul.f32 v2, v20;
	_ =	sdelay $0x1  }
0x59a: {  	[tilespmem:v19+s18+$0x0] =	vst.idx.msk $0xffff, v2  }
0x59b: {  	v2 =	vld.idx.msk [tilespmem:v3+s18+$0x0], $0xffff;
	_ =	sdelay $0x2  }
0x59c: {  	v19 =	vadd.s32 $0x142F, v1;
	_ =	sdelay $0x1  }
0x59d: {  	v2 =	vmul.f32 v2, v20;
	_ =	sdelay $0x1  }
0x59e: {  	[tilespmem:v3+s18+$0x0] =	vst.idx.msk $0xffff, v2  }
0x59f: {  	v2 =	vld.idx.msk [tilespmem:v19+s18+$0x0], $0xffff;
	_ =	sdelay $0x2  }
0x5a0: {  	v3 =	vadd.s32 $0x1442, v1  }
0x5a1: {  	v21 =	vor.u32 $0x403, v0  }
0x5a2: {  	v63 =	vor.u32 $0x407, v0;
	v2 =	vmul.f32 v2, v20;
	_ =	sdelay $0x1  }
0x5a3: {  	[tilespmem:v19+s18+$0x0] =	vst.idx.msk $0xffff, v2  }
0x5a4: {  	[tilespmem:v3+s18+$0x0] =	vst.idx.msk $0xffff, v20  }
0x5a5: {  	v2 =	vld.idx.msk [tilespmem:v21+s15+$0x0], $0xffff  }
0x5a6: {  	v19 =	vor.u32 $0x40B, v0;
	v3 =	vld.idx.msk [tilespmem:v63+s17+$0x0], $0xffff;
	_ =	sdelay $0x4  }
0x5a7: {  	v19 =	vld.idx.msk [tilespmem:v19+s17+$0x0], $0xffff;
	v2 =	vadd.f32 v3, v2;
	_ =	sdelay $0x1  }
0x5a8: {  	v3 =	vmul.f32 $2.000000030e-01, v2  }
0x5a9: {  	vm15 =	vge.f32 v2, $0.0e+00  }
0x5aa: {  	v2 =	vsel vm15, v2, v3  }
0x5ab: {  	v2 =	vsub.f32 v2, v19;
	_ =	sdelay $0x1  }
0x5ac: {  	v2 =	vmul.f32 $1.442695020e+00, v2;
	_ =	sdelay $0x1  }
0x5ad: {  	(erf) = vpow2.f32 v2;
	v2 =	vadd.s32 $0x1430, v1;
	_ =	sdelay $0x4  }
0x5ae: {  	v3 =	vld.idx.msk [tilespmem:v2+s18+$0x0], $0xffff;
	_ =	sdelay $0x2  }
0x5af: {  	v19 =	vadd.s32 $0x1431, v1  }
0x5b0: {  	v20 =	vpop (erf)  }
0x5b1: {  	v3 =	vmul.f32 v20, v3;
	_ =	sdelay $0x1  }
0x5b2: {  	[tilespmem:v2+s18+$0x0] =	vst.idx.msk $0xffff, v3  }
0x5b3: {  	v2 =	vld.idx.msk [tilespmem:v19+s18+$0x0], $0xffff;
	_ =	sdelay $0x2  }
0x5b4: {  	v3 =	vadd.s32 $0x1432, v1;
	_ =	sdelay $0x1  }
0x5b5: {  	v2 =	vmul.f32 v20, v2;
	_ =	sdelay $0x1  }
0x5b6: {  	[tilespmem:v19+s18+$0x0] =	vst.idx.msk $0xffff, v2  }
0x5b7: {  	v2 =	vld.idx.msk [tilespmem:v3+s18+$0x0], $0xffff;
	_ =	sdelay $0x2  }
0x5b8: {  	v19 =	vadd.s32 $0x1433, v1;
	_ =	sdelay $0x1  }
0x5b9: {  	v2 =	vmul.f32 v20, v2;
	_ =	sdelay $0x1  }
0x5ba: {  	[tilespmem:v3+s18+$0x0] =	vst.idx.msk $0xffff, v2  }
0x5bb: {  	v2 =	vld.idx.msk [tilespmem:v19+s18+$0x0], $0xffff;
	_ =	sdelay $0x2  }
0x5bc: {  	v3 =	vadd.s32 $0x1434, v1;
	_ =	sdelay $0x1  }
0x5bd: {  	v2 =	vmul.f32 v2, v20;
	_ =	sdelay $0x1  }
0x5be: {  	[tilespmem:v19+s18+$0x0] =	vst.idx.msk $0xffff, v2  }
0x5bf: {  	v2 =	vld.idx.msk [tilespmem:v3+s18+$0x0], $0xffff;
	_ =	sdelay $0x2  }
0x5c0: {  	v19 =	vadd.s32 $0x1435, v1;
	_ =	sdelay $0x1  }
0x5c1: {  	v2 =	vmul.f32 v2, v20;
	_ =	sdelay $0x1  }
0x5c2: {  	[tilespmem:v3+s18+$0x0] =	vst.idx.msk $0xffff, v2  }
0x5c3: {  	v2 =	vld.idx.msk [tilespmem:v19+s18+$0x0], $0xffff;
	_ =	sdelay $0x2  }
0x5c4: {  	v3 =	vadd.s32 $0x1436, v1;
	_ =	sdelay $0x1  }
0x5c5: {  	v2 =	vmul.f32 v2, v20;
	_ =	sdelay $0x1  }
0x5c6: {  	[tilespmem:v19+s18+$0x0] =	vst.idx.msk $0xffff, v2  }
0x5c7: {  	v2 =	vld.idx.msk [tilespmem:v3+s18+$0x0], $0xffff;
	_ =	sdelay $0x2  }
0x5c8: {  	v19 =	vadd.s32 $0x1437, v1;
	_ =	sdelay $0x1  }
0x5c9: {  	v2 =	vmul.f32 v2, v20;
	_ =	sdelay $0x1  }
0x5ca: {  	[tilespmem:v3+s18+$0x0] =	vst.idx.msk $0xffff, v2  }
0x5cb: {  	v2 =	vld.idx.msk [tilespmem:v19+s18+$0x0], $0xffff;
	_ =	sdelay $0x2  }
0x5cc: {  	v3 =	vadd.s32 $0x1438, v1;
	_ =	sdelay $0x1  }
0x5cd: {  	v2 =	vmul.f32 v2, v20;
	_ =	sdelay $0x1  }
0x5ce: {  	[tilespmem:v19+s18+$0x0] =	vst.idx.msk $0xffff, v2  }
0x5cf: {  	v2 =	vld.idx.msk [tilespmem:v3+s18+$0x0], $0xffff;
	_ =	sdelay $0x2  }
0x5d0: {  	v19 =	vadd.s32 $0x1439, v1;
	_ =	sdelay $0x1  }
0x5d1: {  	v2 =	vmul.f32 v2, v20;
	_ =	sdelay $0x1  }
0x5d2: {  	[tilespmem:v3+s18+$0x0] =	vst.idx.msk $0xffff, v2  }
0x5d3: {  	v2 =	vld.idx.msk [tilespmem:v19+s18+$0x0], $0xffff;
	_ =	sdelay $0x2  }
0x5d4: {  	v3 =	vadd.s32 $0x143A, v1;
	_ =	sdelay $0x1  }
0x5d5: {  	v2 =	vmul.f32 v2, v20;
	_ =	sdelay $0x1  }
0x5d6: {  	[tilespmem:v19+s18+$0x0] =	vst.idx.msk $0xffff, v2  }
0x5d7: {  	v2 =	vld.idx.msk [tilespmem:v3+s18+$0x0], $0xffff;
	_ =	sdelay $0x2  }
0x5d8: {  	v19 =	vadd.s32 $0x143B, v1;
	_ =	sdelay $0x1  }
0x5d9: {  	v2 =	vmul.f32 v2, v20;
	_ =	sdelay $0x1  }
0x5da: {  	[tilespmem:v3+s18+$0x0] =	vst.idx.msk $0xffff, v2  }
0x5db: {  	v2 =	vld.idx.msk [tilespmem:v19+s18+$0x0], $0xffff;
	_ =	sdelay $0x2  }
0x5dc: {  	v3 =	vadd.s32 $0x143C, v1;
	_ =	sdelay $0x1  }
0x5dd: {  	v2 =	vmul.f32 v2, v20;
	_ =	sdelay $0x1  }
0x5de: {  	[tilespmem:v19+s18+$0x0] =	vst.idx.msk $0xffff, v2  }
0x5df: {  	v2 =	vld.idx.msk [tilespmem:v3+s18+$0x0], $0xffff;
	_ =	sdelay $0x2  }
0x5e0: {  	v19 =	vadd.s32 $0x143D, v1;
	_ =	sdelay $0x1  }
0x5e1: {  	v2 =	vmul.f32 v2, v20;
	_ =	sdelay $0x1  }
0x5e2: {  	[tilespmem:v3+s18+$0x0] =	vst.idx.msk $0xffff, v2  }
0x5e3: {  	v2 =	vld.idx.msk [tilespmem:v19+s18+$0x0], $0xffff;
	_ =	sdelay $0x2  }
0x5e4: {  	v3 =	vadd.s32 $0x143E, v1;
	_ =	sdelay $0x1  }
0x5e5: {  	v2 =	vmul.f32 v2, v20;
	_ =	sdelay $0x1  }
0x5e6: {  	[tilespmem:v19+s18+$0x0] =	vst.idx.msk $0xffff, v2  }
0x5e7: {  	v2 =	vld.idx.msk [tilespmem:v3+s18+$0x0], $0xffff;
	_ =	sdelay $0x2  }
0x5e8: {  	v19 =	vadd.s32 $0x143F, v1;
	_ =	sdelay $0x1  }
0x5e9: {  	v2 =	vmul.f32 v2, v20;
	_ =	sdelay $0x1  }
0x5ea: {  	[tilespmem:v3+s18+$0x0] =	vst.idx.msk $0xffff, v2  }
0x5eb: {  	v2 =	vld.idx.msk [tilespmem:v19+s18+$0x0], $0xffff;
	_ =	sdelay $0x2  }
0x5ec: {  	v3 =	vadd.s32 $0x1443, v1;
	_ =	sdelay $0x1  }
0x5ed: {  	v2 =	vmul.f32 v2, v20;
	_ =	sdelay $0x1  }
0x5ee: {  	p0 =	sne.s32 s20, $0x4D8;
	[tilespmem:v19+s18+$0x0] =	vst.idx.msk $0xffff, v2  }
.Ltmp0:
0x5ef: {  	v21 =	vmov v4;
	v4 =	vmov v41;
	v41 =	vld [tilespmem:$0x1FFE0];
	[tilespmem:v3+s18+$0x0] =	vst.idx.msk $0xffff, v20;
	(pc) =	sbr.rel @p0 .LBB2_2-.Ltmp0, $4  }
0x5f0: {  	v19 =	vld [tilespmem:$0x1FFD0];
	[spmem:s2] =	stream.indirect.scatter.add.f32 [tilespmem:s18], [sflag:$0x2], $0x50, s14, s14, $0xb8  }
0x5f1: {  	v20 =	vld [tilespmem:$0x1FFF0];
	_ =	swait.ge [sflag:s13], $0x1900  }
0x5f2: {  	[sflag:s13] =	ssyncset.done $0x0  }
0x5f3: {  	s20 =	sadd.s32 $0xA, s20;
	[sflag:s13] =	ssyncadd.s32 $0xFFFFE700  }
0x5f4: {  	s19 =	sadd.s32 $0x1, s19  }
0x5f5: {  	p0 =	sne.s32 s19, s9  }
.Ltmp1:
0x5f6: {  	[bflag:$0x0] =	sbarrier.arrive $0xFFFF;
	(pc) =	sbr.rel @p0 .LBB2_1-.Ltmp1, $4  }
0x5f7: {  	[hbm:s8], [sflag:s7] =	dma.local [spmem:s12], $0x1900  }
0x5f8: {  	_ =	swait.ge [sflag:s13], $0x1900  }
0x5f9: {  	[sflag:s13] =	ssyncset.done $0x0  }
0x5fa: {  	[sflag:s13] =	ssyncadd.s32 $0xFFFFE700  }
0x5fb: {  	_ =	sfence.sel $0x180000  }
0x5fc: {  	[bflag:$0x0] =	sbarrier.arrive $0xFFFF  }
0x5fd: {  	p0 =	sne.s32 s0, $0x0;
	_ =	strace $0x90000047  }
0x5fe: {  	s0 =	sadd.s32 @!p0 $0x100000, s1;
	[bflag:$0x2] =	sbarrier.arrive $0xFFFF  }
0x5ff: {  	[sflag:s0] =	ssyncadd.tile.s32 @!p0 $0x1;
	_ =	shalt  }
.Lfunc_end2:
_tile_overlayer_lowered:
.L_overlay_start_2:
0x600: {  	(tag) =	ssettag $0x2  }
0x601: {  	s0 =	rddreg [dreg:$0x0];
	s2 =	stileid.u32  }
0x602: {  	s1 =	rddreg [dreg:$0x1];
	p0 =	sne.s32 s2, $0x0  }
0x603: {  	s3 =	rddreg [dreg:$0x2];
	[bflag:$0x3] =	sbarrier.arrive $0xFFFF;
	s2 =	simm.s32 @!p0 $0x1C02  }
0x604: {  	[timem:s3], [sflag:s2] =	dma.local @!p0 [hbm:s0], s1  }
0x605: {  	s0 =	simm.s32 @!p0 $0x2  }
0x606: {  	_ =	swait.ge @!p0 [sflag:s0], s1  }
0x607: {  	s1 =	ssub.s32 @!p0 $0x0, s1;
	[sflag:s0] =	ssyncset.done @!p0 $0x0  }
0x608: {  	[sflag:s0] =	ssyncadd.s32 @!p0 s1  }
0x609: {  	[bflag:$0x3] =	sbarrier.arrive $0xFFFF  }
0x60a: {  	_ =	shalt  }

</sc_bundles>
